<compile_context>
chip_gen: v7x
topology: tpu7x:2x2x1
jax: 0.10.2.dev20260603
libtpu: 0.0.44.dev20260713+nightly
codegen_flags: <defaults>
</compile_context>

<pallas_src>
import functools
import math

import numpy as np
import jax
import jax.numpy as jnp
from jax import lax
from jax.experimental import pallas as pl
from jax.experimental.pallas import tpu as pltpu
from jax.experimental.pallas import tpu_sc as plsc

N_NODES = 10000
N_EDGES = 160000
C = 16
LM = 9
N_DIST = 16
N_IRREPS = 3
_SLICES = [(0, 1), (1, 4), (4, 9)]
_PATHS = [(0, 0, 0), (0, 1, 1), (0, 2, 2), (1, 0, 1), (1, 1, 0), (1, 1, 2),
          (1, 2, 1), (2, 0, 2), (2, 1, 1), (2, 2, 0), (2, 2, 2)]
_IR_OF = [0, 1, 1, 1, 2, 2, 2, 2, 2]


def _su2_cg(j1, m1, j2, m2, j3, m3):
    if m3 != m1 + m2:
        return 0.0
    f = lambda n: math.factorial(int(round(n)))
    vmin = int(max(-j1 + j2 + m3, -j1 + m1, 0))
    vmax = int(min(j2 + j3 + m1, j3 - j1 + j2, j3 + m3))
    Cc = math.sqrt((2 * j3 + 1) * f(j3 + j1 - j2) * f(j3 - j1 + j2) * f(j1 + j2 - j3)
                   * f(j3 + m3) * f(j3 - m3)
                   / (f(j1 + j2 + j3 + 1) * f(j1 - m1) * f(j1 + m1) * f(j2 - m2) * f(j2 + m2)))
    S = 0.0
    for v in range(vmin, vmax + 1):
        S += (-1.0) ** (v + j2 + m2) * f(j2 + j3 + m1 - v) * f(j1 - m1 + v) / (
            f(v) * f(j3 - j1 + j2 - v) * f(j3 + m3 - v) * f(v + j1 - j2 - m3))
    return Cc * S


def _su2_cg_matrix(j1, j2, j3):
    mat = np.zeros((2 * j1 + 1, 2 * j2 + 1, 2 * j3 + 1))
    for m1 in range(-j1, j1 + 1):
        for m2 in range(-j2, j2 + 1):
            m3 = m1 + m2
            if abs(m3) <= j3:
                mat[j1 + m1, j2 + m2, j3 + m3] = _su2_cg(j1, m1, j2, m2, j3, m3)
    return mat / math.sqrt(2 * j3 + 1)


def _q_real_to_complex(l):
    q = np.zeros((2 * l + 1, 2 * l + 1), dtype=np.complex128)
    for m in range(-l, 0):
        q[l + m, l + abs(m)] = 1.0 / math.sqrt(2)
        q[l + m, l - abs(m)] = -1j / math.sqrt(2)
    q[l, l] = 1.0
    for m in range(1, l + 1):
        q[l + m, l + abs(m)] = (-1) ** m / math.sqrt(2)
        q[l + m, l - abs(m)] = 1j * (-1) ** m / math.sqrt(2)
    return (-1j) ** l * q


def _real_cg(l1, l2, l3):
    Cc = _su2_cg_matrix(l1, l2, l3).astype(np.complex128)
    Q1 = _q_real_to_complex(l1)
    Q2 = _q_real_to_complex(l2)
    Q3 = np.conj(_q_real_to_complex(l3).T)
    out = np.einsum('ij,kl,mn,ikn->jlm', Q1, Q2, Q3, Cc)
    return np.real(out).astype(np.float32)


_TP_NNZ = []
for _p, (_l1, _l2, _l3) in enumerate(_PATHS):
    _cg = _real_cg(_l1, _l2, _l3)
    _a0 = _SLICES[_l1][0]
    _b0 = _SLICES[_l2][0]
    _c0 = _SLICES[_l3][0]
    for _i in range(_cg.shape[0]):
        for _j in range(_cg.shape[1]):
            for _k in range(_cg.shape[2]):
                _v = float(_cg[_i, _j, _k])
                if _v != 0.0:
                    _TP_NNZ.append((_p, _a0 + _i, _b0 + _j, _c0 + _k, _v))
assert len({k for (_, _, _, k, _) in _TP_NNZ}) == LM


def _edge_math_T(nT, yT, distT, AB, lina2Wr, lina2Br, cmab_col,
                 WBcol, BBcol, linbWr, linbBr):
    B = nT.shape[1]
    z = jnp.concatenate([yT[i:i + 1] * yT for i in range(LM)]
                        + [yT, jnp.ones((1, B), jnp.float32)], axis=0)
    sAB = jnp.dot(AB, z, preferred_element_type=jnp.float32)
    sYaT = sAB[:LM]
    sYbT = sAB[LM:]
    waT2 = jnp.dot(lina2Wr, distT, preferred_element_type=jnp.float32) + lina2Br
    wbT = jnp.dot(linbWr, distT, preferred_element_type=jnp.float32) + linbBr
    n0 = nT[0:C]
    t_m = [waT2[m * C:(m + 1) * C] * n0 for m in range(N_IRREPS)]
    abias = (waT2[3 * C:4 * C] * n0) * cmab_col
    a_rows = []
    for l in range(LM):
        r = t_m[_IR_OF[l]] * sYaT[l:l + 1]
        if l == 0:
            r = r + abias
        a_rows.append(r)
    aT = jnp.concatenate(a_rows, axis=0)
    YbT_j = [WBcol[j * C:(j + 1) * C] * sYbT[j:j + 1] + BBcol[j * C:(j + 1) * C]
             for j in range(LM)]
    prods = {}
    for (p, i, j, k, v) in _TP_NNZ:
        if (i, j) not in prods:
            prods[(i, j)] = nT[i * C:(i + 1) * C] * YbT_j[j]
    slots = [None] * LM
    for (p, i, j, k, v) in _TP_NNZ:
        t = (v * wbT[p * C:(p + 1) * C]) * prods[(i, j)]
        slots[k] = t if slots[k] is None else slots[k] + t
    bT = jnp.concatenate(slots, axis=0)
    return aT + bT


_BT = 3200


def _k2_body(na_ref, nb_ref, yT_ref, distT_ref,
             AB_ref, lina2Wr_ref, lina2Br_ref, cmab_ref,
             WBcol_ref, BBcol_ref, linbWr_ref, linbBr_ref,
             out_a_ref, out_b_ref):
    nT = jnp.concatenate([na_ref[...].T, nb_ref[...].T[:_WB]], axis=0)
    msgT = _edge_math_T(
        nT, yT_ref[...], distT_ref[...],
        AB_ref[...], lina2Wr_ref[...], lina2Br_ref[...], cmab_ref[...],
        WBcol_ref[...], BBcol_ref[...], linbWr_ref[...], linbBr_ref[...])
    out_a_ref[...] = msgT[:_WA].T
    out_b_ref[:, 0:_WB] = msgT[_WA:].T
    out_b_ref[:, _WB:_WA] = jnp.zeros((_BT, _WA - _WB), jnp.float32)


def _run_k2(nb_a, nb_b, yT, distT, small):
    es = nb_a.shape[0]
    nblk = es // _BT
    em_spec = pl.BlockSpec((_BT, _WA), lambda b: (b, 0))
    cm_spec = lambda rows: pl.BlockSpec((rows, _BT), lambda b: (0, b))
    full = lambda a: pl.BlockSpec(a.shape, lambda b: tuple([0] * a.ndim))
    in_specs = [em_spec, em_spec, cm_spec(LM), cm_spec(N_DIST)] + [full(a) for a in small]
    return pl.pallas_call(
        _k2_body,
        grid=(nblk,),
        in_specs=in_specs,
        out_specs=(em_spec, em_spec),
        out_shape=(jax.ShapeDtypeStruct((es, _WA), jnp.float32),
                   jax.ShapeDtypeStruct((es, _WA), jnp.float32)),
        compiler_params=pltpu.CompilerParams(
            dimension_semantics=("parallel",)),
    )(nb_a, nb_b, yT, distT, *small)


_CH = 128
_NCHUNK = N_EDGES // _CH
_WA = 128
_WB = C * LM - _WA


_NW = 32


def _run_k1(snd_a, snd_b, src):
    es = src.shape[0]
    nch = es // _CH
    full_r = nch // _NW
    rem = nch - full_r * _NW
    assert full_r % 2 == 1

    def body(snd_a_hbm, snd_b_hbm, src_hbm, out_a_hbm, out_b_hbm,
             idx_v, rows_a, rows_b, sem_a0, sem_b0, sem_a1, sem_b1):
        ci = lax.axis_index("c")
        s = lax.axis_index("s")
        w = s * 2 + ci
        sems = [(sem_a0, sem_b0), (sem_a1, sem_b1)]

        def base_of(g):
            return (w + g * _NW) * _CH

        def fire(g, par):
            sa, sb = sems[par]
            base = base_of(g)
            pltpu.sync_copy(src_hbm.at[pl.ds(base, _CH)], idx_v.at[par])
            pltpu.async_copy(snd_a_hbm.at[idx_v.at[par]], rows_a.at[par], sa)
            pltpu.async_copy(snd_b_hbm.at[idx_v.at[par]], rows_b.at[par], sb)

        def drain_write(g, par):
            sa, sb = sems[par]
            pltpu.make_async_copy(snd_a_hbm.at[idx_v.at[par]], rows_a.at[par], sa).wait()
            pltpu.make_async_copy(snd_b_hbm.at[idx_v.at[par]], rows_b.at[par], sb).wait()
            base = base_of(g)
            pltpu.sync_copy(rows_a.at[par], out_a_hbm.at[pl.ds(base, _CH)])
            pltpu.sync_copy(rows_b.at[par], out_b_hbm.at[pl.ds(base, _CH)])

        fire(0, 0)

        def pair(i, _):
            g0 = 2 * i
            fire(g0 + 1, 1)
            drain_write(g0, 0)
            fire(g0 + 2, 0)
            drain_write(g0 + 1, 1)
            return _

        lax.fori_loop(0, (full_r - 1) // 2, pair, None)
        drain_write(full_r - 1, 0)

        @pl.when(w < rem)
        def _():
            base = (full_r * _NW + w) * _CH
            pltpu.sync_copy(src_hbm.at[pl.ds(base, _CH)], idx_v.at[0])
            pltpu.async_copy(snd_a_hbm.at[idx_v.at[0]], rows_a.at[0], sem_a0).wait()
            pltpu.async_copy(snd_b_hbm.at[idx_v.at[0]], rows_b.at[0], sem_b0).wait()
            pltpu.sync_copy(rows_a.at[0], out_a_hbm.at[pl.ds(base, _CH)])
            pltpu.sync_copy(rows_b.at[0], out_b_hbm.at[pl.ds(base, _CH)])

    mesh = plsc.VectorSubcoreMesh(core_axis_name="c", subcore_axis_name="s")
    k = functools.partial(
        pl.kernel,
        out_type=(jax.ShapeDtypeStruct((es, _WA), jnp.float32),
                  jax.ShapeDtypeStruct((es, _WA), jnp.float32)),
        mesh=mesh,
        scratch_types=[
            pltpu.VMEM((2, _CH), jnp.int32),
            pltpu.VMEM((2, _CH, _WA), jnp.float32),
            pltpu.VMEM((2, _CH, _WA), jnp.float32),
            pltpu.SemaphoreType.DMA,
            pltpu.SemaphoreType.DMA,
            pltpu.SemaphoreType.DMA,
            pltpu.SemaphoreType.DMA,
        ],
    )(body)
    return k(snd_a, snd_b, src)


_NS = 16
_NPAD = 10240
_ROWS_PER_TILE = _NPAD // _NS


def _run_k3(msg_a, msg_b, dst, init_st):
    es = dst.shape[0]
    nch = es // _CH
    full_r = nch // _NS
    rem = nch - full_r * _NS
    assert full_r % 2 == 1

    def body(msg_a_hbm, msg_b_hbm, dst_hbm, init_hbm,
             out_hbm, acc, idx2, rows_v, sem0, sem1):
        ci = lax.axis_index("c")
        s = lax.axis_index("s")
        r0 = s * _ROWS_PER_TILE
        sems = [sem0, sem1]
        pltpu.sync_copy(init_hbm.at[ci, pl.ds(r0, _ROWS_PER_TILE)],
                        acc.at[pl.ds(r0, _ROWS_PER_TILE)])
        plsc.subcore_barrier()

        def scan_edges(msg_hbm):
            def fire(g, par):
                base = (s + g * _NS) * _CH
                pltpu.sync_copy(dst_hbm.at[pl.ds(base, _CH)], idx2.at[par])
                pltpu.async_copy(msg_hbm.at[pl.ds(base, _CH)], rows_v.at[par], sems[par])

            def drain_scatter(g, par):
                base = (s + g * _NS) * _CH
                pltpu.make_async_copy(msg_hbm.at[pl.ds(base, _CH)],
                                      rows_v.at[par], sems[par]).wait()
                pltpu.sync_copy(rows_v.at[par], acc.at[idx2.at[par]], add=True)

            fire(0, 0)

            def pair(i, _):
                g0 = 2 * i
                fire(g0 + 1, 1)
                drain_scatter(g0, 0)
                fire(g0 + 2, 0)
                drain_scatter(g0 + 1, 1)
                return _

            lax.fori_loop(0, (full_r - 1) // 2, pair, None)
            drain_scatter(full_r - 1, 0)

            @pl.when(s < rem)
            def _():
                base = (full_r * _NS + s) * _CH
                pltpu.sync_copy(dst_hbm.at[pl.ds(base, _CH)], idx2.at[0])
                pltpu.sync_copy(msg_hbm.at[pl.ds(base, _CH)], rows_v.at[0])
                pltpu.sync_copy(rows_v.at[0], acc.at[idx2.at[0]], add=True)

        @pl.when(ci == 0)
        def _():
            scan_edges(msg_a_hbm)

        @pl.when(ci == 1)
        def _():
            scan_edges(msg_b_hbm)

        plsc.subcore_barrier()
        pltpu.sync_copy(acc.at[pl.ds(r0, _ROWS_PER_TILE)],
                        out_hbm.at[ci, pl.ds(r0, _ROWS_PER_TILE)])

    mesh = plsc.VectorSubcoreMesh(core_axis_name="c", subcore_axis_name="s")
    k = functools.partial(
        pl.kernel,
        out_type=jax.ShapeDtypeStruct((2, _NPAD, _WA), jnp.float32),
        mesh=mesh,
        scratch_types=[
            pltpu.VMEM_SHARED((_NPAD, _WA), jnp.float32),
            pltpu.VMEM((2, _CH), jnp.int32),
            pltpu.VMEM((2, _CH, _WA), jnp.float32),
            pltpu.SemaphoreType.DMA,
            pltpu.SemaphoreType.DMA,
        ],
    )(body)
    return k(msg_a, msg_b, dst, init_st)


_NNZ_P = np.array([p for (p, i, j, k, v) in _TP_NNZ])
_NNZ_K = np.array([k for (p, i, j, k, v) in _TP_NNZ])
_NNZ_C = np.array([i * LM + j for (p, i, j, k, v) in _TP_NNZ])
_NNZ_V = np.array([v for (p, i, j, k, v) in _TP_NNZ], np.float32)


def _selfmix_matrix(pw, b0, kk):
    A = jnp.zeros((LM, 91), jnp.float32)
    A = A.at[_NNZ_K, _NNZ_C].add(_NNZ_V * pw[_NNZ_P])
    A = A.at[np.arange(LM), 81 + np.arange(LM)].add(kk[np.array(_IR_OF)])
    A = A.at[0, 90].add(b0[0])
    return A


def _prep_small(sma_path_w, sma_bias0, sma_k, cma_W, cma_b, lina_W, lina_b,
                smb_path_w, smb_bias0, smb_k, cmb_W, cmb_b, linb_W, linb_b):
    ir = jnp.asarray(_IR_OF)
    NP = len(_PATHS)
    AB = jnp.concatenate([_selfmix_matrix(sma_path_w, sma_bias0, sma_k[0]),
                          _selfmix_matrix(smb_path_w, smb_bias0, smb_k[0])], axis=0)
    WBcol = cmb_W[ir, 0, :].reshape(C * LM, 1)
    BBcol = jnp.concatenate([cmb_b, jnp.zeros(C * (LM - 1), jnp.float32)]).reshape(C * LM, 1)
    linaWr = lina_W.reshape(N_DIST, C, N_IRREPS).transpose(2, 1, 0).reshape(N_IRREPS * C, N_DIST)
    linaBr = lina_b.reshape(C, N_IRREPS).T.reshape(N_IRREPS * C, 1)
    scaleA = cma_W[:, 0, :].reshape(N_IRREPS * C, 1)
    lina2Wr = jnp.concatenate([linaWr * scaleA, linaWr[0:C]], axis=0)
    lina2Br = jnp.concatenate([linaBr * scaleA, linaBr[0:C]], axis=0)
    cmab_col = cma_b.reshape(C, 1)
    linbWr = linb_W.reshape(N_DIST, C, NP).transpose(2, 1, 0).reshape(NP * C, N_DIST)
    linbBr = linb_b.reshape(C, NP).T.reshape(NP * C, 1)
    return [AB, lina2Wr, lina2Br, cmab_col, WBcol, BBcol, linbWr, linbBr]


def kernel(nodes_rec, nodes_snd, edge_ind, Y_edge, dist_feat,
           sma_path_w, sma_bias0, sma_k, cma_W, cma_b, lina_W, lina_b,
           smb_path_w, smb_bias0, smb_k, cmb_W, cmb_b, linb_W, linb_b):
    src = edge_ind[:, 0].astype(jnp.int32)
    dst = edge_ind[:, 1].astype(jnp.int32)
    snd_flat = nodes_snd.transpose(0, 2, 1).reshape(N_NODES, C * LM)
    rec_flat = nodes_rec.transpose(0, 2, 1).reshape(N_NODES, C * LM)
    snd_a = snd_flat[:, :_WA]
    snd_b = jnp.pad(snd_flat[:, _WA:], ((0, 0), (0, _WA - _WB)))

    small = _prep_small(sma_path_w, sma_bias0, sma_k, cma_W, cma_b, lina_W, lina_b,
                        smb_path_w, smb_bias0, smb_k, cmb_W, cmb_b, linb_W, linb_b)
    rec_a = jnp.pad(rec_flat[:, :_WA], ((0, _NPAD - N_NODES), (0, 0)))
    rec_b = jnp.pad(rec_flat[:, _WA:], ((0, _NPAD - N_NODES), (0, _WA - _WB)))
    y2 = Y_edge.reshape(N_EDGES, LM)

    half = N_EDGES // 2
    state = jnp.stack([rec_a, rec_b])
    for lo in (0, half):
        sl = slice(lo, lo + half)
        nb_a, nb_b = _run_k1(snd_a, snd_b, src[sl])
        msg_a, msg_b = _run_k2(nb_a, nb_b, y2[sl].T, dist_feat[sl].T, small)
        state = _run_k3(msg_a, msg_b, dst[sl], state)
    out_flat = jnp.concatenate(
        [state[0, :N_NODES], state[1, :N_NODES, :_WB]], axis=1)
    return out_flat.reshape(N_NODES, LM, C).transpose(0, 2, 1)

# --- scband reference (transcript-rebuilt; emitter-appended) ---
"""Pipeline reference for scband-e3-phis-net-interaction-29609504538685 (READ-ONLY COPY).

The authoritative reference and input builder live on the scoring server;
editing this copy changes nothing except your own understanding.
"""

import jax, jax.numpy as jnp
import numpy as np
import math

N_NODES = 10000
N_EDGES = 160000
C = 16
LM = 9
N_DIST = 16
N_IRREPS = 3
SLICES = [(0, 1), (1, 4), (4, 9)]
PATHS = [(0, 0, 0), (0, 1, 1), (0, 2, 2), (1, 0, 1), (1, 1, 0), (1, 1, 2), (1, 2, 1), (2, 0, 2), (2, 1, 1), (2, 2, 0), (2, 2, 2)]

def _su2_cg(j1, m1, j2, m2, j3, m3):
    if m3 != m1 + m2:
        return 0.0
    f = lambda n: math.factorial(int(round(n)))
    vmin = int(max(-j1 + j2 + m3, -j1 + m1, 0))
    vmax = int(min(j2 + j3 + m1, j3 - j1 + j2, j3 + m3))
    Cc = math.sqrt((2 * j3 + 1) * f(j3 + j1 - j2) * f(j3 - j1 + j2) * f(j1 + j2 - j3) * f(j3 + m3) * f(j3 - m3) / (f(j1 + j2 + j3 + 1) * f(j1 - m1) * f(j1 + m1) * f(j2 - m2) * f(j2 + m2)))
    S = 0.0
    for v in range(vmin, vmax + 1):
        S += (-1.0) ** (v + j2 + m2) * f(j2 + j3 + m1 - v) * f(j1 - m1 + v) / (f(v) * f(j3 - j1 + j2 - v) * f(j3 + m3 - v) * f(v + j1 - j2 - m3))
    return Cc * S

def _su2_cg_matrix(j1, j2, j3):
    mat = np.zeros((2 * j1 + 1, 2 * j2 + 1, 2 * j3 + 1))
    for m1 in range(-j1, j1 + 1):
        for m2 in range(-j2, j2 + 1):
            m3 = m1 + m2
            if abs(m3) <= j3:
                mat[j1 + m1, j2 + m2, j3 + m3] = _su2_cg(j1, m1, j2, m2, j3, m3)
    return mat / math.sqrt(2 * j3 + 1)

def _q_real_to_complex(l):
    q = np.zeros((2 * l + 1, 2 * l + 1), dtype=np.complex128)
    for m in range(-l, 0):
        q[l + m, l + abs(m)] = 1.0 / math.sqrt(2)
        q[l + m, l - abs(m)] = -1j / math.sqrt(2)
    q[l, l] = 1.0
    for m in range(1, l + 1):
        q[l + m, l + abs(m)] = (-1) ** m / math.sqrt(2)
        q[l + m, l - abs(m)] = 1j * (-1) ** m / math.sqrt(2)
    return (-1j) ** l * q

def _real_cg(l1, l2, l3):
    Cc = _su2_cg_matrix(l1, l2, l3).astype(np.complex128)
    Q1 = _q_real_to_complex(l1)
    Q2 = _q_real_to_complex(l2)
    Q3 = np.conj(_q_real_to_complex(l3).T)
    out = np.einsum('ij,kl,mn,ikn->jlm', Q1, Q2, Q3, Cc)
    return np.real(out).astype(np.float32)

CG = {p: jnp.asarray(_real_cg(*p)) for p in set(PATHS)}

def tp_path(x, y, l1, l2, l3):
    a0, a1 = SLICES[l1]
    b0, b1 = SLICES[l2]
    return jnp.einsum('...i,...j,ijk->...k', x[..., a0:a1], y[..., b0:b1], CG[(l1, l2, l3)])

def selfmix(x, path_w, bias0, k):
    acc = [None, None, None]
    for p, (l1, l2, l3) in enumerate(PATHS):
        t = path_w[p] * tp_path(x, x, l1, l2, l3)
        acc[l3] = t if acc[l3] is None else acc[l3] + t
    z0 = acc[0] + bias0 + k[:, 0:1] * x[..., 0:1]
    z1 = acc[1] + k[:, 1:2] * x[..., 1:4]
    z2 = acc[2] + k[:, 2:3] * x[..., 4:9]
    return jnp.concatenate([z0, z1, z2], axis=-1)

def channel_mix(x, W, b):
    z0 = jnp.einsum('...ci,co->...oi', x[..., 0:1], W[0]) + b[:, None]
    z1 = jnp.einsum('...ci,co->...oi', x[..., 1:4], W[1])
    z2 = jnp.einsum('...ci,co->...oi', x[..., 4:9], W[2])
    return jnp.concatenate([z0, z1, z2], axis=-1)

def sph_linear(x, path_w, bias0, k, W, b):
    return channel_mix(selfmix(x, path_w, bias0, k), W, b)

def _forward(nodes_rec, nodes_snd, Y_edge, dist_feat, edge_ind, sma_path_w, sma_bias0, sma_k, cma_W, cma_b, lina_W, lina_b, smb_path_w, smb_bias0, smb_k, cmb_W, cmb_b, linb_W, linb_b):
    src = edge_ind[:, 0]
    dst = edge_ind[:, 1]
    neighbors = nodes_snd[src]
    scalars = neighbors[..., 0:1]
    Ya = sph_linear(Y_edge, sma_path_w, sma_bias0, sma_k, cma_W, cma_b)
    wa = (dist_feat @ lina_W + lina_b).reshape(N_EDGES, C, N_IRREPS)
    wa = wa * scalars
    wa_exp = jnp.concatenate([wa[..., 0:1], jnp.repeat(wa[..., 1:2], 3, axis=-1), jnp.repeat(wa[..., 2:3], 5, axis=-1)], axis=-1)
    a = wa_exp * Ya
    Yb = sph_linear(Y_edge, smb_path_w, smb_bias0, smb_k, cmb_W, cmb_b)
    wb = (dist_feat @ linb_W + linb_b).reshape(N_EDGES, C, len(PATHS))
    accb = [None, None, None]
    for p, (l1, l2, l3) in enumerate(PATHS):
        t = wb[..., p:p + 1] * tp_path(neighbors, Yb, l1, l2, l3)
        accb[l3] = t if accb[l3] is None else accb[l3] + t
    bterm = jnp.concatenate(accb, axis=-1)
    out = nodes_rec.at[dst].add(a)
    out = out.at[dst].add(bterm)
    return out

def setup_inputs(seed: int = 0):
    key = jax.random.key(seed)
    ks = jax.random.split(key, 20)
    s = 0.1
    inp = {}
    inp['nodes_rec'] = jax.random.normal(ks[0], (N_NODES, C, LM), dtype=jnp.float32)
    inp['nodes_snd'] = jax.random.normal(ks[1], (N_NODES, C, LM), dtype=jnp.float32)
    inp['edge_ind'] = jax.random.randint(ks[2], (N_EDGES, 2), 0, N_NODES)
    inp['Y_edge'] = jax.random.normal(ks[3], (N_EDGES, 1, LM), dtype=jnp.float32)
    inp['dist_feat'] = jax.random.normal(ks[4], (N_EDGES, N_DIST), dtype=jnp.float32)
    inp['sma_path_w'] = jax.random.normal(ks[5], (len(PATHS),), dtype=jnp.float32) * s
    inp['sma_bias0'] = jnp.zeros((1,), dtype=jnp.float32)
    inp['sma_k'] = jnp.ones((1, N_IRREPS), dtype=jnp.float32)
    inp['cma_W'] = jax.random.normal(ks[6], (3, 1, C), dtype=jnp.float32) * s
    inp['cma_b'] = jnp.zeros((C,), dtype=jnp.float32)
    inp['lina_W'] = jax.random.normal(ks[7], (N_DIST, C * N_IRREPS), dtype=jnp.float32) / math.sqrt(N_DIST)
    inp['lina_b'] = jnp.zeros((C * N_IRREPS,), dtype=jnp.float32)
    inp['smb_path_w'] = jax.random.normal(ks[8], (len(PATHS),), dtype=jnp.float32) * s
    inp['smb_bias0'] = jnp.zeros((1,), dtype=jnp.float32)
    inp['smb_k'] = jnp.ones((1, N_IRREPS), dtype=jnp.float32)
    inp['cmb_W'] = jax.random.normal(ks[9], (3, 1, C), dtype=jnp.float32) * s
    inp['cmb_b'] = jnp.zeros((C,), dtype=jnp.float32)
    inp['linb_W'] = jax.random.normal(ks[10], (N_DIST, C * len(PATHS)), dtype=jnp.float32) / math.sqrt(N_DIST)
    inp['linb_b'] = jnp.zeros((C * len(PATHS),), dtype=jnp.float32)
    return inp

def reference(nodes_rec, nodes_snd, edge_ind, Y_edge, dist_feat, sma_path_w, sma_bias0, sma_k, cma_W, cma_b, lina_W, lina_b, smb_path_w, smb_bias0, smb_k, cmb_W, cmb_b, linb_W, linb_b):
    return _forward(nodes_rec, nodes_snd, Y_edge, dist_feat, edge_ind, sma_path_w, sma_bias0, sma_k, cma_W, cma_b, lina_W, lina_b, smb_path_w, smb_bias0, smb_k, cmb_W, cmb_b, linb_W, linb_b)

if __name__ == "__main__":
    import jax
    _d = setup_inputs()
    print(jax.jit(kernel)(*tuple(_d.values())))

</pallas_src>

<mosaic_0001>
#map = affine_map<(d0, d1) -> (0, 0)>
#map1 = affine_map<(d0, d1) -> (0)>
#map2 = affine_map<(d0, d1) -> (0, 0, 0)>
module attributes {stable_mosaic.version = 14 : i64} {
  func.func @body(%arg0: i32, %arg1: i32, %arg2: memref<80000x128xf32, #tpu.memory_space<hbm>>, %arg3: memref<80000x128xf32, #tpu.memory_space<hbm>>, %arg4: memref<80000xi32, #tpu.memory_space<hbm>>, %arg5: memref<2x10240x128xf32, #tpu.memory_space<hbm>>, %arg6: memref<2x10240x128xf32, #tpu.memory_space<hbm>>, %arg7: memref<10240x128xf32, #tpu.memory_space<vmem_shared>>, %arg8: memref<2x128xi32, #tpu.memory_space<vmem>>, %arg9: memref<2x128x128xf32, #tpu.memory_space<vmem>>, %arg10: memref<!tpu.dma_semaphore, #tpu.memory_space<semaphore_mem>>, %arg11: memref<!tpu.dma_semaphore, #tpu.memory_space<semaphore_mem>>) attributes {dimension_semantics = [#tpu.dimension_semantics<core_parallel>, #tpu.dimension_semantics<subcore_parallel>], iteration_bounds = array<i64: 2, 16>, scalar_prefetch = 0 : i64, scratch_operands = 5 : i64, tpu.core_type = #tpu.core_type<sc_vector_subcore>, window_params = [{transform_indices = #map}, {transform_indices = #map}, {transform_indices = #map1}, {transform_indices = #map2}, {transform_indices = #map2}]} {
    %mul3A = arith.constant 640 : i32
    %mul3A_0 = arith.muli %arg1, %mul3A : i32
    "tpu.region"() ({
      %run_scoped3A = tpu.sem_alloc : memref<!tpu.dma_semaphore, #tpu.memory_space<semaphore_mem>>
      %dma_start3A = arith.constant 0 : i32
      %dma_start3A_9 = tpu.memref_slice %arg7[%mul3A_0, %dma_start3A] : memref<10240x128xf32, #tpu.memory_space<vmem_shared>> -> memref<640x128xf32, #tpu.memory_space<vmem_shared>>
      %dma_start3A_10 = arith.constant 0 : i32
      %dma_start3A_11 = tpu.memref_slice %arg5[%arg0, %mul3A_0, %dma_start3A_10] : memref<2x10240x128xf32, #tpu.memory_space<hbm>> -> memref<1x640x128xf32, #tpu.memory_space<hbm>>
      %dma_start3A_12 = tpu.memref_squeeze %dma_start3A_11 : memref<1x640x128xf32, #tpu.memory_space<hbm>> -> memref<640x128xf32, #tpu.memory_space<hbm>>
      tpu.enqueue_dma source(%dma_start3A_12 : memref<640x128xf32, #tpu.memory_space<hbm>>) target(%dma_start3A_9 : memref<640x128xf32, #tpu.memory_space<vmem_shared>>) target_semaphore(%run_scoped3A : memref<!tpu.dma_semaphore, #tpu.memory_space<semaphore_mem>>)
      %dma_wait3A = arith.constant 0 : i32
      %dma_wait3A_13 = tpu.memref_slice %arg7[%mul3A_0, %dma_wait3A] : memref<10240x128xf32, #tpu.memory_space<vmem_shared>> -> memref<640x128xf32, #tpu.memory_space<vmem_shared>>
      %dma_wait3A_14 = arith.constant 0 : i32
      %dma_wait3A_15 = tpu.memref_slice %arg5[%arg0, %mul3A_0, %dma_wait3A_14] : memref<2x10240x128xf32, #tpu.memory_space<hbm>> -> memref<1x640x128xf32, #tpu.memory_space<hbm>>
      %dma_wait3A_16 = tpu.memref_squeeze %dma_wait3A_15 : memref<1x640x128xf32, #tpu.memory_space<hbm>> -> memref<640x128xf32, #tpu.memory_space<hbm>>
      tpu.wait_dma2 semaphore(%run_scoped3A : memref<!tpu.dma_semaphore, #tpu.memory_space<semaphore_mem>>) src(%dma_wait3A_16 : memref<640x128xf32, #tpu.memory_space<hbm>>) dst(%dma_wait3A_13 : memref<640x128xf32, #tpu.memory_space<vmem_shared>>)
      tpu.yield
    }) : () -> ()
    %barrier3A = arith.constant 0 : index
    tpu.barrier barrier_id(%barrier3A)
    %eq3A = arith.constant 0 : i32
    %eq3A_1 = arith.cmpi eq, %arg0, %eq3A : i32
    %convert_element_type3A = arith.extui %eq3A_1 : i1 to i32
    %cond3A = arith.constant 0 : i32
    %cond3A_2 = arith.cmpi ne, %convert_element_type3A, %cond3A : i32
    scf.if %cond3A_2 {
      %add3A = arith.constant 0 : i32
      %add3A_9 = arith.addi %arg1, %add3A : i32
      %mul3A_10 = arith.constant 128 : i32
      %mul3A_11 = arith.muli %add3A_9, %mul3A_10 : i32
      %run_scoped3A = arith.constant 0 : i32
      "tpu.region"() ({
        %run_scoped3A_50 = tpu.sem_alloc : memref<!tpu.dma_semaphore, #tpu.memory_space<semaphore_mem>>
        %dma_start3A_51 = arith.constant 0 : i32
        %dma_start3A_52 = tpu.memref_slice %arg8[%run_scoped3A, %dma_start3A_51] : memref<2x128xi32, #tpu.memory_space<vmem>> -> memref<1x128xi32, #tpu.memory_space<vmem>>
        %dma_start3A_53 = tpu.memref_squeeze %dma_start3A_52 : memref<1x128xi32, #tpu.memory_space<vmem>> -> memref<128xi32, #tpu.memory_space<vmem>>
        %dma_start3A_54 = tpu.memref_slice %arg4[%mul3A_11] : memref<80000xi32, #tpu.memory_space<hbm>> -> memref<128xi32, #tpu.memory_space<hbm>>
        %dma_start3A_55 = arith.constant 0 : i32
        %dma_start3A_56 = tpu.memref_slice %arg8[%run_scoped3A, %dma_start3A_55] : memref<2x128xi32, #tpu.memory_space<vmem>> -> memref<1x128xi32, #tpu.memory_space<vmem>>
        %dma_start3A_57 = tpu.memref_squeeze %dma_start3A_56 : memref<1x128xi32, #tpu.memory_space<vmem>> -> memref<128xi32, #tpu.memory_space<vmem>>
        %dma_start3A_58 = tpu.memref_slice %arg4[%mul3A_11] : memref<80000xi32, #tpu.memory_space<hbm>> -> memref<128xi32, #tpu.memory_space<hbm>>
        tpu.enqueue_dma source(%dma_start3A_58 : memref<128xi32, #tpu.memory_space<hbm>>) target(%dma_start3A_57 : memref<128xi32, #tpu.memory_space<vmem>>) target_semaphore(%run_scoped3A_50 : memref<!tpu.dma_semaphore, #tpu.memory_space<semaphore_mem>>)
        %dma_wait3A_59 = arith.constant 0 : i32
        %dma_wait3A_60 = tpu.memref_slice %arg8[%run_scoped3A, %dma_wait3A_59] : memref<2x128xi32, #tpu.memory_space<vmem>> -> memref<1x128xi32, #tpu.memory_space<vmem>>
        %dma_wait3A_61 = tpu.memref_squeeze %dma_wait3A_60 : memref<1x128xi32, #tpu.memory_space<vmem>> -> memref<128xi32, #tpu.memory_space<vmem>>
        %dma_wait3A_62 = tpu.memref_slice %arg4[%mul3A_11] : memref<80000xi32, #tpu.memory_space<hbm>> -> memref<128xi32, #tpu.memory_space<hbm>>
        %dma_wait3A_63 = arith.constant 0 : i32
        %dma_wait3A_64 = tpu.memref_slice %arg8[%run_scoped3A, %dma_wait3A_63] : memref<2x128xi32, #tpu.memory_space<vmem>> -> memref<1x128xi32, #tpu.memory_space<vmem>>
        %dma_wait3A_65 = tpu.memref_squeeze %dma_wait3A_64 : memref<1x128xi32, #tpu.memory_space<vmem>> -> memref<128xi32, #tpu.memory_space<vmem>>
        %dma_wait3A_66 = tpu.memref_slice %arg4[%mul3A_11] : memref<80000xi32, #tpu.memory_space<hbm>> -> memref<128xi32, #tpu.memory_space<hbm>>
        tpu.wait_dma2 semaphore(%run_scoped3A_50 : memref<!tpu.dma_semaphore, #tpu.memory_space<semaphore_mem>>) src(%dma_wait3A_66 : memref<128xi32, #tpu.memory_space<hbm>>) dst(%dma_wait3A_65 : memref<128xi32, #tpu.memory_space<vmem>>)
        tpu.yield
      }) : () -> ()
      %dma_start3A = arith.constant 0 : i32
      %dma_start3A_12 = arith.constant 0 : i32
      %dma_start3A_13 = arith.constant 0 : i32
      %dma_start3A_14 = tpu.memref_slice %arg9[%dma_start3A, %dma_start3A_12, %dma_start3A_13] : memref<2x128x128xf32, #tpu.memory_space<vmem>> -> memref<1x128x128xf32, #tpu.memory_space<vmem>>
      %dma_start3A_15 = tpu.memref_squeeze %dma_start3A_14 : memref<1x128x128xf32, #tpu.memory_space<vmem>> -> memref<128x128xf32, #tpu.memory_space<vmem>>
      %dma_start3A_16 = arith.constant 0 : i32
      %dma_start3A_17 = tpu.memref_slice %arg2[%mul3A_11, %dma_start3A_16] : memref<80000x128xf32, #tpu.memory_space<hbm>> -> memref<128x128xf32, #tpu.memory_space<hbm>>
      %dma_start3A_18 = arith.constant 0 : i32
      %dma_start3A_19 = arith.constant 0 : i32
      %dma_start3A_20 = tpu.memref_slice %arg9[%dma_start3A, %dma_start3A_18, %dma_start3A_19] : memref<2x128x128xf32, #tpu.memory_space<vmem>> -> memref<1x128x128xf32, #tpu.memory_space<vmem>>
      %dma_start3A_21 = tpu.memref_squeeze %dma_start3A_20 : memref<1x128x128xf32, #tpu.memory_space<vmem>> -> memref<128x128xf32, #tpu.memory_space<vmem>>
      %dma_start3A_22 = arith.constant 0 : i32
      %dma_start3A_23 = tpu.memref_slice %arg2[%mul3A_11, %dma_start3A_22] : memref<80000x128xf32, #tpu.memory_space<hbm>> -> memref<128x128xf32, #tpu.memory_space<hbm>>
      tpu.enqueue_dma source(%dma_start3A_23 : memref<128x128xf32, #tpu.memory_space<hbm>>) target(%dma_start3A_21 : memref<128x128xf32, #tpu.memory_space<vmem>>) target_semaphore(%arg10 : memref<!tpu.dma_semaphore, #tpu.memory_space<semaphore_mem>>)
      %scan3A = arith.constant 0 : i32
      %scan3A_24 = arith.constant 19 : i32
      %scan3A_25 = arith.addi %scan3A, %scan3A_24 : i32
      %scan3A_26 = arith.constant 1 : i32
      scf.for %scan3A_50 = %scan3A to %scan3A_25 step %scan3A_26  : i32 {
        %mul3A_51 = arith.constant 2 : i32
        %mul3A_52 = arith.muli %mul3A_51, %scan3A_50 : i32
        %add3A_53 = arith.constant 1 : i32
        %add3A_54 = arith.addi %mul3A_52, %add3A_53 : i32
        %mul3A_55 = arith.constant 16 : i32
        %mul3A_56 = arith.muli %add3A_54, %mul3A_55 : i32
        %add3A_57 = arith.addi %arg1, %mul3A_56 : i32
        %mul3A_58 = arith.constant 128 : i32
        %mul3A_59 = arith.muli %add3A_57, %mul3A_58 : i32
        %run_scoped3A_60 = arith.constant 1 : i32
        "tpu.region"() ({
          %run_scoped3A_137 = tpu.sem_alloc : memref<!tpu.dma_semaphore, #tpu.memory_space<semaphore_mem>>
          %dma_start3A_138 = arith.constant 0 : i32
          %dma_start3A_139 = tpu.memref_slice %arg8[%run_scoped3A_60, %dma_start3A_138] : memref<2x128xi32, #tpu.memory_space<vmem>> -> memref<1x128xi32, #tpu.memory_space<vmem>>
          %dma_start3A_140 = tpu.memref_squeeze %dma_start3A_139 : memref<1x128xi32, #tpu.memory_space<vmem>> -> memref<128xi32, #tpu.memory_space<vmem>>
          %dma_start3A_141 = tpu.memref_slice %arg4[%mul3A_59] : memref<80000xi32, #tpu.memory_space<hbm>> -> memref<128xi32, #tpu.memory_space<hbm>>
          %dma_start3A_142 = arith.constant 0 : i32
          %dma_start3A_143 = tpu.memref_slice %arg8[%run_scoped3A_60, %dma_start3A_142] : memref<2x128xi32, #tpu.memory_space<vmem>> -> memref<1x128xi32, #tpu.memory_space<vmem>>
          %dma_start3A_144 = tpu.memref_squeeze %dma_start3A_143 : memref<1x128xi32, #tpu.memory_space<vmem>> -> memref<128xi32, #tpu.memory_space<vmem>>
          %dma_start3A_145 = tpu.memref_slice %arg4[%mul3A_59] : memref<80000xi32, #tpu.memory_space<hbm>> -> memref<128xi32, #tpu.memory_space<hbm>>
          tpu.enqueue_dma source(%dma_start3A_145 : memref<128xi32, #tpu.memory_space<hbm>>) target(%dma_start3A_144 : memref<128xi32, #tpu.memory_space<vmem>>) target_semaphore(%run_scoped3A_137 : memref<!tpu.dma_semaphore, #tpu.memory_space<semaphore_mem>>)
          %dma_wait3A_146 = arith.constant 0 : i32
          %dma_wait3A_147 = tpu.memref_slice %arg8[%run_scoped3A_60, %dma_wait3A_146] : memref<2x128xi32, #tpu.memory_space<vmem>> -> memref<1x128xi32, #tpu.memory_space<vmem>>
          %dma_wait3A_148 = tpu.memref_squeeze %dma_wait3A_147 : memref<1x128xi32, #tpu.memory_space<vmem>> -> memref<128xi32, #tpu.memory_space<vmem>>
          %dma_wait3A_149 = tpu.memref_slice %arg4[%mul3A_59] : memref<80000xi32, #tpu.memory_space<hbm>> -> memref<128xi32, #tpu.memory_space<hbm>>
          %dma_wait3A_150 = arith.constant 0 : i32
          %dma_wait3A_151 = tpu.memref_slice %arg8[%run_scoped3A_60, %dma_wait3A_150] : memref<2x128xi32, #tpu.memory_space<vmem>> -> memref<1x128xi32, #tpu.memory_space<vmem>>
          %dma_wait3A_152 = tpu.memref_squeeze %dma_wait3A_151 : memref<1x128xi32, #tpu.memory_space<vmem>> -> memref<128xi32, #tpu.memory_space<vmem>>
          %dma_wait3A_153 = tpu.memref_slice %arg4[%mul3A_59] : memref<80000xi32, #tpu.memory_space<hbm>> -> memref<128xi32, #tpu.memory_space<hbm>>
          tpu.wait_dma2 semaphore(%run_scoped3A_137 : memref<!tpu.dma_semaphore, #tpu.memory_space<semaphore_mem>>) src(%dma_wait3A_153 : memref<128xi32, #tpu.memory_space<hbm>>) dst(%dma_wait3A_152 : memref<128xi32, #tpu.memory_space<vmem>>)
          tpu.yield
        }) : () -> ()
        %dma_start3A_61 = arith.constant 1 : i32
        %dma_start3A_62 = arith.constant 0 : i32
        %dma_start3A_63 = arith.constant 0 : i32
        %dma_start3A_64 = tpu.memref_slice %arg9[%dma_start3A_61, %dma_start3A_62, %dma_start3A_63] : memref<2x128x128xf32, #tpu.memory_space<vmem>> -> memref<1x128x128xf32, #tpu.memory_space<vmem>>
        %dma_start3A_65 = tpu.memref_squeeze %dma_start3A_64 : memref<1x128x128xf32, #tpu.memory_space<vmem>> -> memref<128x128xf32, #tpu.memory_space<vmem>>
        %dma_start3A_66 = arith.constant 0 : i32
        %dma_start3A_67 = tpu.memref_slice %arg2[%mul3A_59, %dma_start3A_66] : memref<80000x128xf32, #tpu.memory_space<hbm>> -> memref<128x128xf32, #tpu.memory_space<hbm>>
        %dma_start3A_68 = arith.constant 0 : i32
        %dma_start3A_69 = arith.constant 0 : i32
        %dma_start3A_70 = tpu.memref_slice %arg9[%dma_start3A_61, %dma_start3A_68, %dma_start3A_69] : memref<2x128x128xf32, #tpu.memory_space<vmem>> -> memref<1x128x128xf32, #tpu.memory_space<vmem>>
        %dma_start3A_71 = tpu.memref_squeeze %dma_start3A_70 : memref<1x128x128xf32, #tpu.memory_space<vmem>> -> memref<128x128xf32, #tpu.memory_space<vmem>>
        %dma_start3A_72 = arith.constant 0 : i32
        %dma_start3A_73 = tpu.memref_slice %arg2[%mul3A_59, %dma_start3A_72] : memref<80000x128xf32, #tpu.memory_space<hbm>> -> memref<128x128xf32, #tpu.memory_space<hbm>>
        tpu.enqueue_dma source(%dma_start3A_73 : memref<128x128xf32, #tpu.memory_space<hbm>>) target(%dma_start3A_71 : memref<128x128xf32, #tpu.memory_space<vmem>>) target_semaphore(%arg11 : memref<!tpu.dma_semaphore, #tpu.memory_space<semaphore_mem>>)
        %mul3A_74 = arith.constant 16 : i32
        %mul3A_75 = arith.muli %mul3A_52, %mul3A_74 : i32
        %add3A_76 = arith.addi %arg1, %mul3A_75 : i32
        %mul3A_77 = arith.constant 128 : i32
        %mul3A_78 = arith.muli %add3A_76, %mul3A_77 : i32
        %dma_wait3A_79 = arith.constant 0 : i32
        %dma_wait3A_80 = arith.constant 0 : i32
        %dma_wait3A_81 = arith.constant 0 : i32
        %dma_wait3A_82 = tpu.memref_slice %arg9[%dma_wait3A_79, %dma_wait3A_80, %dma_wait3A_81] : memref<2x128x128xf32, #tpu.memory_space<vmem>> -> memref<1x128x128xf32, #tpu.memory_space<vmem>>
        %dma_wait3A_83 = tpu.memref_squeeze %dma_wait3A_82 : memref<1x128x128xf32, #tpu.memory_space<vmem>> -> memref<128x128xf32, #tpu.memory_space<vmem>>
        %dma_wait3A_84 = arith.constant 0 : i32
        %dma_wait3A_85 = tpu.memref_slice %arg2[%mul3A_78, %dma_wait3A_84] : memref<80000x128xf32, #tpu.memory_space<hbm>> -> memref<128x128xf32, #tpu.memory_space<hbm>>
        %dma_wait3A_86 = arith.constant 0 : i32
        %dma_wait3A_87 = arith.constant 0 : i32
        %dma_wait3A_88 = tpu.memref_slice %arg9[%dma_wait3A_79, %dma_wait3A_86, %dma_wait3A_87] : memref<2x128x128xf32, #tpu.memory_space<vmem>> -> memref<1x128x128xf32, #tpu.memory_space<vmem>>
        %dma_wait3A_89 = tpu.memref_squeeze %dma_wait3A_88 : memref<1x128x128xf32, #tpu.memory_space<vmem>> -> memref<128x128xf32, #tpu.memory_space<vmem>>
        %dma_wait3A_90 = arith.constant 0 : i32
        %dma_wait3A_91 = tpu.memref_slice %arg2[%mul3A_78, %dma_wait3A_90] : memref<80000x128xf32, #tpu.memory_space<hbm>> -> memref<128x128xf32, #tpu.memory_space<hbm>>
        tpu.wait_dma2 semaphore(%arg10 : memref<!tpu.dma_semaphore, #tpu.memory_space<semaphore_mem>>) src(%dma_wait3A_91 : memref<128x128xf32, #tpu.memory_space<hbm>>) dst(%dma_wait3A_89 : memref<128x128xf32, #tpu.memory_space<vmem>>)
        %run_scoped3A_92 = arith.constant 0 : i32
        %run_scoped3A_93 = arith.constant 0 : i32
        "tpu.region"() ({
          %run_scoped3A_137 = tpu.sem_alloc : memref<!tpu.dma_semaphore, #tpu.memory_space<semaphore_mem>>
          %dma_start3A_138 = arith.constant 0 : i32
          %dma_start3A_139 = arith.constant 0 : i32
          %dma_start3A_140 = tpu.memref_slice %arg9[%run_scoped3A_92, %dma_start3A_138, %dma_start3A_139] : memref<2x128x128xf32, #tpu.memory_space<vmem>> -> memref<1x128x128xf32, #tpu.memory_space<vmem>>
          %dma_start3A_141 = tpu.memref_squeeze %dma_start3A_140 : memref<1x128x128xf32, #tpu.memory_space<vmem>> -> memref<128x128xf32, #tpu.memory_space<vmem>>
          %dma_start3A_142 = arith.constant 0 : i32
          %dma_start3A_143 = tpu.memref_slice %arg8[%run_scoped3A_93, %dma_start3A_142] : memref<2x128xi32, #tpu.memory_space<vmem>> -> memref<1x128xi32, #tpu.memory_space<vmem>>
          %dma_start3A_144 = tpu.memref_squeeze %dma_start3A_143 : memref<1x128xi32, #tpu.memory_space<vmem>> -> memref<128xi32, #tpu.memory_space<vmem>>
          %dma_start3A_145 = arith.constant 0 : i32
          %dma_start3A_146 = arith.constant 0 : i32
          %dma_start3A_147 = tpu.memref_slice %arg7[%dma_start3A_145, %dma_start3A_146] : memref<10240x128xf32, #tpu.memory_space<vmem_shared>> -> memref<10240x128xf32, #tpu.memory_space<vmem_shared>>
          tpu.enqueue_indirect_dma source(%dma_start3A_141 : memref<128x128xf32, #tpu.memory_space<vmem>>) target(%dma_start3A_147 : memref<10240x128xf32, #tpu.memory_space<vmem_shared>>) offsets(%dma_start3A_144 : memref<128xi32, #tpu.memory_space<vmem>>) semaphore(%run_scoped3A_137 : memref<!tpu.dma_semaphore, #tpu.memory_space<semaphore_mem>>) {add = true}
          %dma_wait3A_148 = arith.constant 0 : i32
          %dma_wait3A_149 = arith.constant 0 : i32
          %dma_wait3A_150 = tpu.memref_slice %arg9[%run_scoped3A_92, %dma_wait3A_148, %dma_wait3A_149] : memref<2x128x128xf32, #tpu.memory_space<vmem>> -> memref<1x128x128xf32, #tpu.memory_space<vmem>>
          %dma_wait3A_151 = tpu.memref_squeeze %dma_wait3A_150 : memref<1x128x128xf32, #tpu.memory_space<vmem>> -> memref<128x128xf32, #tpu.memory_space<vmem>>
          %dma_wait3A_152 = arith.constant 0 : i32
          %dma_wait3A_153 = tpu.memref_slice %arg8[%run_scoped3A_93, %dma_wait3A_152] : memref<2x128xi32, #tpu.memory_space<vmem>> -> memref<1x128xi32, #tpu.memory_space<vmem>>
          %dma_wait3A_154 = tpu.memref_squeeze %dma_wait3A_153 : memref<1x128xi32, #tpu.memory_space<vmem>> -> memref<128xi32, #tpu.memory_space<vmem>>
          %dma_wait3A_155 = arith.constant 0 : i32
          %dma_wait3A_156 = arith.constant 0 : i32
          %dma_wait3A_157 = tpu.memref_slice %arg7[%dma_wait3A_155, %dma_wait3A_156] : memref<10240x128xf32, #tpu.memory_space<vmem_shared>> -> memref<10240x128xf32, #tpu.memory_space<vmem_shared>>
          tpu.wait_indirect_dma semaphore(%run_scoped3A_137 : memref<!tpu.dma_semaphore, #tpu.memory_space<semaphore_mem>>) src(%dma_wait3A_151 : memref<128x128xf32, #tpu.memory_space<vmem>>) dst(%dma_wait3A_157 : memref<10240x128xf32, #tpu.memory_space<vmem_shared>>)
          tpu.yield
        }) : () -> ()
        %add3A_94 = arith.constant 2 : i32
        %add3A_95 = arith.addi %mul3A_52, %add3A_94 : i32
        %mul3A_96 = arith.constant 16 : i32
        %mul3A_97 = arith.muli %add3A_95, %mul3A_96 : i32
        %add3A_98 = arith.addi %arg1, %mul3A_97 : i32
        %mul3A_99 = arith.constant 128 : i32
        %mul3A_100 = arith.muli %add3A_98, %mul3A_99 : i32
        %run_scoped3A_101 = arith.constant 0 : i32
        "tpu.region"() ({
          %run_scoped3A_137 = tpu.sem_alloc : memref<!tpu.dma_semaphore, #tpu.memory_space<semaphore_mem>>
          %dma_start3A_138 = arith.constant 0 : i32
          %dma_start3A_139 = tpu.memref_slice %arg8[%run_scoped3A_101, %dma_start3A_138] : memref<2x128xi32, #tpu.memory_space<vmem>> -> memref<1x128xi32, #tpu.memory_space<vmem>>
          %dma_start3A_140 = tpu.memref_squeeze %dma_start3A_139 : memref<1x128xi32, #tpu.memory_space<vmem>> -> memref<128xi32, #tpu.memory_space<vmem>>
          %dma_start3A_141 = tpu.memref_slice %arg4[%mul3A_100] : memref<80000xi32, #tpu.memory_space<hbm>> -> memref<128xi32, #tpu.memory_space<hbm>>
          %dma_start3A_142 = arith.constant 0 : i32
          %dma_start3A_143 = tpu.memref_slice %arg8[%run_scoped3A_101, %dma_start3A_142] : memref<2x128xi32, #tpu.memory_space<vmem>> -> memref<1x128xi32, #tpu.memory_space<vmem>>
          %dma_start3A_144 = tpu.memref_squeeze %dma_start3A_143 : memref<1x128xi32, #tpu.memory_space<vmem>> -> memref<128xi32, #tpu.memory_space<vmem>>
          %dma_start3A_145 = tpu.memref_slice %arg4[%mul3A_100] : memref<80000xi32, #tpu.memory_space<hbm>> -> memref<128xi32, #tpu.memory_space<hbm>>
          tpu.enqueue_dma source(%dma_start3A_145 : memref<128xi32, #tpu.memory_space<hbm>>) target(%dma_start3A_144 : memref<128xi32, #tpu.memory_space<vmem>>) target_semaphore(%run_scoped3A_137 : memref<!tpu.dma_semaphore, #tpu.memory_space<semaphore_mem>>)
          %dma_wait3A_146 = arith.constant 0 : i32
          %dma_wait3A_147 = tpu.memref_slice %arg8[%run_scoped3A_101, %dma_wait3A_146] : memref<2x128xi32, #tpu.memory_space<vmem>> -> memref<1x128xi32, #tpu.memory_space<vmem>>
          %dma_wait3A_148 = tpu.memref_squeeze %dma_wait3A_147 : memref<1x128xi32, #tpu.memory_space<vmem>> -> memref<128xi32, #tpu.memory_space<vmem>>
          %dma_wait3A_149 = tpu.memref_slice %arg4[%mul3A_100] : memref<80000xi32, #tpu.memory_space<hbm>> -> memref<128xi32, #tpu.memory_space<hbm>>
          %dma_wait3A_150 = arith.constant 0 : i32
          %dma_wait3A_151 = tpu.memref_slice %arg8[%run_scoped3A_101, %dma_wait3A_150] : memref<2x128xi32, #tpu.memory_space<vmem>> -> memref<1x128xi32, #tpu.memory_space<vmem>>
          %dma_wait3A_152 = tpu.memref_squeeze %dma_wait3A_151 : memref<1x128xi32, #tpu.memory_space<vmem>> -> memref<128xi32, #tpu.memory_space<vmem>>
          %dma_wait3A_153 = tpu.memref_slice %arg4[%mul3A_100] : memref<80000xi32, #tpu.memory_space<hbm>> -> memref<128xi32, #tpu.memory_space<hbm>>
          tpu.wait_dma2 semaphore(%run_scoped3A_137 : memref<!tpu.dma_semaphore, #tpu.memory_space<semaphore_mem>>) src(%dma_wait3A_153 : memref<128xi32, #tpu.memory_space<hbm>>) dst(%dma_wait3A_152 : memref<128xi32, #tpu.memory_space<vmem>>)
          tpu.yield
        }) : () -> ()
        %dma_start3A_102 = arith.constant 0 : i32
        %dma_start3A_103 = arith.constant 0 : i32
        %dma_start3A_104 = arith.constant 0 : i32
        %dma_start3A_105 = tpu.memref_slice %arg9[%dma_start3A_102, %dma_start3A_103, %dma_start3A_104] : memref<2x128x128xf32, #tpu.memory_space<vmem>> -> memref<1x128x128xf32, #tpu.memory_space<vmem>>
        %dma_start3A_106 = tpu.memref_squeeze %dma_start3A_105 : memref<1x128x128xf32, #tpu.memory_space<vmem>> -> memref<128x128xf32, #tpu.memory_space<vmem>>
        %dma_start3A_107 = arith.constant 0 : i32
        %dma_start3A_108 = tpu.memref_slice %arg2[%mul3A_100, %dma_start3A_107] : memref<80000x128xf32, #tpu.memory_space<hbm>> -> memref<128x128xf32, #tpu.memory_space<hbm>>
        %dma_start3A_109 = arith.constant 0 : i32
        %dma_start3A_110 = arith.constant 0 : i32
        %dma_start3A_111 = tpu.memref_slice %arg9[%dma_start3A_102, %dma_start3A_109, %dma_start3A_110] : memref<2x128x128xf32, #tpu.memory_space<vmem>> -> memref<1x128x128xf32, #tpu.memory_space<vmem>>
        %dma_start3A_112 = tpu.memref_squeeze %dma_start3A_111 : memref<1x128x128xf32, #tpu.memory_space<vmem>> -> memref<128x128xf32, #tpu.memory_space<vmem>>
        %dma_start3A_113 = arith.constant 0 : i32
        %dma_start3A_114 = tpu.memref_slice %arg2[%mul3A_100, %dma_start3A_113] : memref<80000x128xf32, #tpu.memory_space<hbm>> -> memref<128x128xf32, #tpu.memory_space<hbm>>
        tpu.enqueue_dma source(%dma_start3A_114 : memref<128x128xf32, #tpu.memory_space<hbm>>) target(%dma_start3A_112 : memref<128x128xf32, #tpu.memory_space<vmem>>) target_semaphore(%arg10 : memref<!tpu.dma_semaphore, #tpu.memory_space<semaphore_mem>>)
        %add3A_115 = arith.constant 1 : i32
        %add3A_116 = arith.addi %mul3A_52, %add3A_115 : i32
        %mul3A_117 = arith.constant 16 : i32
        %mul3A_118 = arith.muli %add3A_116, %mul3A_117 : i32
        %add3A_119 = arith.addi %arg1, %mul3A_118 : i32
        %mul3A_120 = arith.constant 128 : i32
        %mul3A_121 = arith.muli %add3A_119, %mul3A_120 : i32
        %dma_wait3A_122 = arith.constant 1 : i32
        %dma_wait3A_123 = arith.constant 0 : i32
        %dma_wait3A_124 = arith.constant 0 : i32
        %dma_wait3A_125 = tpu.memref_slice %arg9[%dma_wait3A_122, %dma_wait3A_123, %dma_wait3A_124] : memref<2x128x128xf32, #tpu.memory_space<vmem>> -> memref<1x128x128xf32, #tpu.memory_space<vmem>>
        %dma_wait3A_126 = tpu.memref_squeeze %dma_wait3A_125 : memref<1x128x128xf32, #tpu.memory_space<vmem>> -> memref<128x128xf32, #tpu.memory_space<vmem>>
        %dma_wait3A_127 = arith.constant 0 : i32
        %dma_wait3A_128 = tpu.memref_slice %arg2[%mul3A_121, %dma_wait3A_127] : memref<80000x128xf32, #tpu.memory_space<hbm>> -> memref<128x128xf32, #tpu.memory_space<hbm>>
        %dma_wait3A_129 = arith.constant 0 : i32
        %dma_wait3A_130 = arith.constant 0 : i32
        %dma_wait3A_131 = tpu.memref_slice %arg9[%dma_wait3A_122, %dma_wait3A_129, %dma_wait3A_130] : memref<2x128x128xf32, #tpu.memory_space<vmem>> -> memref<1x128x128xf32, #tpu.memory_space<vmem>>
        %dma_wait3A_132 = tpu.memref_squeeze %dma_wait3A_131 : memref<1x128x128xf32, #tpu.memory_space<vmem>> -> memref<128x128xf32, #tpu.memory_space<vmem>>
        %dma_wait3A_133 = arith.constant 0 : i32
        %dma_wait3A_134 = tpu.memref_slice %arg2[%mul3A_121, %dma_wait3A_133] : memref<80000x128xf32, #tpu.memory_space<hbm>> -> memref<128x128xf32, #tpu.memory_space<hbm>>
        tpu.wait_dma2 semaphore(%arg11 : memref<!tpu.dma_semaphore, #tpu.memory_space<semaphore_mem>>) src(%dma_wait3A_134 : memref<128x128xf32, #tpu.memory_space<hbm>>) dst(%dma_wait3A_132 : memref<128x128xf32, #tpu.memory_space<vmem>>)
        %run_scoped3A_135 = arith.constant 1 : i32
        %run_scoped3A_136 = arith.constant 1 : i32
        "tpu.region"() ({
          %run_scoped3A_137 = tpu.sem_alloc : memref<!tpu.dma_semaphore, #tpu.memory_space<semaphore_mem>>
          %dma_start3A_138 = arith.constant 0 : i32
          %dma_start3A_139 = arith.constant 0 : i32
          %dma_start3A_140 = tpu.memref_slice %arg9[%run_scoped3A_135, %dma_start3A_138, %dma_start3A_139] : memref<2x128x128xf32, #tpu.memory_space<vmem>> -> memref<1x128x128xf32, #tpu.memory_space<vmem>>
          %dma_start3A_141 = tpu.memref_squeeze %dma_start3A_140 : memref<1x128x128xf32, #tpu.memory_space<vmem>> -> memref<128x128xf32, #tpu.memory_space<vmem>>
          %dma_start3A_142 = arith.constant 0 : i32
          %dma_start3A_143 = tpu.memref_slice %arg8[%run_scoped3A_136, %dma_start3A_142] : memref<2x128xi32, #tpu.memory_space<vmem>> -> memref<1x128xi32, #tpu.memory_space<vmem>>
          %dma_start3A_144 = tpu.memref_squeeze %dma_start3A_143 : memref<1x128xi32, #tpu.memory_space<vmem>> -> memref<128xi32, #tpu.memory_space<vmem>>
          %dma_start3A_145 = arith.constant 0 : i32
          %dma_start3A_146 = arith.constant 0 : i32
          %dma_start3A_147 = tpu.memref_slice %arg7[%dma_start3A_145, %dma_start3A_146] : memref<10240x128xf32, #tpu.memory_space<vmem_shared>> -> memref<10240x128xf32, #tpu.memory_space<vmem_shared>>
          tpu.enqueue_indirect_dma source(%dma_start3A_141 : memref<128x128xf32, #tpu.memory_space<vmem>>) target(%dma_start3A_147 : memref<10240x128xf32, #tpu.memory_space<vmem_shared>>) offsets(%dma_start3A_144 : memref<128xi32, #tpu.memory_space<vmem>>) semaphore(%run_scoped3A_137 : memref<!tpu.dma_semaphore, #tpu.memory_space<semaphore_mem>>) {add = true}
          %dma_wait3A_148 = arith.constant 0 : i32
          %dma_wait3A_149 = arith.constant 0 : i32
          %dma_wait3A_150 = tpu.memref_slice %arg9[%run_scoped3A_135, %dma_wait3A_148, %dma_wait3A_149] : memref<2x128x128xf32, #tpu.memory_space<vmem>> -> memref<1x128x128xf32, #tpu.memory_space<vmem>>
          %dma_wait3A_151 = tpu.memref_squeeze %dma_wait3A_150 : memref<1x128x128xf32, #tpu.memory_space<vmem>> -> memref<128x128xf32, #tpu.memory_space<vmem>>
          %dma_wait3A_152 = arith.constant 0 : i32
          %dma_wait3A_153 = tpu.memref_slice %arg8[%run_scoped3A_136, %dma_wait3A_152] : memref<2x128xi32, #tpu.memory_space<vmem>> -> memref<1x128xi32, #tpu.memory_space<vmem>>
          %dma_wait3A_154 = tpu.memref_squeeze %dma_wait3A_153 : memref<1x128xi32, #tpu.memory_space<vmem>> -> memref<128xi32, #tpu.memory_space<vmem>>
          %dma_wait3A_155 = arith.constant 0 : i32
          %dma_wait3A_156 = arith.constant 0 : i32
          %dma_wait3A_157 = tpu.memref_slice %arg7[%dma_wait3A_155, %dma_wait3A_156] : memref<10240x128xf32, #tpu.memory_space<vmem_shared>> -> memref<10240x128xf32, #tpu.memory_space<vmem_shared>>
          tpu.wait_indirect_dma semaphore(%run_scoped3A_137 : memref<!tpu.dma_semaphore, #tpu.memory_space<semaphore_mem>>) src(%dma_wait3A_151 : memref<128x128xf32, #tpu.memory_space<vmem>>) dst(%dma_wait3A_157 : memref<10240x128xf32, #tpu.memory_space<vmem_shared>>)
          tpu.yield
        }) : () -> ()
      }
      %scan3A_27 = arith.constant 19 : i32
      %add3A_28 = arith.constant 608 : i32
      %add3A_29 = arith.addi %arg1, %add3A_28 : i32
      %mul3A_30 = arith.constant 128 : i32
      %mul3A_31 = arith.muli %add3A_29, %mul3A_30 : i32
      %dma_wait3A = arith.constant 0 : i32
      %dma_wait3A_32 = arith.constant 0 : i32
      %dma_wait3A_33 = arith.constant 0 : i32
      %dma_wait3A_34 = tpu.memref_slice %arg9[%dma_wait3A, %dma_wait3A_32, %dma_wait3A_33] : memref<2x128x128xf32, #tpu.memory_space<vmem>> -> memref<1x128x128xf32, #tpu.memory_space<vmem>>
      %dma_wait3A_35 = tpu.memref_squeeze %dma_wait3A_34 : memref<1x128x128xf32, #tpu.memory_space<vmem>> -> memref<128x128xf32, #tpu.memory_space<vmem>>
      %dma_wait3A_36 = arith.constant 0 : i32
      %dma_wait3A_37 = tpu.memref_slice %arg2[%mul3A_31, %dma_wait3A_36] : memref<80000x128xf32, #tpu.memory_space<hbm>> -> memref<128x128xf32, #tpu.memory_space<hbm>>
      %dma_wait3A_38 = arith.constant 0 : i32
      %dma_wait3A_39 = arith.constant 0 : i32
      %dma_wait3A_40 = tpu.memref_slice %arg9[%dma_wait3A, %dma_wait3A_38, %dma_wait3A_39] : memref<2x128x128xf32, #tpu.memory_space<vmem>> -> memref<1x128x128xf32, #tpu.memory_space<vmem>>
      %dma_wait3A_41 = tpu.memref_squeeze %dma_wait3A_40 : memref<1x128x128xf32, #tpu.memory_space<vmem>> -> memref<128x128xf32, #tpu.memory_space<vmem>>
      %dma_wait3A_42 = arith.constant 0 : i32
      %dma_wait3A_43 = tpu.memref_slice %arg2[%mul3A_31, %dma_wait3A_42] : memref<80000x128xf32, #tpu.memory_space<hbm>> -> memref<128x128xf32, #tpu.memory_space<hbm>>
      tpu.wait_dma2 semaphore(%arg10 : memref<!tpu.dma_semaphore, #tpu.memory_space<semaphore_mem>>) src(%dma_wait3A_43 : memref<128x128xf32, #tpu.memory_space<hbm>>) dst(%dma_wait3A_41 : memref<128x128xf32, #tpu.memory_space<vmem>>)
      %run_scoped3A_44 = arith.constant 0 : i32
      %run_scoped3A_45 = arith.constant 0 : i32
      "tpu.region"() ({
        %run_scoped3A_50 = tpu.sem_alloc : memref<!tpu.dma_semaphore, #tpu.memory_space<semaphore_mem>>
        %dma_start3A_51 = arith.constant 0 : i32
        %dma_start3A_52 = arith.constant 0 : i32
        %dma_start3A_53 = tpu.memref_slice %arg9[%run_scoped3A_44, %dma_start3A_51, %dma_start3A_52] : memref<2x128x128xf32, #tpu.memory_space<vmem>> -> memref<1x128x128xf32, #tpu.memory_space<vmem>>
        %dma_start3A_54 = tpu.memref_squeeze %dma_start3A_53 : memref<1x128x128xf32, #tpu.memory_space<vmem>> -> memref<128x128xf32, #tpu.memory_space<vmem>>
        %dma_start3A_55 = arith.constant 0 : i32
        %dma_start3A_56 = tpu.memref_slice %arg8[%run_scoped3A_45, %dma_start3A_55] : memref<2x128xi32, #tpu.memory_space<vmem>> -> memref<1x128xi32, #tpu.memory_space<vmem>>
        %dma_start3A_57 = tpu.memref_squeeze %dma_start3A_56 : memref<1x128xi32, #tpu.memory_space<vmem>> -> memref<128xi32, #tpu.memory_space<vmem>>
        %dma_start3A_58 = arith.constant 0 : i32
        %dma_start3A_59 = arith.constant 0 : i32
        %dma_start3A_60 = tpu.memref_slice %arg7[%dma_start3A_58, %dma_start3A_59] : memref<10240x128xf32, #tpu.memory_space<vmem_shared>> -> memref<10240x128xf32, #tpu.memory_space<vmem_shared>>
        tpu.enqueue_indirect_dma source(%dma_start3A_54 : memref<128x128xf32, #tpu.memory_space<vmem>>) target(%dma_start3A_60 : memref<10240x128xf32, #tpu.memory_space<vmem_shared>>) offsets(%dma_start3A_57 : memref<128xi32, #tpu.memory_space<vmem>>) semaphore(%run_scoped3A_50 : memref<!tpu.dma_semaphore, #tpu.memory_space<semaphore_mem>>) {add = true}
        %dma_wait3A_61 = arith.constant 0 : i32
        %dma_wait3A_62 = arith.constant 0 : i32
        %dma_wait3A_63 = tpu.memref_slice %arg9[%run_scoped3A_44, %dma_wait3A_61, %dma_wait3A_62] : memref<2x128x128xf32, #tpu.memory_space<vmem>> -> memref<1x128x128xf32, #tpu.memory_space<vmem>>
        %dma_wait3A_64 = tpu.memref_squeeze %dma_wait3A_63 : memref<1x128x128xf32, #tpu.memory_space<vmem>> -> memref<128x128xf32, #tpu.memory_space<vmem>>
        %dma_wait3A_65 = arith.constant 0 : i32
        %dma_wait3A_66 = tpu.memref_slice %arg8[%run_scoped3A_45, %dma_wait3A_65] : memref<2x128xi32, #tpu.memory_space<vmem>> -> memref<1x128xi32, #tpu.memory_space<vmem>>
        %dma_wait3A_67 = tpu.memref_squeeze %dma_wait3A_66 : memref<1x128xi32, #tpu.memory_space<vmem>> -> memref<128xi32, #tpu.memory_space<vmem>>
        %dma_wait3A_68 = arith.constant 0 : i32
        %dma_wait3A_69 = arith.constant 0 : i32
        %dma_wait3A_70 = tpu.memref_slice %arg7[%dma_wait3A_68, %dma_wait3A_69] : memref<10240x128xf32, #tpu.memory_space<vmem_shared>> -> memref<10240x128xf32, #tpu.memory_space<vmem_shared>>
        tpu.wait_indirect_dma semaphore(%run_scoped3A_50 : memref<!tpu.dma_semaphore, #tpu.memory_space<semaphore_mem>>) src(%dma_wait3A_64 : memref<128x128xf32, #tpu.memory_space<vmem>>) dst(%dma_wait3A_70 : memref<10240x128xf32, #tpu.memory_space<vmem_shared>>)
        tpu.yield
      }) : () -> ()
      %lt3A = arith.constant 1 : i32
      %lt3A_46 = arith.cmpi slt, %arg1, %lt3A : i32
      %convert_element_type3A_47 = arith.extui %lt3A_46 : i1 to i32
      %cond3A_48 = arith.constant 0 : i32
      %cond3A_49 = arith.cmpi ne, %convert_element_type3A_47, %cond3A_48 : i32
      scf.if %cond3A_49 {
        %add3A_50 = arith.constant 624 : i32
        %add3A_51 = arith.addi %add3A_50, %arg1 : i32
        %mul3A_52 = arith.constant 128 : i32
        %mul3A_53 = arith.muli %add3A_51, %mul3A_52 : i32
        %run_scoped3A_54 = arith.constant 0 : i32
        "tpu.region"() ({
          %run_scoped3A_58 = tpu.sem_alloc : memref<!tpu.dma_semaphore, #tpu.memory_space<semaphore_mem>>
          %dma_start3A_59 = arith.constant 0 : i32
          %dma_start3A_60 = tpu.memref_slice %arg8[%run_scoped3A_54, %dma_start3A_59] : memref<2x128xi32, #tpu.memory_space<vmem>> -> memref<1x128xi32, #tpu.memory_space<vmem>>
          %dma_start3A_61 = tpu.memref_squeeze %dma_start3A_60 : memref<1x128xi32, #tpu.memory_space<vmem>> -> memref<128xi32, #tpu.memory_space<vmem>>
          %dma_start3A_62 = tpu.memref_slice %arg4[%mul3A_53] : memref<80000xi32, #tpu.memory_space<hbm>> -> memref<128xi32, #tpu.memory_space<hbm>>
          %dma_start3A_63 = arith.constant 0 : i32
          %dma_start3A_64 = tpu.memref_slice %arg8[%run_scoped3A_54, %dma_start3A_63] : memref<2x128xi32, #tpu.memory_space<vmem>> -> memref<1x128xi32, #tpu.memory_space<vmem>>
          %dma_start3A_65 = tpu.memref_squeeze %dma_start3A_64 : memref<1x128xi32, #tpu.memory_space<vmem>> -> memref<128xi32, #tpu.memory_space<vmem>>
          %dma_start3A_66 = tpu.memref_slice %arg4[%mul3A_53] : memref<80000xi32, #tpu.memory_space<hbm>> -> memref<128xi32, #tpu.memory_space<hbm>>
          tpu.enqueue_dma source(%dma_start3A_66 : memref<128xi32, #tpu.memory_space<hbm>>) target(%dma_start3A_65 : memref<128xi32, #tpu.memory_space<vmem>>) target_semaphore(%run_scoped3A_58 : memref<!tpu.dma_semaphore, #tpu.memory_space<semaphore_mem>>)
          %dma_wait3A_67 = arith.constant 0 : i32
          %dma_wait3A_68 = tpu.memref_slice %arg8[%run_scoped3A_54, %dma_wait3A_67] : memref<2x128xi32, #tpu.memory_space<vmem>> -> memref<1x128xi32, #tpu.memory_space<vmem>>
          %dma_wait3A_69 = tpu.memref_squeeze %dma_wait3A_68 : memref<1x128xi32, #tpu.memory_space<vmem>> -> memref<128xi32, #tpu.memory_space<vmem>>
          %dma_wait3A_70 = tpu.memref_slice %arg4[%mul3A_53] : memref<80000xi32, #tpu.memory_space<hbm>> -> memref<128xi32, #tpu.memory_space<hbm>>
          %dma_wait3A_71 = arith.constant 0 : i32
          %dma_wait3A_72 = tpu.memref_slice %arg8[%run_scoped3A_54, %dma_wait3A_71] : memref<2x128xi32, #tpu.memory_space<vmem>> -> memref<1x128xi32, #tpu.memory_space<vmem>>
          %dma_wait3A_73 = tpu.memref_squeeze %dma_wait3A_72 : memref<1x128xi32, #tpu.memory_space<vmem>> -> memref<128xi32, #tpu.memory_space<vmem>>
          %dma_wait3A_74 = tpu.memref_slice %arg4[%mul3A_53] : memref<80000xi32, #tpu.memory_space<hbm>> -> memref<128xi32, #tpu.memory_space<hbm>>
          tpu.wait_dma2 semaphore(%run_scoped3A_58 : memref<!tpu.dma_semaphore, #tpu.memory_space<semaphore_mem>>) src(%dma_wait3A_74 : memref<128xi32, #tpu.memory_space<hbm>>) dst(%dma_wait3A_73 : memref<128xi32, #tpu.memory_space<vmem>>)
          tpu.yield
        }) : () -> ()
        %run_scoped3A_55 = arith.constant 0 : i32
        "tpu.region"() ({
          %run_scoped3A_58 = tpu.sem_alloc : memref<!tpu.dma_semaphore, #tpu.memory_space<semaphore_mem>>
          %dma_start3A_59 = arith.constant 0 : i32
          %dma_start3A_60 = arith.constant 0 : i32
          %dma_start3A_61 = tpu.memref_slice %arg9[%run_scoped3A_55, %dma_start3A_59, %dma_start3A_60] : memref<2x128x128xf32, #tpu.memory_space<vmem>> -> memref<1x128x128xf32, #tpu.memory_space<vmem>>
          %dma_start3A_62 = tpu.memref_squeeze %dma_start3A_61 : memref<1x128x128xf32, #tpu.memory_space<vmem>> -> memref<128x128xf32, #tpu.memory_space<vmem>>
          %dma_start3A_63 = arith.constant 0 : i32
          %dma_start3A_64 = tpu.memref_slice %arg2[%mul3A_53, %dma_start3A_63] : memref<80000x128xf32, #tpu.memory_space<hbm>> -> memref<128x128xf32, #tpu.memory_space<hbm>>
          %dma_start3A_65 = arith.constant 0 : i32
          %dma_start3A_66 = arith.constant 0 : i32
          %dma_start3A_67 = tpu.memref_slice %arg9[%run_scoped3A_55, %dma_start3A_65, %dma_start3A_66] : memref<2x128x128xf32, #tpu.memory_space<vmem>> -> memref<1x128x128xf32, #tpu.memory_space<vmem>>
          %dma_start3A_68 = tpu.memref_squeeze %dma_start3A_67 : memref<1x128x128xf32, #tpu.memory_space<vmem>> -> memref<128x128xf32, #tpu.memory_space<vmem>>
          %dma_start3A_69 = arith.constant 0 : i32
          %dma_start3A_70 = tpu.memref_slice %arg2[%mul3A_53, %dma_start3A_69] : memref<80000x128xf32, #tpu.memory_space<hbm>> -> memref<128x128xf32, #tpu.memory_space<hbm>>
          tpu.enqueue_dma source(%dma_start3A_70 : memref<128x128xf32, #tpu.memory_space<hbm>>) target(%dma_start3A_68 : memref<128x128xf32, #tpu.memory_space<vmem>>) target_semaphore(%run_scoped3A_58 : memref<!tpu.dma_semaphore, #tpu.memory_space<semaphore_mem>>)
          %dma_wait3A_71 = arith.constant 0 : i32
          %dma_wait3A_72 = arith.constant 0 : i32
          %dma_wait3A_73 = tpu.memref_slice %arg9[%run_scoped3A_55, %dma_wait3A_71, %dma_wait3A_72] : memref<2x128x128xf32, #tpu.memory_space<vmem>> -> memref<1x128x128xf32, #tpu.memory_space<vmem>>
          %dma_wait3A_74 = tpu.memref_squeeze %dma_wait3A_73 : memref<1x128x128xf32, #tpu.memory_space<vmem>> -> memref<128x128xf32, #tpu.memory_space<vmem>>
          %dma_wait3A_75 = arith.constant 0 : i32
          %dma_wait3A_76 = tpu.memref_slice %arg2[%mul3A_53, %dma_wait3A_75] : memref<80000x128xf32, #tpu.memory_space<hbm>> -> memref<128x128xf32, #tpu.memory_space<hbm>>
          %dma_wait3A_77 = arith.constant 0 : i32
          %dma_wait3A_78 = arith.constant 0 : i32
          %dma_wait3A_79 = tpu.memref_slice %arg9[%run_scoped3A_55, %dma_wait3A_77, %dma_wait3A_78] : memref<2x128x128xf32, #tpu.memory_space<vmem>> -> memref<1x128x128xf32, #tpu.memory_space<vmem>>
          %dma_wait3A_80 = tpu.memref_squeeze %dma_wait3A_79 : memref<1x128x128xf32, #tpu.memory_space<vmem>> -> memref<128x128xf32, #tpu.memory_space<vmem>>
          %dma_wait3A_81 = arith.constant 0 : i32
          %dma_wait3A_82 = tpu.memref_slice %arg2[%mul3A_53, %dma_wait3A_81] : memref<80000x128xf32, #tpu.memory_space<hbm>> -> memref<128x128xf32, #tpu.memory_space<hbm>>
          tpu.wait_dma2 semaphore(%run_scoped3A_58 : memref<!tpu.dma_semaphore, #tpu.memory_space<semaphore_mem>>) src(%dma_wait3A_82 : memref<128x128xf32, #tpu.memory_space<hbm>>) dst(%dma_wait3A_80 : memref<128x128xf32, #tpu.memory_space<vmem>>)
          tpu.yield
        }) : () -> ()
        %run_scoped3A_56 = arith.constant 0 : i32
        %run_scoped3A_57 = arith.constant 0 : i32
        "tpu.region"() ({
          %run_scoped3A_58 = tpu.sem_alloc : memref<!tpu.dma_semaphore, #tpu.memory_space<semaphore_mem>>
          %dma_start3A_59 = arith.constant 0 : i32
          %dma_start3A_60 = arith.constant 0 : i32
          %dma_start3A_61 = tpu.memref_slice %arg9[%run_scoped3A_56, %dma_start3A_59, %dma_start3A_60] : memref<2x128x128xf32, #tpu.memory_space<vmem>> -> memref<1x128x128xf32, #tpu.memory_space<vmem>>
          %dma_start3A_62 = tpu.memref_squeeze %dma_start3A_61 : memref<1x128x128xf32, #tpu.memory_space<vmem>> -> memref<128x128xf32, #tpu.memory_space<vmem>>
          %dma_start3A_63 = arith.constant 0 : i32
          %dma_start3A_64 = tpu.memref_slice %arg8[%run_scoped3A_57, %dma_start3A_63] : memref<2x128xi32, #tpu.memory_space<vmem>> -> memref<1x128xi32, #tpu.memory_space<vmem>>
          %dma_start3A_65 = tpu.memref_squeeze %dma_start3A_64 : memref<1x128xi32, #tpu.memory_space<vmem>> -> memref<128xi32, #tpu.memory_space<vmem>>
          %dma_start3A_66 = arith.constant 0 : i32
          %dma_start3A_67 = arith.constant 0 : i32
          %dma_start3A_68 = tpu.memref_slice %arg7[%dma_start3A_66, %dma_start3A_67] : memref<10240x128xf32, #tpu.memory_space<vmem_shared>> -> memref<10240x128xf32, #tpu.memory_space<vmem_shared>>
          tpu.enqueue_indirect_dma source(%dma_start3A_62 : memref<128x128xf32, #tpu.memory_space<vmem>>) target(%dma_start3A_68 : memref<10240x128xf32, #tpu.memory_space<vmem_shared>>) offsets(%dma_start3A_65 : memref<128xi32, #tpu.memory_space<vmem>>) semaphore(%run_scoped3A_58 : memref<!tpu.dma_semaphore, #tpu.memory_space<semaphore_mem>>) {add = true}
          %dma_wait3A_69 = arith.constant 0 : i32
          %dma_wait3A_70 = arith.constant 0 : i32
          %dma_wait3A_71 = tpu.memref_slice %arg9[%run_scoped3A_56, %dma_wait3A_69, %dma_wait3A_70] : memref<2x128x128xf32, #tpu.memory_space<vmem>> -> memref<1x128x128xf32, #tpu.memory_space<vmem>>
          %dma_wait3A_72 = tpu.memref_squeeze %dma_wait3A_71 : memref<1x128x128xf32, #tpu.memory_space<vmem>> -> memref<128x128xf32, #tpu.memory_space<vmem>>
          %dma_wait3A_73 = arith.constant 0 : i32
          %dma_wait3A_74 = tpu.memref_slice %arg8[%run_scoped3A_57, %dma_wait3A_73] : memref<2x128xi32, #tpu.memory_space<vmem>> -> memref<1x128xi32, #tpu.memory_space<vmem>>
          %dma_wait3A_75 = tpu.memref_squeeze %dma_wait3A_74 : memref<1x128xi32, #tpu.memory_space<vmem>> -> memref<128xi32, #tpu.memory_space<vmem>>
          %dma_wait3A_76 = arith.constant 0 : i32
          %dma_wait3A_77 = arith.constant 0 : i32
          %dma_wait3A_78 = tpu.memref_slice %arg7[%dma_wait3A_76, %dma_wait3A_77] : memref<10240x128xf32, #tpu.memory_space<vmem_shared>> -> memref<10240x128xf32, #tpu.memory_space<vmem_shared>>
          tpu.wait_indirect_dma semaphore(%run_scoped3A_58 : memref<!tpu.dma_semaphore, #tpu.memory_space<semaphore_mem>>) src(%dma_wait3A_72 : memref<128x128xf32, #tpu.memory_space<vmem>>) dst(%dma_wait3A_78 : memref<10240x128xf32, #tpu.memory_space<vmem_shared>>)
          tpu.yield
        }) : () -> ()
      } else {
      }
    } else {
    }
    %eq3A_3 = arith.constant 1 : i32
    %eq3A_4 = arith.cmpi eq, %arg0, %eq3A_3 : i32
    %convert_element_type3A_5 = arith.extui %eq3A_4 : i1 to i32
    %cond3A_6 = arith.constant 0 : i32
    %cond3A_7 = arith.cmpi ne, %convert_element_type3A_5, %cond3A_6 : i32
    scf.if %cond3A_7 {
      %add3A = arith.constant 0 : i32
      %add3A_9 = arith.addi %arg1, %add3A : i32
      %mul3A_10 = arith.constant 128 : i32
      %mul3A_11 = arith.muli %add3A_9, %mul3A_10 : i32
      %run_scoped3A = arith.constant 0 : i32
      "tpu.region"() ({
        %run_scoped3A_50 = tpu.sem_alloc : memref<!tpu.dma_semaphore, #tpu.memory_space<semaphore_mem>>
        %dma_start3A_51 = arith.constant 0 : i32
        %dma_start3A_52 = tpu.memref_slice %arg8[%run_scoped3A, %dma_start3A_51] : memref<2x128xi32, #tpu.memory_space<vmem>> -> memref<1x128xi32, #tpu.memory_space<vmem>>
        %dma_start3A_53 = tpu.memref_squeeze %dma_start3A_52 : memref<1x128xi32, #tpu.memory_space<vmem>> -> memref<128xi32, #tpu.memory_space<vmem>>
        %dma_start3A_54 = tpu.memref_slice %arg4[%mul3A_11] : memref<80000xi32, #tpu.memory_space<hbm>> -> memref<128xi32, #tpu.memory_space<hbm>>
        %dma_start3A_55 = arith.constant 0 : i32
        %dma_start3A_56 = tpu.memref_slice %arg8[%run_scoped3A, %dma_start3A_55] : memref<2x128xi32, #tpu.memory_space<vmem>> -> memref<1x128xi32, #tpu.memory_space<vmem>>
        %dma_start3A_57 = tpu.memref_squeeze %dma_start3A_56 : memref<1x128xi32, #tpu.memory_space<vmem>> -> memref<128xi32, #tpu.memory_space<vmem>>
        %dma_start3A_58 = tpu.memref_slice %arg4[%mul3A_11] : memref<80000xi32, #tpu.memory_space<hbm>> -> memref<128xi32, #tpu.memory_space<hbm>>
        tpu.enqueue_dma source(%dma_start3A_58 : memref<128xi32, #tpu.memory_space<hbm>>) target(%dma_start3A_57 : memref<128xi32, #tpu.memory_space<vmem>>) target_semaphore(%run_scoped3A_50 : memref<!tpu.dma_semaphore, #tpu.memory_space<semaphore_mem>>)
        %dma_wait3A_59 = arith.constant 0 : i32
        %dma_wait3A_60 = tpu.memref_slice %arg8[%run_scoped3A, %dma_wait3A_59] : memref<2x128xi32, #tpu.memory_space<vmem>> -> memref<1x128xi32, #tpu.memory_space<vmem>>
        %dma_wait3A_61 = tpu.memref_squeeze %dma_wait3A_60 : memref<1x128xi32, #tpu.memory_space<vmem>> -> memref<128xi32, #tpu.memory_space<vmem>>
        %dma_wait3A_62 = tpu.memref_slice %arg4[%mul3A_11] : memref<80000xi32, #tpu.memory_space<hbm>> -> memref<128xi32, #tpu.memory_space<hbm>>
        %dma_wait3A_63 = arith.constant 0 : i32
        %dma_wait3A_64 = tpu.memref_slice %arg8[%run_scoped3A, %dma_wait3A_63] : memref<2x128xi32, #tpu.memory_space<vmem>> -> memref<1x128xi32, #tpu.memory_space<vmem>>
        %dma_wait3A_65 = tpu.memref_squeeze %dma_wait3A_64 : memref<1x128xi32, #tpu.memory_space<vmem>> -> memref<128xi32, #tpu.memory_space<vmem>>
        %dma_wait3A_66 = tpu.memref_slice %arg4[%mul3A_11] : memref<80000xi32, #tpu.memory_space<hbm>> -> memref<128xi32, #tpu.memory_space<hbm>>
        tpu.wait_dma2 semaphore(%run_scoped3A_50 : memref<!tpu.dma_semaphore, #tpu.memory_space<semaphore_mem>>) src(%dma_wait3A_66 : memref<128xi32, #tpu.memory_space<hbm>>) dst(%dma_wait3A_65 : memref<128xi32, #tpu.memory_space<vmem>>)
        tpu.yield
      }) : () -> ()
      %dma_start3A = arith.constant 0 : i32
      %dma_start3A_12 = arith.constant 0 : i32
      %dma_start3A_13 = arith.constant 0 : i32
      %dma_start3A_14 = tpu.memref_slice %arg9[%dma_start3A, %dma_start3A_12, %dma_start3A_13] : memref<2x128x128xf32, #tpu.memory_space<vmem>> -> memref<1x128x128xf32, #tpu.memory_space<vmem>>
      %dma_start3A_15 = tpu.memref_squeeze %dma_start3A_14 : memref<1x128x128xf32, #tpu.memory_space<vmem>> -> memref<128x128xf32, #tpu.memory_space<vmem>>
      %dma_start3A_16 = arith.constant 0 : i32
      %dma_start3A_17 = tpu.memref_slice %arg3[%mul3A_11, %dma_start3A_16] : memref<80000x128xf32, #tpu.memory_space<hbm>> -> memref<128x128xf32, #tpu.memory_space<hbm>>
      %dma_start3A_18 = arith.constant 0 : i32
      %dma_start3A_19 = arith.constant 0 : i32
      %dma_start3A_20 = tpu.memref_slice %arg9[%dma_start3A, %dma_start3A_18, %dma_start3A_19] : memref<2x128x128xf32, #tpu.memory_space<vmem>> -> memref<1x128x128xf32, #tpu.memory_space<vmem>>
      %dma_start3A_21 = tpu.memref_squeeze %dma_start3A_20 : memref<1x128x128xf32, #tpu.memory_space<vmem>> -> memref<128x128xf32, #tpu.memory_space<vmem>>
      %dma_start3A_22 = arith.constant 0 : i32
      %dma_start3A_23 = tpu.memref_slice %arg3[%mul3A_11, %dma_start3A_22] : memref<80000x128xf32, #tpu.memory_space<hbm>> -> memref<128x128xf32, #tpu.memory_space<hbm>>
      tpu.enqueue_dma source(%dma_start3A_23 : memref<128x128xf32, #tpu.memory_space<hbm>>) target(%dma_start3A_21 : memref<128x128xf32, #tpu.memory_space<vmem>>) target_semaphore(%arg10 : memref<!tpu.dma_semaphore, #tpu.memory_space<semaphore_mem>>)
      %scan3A = arith.constant 0 : i32
      %scan3A_24 = arith.constant 19 : i32
      %scan3A_25 = arith.addi %scan3A, %scan3A_24 : i32
      %scan3A_26 = arith.constant 1 : i32
      scf.for %scan3A_50 = %scan3A to %scan3A_25 step %scan3A_26  : i32 {
        %mul3A_51 = arith.constant 2 : i32
        %mul3A_52 = arith.muli %mul3A_51, %scan3A_50 : i32
        %add3A_53 = arith.constant 1 : i32
        %add3A_54 = arith.addi %mul3A_52, %add3A_53 : i32
        %mul3A_55 = arith.constant 16 : i32
        %mul3A_56 = arith.muli %add3A_54, %mul3A_55 : i32
        %add3A_57 = arith.addi %arg1, %mul3A_56 : i32
        %mul3A_58 = arith.constant 128 : i32
        %mul3A_59 = arith.muli %add3A_57, %mul3A_58 : i32
        %run_scoped3A_60 = arith.constant 1 : i32
        "tpu.region"() ({
          %run_scoped3A_137 = tpu.sem_alloc : memref<!tpu.dma_semaphore, #tpu.memory_space<semaphore_mem>>
          %dma_start3A_138 = arith.constant 0 : i32
          %dma_start3A_139 = tpu.memref_slice %arg8[%run_scoped3A_60, %dma_start3A_138] : memref<2x128xi32, #tpu.memory_space<vmem>> -> memref<1x128xi32, #tpu.memory_space<vmem>>
          %dma_start3A_140 = tpu.memref_squeeze %dma_start3A_139 : memref<1x128xi32, #tpu.memory_space<vmem>> -> memref<128xi32, #tpu.memory_space<vmem>>
          %dma_start3A_141 = tpu.memref_slice %arg4[%mul3A_59] : memref<80000xi32, #tpu.memory_space<hbm>> -> memref<128xi32, #tpu.memory_space<hbm>>
          %dma_start3A_142 = arith.constant 0 : i32
          %dma_start3A_143 = tpu.memref_slice %arg8[%run_scoped3A_60, %dma_start3A_142] : memref<2x128xi32, #tpu.memory_space<vmem>> -> memref<1x128xi32, #tpu.memory_space<vmem>>
          %dma_start3A_144 = tpu.memref_squeeze %dma_start3A_143 : memref<1x128xi32, #tpu.memory_space<vmem>> -> memref<128xi32, #tpu.memory_space<vmem>>
          %dma_start3A_145 = tpu.memref_slice %arg4[%mul3A_59] : memref<80000xi32, #tpu.memory_space<hbm>> -> memref<128xi32, #tpu.memory_space<hbm>>
          tpu.enqueue_dma source(%dma_start3A_145 : memref<128xi32, #tpu.memory_space<hbm>>) target(%dma_start3A_144 : memref<128xi32, #tpu.memory_space<vmem>>) target_semaphore(%run_scoped3A_137 : memref<!tpu.dma_semaphore, #tpu.memory_space<semaphore_mem>>)
          %dma_wait3A_146 = arith.constant 0 : i32
          %dma_wait3A_147 = tpu.memref_slice %arg8[%run_scoped3A_60, %dma_wait3A_146] : memref<2x128xi32, #tpu.memory_space<vmem>> -> memref<1x128xi32, #tpu.memory_space<vmem>>
          %dma_wait3A_148 = tpu.memref_squeeze %dma_wait3A_147 : memref<1x128xi32, #tpu.memory_space<vmem>> -> memref<128xi32, #tpu.memory_space<vmem>>
          %dma_wait3A_149 = tpu.memref_slice %arg4[%mul3A_59] : memref<80000xi32, #tpu.memory_space<hbm>> -> memref<128xi32, #tpu.memory_space<hbm>>
          %dma_wait3A_150 = arith.constant 0 : i32
          %dma_wait3A_151 = tpu.memref_slice %arg8[%run_scoped3A_60, %dma_wait3A_150] : memref<2x128xi32, #tpu.memory_space<vmem>> -> memref<1x128xi32, #tpu.memory_space<vmem>>
          %dma_wait3A_152 = tpu.memref_squeeze %dma_wait3A_151 : memref<1x128xi32, #tpu.memory_space<vmem>> -> memref<128xi32, #tpu.memory_space<vmem>>
          %dma_wait3A_153 = tpu.memref_slice %arg4[%mul3A_59] : memref<80000xi32, #tpu.memory_space<hbm>> -> memref<128xi32, #tpu.memory_space<hbm>>
          tpu.wait_dma2 semaphore(%run_scoped3A_137 : memref<!tpu.dma_semaphore, #tpu.memory_space<semaphore_mem>>) src(%dma_wait3A_153 : memref<128xi32, #tpu.memory_space<hbm>>) dst(%dma_wait3A_152 : memref<128xi32, #tpu.memory_space<vmem>>)
          tpu.yield
        }) : () -> ()
        %dma_start3A_61 = arith.constant 1 : i32
        %dma_start3A_62 = arith.constant 0 : i32
        %dma_start3A_63 = arith.constant 0 : i32
        %dma_start3A_64 = tpu.memref_slice %arg9[%dma_start3A_61, %dma_start3A_62, %dma_start3A_63] : memref<2x128x128xf32, #tpu.memory_space<vmem>> -> memref<1x128x128xf32, #tpu.memory_space<vmem>>
        %dma_start3A_65 = tpu.memref_squeeze %dma_start3A_64 : memref<1x128x128xf32, #tpu.memory_space<vmem>> -> memref<128x128xf32, #tpu.memory_space<vmem>>
        %dma_start3A_66 = arith.constant 0 : i32
        %dma_start3A_67 = tpu.memref_slice %arg3[%mul3A_59, %dma_start3A_66] : memref<80000x128xf32, #tpu.memory_space<hbm>> -> memref<128x128xf32, #tpu.memory_space<hbm>>
        %dma_start3A_68 = arith.constant 0 : i32
        %dma_start3A_69 = arith.constant 0 : i32
        %dma_start3A_70 = tpu.memref_slice %arg9[%dma_start3A_61, %dma_start3A_68, %dma_start3A_69] : memref<2x128x128xf32, #tpu.memory_space<vmem>> -> memref<1x128x128xf32, #tpu.memory_space<vmem>>
        %dma_start3A_71 = tpu.memref_squeeze %dma_start3A_70 : memref<1x128x128xf32, #tpu.memory_space<vmem>> -> memref<128x128xf32, #tpu.memory_space<vmem>>
        %dma_start3A_72 = arith.constant 0 : i32
        %dma_start3A_73 = tpu.memref_slice %arg3[%mul3A_59, %dma_start3A_72] : memref<80000x128xf32, #tpu.memory_space<hbm>> -> memref<128x128xf32, #tpu.memory_space<hbm>>
        tpu.enqueue_dma source(%dma_start3A_73 : memref<128x128xf32, #tpu.memory_space<hbm>>) target(%dma_start3A_71 : memref<128x128xf32, #tpu.memory_space<vmem>>) target_semaphore(%arg11 : memref<!tpu.dma_semaphore, #tpu.memory_space<semaphore_mem>>)
        %mul3A_74 = arith.constant 16 : i32
        %mul3A_75 = arith.muli %mul3A_52, %mul3A_74 : i32
        %add3A_76 = arith.addi %arg1, %mul3A_75 : i32
        %mul3A_77 = arith.constant 128 : i32
        %mul3A_78 = arith.muli %add3A_76, %mul3A_77 : i32
        %dma_wait3A_79 = arith.constant 0 : i32
        %dma_wait3A_80 = arith.constant 0 : i32
        %dma_wait3A_81 = arith.constant 0 : i32
        %dma_wait3A_82 = tpu.memref_slice %arg9[%dma_wait3A_79, %dma_wait3A_80, %dma_wait3A_81] : memref<2x128x128xf32, #tpu.memory_space<vmem>> -> memref<1x128x128xf32, #tpu.memory_space<vmem>>
        %dma_wait3A_83 = tpu.memref_squeeze %dma_wait3A_82 : memref<1x128x128xf32, #tpu.memory_space<vmem>> -> memref<128x128xf32, #tpu.memory_space<vmem>>
        %dma_wait3A_84 = arith.constant 0 : i32
        %dma_wait3A_85 = tpu.memref_slice %arg3[%mul3A_78, %dma_wait3A_84] : memref<80000x128xf32, #tpu.memory_space<hbm>> -> memref<128x128xf32, #tpu.memory_space<hbm>>
        %dma_wait3A_86 = arith.constant 0 : i32
        %dma_wait3A_87 = arith.constant 0 : i32
        %dma_wait3A_88 = tpu.memref_slice %arg9[%dma_wait3A_79, %dma_wait3A_86, %dma_wait3A_87] : memref<2x128x128xf32, #tpu.memory_space<vmem>> -> memref<1x128x128xf32, #tpu.memory_space<vmem>>
        %dma_wait3A_89 = tpu.memref_squeeze %dma_wait3A_88 : memref<1x128x128xf32, #tpu.memory_space<vmem>> -> memref<128x128xf32, #tpu.memory_space<vmem>>
        %dma_wait3A_90 = arith.constant 0 : i32
        %dma_wait3A_91 = tpu.memref_slice %arg3[%mul3A_78, %dma_wait3A_90] : memref<80000x128xf32, #tpu.memory_space<hbm>> -> memref<128x128xf32, #tpu.memory_space<hbm>>
        tpu.wait_dma2 semaphore(%arg10 : memref<!tpu.dma_semaphore, #tpu.memory_space<semaphore_mem>>) src(%dma_wait3A_91 : memref<128x128xf32, #tpu.memory_space<hbm>>) dst(%dma_wait3A_89 : memref<128x128xf32, #tpu.memory_space<vmem>>)
        %run_scoped3A_92 = arith.constant 0 : i32
        %run_scoped3A_93 = arith.constant 0 : i32
        "tpu.region"() ({
          %run_scoped3A_137 = tpu.sem_alloc : memref<!tpu.dma_semaphore, #tpu.memory_space<semaphore_mem>>
          %dma_start3A_138 = arith.constant 0 : i32
          %dma_start3A_139 = arith.constant 0 : i32
          %dma_start3A_140 = tpu.memref_slice %arg9[%run_scoped3A_92, %dma_start3A_138, %dma_start3A_139] : memref<2x128x128xf32, #tpu.memory_space<vmem>> -> memref<1x128x128xf32, #tpu.memory_space<vmem>>
          %dma_start3A_141 = tpu.memref_squeeze %dma_start3A_140 : memref<1x128x128xf32, #tpu.memory_space<vmem>> -> memref<128x128xf32, #tpu.memory_space<vmem>>
          %dma_start3A_142 = arith.constant 0 : i32
          %dma_start3A_143 = tpu.memref_slice %arg8[%run_scoped3A_93, %dma_start3A_142] : memref<2x128xi32, #tpu.memory_space<vmem>> -> memref<1x128xi32, #tpu.memory_space<vmem>>
          %dma_start3A_144 = tpu.memref_squeeze %dma_start3A_143 : memref<1x128xi32, #tpu.memory_space<vmem>> -> memref<128xi32, #tpu.memory_space<vmem>>
          %dma_start3A_145 = arith.constant 0 : i32
          %dma_start3A_146 = arith.constant 0 : i32
          %dma_start3A_147 = tpu.memref_slice %arg7[%dma_start3A_145, %dma_start3A_146] : memref<10240x128xf32, #tpu.memory_space<vmem_shared>> -> memref<10240x128xf32, #tpu.memory_space<vmem_shared>>
          tpu.enqueue_indirect_dma source(%dma_start3A_141 : memref<128x128xf32, #tpu.memory_space<vmem>>) target(%dma_start3A_147 : memref<10240x128xf32, #tpu.memory_space<vmem_shared>>) offsets(%dma_start3A_144 : memref<128xi32, #tpu.memory_space<vmem>>) semaphore(%run_scoped3A_137 : memref<!tpu.dma_semaphore, #tpu.memory_space<semaphore_mem>>) {add = true}
          %dma_wait3A_148 = arith.constant 0 : i32
          %dma_wait3A_149 = arith.constant 0 : i32
          %dma_wait3A_150 = tpu.memref_slice %arg9[%run_scoped3A_92, %dma_wait3A_148, %dma_wait3A_149] : memref<2x128x128xf32, #tpu.memory_space<vmem>> -> memref<1x128x128xf32, #tpu.memory_space<vmem>>
          %dma_wait3A_151 = tpu.memref_squeeze %dma_wait3A_150 : memref<1x128x128xf32, #tpu.memory_space<vmem>> -> memref<128x128xf32, #tpu.memory_space<vmem>>
          %dma_wait3A_152 = arith.constant 0 : i32
          %dma_wait3A_153 = tpu.memref_slice %arg8[%run_scoped3A_93, %dma_wait3A_152] : memref<2x128xi32, #tpu.memory_space<vmem>> -> memref<1x128xi32, #tpu.memory_space<vmem>>
          %dma_wait3A_154 = tpu.memref_squeeze %dma_wait3A_153 : memref<1x128xi32, #tpu.memory_space<vmem>> -> memref<128xi32, #tpu.memory_space<vmem>>
          %dma_wait3A_155 = arith.constant 0 : i32
          %dma_wait3A_156 = arith.constant 0 : i32
          %dma_wait3A_157 = tpu.memref_slice %arg7[%dma_wait3A_155, %dma_wait3A_156] : memref<10240x128xf32, #tpu.memory_space<vmem_shared>> -> memref<10240x128xf32, #tpu.memory_space<vmem_shared>>
          tpu.wait_indirect_dma semaphore(%run_scoped3A_137 : memref<!tpu.dma_semaphore, #tpu.memory_space<semaphore_mem>>) src(%dma_wait3A_151 : memref<128x128xf32, #tpu.memory_space<vmem>>) dst(%dma_wait3A_157 : memref<10240x128xf32, #tpu.memory_space<vmem_shared>>)
          tpu.yield
        }) : () -> ()
        %add3A_94 = arith.constant 2 : i32
        %add3A_95 = arith.addi %mul3A_52, %add3A_94 : i32
        %mul3A_96 = arith.constant 16 : i32
        %mul3A_97 = arith.muli %add3A_95, %mul3A_96 : i32
        %add3A_98 = arith.addi %arg1, %mul3A_97 : i32
        %mul3A_99 = arith.constant 128 : i32
        %mul3A_100 = arith.muli %add3A_98, %mul3A_99 : i32
        %run_scoped3A_101 = arith.constant 0 : i32
        "tpu.region"() ({
          %run_scoped3A_137 = tpu.sem_alloc : memref<!tpu.dma_semaphore, #tpu.memory_space<semaphore_mem>>
          %dma_start3A_138 = arith.constant 0 : i32
          %dma_start3A_139 = tpu.memref_slice %arg8[%run_scoped3A_101, %dma_start3A_138] : memref<2x128xi32, #tpu.memory_space<vmem>> -> memref<1x128xi32, #tpu.memory_space<vmem>>
          %dma_start3A_140 = tpu.memref_squeeze %dma_start3A_139 : memref<1x128xi32, #tpu.memory_space<vmem>> -> memref<128xi32, #tpu.memory_space<vmem>>
          %dma_start3A_141 = tpu.memref_slice %arg4[%mul3A_100] : memref<80000xi32, #tpu.memory_space<hbm>> -> memref<128xi32, #tpu.memory_space<hbm>>
          %dma_start3A_142 = arith.constant 0 : i32
          %dma_start3A_143 = tpu.memref_slice %arg8[%run_scoped3A_101, %dma_start3A_142] : memref<2x128xi32, #tpu.memory_space<vmem>> -> memref<1x128xi32, #tpu.memory_space<vmem>>
          %dma_start3A_144 = tpu.memref_squeeze %dma_start3A_143 : memref<1x128xi32, #tpu.memory_space<vmem>> -> memref<128xi32, #tpu.memory_space<vmem>>
          %dma_start3A_145 = tpu.memref_slice %arg4[%mul3A_100] : memref<80000xi32, #tpu.memory_space<hbm>> -> memref<128xi32, #tpu.memory_space<hbm>>
          tpu.enqueue_dma source(%dma_start3A_145 : memref<128xi32, #tpu.memory_space<hbm>>) target(%dma_start3A_144 : memref<128xi32, #tpu.memory_space<vmem>>) target_semaphore(%run_scoped3A_137 : memref<!tpu.dma_semaphore, #tpu.memory_space<semaphore_mem>>)
          %dma_wait3A_146 = arith.constant 0 : i32
          %dma_wait3A_147 = tpu.memref_slice %arg8[%run_scoped3A_101, %dma_wait3A_146] : memref<2x128xi32, #tpu.memory_space<vmem>> -> memref<1x128xi32, #tpu.memory_space<vmem>>
          %dma_wait3A_148 = tpu.memref_squeeze %dma_wait3A_147 : memref<1x128xi32, #tpu.memory_space<vmem>> -> memref<128xi32, #tpu.memory_space<vmem>>
          %dma_wait3A_149 = tpu.memref_slice %arg4[%mul3A_100] : memref<80000xi32, #tpu.memory_space<hbm>> -> memref<128xi32, #tpu.memory_space<hbm>>
          %dma_wait3A_150 = arith.constant 0 : i32
          %dma_wait3A_151 = tpu.memref_slice %arg8[%run_scoped3A_101, %dma_wait3A_150] : memref<2x128xi32, #tpu.memory_space<vmem>> -> memref<1x128xi32, #tpu.memory_space<vmem>>
          %dma_wait3A_152 = tpu.memref_squeeze %dma_wait3A_151 : memref<1x128xi32, #tpu.memory_space<vmem>> -> memref<128xi32, #tpu.memory_space<vmem>>
          %dma_wait3A_153 = tpu.memref_slice %arg4[%mul3A_100] : memref<80000xi32, #tpu.memory_space<hbm>> -> memref<128xi32, #tpu.memory_space<hbm>>
          tpu.wait_dma2 semaphore(%run_scoped3A_137 : memref<!tpu.dma_semaphore, #tpu.memory_space<semaphore_mem>>) src(%dma_wait3A_153 : memref<128xi32, #tpu.memory_space<hbm>>) dst(%dma_wait3A_152 : memref<128xi32, #tpu.memory_space<vmem>>)
          tpu.yield
        }) : () -> ()
        %dma_start3A_102 = arith.constant 0 : i32
        %dma_start3A_103 = arith.constant 0 : i32
        %dma_start3A_104 = arith.constant 0 : i32
        %dma_start3A_105 = tpu.memref_slice %arg9[%dma_start3A_102, %dma_start3A_103, %dma_start3A_104] : memref<2x128x128xf32, #tpu.memory_space<vmem>> -> memref<1x128x128xf32, #tpu.memory_space<vmem>>
        %dma_start3A_106 = tpu.memref_squeeze %dma_start3A_105 : memref<1x128x128xf32, #tpu.memory_space<vmem>> -> memref<128x128xf32, #tpu.memory_space<vmem>>
        %dma_start3A_107 = arith.constant 0 : i32
        %dma_start3A_108 = tpu.memref_slice %arg3[%mul3A_100, %dma_start3A_107] : memref<80000x128xf32, #tpu.memory_space<hbm>> -> memref<128x128xf32, #tpu.memory_space<hbm>>
        %dma_start3A_109 = arith.constant 0 : i32
        %dma_start3A_110 = arith.constant 0 : i32
        %dma_start3A_111 = tpu.memref_slice %arg9[%dma_start3A_102, %dma_start3A_109, %dma_start3A_110] : memref<2x128x128xf32, #tpu.memory_space<vmem>> -> memref<1x128x128xf32, #tpu.memory_space<vmem>>
        %dma_start3A_112 = tpu.memref_squeeze %dma_start3A_111 : memref<1x128x128xf32, #tpu.memory_space<vmem>> -> memref<128x128xf32, #tpu.memory_space<vmem>>
        %dma_start3A_113 = arith.constant 0 : i32
        %dma_start3A_114 = tpu.memref_slice %arg3[%mul3A_100, %dma_start3A_113] : memref<80000x128xf32, #tpu.memory_space<hbm>> -> memref<128x128xf32, #tpu.memory_space<hbm>>
        tpu.enqueue_dma source(%dma_start3A_114 : memref<128x128xf32, #tpu.memory_space<hbm>>) target(%dma_start3A_112 : memref<128x128xf32, #tpu.memory_space<vmem>>) target_semaphore(%arg10 : memref<!tpu.dma_semaphore, #tpu.memory_space<semaphore_mem>>)
        %add3A_115 = arith.constant 1 : i32
        %add3A_116 = arith.addi %mul3A_52, %add3A_115 : i32
        %mul3A_117 = arith.constant 16 : i32
        %mul3A_118 = arith.muli %add3A_116, %mul3A_117 : i32
        %add3A_119 = arith.addi %arg1, %mul3A_118 : i32
        %mul3A_120 = arith.constant 128 : i32
        %mul3A_121 = arith.muli %add3A_119, %mul3A_120 : i32
        %dma_wait3A_122 = arith.constant 1 : i32
        %dma_wait3A_123 = arith.constant 0 : i32
        %dma_wait3A_124 = arith.constant 0 : i32
        %dma_wait3A_125 = tpu.memref_slice %arg9[%dma_wait3A_122, %dma_wait3A_123, %dma_wait3A_124] : memref<2x128x128xf32, #tpu.memory_space<vmem>> -> memref<1x128x128xf32, #tpu.memory_space<vmem>>
        %dma_wait3A_126 = tpu.memref_squeeze %dma_wait3A_125 : memref<1x128x128xf32, #tpu.memory_space<vmem>> -> memref<128x128xf32, #tpu.memory_space<vmem>>
        %dma_wait3A_127 = arith.constant 0 : i32
        %dma_wait3A_128 = tpu.memref_slice %arg3[%mul3A_121, %dma_wait3A_127] : memref<80000x128xf32, #tpu.memory_space<hbm>> -> memref<128x128xf32, #tpu.memory_space<hbm>>
        %dma_wait3A_129 = arith.constant 0 : i32
        %dma_wait3A_130 = arith.constant 0 : i32
        %dma_wait3A_131 = tpu.memref_slice %arg9[%dma_wait3A_122, %dma_wait3A_129, %dma_wait3A_130] : memref<2x128x128xf32, #tpu.memory_space<vmem>> -> memref<1x128x128xf32, #tpu.memory_space<vmem>>
        %dma_wait3A_132 = tpu.memref_squeeze %dma_wait3A_131 : memref<1x128x128xf32, #tpu.memory_space<vmem>> -> memref<128x128xf32, #tpu.memory_space<vmem>>
        %dma_wait3A_133 = arith.constant 0 : i32
        %dma_wait3A_134 = tpu.memref_slice %arg3[%mul3A_121, %dma_wait3A_133] : memref<80000x128xf32, #tpu.memory_space<hbm>> -> memref<128x128xf32, #tpu.memory_space<hbm>>
        tpu.wait_dma2 semaphore(%arg11 : memref<!tpu.dma_semaphore, #tpu.memory_space<semaphore_mem>>) src(%dma_wait3A_134 : memref<128x128xf32, #tpu.memory_space<hbm>>) dst(%dma_wait3A_132 : memref<128x128xf32, #tpu.memory_space<vmem>>)
        %run_scoped3A_135 = arith.constant 1 : i32
        %run_scoped3A_136 = arith.constant 1 : i32
        "tpu.region"() ({
          %run_scoped3A_137 = tpu.sem_alloc : memref<!tpu.dma_semaphore, #tpu.memory_space<semaphore_mem>>
          %dma_start3A_138 = arith.constant 0 : i32
          %dma_start3A_139 = arith.constant 0 : i32
          %dma_start3A_140 = tpu.memref_slice %arg9[%run_scoped3A_135, %dma_start3A_138, %dma_start3A_139] : memref<2x128x128xf32, #tpu.memory_space<vmem>> -> memref<1x128x128xf32, #tpu.memory_space<vmem>>
          %dma_start3A_141 = tpu.memref_squeeze %dma_start3A_140 : memref<1x128x128xf32, #tpu.memory_space<vmem>> -> memref<128x128xf32, #tpu.memory_space<vmem>>
          %dma_start3A_142 = arith.constant 0 : i32
          %dma_start3A_143 = tpu.memref_slice %arg8[%run_scoped3A_136, %dma_start3A_142] : memref<2x128xi32, #tpu.memory_space<vmem>> -> memref<1x128xi32, #tpu.memory_space<vmem>>
          %dma_start3A_144 = tpu.memref_squeeze %dma_start3A_143 : memref<1x128xi32, #tpu.memory_space<vmem>> -> memref<128xi32, #tpu.memory_space<vmem>>
          %dma_start3A_145 = arith.constant 0 : i32
          %dma_start3A_146 = arith.constant 0 : i32
          %dma_start3A_147 = tpu.memref_slice %arg7[%dma_start3A_145, %dma_start3A_146] : memref<10240x128xf32, #tpu.memory_space<vmem_shared>> -> memref<10240x128xf32, #tpu.memory_space<vmem_shared>>
          tpu.enqueue_indirect_dma source(%dma_start3A_141 : memref<128x128xf32, #tpu.memory_space<vmem>>) target(%dma_start3A_147 : memref<10240x128xf32, #tpu.memory_space<vmem_shared>>) offsets(%dma_start3A_144 : memref<128xi32, #tpu.memory_space<vmem>>) semaphore(%run_scoped3A_137 : memref<!tpu.dma_semaphore, #tpu.memory_space<semaphore_mem>>) {add = true}
          %dma_wait3A_148 = arith.constant 0 : i32
          %dma_wait3A_149 = arith.constant 0 : i32
          %dma_wait3A_150 = tpu.memref_slice %arg9[%run_scoped3A_135, %dma_wait3A_148, %dma_wait3A_149] : memref<2x128x128xf32, #tpu.memory_space<vmem>> -> memref<1x128x128xf32, #tpu.memory_space<vmem>>
          %dma_wait3A_151 = tpu.memref_squeeze %dma_wait3A_150 : memref<1x128x128xf32, #tpu.memory_space<vmem>> -> memref<128x128xf32, #tpu.memory_space<vmem>>
          %dma_wait3A_152 = arith.constant 0 : i32
          %dma_wait3A_153 = tpu.memref_slice %arg8[%run_scoped3A_136, %dma_wait3A_152] : memref<2x128xi32, #tpu.memory_space<vmem>> -> memref<1x128xi32, #tpu.memory_space<vmem>>
          %dma_wait3A_154 = tpu.memref_squeeze %dma_wait3A_153 : memref<1x128xi32, #tpu.memory_space<vmem>> -> memref<128xi32, #tpu.memory_space<vmem>>
          %dma_wait3A_155 = arith.constant 0 : i32
          %dma_wait3A_156 = arith.constant 0 : i32
          %dma_wait3A_157 = tpu.memref_slice %arg7[%dma_wait3A_155, %dma_wait3A_156] : memref<10240x128xf32, #tpu.memory_space<vmem_shared>> -> memref<10240x128xf32, #tpu.memory_space<vmem_shared>>
          tpu.wait_indirect_dma semaphore(%run_scoped3A_137 : memref<!tpu.dma_semaphore, #tpu.memory_space<semaphore_mem>>) src(%dma_wait3A_151 : memref<128x128xf32, #tpu.memory_space<vmem>>) dst(%dma_wait3A_157 : memref<10240x128xf32, #tpu.memory_space<vmem_shared>>)
          tpu.yield
        }) : () -> ()
      }
      %scan3A_27 = arith.constant 19 : i32
      %add3A_28 = arith.constant 608 : i32
      %add3A_29 = arith.addi %arg1, %add3A_28 : i32
      %mul3A_30 = arith.constant 128 : i32
      %mul3A_31 = arith.muli %add3A_29, %mul3A_30 : i32
      %dma_wait3A = arith.constant 0 : i32
      %dma_wait3A_32 = arith.constant 0 : i32
      %dma_wait3A_33 = arith.constant 0 : i32
      %dma_wait3A_34 = tpu.memref_slice %arg9[%dma_wait3A, %dma_wait3A_32, %dma_wait3A_33] : memref<2x128x128xf32, #tpu.memory_space<vmem>> -> memref<1x128x128xf32, #tpu.memory_space<vmem>>
      %dma_wait3A_35 = tpu.memref_squeeze %dma_wait3A_34 : memref<1x128x128xf32, #tpu.memory_space<vmem>> -> memref<128x128xf32, #tpu.memory_space<vmem>>
      %dma_wait3A_36 = arith.constant 0 : i32
      %dma_wait3A_37 = tpu.memref_slice %arg3[%mul3A_31, %dma_wait3A_36] : memref<80000x128xf32, #tpu.memory_space<hbm>> -> memref<128x128xf32, #tpu.memory_space<hbm>>
      %dma_wait3A_38 = arith.constant 0 : i32
      %dma_wait3A_39 = arith.constant 0 : i32
      %dma_wait3A_40 = tpu.memref_slice %arg9[%dma_wait3A, %dma_wait3A_38, %dma_wait3A_39] : memref<2x128x128xf32, #tpu.memory_space<vmem>> -> memref<1x128x128xf32, #tpu.memory_space<vmem>>
      %dma_wait3A_41 = tpu.memref_squeeze %dma_wait3A_40 : memref<1x128x128xf32, #tpu.memory_space<vmem>> -> memref<128x128xf32, #tpu.memory_space<vmem>>
      %dma_wait3A_42 = arith.constant 0 : i32
      %dma_wait3A_43 = tpu.memref_slice %arg3[%mul3A_31, %dma_wait3A_42] : memref<80000x128xf32, #tpu.memory_space<hbm>> -> memref<128x128xf32, #tpu.memory_space<hbm>>
      tpu.wait_dma2 semaphore(%arg10 : memref<!tpu.dma_semaphore, #tpu.memory_space<semaphore_mem>>) src(%dma_wait3A_43 : memref<128x128xf32, #tpu.memory_space<hbm>>) dst(%dma_wait3A_41 : memref<128x128xf32, #tpu.memory_space<vmem>>)
      %run_scoped3A_44 = arith.constant 0 : i32
      %run_scoped3A_45 = arith.constant 0 : i32
      "tpu.region"() ({
        %run_scoped3A_50 = tpu.sem_alloc : memref<!tpu.dma_semaphore, #tpu.memory_space<semaphore_mem>>
        %dma_start3A_51 = arith.constant 0 : i32
        %dma_start3A_52 = arith.constant 0 : i32
        %dma_start3A_53 = tpu.memref_slice %arg9[%run_scoped3A_44, %dma_start3A_51, %dma_start3A_52] : memref<2x128x128xf32, #tpu.memory_space<vmem>> -> memref<1x128x128xf32, #tpu.memory_space<vmem>>
        %dma_start3A_54 = tpu.memref_squeeze %dma_start3A_53 : memref<1x128x128xf32, #tpu.memory_space<vmem>> -> memref<128x128xf32, #tpu.memory_space<vmem>>
        %dma_start3A_55 = arith.constant 0 : i32
        %dma_start3A_56 = tpu.memref_slice %arg8[%run_scoped3A_45, %dma_start3A_55] : memref<2x128xi32, #tpu.memory_space<vmem>> -> memref<1x128xi32, #tpu.memory_space<vmem>>
        %dma_start3A_57 = tpu.memref_squeeze %dma_start3A_56 : memref<1x128xi32, #tpu.memory_space<vmem>> -> memref<128xi32, #tpu.memory_space<vmem>>
        %dma_start3A_58 = arith.constant 0 : i32
        %dma_start3A_59 = arith.constant 0 : i32
        %dma_start3A_60 = tpu.memref_slice %arg7[%dma_start3A_58, %dma_start3A_59] : memref<10240x128xf32, #tpu.memory_space<vmem_shared>> -> memref<10240x128xf32, #tpu.memory_space<vmem_shared>>
        tpu.enqueue_indirect_dma source(%dma_start3A_54 : memref<128x128xf32, #tpu.memory_space<vmem>>) target(%dma_start3A_60 : memref<10240x128xf32, #tpu.memory_space<vmem_shared>>) offsets(%dma_start3A_57 : memref<128xi32, #tpu.memory_space<vmem>>) semaphore(%run_scoped3A_50 : memref<!tpu.dma_semaphore, #tpu.memory_space<semaphore_mem>>) {add = true}
        %dma_wait3A_61 = arith.constant 0 : i32
        %dma_wait3A_62 = arith.constant 0 : i32
        %dma_wait3A_63 = tpu.memref_slice %arg9[%run_scoped3A_44, %dma_wait3A_61, %dma_wait3A_62] : memref<2x128x128xf32, #tpu.memory_space<vmem>> -> memref<1x128x128xf32, #tpu.memory_space<vmem>>
        %dma_wait3A_64 = tpu.memref_squeeze %dma_wait3A_63 : memref<1x128x128xf32, #tpu.memory_space<vmem>> -> memref<128x128xf32, #tpu.memory_space<vmem>>
        %dma_wait3A_65 = arith.constant 0 : i32
        %dma_wait3A_66 = tpu.memref_slice %arg8[%run_scoped3A_45, %dma_wait3A_65] : memref<2x128xi32, #tpu.memory_space<vmem>> -> memref<1x128xi32, #tpu.memory_space<vmem>>
        %dma_wait3A_67 = tpu.memref_squeeze %dma_wait3A_66 : memref<1x128xi32, #tpu.memory_space<vmem>> -> memref<128xi32, #tpu.memory_space<vmem>>
        %dma_wait3A_68 = arith.constant 0 : i32
        %dma_wait3A_69 = arith.constant 0 : i32
        %dma_wait3A_70 = tpu.memref_slice %arg7[%dma_wait3A_68, %dma_wait3A_69] : memref<10240x128xf32, #tpu.memory_space<vmem_shared>> -> memref<10240x128xf32, #tpu.memory_space<vmem_shared>>
        tpu.wait_indirect_dma semaphore(%run_scoped3A_50 : memref<!tpu.dma_semaphore, #tpu.memory_space<semaphore_mem>>) src(%dma_wait3A_64 : memref<128x128xf32, #tpu.memory_space<vmem>>) dst(%dma_wait3A_70 : memref<10240x128xf32, #tpu.memory_space<vmem_shared>>)
        tpu.yield
      }) : () -> ()
      %lt3A = arith.constant 1 : i32
      %lt3A_46 = arith.cmpi slt, %arg1, %lt3A : i32
      %convert_element_type3A_47 = arith.extui %lt3A_46 : i1 to i32
      %cond3A_48 = arith.constant 0 : i32
      %cond3A_49 = arith.cmpi ne, %convert_element_type3A_47, %cond3A_48 : i32
      scf.if %cond3A_49 {
        %add3A_50 = arith.constant 624 : i32
        %add3A_51 = arith.addi %add3A_50, %arg1 : i32
        %mul3A_52 = arith.constant 128 : i32
        %mul3A_53 = arith.muli %add3A_51, %mul3A_52 : i32
        %run_scoped3A_54 = arith.constant 0 : i32
        "tpu.region"() ({
          %run_scoped3A_58 = tpu.sem_alloc : memref<!tpu.dma_semaphore, #tpu.memory_space<semaphore_mem>>
          %dma_start3A_59 = arith.constant 0 : i32
          %dma_start3A_60 = tpu.memref_slice %arg8[%run_scoped3A_54, %dma_start3A_59] : memref<2x128xi32, #tpu.memory_space<vmem>> -> memref<1x128xi32, #tpu.memory_space<vmem>>
          %dma_start3A_61 = tpu.memref_squeeze %dma_start3A_60 : memref<1x128xi32, #tpu.memory_space<vmem>> -> memref<128xi32, #tpu.memory_space<vmem>>
          %dma_start3A_62 = tpu.memref_slice %arg4[%mul3A_53] : memref<80000xi32, #tpu.memory_space<hbm>> -> memref<128xi32, #tpu.memory_space<hbm>>
          %dma_start3A_63 = arith.constant 0 : i32
          %dma_start3A_64 = tpu.memref_slice %arg8[%run_scoped3A_54, %dma_start3A_63] : memref<2x128xi32, #tpu.memory_space<vmem>> -> memref<1x128xi32, #tpu.memory_space<vmem>>
          %dma_start3A_65 = tpu.memref_squeeze %dma_start3A_64 : memref<1x128xi32, #tpu.memory_space<vmem>> -> memref<128xi32, #tpu.memory_space<vmem>>
          %dma_start3A_66 = tpu.memref_slice %arg4[%mul3A_53] : memref<80000xi32, #tpu.memory_space<hbm>> -> memref<128xi32, #tpu.memory_space<hbm>>
          tpu.enqueue_dma source(%dma_start3A_66 : memref<128xi32, #tpu.memory_space<hbm>>) target(%dma_start3A_65 : memref<128xi32, #tpu.memory_space<vmem>>) target_semaphore(%run_scoped3A_58 : memref<!tpu.dma_semaphore, #tpu.memory_space<semaphore_mem>>)
          %dma_wait3A_67 = arith.constant 0 : i32
          %dma_wait3A_68 = tpu.memref_slice %arg8[%run_scoped3A_54, %dma_wait3A_67] : memref<2x128xi32, #tpu.memory_space<vmem>> -> memref<1x128xi32, #tpu.memory_space<vmem>>
          %dma_wait3A_69 = tpu.memref_squeeze %dma_wait3A_68 : memref<1x128xi32, #tpu.memory_space<vmem>> -> memref<128xi32, #tpu.memory_space<vmem>>
          %dma_wait3A_70 = tpu.memref_slice %arg4[%mul3A_53] : memref<80000xi32, #tpu.memory_space<hbm>> -> memref<128xi32, #tpu.memory_space<hbm>>
          %dma_wait3A_71 = arith.constant 0 : i32
          %dma_wait3A_72 = tpu.memref_slice %arg8[%run_scoped3A_54, %dma_wait3A_71] : memref<2x128xi32, #tpu.memory_space<vmem>> -> memref<1x128xi32, #tpu.memory_space<vmem>>
          %dma_wait3A_73 = tpu.memref_squeeze %dma_wait3A_72 : memref<1x128xi32, #tpu.memory_space<vmem>> -> memref<128xi32, #tpu.memory_space<vmem>>
          %dma_wait3A_74 = tpu.memref_slice %arg4[%mul3A_53] : memref<80000xi32, #tpu.memory_space<hbm>> -> memref<128xi32, #tpu.memory_space<hbm>>
          tpu.wait_dma2 semaphore(%run_scoped3A_58 : memref<!tpu.dma_semaphore, #tpu.memory_space<semaphore_mem>>) src(%dma_wait3A_74 : memref<128xi32, #tpu.memory_space<hbm>>) dst(%dma_wait3A_73 : memref<128xi32, #tpu.memory_space<vmem>>)
          tpu.yield
        }) : () -> ()
        %run_scoped3A_55 = arith.constant 0 : i32
        "tpu.region"() ({
          %run_scoped3A_58 = tpu.sem_alloc : memref<!tpu.dma_semaphore, #tpu.memory_space<semaphore_mem>>
          %dma_start3A_59 = arith.constant 0 : i32
          %dma_start3A_60 = arith.constant 0 : i32
          %dma_start3A_61 = tpu.memref_slice %arg9[%run_scoped3A_55, %dma_start3A_59, %dma_start3A_60] : memref<2x128x128xf32, #tpu.memory_space<vmem>> -> memref<1x128x128xf32, #tpu.memory_space<vmem>>
          %dma_start3A_62 = tpu.memref_squeeze %dma_start3A_61 : memref<1x128x128xf32, #tpu.memory_space<vmem>> -> memref<128x128xf32, #tpu.memory_space<vmem>>
          %dma_start3A_63 = arith.constant 0 : i32
          %dma_start3A_64 = tpu.memref_slice %arg3[%mul3A_53, %dma_start3A_63] : memref<80000x128xf32, #tpu.memory_space<hbm>> -> memref<128x128xf32, #tpu.memory_space<hbm>>
          %dma_start3A_65 = arith.constant 0 : i32
          %dma_start3A_66 = arith.constant 0 : i32
          %dma_start3A_67 = tpu.memref_slice %arg9[%run_scoped3A_55, %dma_start3A_65, %dma_start3A_66] : memref<2x128x128xf32, #tpu.memory_space<vmem>> -> memref<1x128x128xf32, #tpu.memory_space<vmem>>
          %dma_start3A_68 = tpu.memref_squeeze %dma_start3A_67 : memref<1x128x128xf32, #tpu.memory_space<vmem>> -> memref<128x128xf32, #tpu.memory_space<vmem>>
          %dma_start3A_69 = arith.constant 0 : i32
          %dma_start3A_70 = tpu.memref_slice %arg3[%mul3A_53, %dma_start3A_69] : memref<80000x128xf32, #tpu.memory_space<hbm>> -> memref<128x128xf32, #tpu.memory_space<hbm>>
          tpu.enqueue_dma source(%dma_start3A_70 : memref<128x128xf32, #tpu.memory_space<hbm>>) target(%dma_start3A_68 : memref<128x128xf32, #tpu.memory_space<vmem>>) target_semaphore(%run_scoped3A_58 : memref<!tpu.dma_semaphore, #tpu.memory_space<semaphore_mem>>)
          %dma_wait3A_71 = arith.constant 0 : i32
          %dma_wait3A_72 = arith.constant 0 : i32
          %dma_wait3A_73 = tpu.memref_slice %arg9[%run_scoped3A_55, %dma_wait3A_71, %dma_wait3A_72] : memref<2x128x128xf32, #tpu.memory_space<vmem>> -> memref<1x128x128xf32, #tpu.memory_space<vmem>>
          %dma_wait3A_74 = tpu.memref_squeeze %dma_wait3A_73 : memref<1x128x128xf32, #tpu.memory_space<vmem>> -> memref<128x128xf32, #tpu.memory_space<vmem>>
          %dma_wait3A_75 = arith.constant 0 : i32
          %dma_wait3A_76 = tpu.memref_slice %arg3[%mul3A_53, %dma_wait3A_75] : memref<80000x128xf32, #tpu.memory_space<hbm>> -> memref<128x128xf32, #tpu.memory_space<hbm>>
          %dma_wait3A_77 = arith.constant 0 : i32
          %dma_wait3A_78 = arith.constant 0 : i32
          %dma_wait3A_79 = tpu.memref_slice %arg9[%run_scoped3A_55, %dma_wait3A_77, %dma_wait3A_78] : memref<2x128x128xf32, #tpu.memory_space<vmem>> -> memref<1x128x128xf32, #tpu.memory_space<vmem>>
          %dma_wait3A_80 = tpu.memref_squeeze %dma_wait3A_79 : memref<1x128x128xf32, #tpu.memory_space<vmem>> -> memref<128x128xf32, #tpu.memory_space<vmem>>
          %dma_wait3A_81 = arith.constant 0 : i32
          %dma_wait3A_82 = tpu.memref_slice %arg3[%mul3A_53, %dma_wait3A_81] : memref<80000x128xf32, #tpu.memory_space<hbm>> -> memref<128x128xf32, #tpu.memory_space<hbm>>
          tpu.wait_dma2 semaphore(%run_scoped3A_58 : memref<!tpu.dma_semaphore, #tpu.memory_space<semaphore_mem>>) src(%dma_wait3A_82 : memref<128x128xf32, #tpu.memory_space<hbm>>) dst(%dma_wait3A_80 : memref<128x128xf32, #tpu.memory_space<vmem>>)
          tpu.yield
        }) : () -> ()
        %run_scoped3A_56 = arith.constant 0 : i32
        %run_scoped3A_57 = arith.constant 0 : i32
        "tpu.region"() ({
          %run_scoped3A_58 = tpu.sem_alloc : memref<!tpu.dma_semaphore, #tpu.memory_space<semaphore_mem>>
          %dma_start3A_59 = arith.constant 0 : i32
          %dma_start3A_60 = arith.constant 0 : i32
          %dma_start3A_61 = tpu.memref_slice %arg9[%run_scoped3A_56, %dma_start3A_59, %dma_start3A_60] : memref<2x128x128xf32, #tpu.memory_space<vmem>> -> memref<1x128x128xf32, #tpu.memory_space<vmem>>
          %dma_start3A_62 = tpu.memref_squeeze %dma_start3A_61 : memref<1x128x128xf32, #tpu.memory_space<vmem>> -> memref<128x128xf32, #tpu.memory_space<vmem>>
          %dma_start3A_63 = arith.constant 0 : i32
          %dma_start3A_64 = tpu.memref_slice %arg8[%run_scoped3A_57, %dma_start3A_63] : memref<2x128xi32, #tpu.memory_space<vmem>> -> memref<1x128xi32, #tpu.memory_space<vmem>>
          %dma_start3A_65 = tpu.memref_squeeze %dma_start3A_64 : memref<1x128xi32, #tpu.memory_space<vmem>> -> memref<128xi32, #tpu.memory_space<vmem>>
          %dma_start3A_66 = arith.constant 0 : i32
          %dma_start3A_67 = arith.constant 0 : i32
          %dma_start3A_68 = tpu.memref_slice %arg7[%dma_start3A_66, %dma_start3A_67] : memref<10240x128xf32, #tpu.memory_space<vmem_shared>> -> memref<10240x128xf32, #tpu.memory_space<vmem_shared>>
          tpu.enqueue_indirect_dma source(%dma_start3A_62 : memref<128x128xf32, #tpu.memory_space<vmem>>) target(%dma_start3A_68 : memref<10240x128xf32, #tpu.memory_space<vmem_shared>>) offsets(%dma_start3A_65 : memref<128xi32, #tpu.memory_space<vmem>>) semaphore(%run_scoped3A_58 : memref<!tpu.dma_semaphore, #tpu.memory_space<semaphore_mem>>) {add = true}
          %dma_wait3A_69 = arith.constant 0 : i32
          %dma_wait3A_70 = arith.constant 0 : i32
          %dma_wait3A_71 = tpu.memref_slice %arg9[%run_scoped3A_56, %dma_wait3A_69, %dma_wait3A_70] : memref<2x128x128xf32, #tpu.memory_space<vmem>> -> memref<1x128x128xf32, #tpu.memory_space<vmem>>
          %dma_wait3A_72 = tpu.memref_squeeze %dma_wait3A_71 : memref<1x128x128xf32, #tpu.memory_space<vmem>> -> memref<128x128xf32, #tpu.memory_space<vmem>>
          %dma_wait3A_73 = arith.constant 0 : i32
          %dma_wait3A_74 = tpu.memref_slice %arg8[%run_scoped3A_57, %dma_wait3A_73] : memref<2x128xi32, #tpu.memory_space<vmem>> -> memref<1x128xi32, #tpu.memory_space<vmem>>
          %dma_wait3A_75 = tpu.memref_squeeze %dma_wait3A_74 : memref<1x128xi32, #tpu.memory_space<vmem>> -> memref<128xi32, #tpu.memory_space<vmem>>
          %dma_wait3A_76 = arith.constant 0 : i32
          %dma_wait3A_77 = arith.constant 0 : i32
          %dma_wait3A_78 = tpu.memref_slice %arg7[%dma_wait3A_76, %dma_wait3A_77] : memref<10240x128xf32, #tpu.memory_space<vmem_shared>> -> memref<10240x128xf32, #tpu.memory_space<vmem_shared>>
          tpu.wait_indirect_dma semaphore(%run_scoped3A_58 : memref<!tpu.dma_semaphore, #tpu.memory_space<semaphore_mem>>) src(%dma_wait3A_72 : memref<128x128xf32, #tpu.memory_space<vmem>>) dst(%dma_wait3A_78 : memref<10240x128xf32, #tpu.memory_space<vmem_shared>>)
          tpu.yield
        }) : () -> ()
      } else {
      }
    } else {
    }
    %barrier3A_8 = arith.constant 0 : index
    tpu.barrier barrier_id(%barrier3A_8)
    "tpu.region"() ({
      %run_scoped3A = tpu.sem_alloc : memref<!tpu.dma_semaphore, #tpu.memory_space<semaphore_mem>>
      %dma_start3A = arith.constant 0 : i32
      %dma_start3A_9 = tpu.memref_slice %arg6[%arg0, %mul3A_0, %dma_start3A] : memref<2x10240x128xf32, #tpu.memory_space<hbm>> -> memref<1x640x128xf32, #tpu.memory_space<hbm>>
      %dma_start3A_10 = tpu.memref_squeeze %dma_start3A_9 : memref<1x640x128xf32, #tpu.memory_space<hbm>> -> memref<640x128xf32, #tpu.memory_space<hbm>>
      %dma_start3A_11 = arith.constant 0 : i32
      %dma_start3A_12 = tpu.memref_slice %arg7[%mul3A_0, %dma_start3A_11] : memref<10240x128xf32, #tpu.memory_space<vmem_shared>> -> memref<640x128xf32, #tpu.memory_space<vmem_shared>>
      tpu.enqueue_dma source(%dma_start3A_12 : memref<640x128xf32, #tpu.memory_space<vmem_shared>>) target(%dma_start3A_10 : memref<640x128xf32, #tpu.memory_space<hbm>>) target_semaphore(%run_scoped3A : memref<!tpu.dma_semaphore, #tpu.memory_space<semaphore_mem>>)
      %dma_wait3A = arith.constant 0 : i32
      %dma_wait3A_13 = tpu.memref_slice %arg6[%arg0, %mul3A_0, %dma_wait3A] : memref<2x10240x128xf32, #tpu.memory_space<hbm>> -> memref<1x640x128xf32, #tpu.memory_space<hbm>>
      %dma_wait3A_14 = tpu.memref_squeeze %dma_wait3A_13 : memref<1x640x128xf32, #tpu.memory_space<hbm>> -> memref<640x128xf32, #tpu.memory_space<hbm>>
      %dma_wait3A_15 = arith.constant 0 : i32
      %dma_wait3A_16 = tpu.memref_slice %arg7[%mul3A_0, %dma_wait3A_15] : memref<10240x128xf32, #tpu.memory_space<vmem_shared>> -> memref<640x128xf32, #tpu.memory_space<vmem_shared>>
      tpu.wait_dma2 semaphore(%run_scoped3A : memref<!tpu.dma_semaphore, #tpu.memory_space<semaphore_mem>>) src(%dma_wait3A_16 : memref<640x128xf32, #tpu.memory_space<vmem_shared>>) dst(%dma_wait3A_14 : memref<640x128xf32, #tpu.memory_space<hbm>>)
      tpu.yield
    }) : () -> ()
    return
  }
}

#map = affine_map<(d0, d1) -> (0, 0)>
#map1 = affine_map<(d0, d1) -> (0)>
#map2 = affine_map<(d0, d1) -> (0, 0, 0)>
module attributes {stable_mosaic.version = 14 : i64} {
  func.func @body(%arg0: i32, %arg1: i32, %arg2: memref<80000x128xf32, #tpu.memory_space<hbm>>, %arg3: memref<80000x128xf32, #tpu.memory_space<hbm>>, %arg4: memref<80000xi32, #tpu.memory_space<hbm>>, %arg5: memref<2x10240x128xf32, #tpu.memory_space<hbm>>, %arg6: memref<2x10240x128xf32, #tpu.memory_space<hbm>>, %arg7: memref<10240x128xf32, #tpu.memory_space<vmem_shared>>, %arg8: memref<2x128xi32, #tpu.memory_space<vmem>>, %arg9: memref<2x128x128xf32, #tpu.memory_space<vmem>>, %arg10: memref<!tpu.dma_semaphore, #tpu.memory_space<semaphore_mem>>, %arg11: memref<!tpu.dma_semaphore, #tpu.memory_space<semaphore_mem>>) attributes {dimension_semantics = [#tpu.dimension_semantics<core_parallel>, #tpu.dimension_semantics<subcore_parallel>], iteration_bounds = array<i64: 2, 16>, scalar_prefetch = 0 : i64, scratch_operands = 5 : i64, tpu.core_type = #tpu.core_type<sc_vector_subcore>, window_params = [{transform_indices = #map}, {transform_indices = #map}, {transform_indices = #map1}, {transform_indices = #map2}, {transform_indices = #map2}]} {
    %mul3A = arith.constant 640 : i32
    %mul3A_0 = arith.muli %arg1, %mul3A : i32
    "tpu.region"() ({
      %run_scoped3A = tpu.sem_alloc : memref<!tpu.dma_semaphore, #tpu.memory_space<semaphore_mem>>
      %dma_start3A = arith.constant 0 : i32
      %dma_start3A_9 = tpu.memref_slice %arg7[%mul3A_0, %dma_start3A] : memref<10240x128xf32, #tpu.memory_space<vmem_shared>> -> memref<640x128xf32, #tpu.memory_space<vmem_shared>>
      %dma_start3A_10 = arith.constant 0 : i32
      %dma_start3A_11 = tpu.memref_slice %arg5[%arg0, %mul3A_0, %dma_start3A_10] : memref<2x10240x128xf32, #tpu.memory_space<hbm>> -> memref<1x640x128xf32, #tpu.memory_space<hbm>>
      %dma_start3A_12 = tpu.memref_squeeze %dma_start3A_11 : memref<1x640x128xf32, #tpu.memory_space<hbm>> -> memref<640x128xf32, #tpu.memory_space<hbm>>
      tpu.enqueue_dma source(%dma_start3A_12 : memref<640x128xf32, #tpu.memory_space<hbm>>) target(%dma_start3A_9 : memref<640x128xf32, #tpu.memory_space<vmem_shared>>) target_semaphore(%run_scoped3A : memref<!tpu.dma_semaphore, #tpu.memory_space<semaphore_mem>>)
      %dma_wait3A = arith.constant 0 : i32
      %dma_wait3A_13 = tpu.memref_slice %arg7[%mul3A_0, %dma_wait3A] : memref<10240x128xf32, #tpu.memory_space<vmem_shared>> -> memref<640x128xf32, #tpu.memory_space<vmem_shared>>
      %dma_wait3A_14 = arith.constant 0 : i32
      %dma_wait3A_15 = tpu.memref_slice %arg5[%arg0, %mul3A_0, %dma_wait3A_14] : memref<2x10240x128xf32, #tpu.memory_space<hbm>> -> memref<1x640x128xf32, #tpu.memory_space<hbm>>
      %dma_wait3A_16 = tpu.memref_squeeze %dma_wait3A_15 : memref<1x640x128xf32, #tpu.memory_space<hbm>> -> memref<640x128xf32, #tpu.memory_space<hbm>>
      tpu.wait_dma2 semaphore(%run_scoped3A : memref<!tpu.dma_semaphore, #tpu.memory_space<semaphore_mem>>) src(%dma_wait3A_16 : memref<640x128xf32, #tpu.memory_space<hbm>>) dst(%dma_wait3A_13 : memref<640x128xf32, #tpu.memory_space<vmem_shared>>)
      tpu.yield
    }) : () -> ()
    %barrier3A = arith.constant 0 : index
    tpu.barrier barrier_id(%barrier3A)
    %eq3A = arith.constant 0 : i32
    %eq3A_1 = arith.cmpi eq, %arg0, %eq3A : i32
    %convert_element_type3A = arith.extui %eq3A_1 : i1 to i32
    %cond3A = arith.constant 0 : i32
    %cond3A_2 = arith.cmpi ne, %convert_element_type3A, %cond3A : i32
    scf.if %cond3A_2 {
      %add3A = arith.constant 0 : i32
      %add3A_9 = arith.addi %arg1, %add3A : i32
      %mul3A_10 = arith.constant 128 : i32
      %mul3A_11 = arith.muli %add3A_9, %mul3A_10 : i32
      %run_scoped3A = arith.constant 0 : i32
      "tpu.region"() ({
        %run_scoped3A_50 = tpu.sem_alloc : memref<!tpu.dma_semaphore, #tpu.memory_space<semaphore_mem>>
        %dma_start3A_51 = arith.constant 0 : i32
        %dma_start3A_52 = tpu.memref_slice %arg8[%run_scoped3A, %dma_start3A_51] : memref<2x128xi32, #tpu.memory_space<vmem>> -> memref<1x128xi32, #tpu.memory_space<vmem>>
        %dma_start3A_53 = tpu.memref_squeeze %dma_start3A_52 : memref<1x128xi32, #tpu.memory_space<vmem>> -> memref<128xi32, #tpu.memory_space<vmem>>
        %dma_start3A_54 = tpu.memref_slice %arg4[%mul3A_11] : memref<80000xi32, #tpu.memory_space<hbm>> -> memref<128xi32, #tpu.memory_space<hbm>>
        %dma_start3A_55 = arith.constant 0 : i32
        %dma_start3A_56 = tpu.memref_slice %arg8[%run_scoped3A, %dma_start3A_55] : memref<2x128xi32, #tpu.memory_space<vmem>> -> memref<1x128xi32, #tpu.memory_space<vmem>>
        %dma_start3A_57 = tpu.memref_squeeze %dma_start3A_56 : memref<1x128xi32, #tpu.memory_space<vmem>> -> memref<128xi32, #tpu.memory_space<vmem>>
        %dma_start3A_58 = tpu.memref_slice %arg4[%mul3A_11] : memref<80000xi32, #tpu.memory_space<hbm>> -> memref<128xi32, #tpu.memory_space<hbm>>
        tpu.enqueue_dma source(%dma_start3A_58 : memref<128xi32, #tpu.memory_space<hbm>>) target(%dma_start3A_57 : memref<128xi32, #tpu.memory_space<vmem>>) target_semaphore(%run_scoped3A_50 : memref<!tpu.dma_semaphore, #tpu.memory_space<semaphore_mem>>)
        %dma_wait3A_59 = arith.constant 0 : i32
        %dma_wait3A_60 = tpu.memref_slice %arg8[%run_scoped3A, %dma_wait3A_59] : memref<2x128xi32, #tpu.memory_space<vmem>> -> memref<1x128xi32, #tpu.memory_space<vmem>>
        %dma_wait3A_61 = tpu.memref_squeeze %dma_wait3A_60 : memref<1x128xi32, #tpu.memory_space<vmem>> -> memref<128xi32, #tpu.memory_space<vmem>>
        %dma_wait3A_62 = tpu.memref_slice %arg4[%mul3A_11] : memref<80000xi32, #tpu.memory_space<hbm>> -> memref<128xi32, #tpu.memory_space<hbm>>
        %dma_wait3A_63 = arith.constant 0 : i32
        %dma_wait3A_64 = tpu.memref_slice %arg8[%run_scoped3A, %dma_wait3A_63] : memref<2x128xi32, #tpu.memory_space<vmem>> -> memref<1x128xi32, #tpu.memory_space<vmem>>
        %dma_wait3A_65 = tpu.memref_squeeze %dma_wait3A_64 : memref<1x128xi32, #tpu.memory_space<vmem>> -> memref<128xi32, #tpu.memory_space<vmem>>
        %dma_wait3A_66 = tpu.memref_slice %arg4[%mul3A_11] : memref<80000xi32, #tpu.memory_space<hbm>> -> memref<128xi32, #tpu.memory_space<hbm>>
        tpu.wait_dma2 semaphore(%run_scoped3A_50 : memref<!tpu.dma_semaphore, #tpu.memory_space<semaphore_mem>>) src(%dma_wait3A_66 : memref<128xi32, #tpu.memory_space<hbm>>) dst(%dma_wait3A_65 : memref<128xi32, #tpu.memory_space<vmem>>)
        tpu.yield
      }) : () -> ()
      %dma_start3A = arith.constant 0 : i32
      %dma_start3A_12 = arith.constant 0 : i32
      %dma_start3A_13 = arith.constant 0 : i32
      %dma_start3A_14 = tpu.memref_slice %arg9[%dma_start3A, %dma_start3A_12, %dma_start3A_13] : memref<2x128x128xf32, #tpu.memory_space<vmem>> -> memref<1x128x128xf32, #tpu.memory_space<vmem>>
      %dma_start3A_15 = tpu.memref_squeeze %dma_start3A_14 : memref<1x128x128xf32, #tpu.memory_space<vmem>> -> memref<128x128xf32, #tpu.memory_space<vmem>>
      %dma_start3A_16 = arith.constant 0 : i32
      %dma_start3A_17 = tpu.memref_slice %arg2[%mul3A_11, %dma_start3A_16] : memref<80000x128xf32, #tpu.memory_space<hbm>> -> memref<128x128xf32, #tpu.memory_space<hbm>>
      %dma_start3A_18 = arith.constant 0 : i32
      %dma_start3A_19 = arith.constant 0 : i32
      %dma_start3A_20 = tpu.memref_slice %arg9[%dma_start3A, %dma_start3A_18, %dma_start3A_19] : memref<2x128x128xf32, #tpu.memory_space<vmem>> -> memref<1x128x128xf32, #tpu.memory_space<vmem>>
      %dma_start3A_21 = tpu.memref_squeeze %dma_start3A_20 : memref<1x128x128xf32, #tpu.memory_space<vmem>> -> memref<128x128xf32, #tpu.memory_space<vmem>>
      %dma_start3A_22 = arith.constant 0 : i32
      %dma_start3A_23 = tpu.memref_slice %arg2[%mul3A_11, %dma_start3A_22] : memref<80000x128xf32, #tpu.memory_space<hbm>> -> memref<128x128xf32, #tpu.memory_space<hbm>>
      tpu.enqueue_dma source(%dma_start3A_23 : memref<128x128xf32, #tpu.memory_space<hbm>>) target(%dma_start3A_21 : memref<128x128xf32, #tpu.memory_space<vmem>>) target_semaphore(%arg10 : memref<!tpu.dma_semaphore, #tpu.memory_space<semaphore_mem>>)
      %scan3A = arith.constant 0 : i32
      %scan3A_24 = arith.constant 19 : i32
      %scan3A_25 = arith.addi %scan3A, %scan3A_24 : i32
      %scan3A_26 = arith.constant 1 : i32
      scf.for %scan3A_50 = %scan3A to %scan3A_25 step %scan3A_26  : i32 {
        %mul3A_51 = arith.constant 2 : i32
        %mul3A_52 = arith.muli %mul3A_51, %scan3A_50 : i32
        %add3A_53 = arith.constant 1 : i32
        %add3A_54 = arith.addi %mul3A_52, %add3A_53 : i32
        %mul3A_55 = arith.constant 16 : i32
        %mul3A_56 = arith.muli %add3A_54, %mul3A_55 : i32
        %add3A_57 = arith.addi %arg1, %mul3A_56 : i32
        %mul3A_58 = arith.constant 128 : i32
        %mul3A_59 = arith.muli %add3A_57, %mul3A_58 : i32
        %run_scoped3A_60 = arith.constant 1 : i32
        "tpu.region"() ({
          %run_scoped3A_137 = tpu.sem_alloc : memref<!tpu.dma_semaphore, #tpu.memory_space<semaphore_mem>>
          %dma_start3A_138 = arith.constant 0 : i32
          %dma_start3A_139 = tpu.memref_slice %arg8[%run_scoped3A_60, %dma_start3A_138] : memref<2x128xi32, #tpu.memory_space<vmem>> -> memref<1x128xi32, #tpu.memory_space<vmem>>
          %dma_start3A_140 = tpu.memref_squeeze %dma_start3A_139 : memref<1x128xi32, #tpu.memory_space<vmem>> -> memref<128xi32, #tpu.memory_space<vmem>>
          %dma_start3A_141 = tpu.memref_slice %arg4[%mul3A_59] : memref<80000xi32, #tpu.memory_space<hbm>> -> memref<128xi32, #tpu.memory_space<hbm>>
          %dma_start3A_142 = arith.constant 0 : i32
          %dma_start3A_143 = tpu.memref_slice %arg8[%run_scoped3A_60, %dma_start3A_142] : memref<2x128xi32, #tpu.memory_space<vmem>> -> memref<1x128xi32, #tpu.memory_space<vmem>>
          %dma_start3A_144 = tpu.memref_squeeze %dma_start3A_143 : memref<1x128xi32, #tpu.memory_space<vmem>> -> memref<128xi32, #tpu.memory_space<vmem>>
          %dma_start3A_145 = tpu.memref_slice %arg4[%mul3A_59] : memref<80000xi32, #tpu.memory_space<hbm>> -> memref<128xi32, #tpu.memory_space<hbm>>
          tpu.enqueue_dma source(%dma_start3A_145 : memref<128xi32, #tpu.memory_space<hbm>>) target(%dma_start3A_144 : memref<128xi32, #tpu.memory_space<vmem>>) target_semaphore(%run_scoped3A_137 : memref<!tpu.dma_semaphore, #tpu.memory_space<semaphore_mem>>)
          %dma_wait3A_146 = arith.constant 0 : i32
          %dma_wait3A_147 = tpu.memref_slice %arg8[%run_scoped3A_60, %dma_wait3A_146] : memref<2x128xi32, #tpu.memory_space<vmem>> -> memref<1x128xi32, #tpu.memory_space<vmem>>
          %dma_wait3A_148 = tpu.memref_squeeze %dma_wait3A_147 : memref<1x128xi32, #tpu.memory_space<vmem>> -> memref<128xi32, #tpu.memory_space<vmem>>
          %dma_wait3A_149 = tpu.memref_slice %arg4[%mul3A_59] : memref<80000xi32, #tpu.memory_space<hbm>> -> memref<128xi32, #tpu.memory_space<hbm>>
          %dma_wait3A_150 = arith.constant 0 : i32
          %dma_wait3A_151 = tpu.memref_slice %arg8[%run_scoped3A_60, %dma_wait3A_150] : memref<2x128xi32, #tpu.memory_space<vmem>> -> memref<1x128xi32, #tpu.memory_space<vmem>>
          %dma_wait3A_152 = tpu.memref_squeeze %dma_wait3A_151 : memref<1x128xi32, #tpu.memory_space<vmem>> -> memref<128xi32, #tpu.memory_space<vmem>>
          %dma_wait3A_153 = tpu.memref_slice %arg4[%mul3A_59] : memref<80000xi32, #tpu.memory_space<hbm>> -> memref<128xi32, #tpu.memory_space<hbm>>
          tpu.wait_dma2 semaphore(%run_scoped3A_137 : memref<!tpu.dma_semaphore, #tpu.memory_space<semaphore_mem>>) src(%dma_wait3A_153 : memref<128xi32, #tpu.memory_space<hbm>>) dst(%dma_wait3A_152 : memref<128xi32, #tpu.memory_space<vmem>>)
          tpu.yield
        }) : () -> ()
        %dma_start3A_61 = arith.constant 1 : i32
        %dma_start3A_62 = arith.constant 0 : i32
        %dma_start3A_63 = arith.constant 0 : i32
        %dma_start3A_64 = tpu.memref_slice %arg9[%dma_start3A_61, %dma_start3A_62, %dma_start3A_63] : memref<2x128x128xf32, #tpu.memory_space<vmem>> -> memref<1x128x128xf32, #tpu.memory_space<vmem>>
        %dma_start3A_65 = tpu.memref_squeeze %dma_start3A_64 : memref<1x128x128xf32, #tpu.memory_space<vmem>> -> memref<128x128xf32, #tpu.memory_space<vmem>>
        %dma_start3A_66 = arith.constant 0 : i32
        %dma_start3A_67 = tpu.memref_slice %arg2[%mul3A_59, %dma_start3A_66] : memref<80000x128xf32, #tpu.memory_space<hbm>> -> memref<128x128xf32, #tpu.memory_space<hbm>>
        %dma_start3A_68 = arith.constant 0 : i32
        %dma_start3A_69 = arith.constant 0 : i32
        %dma_start3A_70 = tpu.memref_slice %arg9[%dma_start3A_61, %dma_start3A_68, %dma_start3A_69] : memref<2x128x128xf32, #tpu.memory_space<vmem>> -> memref<1x128x128xf32, #tpu.memory_space<vmem>>
        %dma_start3A_71 = tpu.memref_squeeze %dma_start3A_70 : memref<1x128x128xf32, #tpu.memory_space<vmem>> -> memref<128x128xf32, #tpu.memory_space<vmem>>
        %dma_start3A_72 = arith.constant 0 : i32
        %dma_start3A_73 = tpu.memref_slice %arg2[%mul3A_59, %dma_start3A_72] : memref<80000x128xf32, #tpu.memory_space<hbm>> -> memref<128x128xf32, #tpu.memory_space<hbm>>
        tpu.enqueue_dma source(%dma_start3A_73 : memref<128x128xf32, #tpu.memory_space<hbm>>) target(%dma_start3A_71 : memref<128x128xf32, #tpu.memory_space<vmem>>) target_semaphore(%arg11 : memref<!tpu.dma_semaphore, #tpu.memory_space<semaphore_mem>>)
        %mul3A_74 = arith.constant 16 : i32
        %mul3A_75 = arith.muli %mul3A_52, %mul3A_74 : i32
        %add3A_76 = arith.addi %arg1, %mul3A_75 : i32
        %mul3A_77 = arith.constant 128 : i32
        %mul3A_78 = arith.muli %add3A_76, %mul3A_77 : i32
        %dma_wait3A_79 = arith.constant 0 : i32
        %dma_wait3A_80 = arith.constant 0 : i32
        %dma_wait3A_81 = arith.constant 0 : i32
        %dma_wait3A_82 = tpu.memref_slice %arg9[%dma_wait3A_79, %dma_wait3A_80, %dma_wait3A_81] : memref<2x128x128xf32, #tpu.memory_space<vmem>> -> memref<1x128x128xf32, #tpu.memory_space<vmem>>
        %dma_wait3A_83 = tpu.memref_squeeze %dma_wait3A_82 : memref<1x128x128xf32, #tpu.memory_space<vmem>> -> memref<128x128xf32, #tpu.memory_space<vmem>>
        %dma_wait3A_84 = arith.constant 0 : i32
        %dma_wait3A_85 = tpu.memref_slice %arg2[%mul3A_78, %dma_wait3A_84] : memref<80000x128xf32, #tpu.memory_space<hbm>> -> memref<128x128xf32, #tpu.memory_space<hbm>>
        %dma_wait3A_86 = arith.constant 0 : i32
        %dma_wait3A_87 = arith.constant 0 : i32
        %dma_wait3A_88 = tpu.memref_slice %arg9[%dma_wait3A_79, %dma_wait3A_86, %dma_wait3A_87] : memref<2x128x128xf32, #tpu.memory_space<vmem>> -> memref<1x128x128xf32, #tpu.memory_space<vmem>>
        %dma_wait3A_89 = tpu.memref_squeeze %dma_wait3A_88 : memref<1x128x128xf32, #tpu.memory_space<vmem>> -> memref<128x128xf32, #tpu.memory_space<vmem>>
        %dma_wait3A_90 = arith.constant 0 : i32
        %dma_wait3A_91 = tpu.memref_slice %arg2[%mul3A_78, %dma_wait3A_90] : memref<80000x128xf32, #tpu.memory_space<hbm>> -> memref<128x128xf32, #tpu.memory_space<hbm>>
        tpu.wait_dma2 semaphore(%arg10 : memref<!tpu.dma_semaphore, #tpu.memory_space<semaphore_mem>>) src(%dma_wait3A_91 : memref<128x128xf32, #tpu.memory_space<hbm>>) dst(%dma_wait3A_89 : memref<128x128xf32, #tpu.memory_space<vmem>>)
        %run_scoped3A_92 = arith.constant 0 : i32
        %run_scoped3A_93 = arith.constant 0 : i32
        "tpu.region"() ({
          %run_scoped3A_137 = tpu.sem_alloc : memref<!tpu.dma_semaphore, #tpu.memory_space<semaphore_mem>>
          %dma_start3A_138 = arith.constant 0 : i32
          %dma_start3A_139 = arith.constant 0 : i32
          %dma_start3A_140 = tpu.memref_slice %arg9[%run_scoped3A_92, %dma_start3A_138, %dma_start3A_139] : memref<2x128x128xf32, #tpu.memory_space<vmem>> -> memref<1x128x128xf32, #tpu.memory_space<vmem>>
          %dma_start3A_141 = tpu.memref_squeeze %dma_start3A_140 : memref<1x128x128xf32, #tpu.memory_space<vmem>> -> memref<128x128xf32, #tpu.memory_space<vmem>>
          %dma_start3A_142 = arith.constant 0 : i32
          %dma_start3A_143 = tpu.memref_slice %arg8[%run_scoped3A_93, %dma_start3A_142] : memref<2x128xi32, #tpu.memory_space<vmem>> -> memref<1x128xi32, #tpu.memory_space<vmem>>
          %dma_start3A_144 = tpu.memref_squeeze %dma_start3A_143 : memref<1x128xi32, #tpu.memory_space<vmem>> -> memref<128xi32, #tpu.memory_space<vmem>>
          %dma_start3A_145 = arith.constant 0 : i32
          %dma_start3A_146 = arith.constant 0 : i32
          %dma_start3A_147 = tpu.memref_slice %arg7[%dma_start3A_145, %dma_start3A_146] : memref<10240x128xf32, #tpu.memory_space<vmem_shared>> -> memref<10240x128xf32, #tpu.memory_space<vmem_shared>>
          tpu.enqueue_indirect_dma source(%dma_start3A_141 : memref<128x128xf32, #tpu.memory_space<vmem>>) target(%dma_start3A_147 : memref<10240x128xf32, #tpu.memory_space<vmem_shared>>) offsets(%dma_start3A_144 : memref<128xi32, #tpu.memory_space<vmem>>) semaphore(%run_scoped3A_137 : memref<!tpu.dma_semaphore, #tpu.memory_space<semaphore_mem>>) {add = true}
          %dma_wait3A_148 = arith.constant 0 : i32
          %dma_wait3A_149 = arith.constant 0 : i32
          %dma_wait3A_150 = tpu.memref_slice %arg9[%run_scoped3A_92, %dma_wait3A_148, %dma_wait3A_149] : memref<2x128x128xf32, #tpu.memory_space<vmem>> -> memref<1x128x128xf32, #tpu.memory_space<vmem>>
          %dma_wait3A_151 = tpu.memref_squeeze %dma_wait3A_150 : memref<1x128x128xf32, #tpu.memory_space<vmem>> -> memref<128x128xf32, #tpu.memory_space<vmem>>
          %dma_wait3A_152 = arith.constant 0 : i32
          %dma_wait3A_153 = tpu.memref_slice %arg8[%run_scoped3A_93, %dma_wait3A_152] : memref<2x128xi32, #tpu.memory_space<vmem>> -> memref<1x128xi32, #tpu.memory_space<vmem>>
          %dma_wait3A_154 = tpu.memref_squeeze %dma_wait3A_153 : memref<1x128xi32, #tpu.memory_space<vmem>> -> memref<128xi32, #tpu.memory_space<vmem>>
          %dma_wait3A_155 = arith.constant 0 : i32
          %dma_wait3A_156 = arith.constant 0 : i32
          %dma_wait3A_157 = tpu.memref_slice %arg7[%dma_wait3A_155, %dma_wait3A_156] : memref<10240x128xf32, #tpu.memory_space<vmem_shared>> -> memref<10240x128xf32, #tpu.memory_space<vmem_shared>>
          tpu.wait_indirect_dma semaphore(%run_scoped3A_137 : memref<!tpu.dma_semaphore, #tpu.memory_space<semaphore_mem>>) src(%dma_wait3A_151 : memref<128x128xf32, #tpu.memory_space<vmem>>) dst(%dma_wait3A_157 : memref<10240x128xf32, #tpu.memory_space<vmem_shared>>)
          tpu.yield
        }) : () -> ()
        %add3A_94 = arith.constant 2 : i32
        %add3A_95 = arith.addi %mul3A_52, %add3A_94 : i32
        %mul3A_96 = arith.constant 16 : i32
        %mul3A_97 = arith.muli %add3A_95, %mul3A_96 : i32
        %add3A_98 = arith.addi %arg1, %mul3A_97 : i32
        %mul3A_99 = arith.constant 128 : i32
        %mul3A_100 = arith.muli %add3A_98, %mul3A_99 : i32
        %run_scoped3A_101 = arith.constant 0 : i32
        "tpu.region"() ({
          %run_scoped3A_137 = tpu.sem_alloc : memref<!tpu.dma_semaphore, #tpu.memory_space<semaphore_mem>>
          %dma_start3A_138 = arith.constant 0 : i32
          %dma_start3A_139 = tpu.memref_slice %arg8[%run_scoped3A_101, %dma_start3A_138] : memref<2x128xi32, #tpu.memory_space<vmem>> -> memref<1x128xi32, #tpu.memory_space<vmem>>
          %dma_start3A_140 = tpu.memref_squeeze %dma_start3A_139 : memref<1x128xi32, #tpu.memory_space<vmem>> -> memref<128xi32, #tpu.memory_space<vmem>>
          %dma_start3A_141 = tpu.memref_slice %arg4[%mul3A_100] : memref<80000xi32, #tpu.memory_space<hbm>> -> memref<128xi32, #tpu.memory_space<hbm>>
          %dma_start3A_142 = arith.constant 0 : i32
          %dma_start3A_143 = tpu.memref_slice %arg8[%run_scoped3A_101, %dma_start3A_142] : memref<2x128xi32, #tpu.memory_space<vmem>> -> memref<1x128xi32, #tpu.memory_space<vmem>>
          %dma_start3A_144 = tpu.memref_squeeze %dma_start3A_143 : memref<1x128xi32, #tpu.memory_space<vmem>> -> memref<128xi32, #tpu.memory_space<vmem>>
          %dma_start3A_145 = tpu.memref_slice %arg4[%mul3A_100] : memref<80000xi32, #tpu.memory_space<hbm>> -> memref<128xi32, #tpu.memory_space<hbm>>
          tpu.enqueue_dma source(%dma_start3A_145 : memref<128xi32, #tpu.memory_space<hbm>>) target(%dma_start3A_144 : memref<128xi32, #tpu.memory_space<vmem>>) target_semaphore(%run_scoped3A_137 : memref<!tpu.dma_semaphore, #tpu.memory_space<semaphore_mem>>)
          %dma_wait3A_146 = arith.constant 0 : i32
          %dma_wait3A_147 = tpu.memref_slice %arg8[%run_scoped3A_101, %dma_wait3A_146] : memref<2x128xi32, #tpu.memory_space<vmem>> -> memref<1x128xi32, #tpu.memory_space<vmem>>
          %dma_wait3A_148 = tpu.memref_squeeze %dma_wait3A_147 : memref<1x128xi32, #tpu.memory_space<vmem>> -> memref<128xi32, #tpu.memory_space<vmem>>
          %dma_wait3A_149 = tpu.memref_slice %arg4[%mul3A_100] : memref<80000xi32, #tpu.memory_space<hbm>> -> memref<128xi32, #tpu.memory_space<hbm>>
          %dma_wait3A_150 = arith.constant 0 : i32
          %dma_wait3A_151 = tpu.memref_slice %arg8[%run_scoped3A_101, %dma_wait3A_150] : memref<2x128xi32, #tpu.memory_space<vmem>> -> memref<1x128xi32, #tpu.memory_space<vmem>>
          %dma_wait3A_152 = tpu.memref_squeeze %dma_wait3A_151 : memref<1x128xi32, #tpu.memory_space<vmem>> -> memref<128xi32, #tpu.memory_space<vmem>>
          %dma_wait3A_153 = tpu.memref_slice %arg4[%mul3A_100] : memref<80000xi32, #tpu.memory_space<hbm>> -> memref<128xi32, #tpu.memory_space<hbm>>
          tpu.wait_dma2 semaphore(%run_scoped3A_137 : memref<!tpu.dma_semaphore, #tpu.memory_space<semaphore_mem>>) src(%dma_wait3A_153 : memref<128xi32, #tpu.memory_space<hbm>>) dst(%dma_wait3A_152 : memref<128xi32, #tpu.memory_space<vmem>>)
          tpu.yield
        }) : () -> ()
        %dma_start3A_102 = arith.constant 0 : i32
        %dma_start3A_103 = arith.constant 0 : i32
        %dma_start3A_104 = arith.constant 0 : i32
        %dma_start3A_105 = tpu.memref_slice %arg9[%dma_start3A_102, %dma_start3A_103, %dma_start3A_104] : memref<2x128x128xf32, #tpu.memory_space<vmem>> -> memref<1x128x128xf32, #tpu.memory_space<vmem>>
        %dma_start3A_106 = tpu.memref_squeeze %dma_start3A_105 : memref<1x128x128xf32, #tpu.memory_space<vmem>> -> memref<128x128xf32, #tpu.memory_space<vmem>>
        %dma_start3A_107 = arith.constant 0 : i32
        %dma_start3A_108 = tpu.memref_slice %arg2[%mul3A_100, %dma_start3A_107] : memref<80000x128xf32, #tpu.memory_space<hbm>> -> memref<128x128xf32, #tpu.memory_space<hbm>>
        %dma_start3A_109 = arith.constant 0 : i32
        %dma_start3A_110 = arith.constant 0 : i32
        %dma_start3A_111 = tpu.memref_slice %arg9[%dma_start3A_102, %dma_start3A_109, %dma_start3A_110] : memref<2x128x128xf32, #tpu.memory_space<vmem>> -> memref<1x128x128xf32, #tpu.memory_space<vmem>>
        %dma_start3A_112 = tpu.memref_squeeze %dma_start3A_111 : memref<1x128x128xf32, #tpu.memory_space<vmem>> -> memref<128x128xf32, #tpu.memory_space<vmem>>
        %dma_start3A_113 = arith.constant 0 : i32
        %dma_start3A_114 = tpu.memref_slice %arg2[%mul3A_100, %dma_start3A_113] : memref<80000x128xf32, #tpu.memory_space<hbm>> -> memref<128x128xf32, #tpu.memory_space<hbm>>
        tpu.enqueue_dma source(%dma_start3A_114 : memref<128x128xf32, #tpu.memory_space<hbm>>) target(%dma_start3A_112 : memref<128x128xf32, #tpu.memory_space<vmem>>) target_semaphore(%arg10 : memref<!tpu.dma_semaphore, #tpu.memory_space<semaphore_mem>>)
        %add3A_115 = arith.constant 1 : i32
        %add3A_116 = arith.addi %mul3A_52, %add3A_115 : i32
        %mul3A_117 = arith.constant 16 : i32
        %mul3A_118 = arith.muli %add3A_116, %mul3A_117 : i32
        %add3A_119 = arith.addi %arg1, %mul3A_118 : i32
        %mul3A_120 = arith.constant 128 : i32
        %mul3A_121 = arith.muli %add3A_119, %mul3A_120 : i32
        %dma_wait3A_122 = arith.constant 1 : i32
        %dma_wait3A_123 = arith.constant 0 : i32
        %dma_wait3A_124 = arith.constant 0 : i32
        %dma_wait3A_125 = tpu.memref_slice %arg9[%dma_wait3A_122, %dma_wait3A_123, %dma_wait3A_124] : memref<2x128x128xf32, #tpu.memory_space<vmem>> -> memref<1x128x128xf32, #tpu.memory_space<vmem>>
        %dma_wait3A_126 = tpu.memref_squeeze %dma_wait3A_125 : memref<1x128x128xf32, #tpu.memory_space<vmem>> -> memref<128x128xf32, #tpu.memory_space<vmem>>
        %dma_wait3A_127 = arith.constant 0 : i32
        %dma_wait3A_128 = tpu.memref_slice %arg2[%mul3A_121, %dma_wait3A_127] : memref<80000x128xf32, #tpu.memory_space<hbm>> -> memref<128x128xf32, #tpu.memory_space<hbm>>
        %dma_wait3A_129 = arith.constant 0 : i32
        %dma_wait3A_130 = arith.constant 0 : i32
        %dma_wait3A_131 = tpu.memref_slice %arg9[%dma_wait3A_122, %dma_wait3A_129, %dma_wait3A_130] : memref<2x128x128xf32, #tpu.memory_space<vmem>> -> memref<1x128x128xf32, #tpu.memory_space<vmem>>
        %dma_wait3A_132 = tpu.memref_squeeze %dma_wait3A_131 : memref<1x128x128xf32, #tpu.memory_space<vmem>> -> memref<128x128xf32, #tpu.memory_space<vmem>>
        %dma_wait3A_133 = arith.constant 0 : i32
        %dma_wait3A_134 = tpu.memref_slice %arg2[%mul3A_121, %dma_wait3A_133] : memref<80000x128xf32, #tpu.memory_space<hbm>> -> memref<128x128xf32, #tpu.memory_space<hbm>>
        tpu.wait_dma2 semaphore(%arg11 : memref<!tpu.dma_semaphore, #tpu.memory_space<semaphore_mem>>) src(%dma_wait3A_134 : memref<128x128xf32, #tpu.memory_space<hbm>>) dst(%dma_wait3A_132 : memref<128x128xf32, #tpu.memory_space<vmem>>)
        %run_scoped3A_135 = arith.constant 1 : i32
        %run_scoped3A_136 = arith.constant 1 : i32
        "tpu.region"() ({
          %run_scoped3A_137 = tpu.sem_alloc : memref<!tpu.dma_semaphore, #tpu.memory_space<semaphore_mem>>
          %dma_start3A_138 = arith.constant 0 : i32
          %dma_start3A_139 = arith.constant 0 : i32
          %dma_start3A_140 = tpu.memref_slice %arg9[%run_scoped3A_135, %dma_start3A_138, %dma_start3A_139] : memref<2x128x128xf32, #tpu.memory_space<vmem>> -> memref<1x128x128xf32, #tpu.memory_space<vmem>>
          %dma_start3A_141 = tpu.memref_squeeze %dma_start3A_140 : memref<1x128x128xf32, #tpu.memory_space<vmem>> -> memref<128x128xf32, #tpu.memory_space<vmem>>
          %dma_start3A_142 = arith.constant 0 : i32
          %dma_start3A_143 = tpu.memref_slice %arg8[%run_scoped3A_136, %dma_start3A_142] : memref<2x128xi32, #tpu.memory_space<vmem>> -> memref<1x128xi32, #tpu.memory_space<vmem>>
          %dma_start3A_144 = tpu.memref_squeeze %dma_start3A_143 : memref<1x128xi32, #tpu.memory_space<vmem>> -> memref<128xi32, #tpu.memory_space<vmem>>
          %dma_start3A_145 = arith.constant 0 : i32
          %dma_start3A_146 = arith.constant 0 : i32
          %dma_start3A_147 = tpu.memref_slice %arg7[%dma_start3A_145, %dma_start3A_146] : memref<10240x128xf32, #tpu.memory_space<vmem_shared>> -> memref<10240x128xf32, #tpu.memory_space<vmem_shared>>
          tpu.enqueue_indirect_dma source(%dma_start3A_141 : memref<128x128xf32, #tpu.memory_space<vmem>>) target(%dma_start3A_147 : memref<10240x128xf32, #tpu.memory_space<vmem_shared>>) offsets(%dma_start3A_144 : memref<128xi32, #tpu.memory_space<vmem>>) semaphore(%run_scoped3A_137 : memref<!tpu.dma_semaphore, #tpu.memory_space<semaphore_mem>>) {add = true}
          %dma_wait3A_148 = arith.constant 0 : i32
          %dma_wait3A_149 = arith.constant 0 : i32
          %dma_wait3A_150 = tpu.memref_slice %arg9[%run_scoped3A_135, %dma_wait3A_148, %dma_wait3A_149] : memref<2x128x128xf32, #tpu.memory_space<vmem>> -> memref<1x128x128xf32, #tpu.memory_space<vmem>>
          %dma_wait3A_151 = tpu.memref_squeeze %dma_wait3A_150 : memref<1x128x128xf32, #tpu.memory_space<vmem>> -> memref<128x128xf32, #tpu.memory_space<vmem>>
          %dma_wait3A_152 = arith.constant 0 : i32
          %dma_wait3A_153 = tpu.memref_slice %arg8[%run_scoped3A_136, %dma_wait3A_152] : memref<2x128xi32, #tpu.memory_space<vmem>> -> memref<1x128xi32, #tpu.memory_space<vmem>>
          %dma_wait3A_154 = tpu.memref_squeeze %dma_wait3A_153 : memref<1x128xi32, #tpu.memory_space<vmem>> -> memref<128xi32, #tpu.memory_space<vmem>>
          %dma_wait3A_155 = arith.constant 0 : i32
          %dma_wait3A_156 = arith.constant 0 : i32
          %dma_wait3A_157 = tpu.memref_slice %arg7[%dma_wait3A_155, %dma_wait3A_156] : memref<10240x128xf32, #tpu.memory_space<vmem_shared>> -> memref<10240x128xf32, #tpu.memory_space<vmem_shared>>
          tpu.wait_indirect_dma semaphore(%run_scoped3A_137 : memref<!tpu.dma_semaphore, #tpu.memory_space<semaphore_mem>>) src(%dma_wait3A_151 : memref<128x128xf32, #tpu.memory_space<vmem>>) dst(%dma_wait3A_157 : memref<10240x128xf32, #tpu.memory_space<vmem_shared>>)
          tpu.yield
        }) : () -> ()
      }
      %scan3A_27 = arith.constant 19 : i32
      %add3A_28 = arith.constant 608 : i32
      %add3A_29 = arith.addi %arg1, %add3A_28 : i32
      %mul3A_30 = arith.constant 128 : i32
      %mul3A_31 = arith.muli %add3A_29, %mul3A_30 : i32
      %dma_wait3A = arith.constant 0 : i32
      %dma_wait3A_32 = arith.constant 0 : i32
      %dma_wait3A_33 = arith.constant 0 : i32
      %dma_wait3A_34 = tpu.memref_slice %arg9[%dma_wait3A, %dma_wait3A_32, %dma_wait3A_33] : memref<2x128x128xf32, #tpu.memory_space<vmem>> -> memref<1x128x128xf32, #tpu.memory_space<vmem>>
      %dma_wait3A_35 = tpu.memref_squeeze %dma_wait3A_34 : memref<1x128x128xf32, #tpu.memory_space<vmem>> -> memref<128x128xf32, #tpu.memory_space<vmem>>
      %dma_wait3A_36 = arith.constant 0 : i32
      %dma_wait3A_37 = tpu.memref_slice %arg2[%mul3A_31, %dma_wait3A_36] : memref<80000x128xf32, #tpu.memory_space<hbm>> -> memref<128x128xf32, #tpu.memory_space<hbm>>
      %dma_wait3A_38 = arith.constant 0 : i32
      %dma_wait3A_39 = arith.constant 0 : i32
      %dma_wait3A_40 = tpu.memref_slice %arg9[%dma_wait3A, %dma_wait3A_38, %dma_wait3A_39] : memref<2x128x128xf32, #tpu.memory_space<vmem>> -> memref<1x128x128xf32, #tpu.memory_space<vmem>>
      %dma_wait3A_41 = tpu.memref_squeeze %dma_wait3A_40 : memref<1x128x128xf32, #tpu.memory_space<vmem>> -> memref<128x128xf32, #tpu.memory_space<vmem>>
      %dma_wait3A_42 = arith.constant 0 : i32
      %dma_wait3A_43 = tpu.memref_slice %arg2[%mul3A_31, %dma_wait3A_42] : memref<80000x128xf32, #tpu.memory_space<hbm>> -> memref<128x128xf32, #tpu.memory_space<hbm>>
      tpu.wait_dma2 semaphore(%arg10 : memref<!tpu.dma_semaphore, #tpu.memory_space<semaphore_mem>>) src(%dma_wait3A_43 : memref<128x128xf32, #tpu.memory_space<hbm>>) dst(%dma_wait3A_41 : memref<128x128xf32, #tpu.memory_space<vmem>>)
      %run_scoped3A_44 = arith.constant 0 : i32
      %run_scoped3A_45 = arith.constant 0 : i32
      "tpu.region"() ({
        %run_scoped3A_50 = tpu.sem_alloc : memref<!tpu.dma_semaphore, #tpu.memory_space<semaphore_mem>>
        %dma_start3A_51 = arith.constant 0 : i32
        %dma_start3A_52 = arith.constant 0 : i32
        %dma_start3A_53 = tpu.memref_slice %arg9[%run_scoped3A_44, %dma_start3A_51, %dma_start3A_52] : memref<2x128x128xf32, #tpu.memory_space<vmem>> -> memref<1x128x128xf32, #tpu.memory_space<vmem>>
        %dma_start3A_54 = tpu.memref_squeeze %dma_start3A_53 : memref<1x128x128xf32, #tpu.memory_space<vmem>> -> memref<128x128xf32, #tpu.memory_space<vmem>>
        %dma_start3A_55 = arith.constant 0 : i32
        %dma_start3A_56 = tpu.memref_slice %arg8[%run_scoped3A_45, %dma_start3A_55] : memref<2x128xi32, #tpu.memory_space<vmem>> -> memref<1x128xi32, #tpu.memory_space<vmem>>
        %dma_start3A_57 = tpu.memref_squeeze %dma_start3A_56 : memref<1x128xi32, #tpu.memory_space<vmem>> -> memref<128xi32, #tpu.memory_space<vmem>>
        %dma_start3A_58 = arith.constant 0 : i32
        %dma_start3A_59 = arith.constant 0 : i32
        %dma_start3A_60 = tpu.memref_slice %arg7[%dma_start3A_58, %dma_start3A_59] : memref<10240x128xf32, #tpu.memory_space<vmem_shared>> -> memref<10240x128xf32, #tpu.memory_space<vmem_shared>>
        tpu.enqueue_indirect_dma source(%dma_start3A_54 : memref<128x128xf32, #tpu.memory_space<vmem>>) target(%dma_start3A_60 : memref<10240x128xf32, #tpu.memory_space<vmem_shared>>) offsets(%dma_start3A_57 : memref<128xi32, #tpu.memory_space<vmem>>) semaphore(%run_scoped3A_50 : memref<!tpu.dma_semaphore, #tpu.memory_space<semaphore_mem>>) {add = true}
        %dma_wait3A_61 = arith.constant 0 : i32
        %dma_wait3A_62 = arith.constant 0 : i32
        %dma_wait3A_63 = tpu.memref_slice %arg9[%run_scoped3A_44, %dma_wait3A_61, %dma_wait3A_62] : memref<2x128x128xf32, #tpu.memory_space<vmem>> -> memref<1x128x128xf32, #tpu.memory_space<vmem>>
        %dma_wait3A_64 = tpu.memref_squeeze %dma_wait3A_63 : memref<1x128x128xf32, #tpu.memory_space<vmem>> -> memref<128x128xf32, #tpu.memory_space<vmem>>
        %dma_wait3A_65 = arith.constant 0 : i32
        %dma_wait3A_66 = tpu.memref_slice %arg8[%run_scoped3A_45, %dma_wait3A_65] : memref<2x128xi32, #tpu.memory_space<vmem>> -> memref<1x128xi32, #tpu.memory_space<vmem>>
        %dma_wait3A_67 = tpu.memref_squeeze %dma_wait3A_66 : memref<1x128xi32, #tpu.memory_space<vmem>> -> memref<128xi32, #tpu.memory_space<vmem>>
        %dma_wait3A_68 = arith.constant 0 : i32
        %dma_wait3A_69 = arith.constant 0 : i32
        %dma_wait3A_70 = tpu.memref_slice %arg7[%dma_wait3A_68, %dma_wait3A_69] : memref<10240x128xf32, #tpu.memory_space<vmem_shared>> -> memref<10240x128xf32, #tpu.memory_space<vmem_shared>>
        tpu.wait_indirect_dma semaphore(%run_scoped3A_50 : memref<!tpu.dma_semaphore, #tpu.memory_space<semaphore_mem>>) src(%dma_wait3A_64 : memref<128x128xf32, #tpu.memory_space<vmem>>) dst(%dma_wait3A_70 : memref<10240x128xf32, #tpu.memory_space<vmem_shared>>)
        tpu.yield
      }) : () -> ()
      %lt3A = arith.constant 1 : i32
      %lt3A_46 = arith.cmpi slt, %arg1, %lt3A : i32
      %convert_element_type3A_47 = arith.extui %lt3A_46 : i1 to i32
      %cond3A_48 = arith.constant 0 : i32
      %cond3A_49 = arith.cmpi ne, %convert_element_type3A_47, %cond3A_48 : i32
      scf.if %cond3A_49 {
        %add3A_50 = arith.constant 624 : i32
        %add3A_51 = arith.addi %add3A_50, %arg1 : i32
        %mul3A_52 = arith.constant 128 : i32
        %mul3A_53 = arith.muli %add3A_51, %mul3A_52 : i32
        %run_scoped3A_54 = arith.constant 0 : i32
        "tpu.region"() ({
          %run_scoped3A_58 = tpu.sem_alloc : memref<!tpu.dma_semaphore, #tpu.memory_space<semaphore_mem>>
          %dma_start3A_59 = arith.constant 0 : i32
          %dma_start3A_60 = tpu.memref_slice %arg8[%run_scoped3A_54, %dma_start3A_59] : memref<2x128xi32, #tpu.memory_space<vmem>> -> memref<1x128xi32, #tpu.memory_space<vmem>>
          %dma_start3A_61 = tpu.memref_squeeze %dma_start3A_60 : memref<1x128xi32, #tpu.memory_space<vmem>> -> memref<128xi32, #tpu.memory_space<vmem>>
          %dma_start3A_62 = tpu.memref_slice %arg4[%mul3A_53] : memref<80000xi32, #tpu.memory_space<hbm>> -> memref<128xi32, #tpu.memory_space<hbm>>
          %dma_start3A_63 = arith.constant 0 : i32
          %dma_start3A_64 = tpu.memref_slice %arg8[%run_scoped3A_54, %dma_start3A_63] : memref<2x128xi32, #tpu.memory_space<vmem>> -> memref<1x128xi32, #tpu.memory_space<vmem>>
          %dma_start3A_65 = tpu.memref_squeeze %dma_start3A_64 : memref<1x128xi32, #tpu.memory_space<vmem>> -> memref<128xi32, #tpu.memory_space<vmem>>
          %dma_start3A_66 = tpu.memref_slice %arg4[%mul3A_53] : memref<80000xi32, #tpu.memory_space<hbm>> -> memref<128xi32, #tpu.memory_space<hbm>>
          tpu.enqueue_dma source(%dma_start3A_66 : memref<128xi32, #tpu.memory_space<hbm>>) target(%dma_start3A_65 : memref<128xi32, #tpu.memory_space<vmem>>) target_semaphore(%run_scoped3A_58 : memref<!tpu.dma_semaphore, #tpu.memory_space<semaphore_mem>>)
          %dma_wait3A_67 = arith.constant 0 : i32
          %dma_wait3A_68 = tpu.memref_slice %arg8[%run_scoped3A_54, %dma_wait3A_67] : memref<2x128xi32, #tpu.memory_space<vmem>> -> memref<1x128xi32, #tpu.memory_space<vmem>>
          %dma_wait3A_69 = tpu.memref_squeeze %dma_wait3A_68 : memref<1x128xi32, #tpu.memory_space<vmem>> -> memref<128xi32, #tpu.memory_space<vmem>>
          %dma_wait3A_70 = tpu.memref_slice %arg4[%mul3A_53] : memref<80000xi32, #tpu.memory_space<hbm>> -> memref<128xi32, #tpu.memory_space<hbm>>
          %dma_wait3A_71 = arith.constant 0 : i32
          %dma_wait3A_72 = tpu.memref_slice %arg8[%run_scoped3A_54, %dma_wait3A_71] : memref<2x128xi32, #tpu.memory_space<vmem>> -> memref<1x128xi32, #tpu.memory_space<vmem>>
          %dma_wait3A_73 = tpu.memref_squeeze %dma_wait3A_72 : memref<1x128xi32, #tpu.memory_space<vmem>> -> memref<128xi32, #tpu.memory_space<vmem>>
          %dma_wait3A_74 = tpu.memref_slice %arg4[%mul3A_53] : memref<80000xi32, #tpu.memory_space<hbm>> -> memref<128xi32, #tpu.memory_space<hbm>>
          tpu.wait_dma2 semaphore(%run_scoped3A_58 : memref<!tpu.dma_semaphore, #tpu.memory_space<semaphore_mem>>) src(%dma_wait3A_74 : memref<128xi32, #tpu.memory_space<hbm>>) dst(%dma_wait3A_73 : memref<128xi32, #tpu.memory_space<vmem>>)
          tpu.yield
        }) : () -> ()
        %run_scoped3A_55 = arith.constant 0 : i32
        "tpu.region"() ({
          %run_scoped3A_58 = tpu.sem_alloc : memref<!tpu.dma_semaphore, #tpu.memory_space<semaphore_mem>>
          %dma_start3A_59 = arith.constant 0 : i32
          %dma_start3A_60 = arith.constant 0 : i32
          %dma_start3A_61 = tpu.memref_slice %arg9[%run_scoped3A_55, %dma_start3A_59, %dma_start3A_60] : memref<2x128x128xf32, #tpu.memory_space<vmem>> -> memref<1x128x128xf32, #tpu.memory_space<vmem>>
          %dma_start3A_62 = tpu.memref_squeeze %dma_start3A_61 : memref<1x128x128xf32, #tpu.memory_space<vmem>> -> memref<128x128xf32, #tpu.memory_space<vmem>>
          %dma_start3A_63 = arith.constant 0 : i32
          %dma_start3A_64 = tpu.memref_slice %arg2[%mul3A_53, %dma_start3A_63] : memref<80000x128xf32, #tpu.memory_space<hbm>> -> memref<128x128xf32, #tpu.memory_space<hbm>>
          %dma_start3A_65 = arith.constant 0 : i32
          %dma_start3A_66 = arith.constant 0 : i32
          %dma_start3A_67 = tpu.memref_slice %arg9[%run_scoped3A_55, %dma_start3A_65, %dma_start3A_66] : memref<2x128x128xf32, #tpu.memory_space<vmem>> -> memref<1x128x128xf32, #tpu.memory_space<vmem>>
          %dma_start3A_68 = tpu.memref_squeeze %dma_start3A_67 : memref<1x128x128xf32, #tpu.memory_space<vmem>> -> memref<128x128xf32, #tpu.memory_space<vmem>>
          %dma_start3A_69 = arith.constant 0 : i32
          %dma_start3A_70 = tpu.memref_slice %arg2[%mul3A_53, %dma_start3A_69] : memref<80000x128xf32, #tpu.memory_space<hbm>> -> memref<128x128xf32, #tpu.memory_space<hbm>>
          tpu.enqueue_dma source(%dma_start3A_70 : memref<128x128xf32, #tpu.memory_space<hbm>>) target(%dma_start3A_68 : memref<128x128xf32, #tpu.memory_space<vmem>>) target_semaphore(%run_scoped3A_58 : memref<!tpu.dma_semaphore, #tpu.memory_space<semaphore_mem>>)
          %dma_wait3A_71 = arith.constant 0 : i32
          %dma_wait3A_72 = arith.constant 0 : i32
          %dma_wait3A_73 = tpu.memref_slice %arg9[%run_scoped3A_55, %dma_wait3A_71, %dma_wait3A_72] : memref<2x128x128xf32, #tpu.memory_space<vmem>> -> memref<1x128x128xf32, #tpu.memory_space<vmem>>
          %dma_wait3A_74 = tpu.memref_squeeze %dma_wait3A_73 : memref<1x128x128xf32, #tpu.memory_space<vmem>> -> memref<128x128xf32, #tpu.memory_space<vmem>>
          %dma_wait3A_75 = arith.constant 0 : i32
          %dma_wait3A_76 = tpu.memref_slice %arg2[%mul3A_53, %dma_wait3A_75] : memref<80000x128xf32, #tpu.memory_space<hbm>> -> memref<128x128xf32, #tpu.memory_space<hbm>>
          %dma_wait3A_77 = arith.constant 0 : i32
          %dma_wait3A_78 = arith.constant 0 : i32
          %dma_wait3A_79 = tpu.memref_slice %arg9[%run_scoped3A_55, %dma_wait3A_77, %dma_wait3A_78] : memref<2x128x128xf32, #tpu.memory_space<vmem>> -> memref<1x128x128xf32, #tpu.memory_space<vmem>>
          %dma_wait3A_80 = tpu.memref_squeeze %dma_wait3A_79 : memref<1x128x128xf32, #tpu.memory_space<vmem>> -> memref<128x128xf32, #tpu.memory_space<vmem>>
          %dma_wait3A_81 = arith.constant 0 : i32
          %dma_wait3A_82 = tpu.memref_slice %arg2[%mul3A_53, %dma_wait3A_81] : memref<80000x128xf32, #tpu.memory_space<hbm>> -> memref<128x128xf32, #tpu.memory_space<hbm>>
          tpu.wait_dma2 semaphore(%run_scoped3A_58 : memref<!tpu.dma_semaphore, #tpu.memory_space<semaphore_mem>>) src(%dma_wait3A_82 : memref<128x128xf32, #tpu.memory_space<hbm>>) dst(%dma_wait3A_80 : memref<128x128xf32, #tpu.memory_space<vmem>>)
          tpu.yield
        }) : () -> ()
        %run_scoped3A_56 = arith.constant 0 : i32
        %run_scoped3A_57 = arith.constant 0 : i32
        "tpu.region"() ({
          %run_scoped3A_58 = tpu.sem_alloc : memref<!tpu.dma_semaphore, #tpu.memory_space<semaphore_mem>>
          %dma_start3A_59 = arith.constant 0 : i32
          %dma_start3A_60 = arith.constant 0 : i32
          %dma_start3A_61 = tpu.memref_slice %arg9[%run_scoped3A_56, %dma_start3A_59, %dma_start3A_60] : memref<2x128x128xf32, #tpu.memory_space<vmem>> -> memref<1x128x128xf32, #tpu.memory_space<vmem>>
          %dma_start3A_62 = tpu.memref_squeeze %dma_start3A_61 : memref<1x128x128xf32, #tpu.memory_space<vmem>> -> memref<128x128xf32, #tpu.memory_space<vmem>>
          %dma_start3A_63 = arith.constant 0 : i32
          %dma_start3A_64 = tpu.memref_slice %arg8[%run_scoped3A_57, %dma_start3A_63] : memref<2x128xi32, #tpu.memory_space<vmem>> -> memref<1x128xi32, #tpu.memory_space<vmem>>
          %dma_start3A_65 = tpu.memref_squeeze %dma_start3A_64 : memref<1x128xi32, #tpu.memory_space<vmem>> -> memref<128xi32, #tpu.memory_space<vmem>>
          %dma_start3A_66 = arith.constant 0 : i32
          %dma_start3A_67 = arith.constant 0 : i32
          %dma_start3A_68 = tpu.memref_slice %arg7[%dma_start3A_66, %dma_start3A_67] : memref<10240x128xf32, #tpu.memory_space<vmem_shared>> -> memref<10240x128xf32, #tpu.memory_space<vmem_shared>>
          tpu.enqueue_indirect_dma source(%dma_start3A_62 : memref<128x128xf32, #tpu.memory_space<vmem>>) target(%dma_start3A_68 : memref<10240x128xf32, #tpu.memory_space<vmem_shared>>) offsets(%dma_start3A_65 : memref<128xi32, #tpu.memory_space<vmem>>) semaphore(%run_scoped3A_58 : memref<!tpu.dma_semaphore, #tpu.memory_space<semaphore_mem>>) {add = true}
          %dma_wait3A_69 = arith.constant 0 : i32
          %dma_wait3A_70 = arith.constant 0 : i32
          %dma_wait3A_71 = tpu.memref_slice %arg9[%run_scoped3A_56, %dma_wait3A_69, %dma_wait3A_70] : memref<2x128x128xf32, #tpu.memory_space<vmem>> -> memref<1x128x128xf32, #tpu.memory_space<vmem>>
          %dma_wait3A_72 = tpu.memref_squeeze %dma_wait3A_71 : memref<1x128x128xf32, #tpu.memory_space<vmem>> -> memref<128x128xf32, #tpu.memory_space<vmem>>
          %dma_wait3A_73 = arith.constant 0 : i32
          %dma_wait3A_74 = tpu.memref_slice %arg8[%run_scoped3A_57, %dma_wait3A_73] : memref<2x128xi32, #tpu.memory_space<vmem>> -> memref<1x128xi32, #tpu.memory_space<vmem>>
          %dma_wait3A_75 = tpu.memref_squeeze %dma_wait3A_74 : memref<1x128xi32, #tpu.memory_space<vmem>> -> memref<128xi32, #tpu.memory_space<vmem>>
          %dma_wait3A_76 = arith.constant 0 : i32
          %dma_wait3A_77 = arith.constant 0 : i32
          %dma_wait3A_78 = tpu.memref_slice %arg7[%dma_wait3A_76, %dma_wait3A_77] : memref<10240x128xf32, #tpu.memory_space<vmem_shared>> -> memref<10240x128xf32, #tpu.memory_space<vmem_shared>>
          tpu.wait_indirect_dma semaphore(%run_scoped3A_58 : memref<!tpu.dma_semaphore, #tpu.memory_space<semaphore_mem>>) src(%dma_wait3A_72 : memref<128x128xf32, #tpu.memory_space<vmem>>) dst(%dma_wait3A_78 : memref<10240x128xf32, #tpu.memory_space<vmem_shared>>)
          tpu.yield
        }) : () -> ()
      } else {
      }
    } else {
    }
    %eq3A_3 = arith.constant 1 : i32
    %eq3A_4 = arith.cmpi eq, %arg0, %eq3A_3 : i32
    %convert_element_type3A_5 = arith.extui %eq3A_4 : i1 to i32
    %cond3A_6 = arith.constant 0 : i32
    %cond3A_7 = arith.cmpi ne, %convert_element_type3A_5, %cond3A_6 : i32
    scf.if %cond3A_7 {
      %add3A = arith.constant 0 : i32
      %add3A_9 = arith.addi %arg1, %add3A : i32
      %mul3A_10 = arith.constant 128 : i32
      %mul3A_11 = arith.muli %add3A_9, %mul3A_10 : i32
      %run_scoped3A = arith.constant 0 : i32
      "tpu.region"() ({
        %run_scoped3A_50 = tpu.sem_alloc : memref<!tpu.dma_semaphore, #tpu.memory_space<semaphore_mem>>
        %dma_start3A_51 = arith.constant 0 : i32
        %dma_start3A_52 = tpu.memref_slice %arg8[%run_scoped3A, %dma_start3A_51] : memref<2x128xi32, #tpu.memory_space<vmem>> -> memref<1x128xi32, #tpu.memory_space<vmem>>
        %dma_start3A_53 = tpu.memref_squeeze %dma_start3A_52 : memref<1x128xi32, #tpu.memory_space<vmem>> -> memref<128xi32, #tpu.memory_space<vmem>>
        %dma_start3A_54 = tpu.memref_slice %arg4[%mul3A_11] : memref<80000xi32, #tpu.memory_space<hbm>> -> memref<128xi32, #tpu.memory_space<hbm>>
        %dma_start3A_55 = arith.constant 0 : i32
        %dma_start3A_56 = tpu.memref_slice %arg8[%run_scoped3A, %dma_start3A_55] : memref<2x128xi32, #tpu.memory_space<vmem>> -> memref<1x128xi32, #tpu.memory_space<vmem>>
        %dma_start3A_57 = tpu.memref_squeeze %dma_start3A_56 : memref<1x128xi32, #tpu.memory_space<vmem>> -> memref<128xi32, #tpu.memory_space<vmem>>
        %dma_start3A_58 = tpu.memref_slice %arg4[%mul3A_11] : memref<80000xi32, #tpu.memory_space<hbm>> -> memref<128xi32, #tpu.memory_space<hbm>>
        tpu.enqueue_dma source(%dma_start3A_58 : memref<128xi32, #tpu.memory_space<hbm>>) target(%dma_start3A_57 : memref<128xi32, #tpu.memory_space<vmem>>) target_semaphore(%run_scoped3A_50 : memref<!tpu.dma_semaphore, #tpu.memory_space<semaphore_mem>>)
        %dma_wait3A_59 = arith.constant 0 : i32
        %dma_wait3A_60 = tpu.memref_slice %arg8[%run_scoped3A, %dma_wait3A_59] : memref<2x128xi32, #tpu.memory_space<vmem>> -> memref<1x128xi32, #tpu.memory_space<vmem>>
        %dma_wait3A_61 = tpu.memref_squeeze %dma_wait3A_60 : memref<1x128xi32, #tpu.memory_space<vmem>> -> memref<128xi32, #tpu.memory_space<vmem>>
        %dma_wait3A_62 = tpu.memref_slice %arg4[%mul3A_11] : memref<80000xi32, #tpu.memory_space<hbm>> -> memref<128xi32, #tpu.memory_space<hbm>>
        %dma_wait3A_63 = arith.constant 0 : i32
        %dma_wait3A_64 = tpu.memref_slice %arg8[%run_scoped3A, %dma_wait3A_63] : memref<2x128xi32, #tpu.memory_space<vmem>> -> memref<1x128xi32, #tpu.memory_space<vmem>>
        %dma_wait3A_65 = tpu.memref_squeeze %dma_wait3A_64 : memref<1x128xi32, #tpu.memory_space<vmem>> -> memref<128xi32, #tpu.memory_space<vmem>>
        %dma_wait3A_66 = tpu.memref_slice %arg4[%mul3A_11] : memref<80000xi32, #tpu.memory_space<hbm>> -> memref<128xi32, #tpu.memory_space<hbm>>
        tpu.wait_dma2 semaphore(%run_scoped3A_50 : memref<!tpu.dma_semaphore, #tpu.memory_space<semaphore_mem>>) src(%dma_wait3A_66 : memref<128xi32, #tpu.memory_space<hbm>>) dst(%dma_wait3A_65 : memref<128xi32, #tpu.memory_space<vmem>>)
        tpu.yield
      }) : () -> ()
      %dma_start3A = arith.constant 0 : i32
      %dma_start3A_12 = arith.constant 0 : i32
      %dma_start3A_13 = arith.constant 0 : i32
      %dma_start3A_14 = tpu.memref_slice %arg9[%dma_start3A, %dma_start3A_12, %dma_start3A_13] : memref<2x128x128xf32, #tpu.memory_space<vmem>> -> memref<1x128x128xf32, #tpu.memory_space<vmem>>
      %dma_start3A_15 = tpu.memref_squeeze %dma_start3A_14 : memref<1x128x128xf32, #tpu.memory_space<vmem>> -> memref<128x128xf32, #tpu.memory_space<vmem>>
      %dma_start3A_16 = arith.constant 0 : i32
      %dma_start3A_17 = tpu.memref_slice %arg3[%mul3A_11, %dma_start3A_16] : memref<80000x128xf32, #tpu.memory_space<hbm>> -> memref<128x128xf32, #tpu.memory_space<hbm>>
      %dma_start3A_18 = arith.constant 0 : i32
      %dma_start3A_19 = arith.constant 0 : i32
      %dma_start3A_20 = tpu.memref_slice %arg9[%dma_start3A, %dma_start3A_18, %dma_start3A_19] : memref<2x128x128xf32, #tpu.memory_space<vmem>> -> memref<1x128x128xf32, #tpu.memory_space<vmem>>
      %dma_start3A_21 = tpu.memref_squeeze %dma_start3A_20 : memref<1x128x128xf32, #tpu.memory_space<vmem>> -> memref<128x128xf32, #tpu.memory_space<vmem>>
      %dma_start3A_22 = arith.constant 0 : i32
      %dma_start3A_23 = tpu.memref_slice %arg3[%mul3A_11, %dma_start3A_22] : memref<80000x128xf32, #tpu.memory_space<hbm>> -> memref<128x128xf32, #tpu.memory_space<hbm>>
      tpu.enqueue_dma source(%dma_start3A_23 : memref<128x128xf32, #tpu.memory_space<hbm>>) target(%dma_start3A_21 : memref<128x128xf32, #tpu.memory_space<vmem>>) target_semaphore(%arg10 : memref<!tpu.dma_semaphore, #tpu.memory_space<semaphore_mem>>)
      %scan3A = arith.constant 0 : i32
      %scan3A_24 = arith.constant 19 : i32
      %scan3A_25 = arith.addi %scan3A, %scan3A_24 : i32
      %scan3A_26 = arith.constant 1 : i32
      scf.for %scan3A_50 = %scan3A to %scan3A_25 step %scan3A_26  : i32 {
        %mul3A_51 = arith.constant 2 : i32
        %mul3A_52 = arith.muli %mul3A_51, %scan3A_50 : i32
        %add3A_53 = arith.constant 1 : i32
        %add3A_54 = arith.addi %mul3A_52, %add3A_53 : i32
        %mul3A_55 = arith.constant 16 : i32
        %mul3A_56 = arith.muli %add3A_54, %mul3A_55 : i32
        %add3A_57 = arith.addi %arg1, %mul3A_56 : i32
        %mul3A_58 = arith.constant 128 : i32
        %mul3A_59 = arith.muli %add3A_57, %mul3A_58 : i32
        %run_scoped3A_60 = arith.constant 1 : i32
        "tpu.region"() ({
          %run_scoped3A_137 = tpu.sem_alloc : memref<!tpu.dma_semaphore, #tpu.memory_space<semaphore_mem>>
          %dma_start3A_138 = arith.constant 0 : i32
          %dma_start3A_139 = tpu.memref_slice %arg8[%run_scoped3A_60, %dma_start3A_138] : memref<2x128xi32, #tpu.memory_space<vmem>> -> memref<1x128xi32, #tpu.memory_space<vmem>>
          %dma_start3A_140 = tpu.memref_squeeze %dma_start3A_139 : memref<1x128xi32, #tpu.memory_space<vmem>> -> memref<128xi32, #tpu.memory_space<vmem>>
          %dma_start3A_141 = tpu.memref_slice %arg4[%mul3A_59] : memref<80000xi32, #tpu.memory_space<hbm>> -> memref<128xi32, #tpu.memory_space<hbm>>
          %dma_start3A_142 = arith.constant 0 : i32
          %dma_start3A_143 = tpu.memref_slice %arg8[%run_scoped3A_60, %dma_start3A_142] : memref<2x128xi32, #tpu.memory_space<vmem>> -> memref<1x128xi32, #tpu.memory_space<vmem>>
          %dma_start3A_144 = tpu.memref_squeeze %dma_start3A_143 : memref<1x128xi32, #tpu.memory_space<vmem>> -> memref<128xi32, #tpu.memory_space<vmem>>
          %dma_start3A_145 = tpu.memref_slice %arg4[%mul3A_59] : memref<80000xi32, #tpu.memory_space<hbm>> -> memref<128xi32, #tpu.memory_space<hbm>>
          tpu.enqueue_dma source(%dma_start3A_145 : memref<128xi32, #tpu.memory_space<hbm>>) target(%dma_start3A_144 : memref<128xi32, #tpu.memory_space<vmem>>) target_semaphore(%run_scoped3A_137 : memref<!tpu.dma_semaphore, #tpu.memory_space<semaphore_mem>>)
          %dma_wait3A_146 = arith.constant 0 : i32
          %dma_wait3A_147 = tpu.memref_slice %arg8[%run_scoped3A_60, %dma_wait3A_146] : memref<2x128xi32, #tpu.memory_space<vmem>> -> memref<1x128xi32, #tpu.memory_space<vmem>>
          %dma_wait3A_148 = tpu.memref_squeeze %dma_wait3A_147 : memref<1x128xi32, #tpu.memory_space<vmem>> -> memref<128xi32, #tpu.memory_space<vmem>>
          %dma_wait3A_149 = tpu.memref_slice %arg4[%mul3A_59] : memref<80000xi32, #tpu.memory_space<hbm>> -> memref<128xi32, #tpu.memory_space<hbm>>
          %dma_wait3A_150 = arith.constant 0 : i32
          %dma_wait3A_151 = tpu.memref_slice %arg8[%run_scoped3A_60, %dma_wait3A_150] : memref<2x128xi32, #tpu.memory_space<vmem>> -> memref<1x128xi32, #tpu.memory_space<vmem>>
          %dma_wait3A_152 = tpu.memref_squeeze %dma_wait3A_151 : memref<1x128xi32, #tpu.memory_space<vmem>> -> memref<128xi32, #tpu.memory_space<vmem>>
          %dma_wait3A_153 = tpu.memref_slice %arg4[%mul3A_59] : memref<80000xi32, #tpu.memory_space<hbm>> -> memref<128xi32, #tpu.memory_space<hbm>>
          tpu.wait_dma2 semaphore(%run_scoped3A_137 : memref<!tpu.dma_semaphore, #tpu.memory_space<semaphore_mem>>) src(%dma_wait3A_153 : memref<128xi32, #tpu.memory_space<hbm>>) dst(%dma_wait3A_152 : memref<128xi32, #tpu.memory_space<vmem>>)
          tpu.yield
        }) : () -> ()
        %dma_start3A_61 = arith.constant 1 : i32
        %dma_start3A_62 = arith.constant 0 : i32
        %dma_start3A_63 = arith.constant 0 : i32
        %dma_start3A_64 = tpu.memref_slice %arg9[%dma_start3A_61, %dma_start3A_62, %dma_start3A_63] : memref<2x128x128xf32, #tpu.memory_space<vmem>> -> memref<1x128x128xf32, #tpu.memory_space<vmem>>
        %dma_start3A_65 = tpu.memref_squeeze %dma_start3A_64 : memref<1x128x128xf32, #tpu.memory_space<vmem>> -> memref<128x128xf32, #tpu.memory_space<vmem>>
        %dma_start3A_66 = arith.constant 0 : i32
        %dma_start3A_67 = tpu.memref_slice %arg3[%mul3A_59, %dma_start3A_66] : memref<80000x128xf32, #tpu.memory_space<hbm>> -> memref<128x128xf32, #tpu.memory_space<hbm>>
        %dma_start3A_68 = arith.constant 0 : i32
        %dma_start3A_69 = arith.constant 0 : i32
        %dma_start3A_70 = tpu.memref_slice %arg9[%dma_start3A_61, %dma_start3A_68, %dma_start3A_69] : memref<2x128x128xf32, #tpu.memory_space<vmem>> -> memref<1x128x128xf32, #tpu.memory_space<vmem>>
        %dma_start3A_71 = tpu.memref_squeeze %dma_start3A_70 : memref<1x128x128xf32, #tpu.memory_space<vmem>> -> memref<128x128xf32, #tpu.memory_space<vmem>>
        %dma_start3A_72 = arith.constant 0 : i32
        %dma_start3A_73 = tpu.memref_slice %arg3[%mul3A_59, %dma_start3A_72] : memref<80000x128xf32, #tpu.memory_space<hbm>> -> memref<128x128xf32, #tpu.memory_space<hbm>>
        tpu.enqueue_dma source(%dma_start3A_73 : memref<128x128xf32, #tpu.memory_space<hbm>>) target(%dma_start3A_71 : memref<128x128xf32, #tpu.memory_space<vmem>>) target_semaphore(%arg11 : memref<!tpu.dma_semaphore, #tpu.memory_space<semaphore_mem>>)
        %mul3A_74 = arith.constant 16 : i32
        %mul3A_75 = arith.muli %mul3A_52, %mul3A_74 : i32
        %add3A_76 = arith.addi %arg1, %mul3A_75 : i32
        %mul3A_77 = arith.constant 128 : i32
        %mul3A_78 = arith.muli %add3A_76, %mul3A_77 : i32
        %dma_wait3A_79 = arith.constant 0 : i32
        %dma_wait3A_80 = arith.constant 0 : i32
        %dma_wait3A_81 = arith.constant 0 : i32
        %dma_wait3A_82 = tpu.memref_slice %arg9[%dma_wait3A_79, %dma_wait3A_80, %dma_wait3A_81] : memref<2x128x128xf32, #tpu.memory_space<vmem>> -> memref<1x128x128xf32, #tpu.memory_space<vmem>>
        %dma_wait3A_83 = tpu.memref_squeeze %dma_wait3A_82 : memref<1x128x128xf32, #tpu.memory_space<vmem>> -> memref<128x128xf32, #tpu.memory_space<vmem>>
        %dma_wait3A_84 = arith.constant 0 : i32
        %dma_wait3A_85 = tpu.memref_slice %arg3[%mul3A_78, %dma_wait3A_84] : memref<80000x128xf32, #tpu.memory_space<hbm>> -> memref<128x128xf32, #tpu.memory_space<hbm>>
        %dma_wait3A_86 = arith.constant 0 : i32
        %dma_wait3A_87 = arith.constant 0 : i32
        %dma_wait3A_88 = tpu.memref_slice %arg9[%dma_wait3A_79, %dma_wait3A_86, %dma_wait3A_87] : memref<2x128x128xf32, #tpu.memory_space<vmem>> -> memref<1x128x128xf32, #tpu.memory_space<vmem>>
        %dma_wait3A_89 = tpu.memref_squeeze %dma_wait3A_88 : memref<1x128x128xf32, #tpu.memory_space<vmem>> -> memref<128x128xf32, #tpu.memory_space<vmem>>
        %dma_wait3A_90 = arith.constant 0 : i32
        %dma_wait3A_91 = tpu.memref_slice %arg3[%mul3A_78, %dma_wait3A_90] : memref<80000x128xf32, #tpu.memory_space<hbm>> -> memref<128x128xf32, #tpu.memory_space<hbm>>
        tpu.wait_dma2 semaphore(%arg10 : memref<!tpu.dma_semaphore, #tpu.memory_space<semaphore_mem>>) src(%dma_wait3A_91 : memref<128x128xf32, #tpu.memory_space<hbm>>) dst(%dma_wait3A_89 : memref<128x128xf32, #tpu.memory_space<vmem>>)
        %run_scoped3A_92 = arith.constant 0 : i32
        %run_scoped3A_93 = arith.constant 0 : i32
        "tpu.region"() ({
          %run_scoped3A_137 = tpu.sem_alloc : memref<!tpu.dma_semaphore, #tpu.memory_space<semaphore_mem>>
          %dma_start3A_138 = arith.constant 0 : i32
          %dma_start3A_139 = arith.constant 0 : i32
          %dma_start3A_140 = tpu.memref_slice %arg9[%run_scoped3A_92, %dma_start3A_138, %dma_start3A_139] : memref<2x128x128xf32, #tpu.memory_space<vmem>> -> memref<1x128x128xf32, #tpu.memory_space<vmem>>
          %dma_start3A_141 = tpu.memref_squeeze %dma_start3A_140 : memref<1x128x128xf32, #tpu.memory_space<vmem>> -> memref<128x128xf32, #tpu.memory_space<vmem>>
          %dma_start3A_142 = arith.constant 0 : i32
          %dma_start3A_143 = tpu.memref_slice %arg8[%run_scoped3A_93, %dma_start3A_142] : memref<2x128xi32, #tpu.memory_space<vmem>> -> memref<1x128xi32, #tpu.memory_space<vmem>>
          %dma_start3A_144 = tpu.memref_squeeze %dma_start3A_143 : memref<1x128xi32, #tpu.memory_space<vmem>> -> memref<128xi32, #tpu.memory_space<vmem>>
          %dma_start3A_145 = arith.constant 0 : i32
          %dma_start3A_146 = arith.constant 0 : i32
          %dma_start3A_147 = tpu.memref_slice %arg7[%dma_start3A_145, %dma_start3A_146] : memref<10240x128xf32, #tpu.memory_space<vmem_shared>> -> memref<10240x128xf32, #tpu.memory_space<vmem_shared>>
          tpu.enqueue_indirect_dma source(%dma_start3A_141 : memref<128x128xf32, #tpu.memory_space<vmem>>) target(%dma_start3A_147 : memref<10240x128xf32, #tpu.memory_space<vmem_shared>>) offsets(%dma_start3A_144 : memref<128xi32, #tpu.memory_space<vmem>>) semaphore(%run_scoped3A_137 : memref<!tpu.dma_semaphore, #tpu.memory_space<semaphore_mem>>) {add = true}
          %dma_wait3A_148 = arith.constant 0 : i32
          %dma_wait3A_149 = arith.constant 0 : i32
          %dma_wait3A_150 = tpu.memref_slice %arg9[%run_scoped3A_92, %dma_wait3A_148, %dma_wait3A_149] : memref<2x128x128xf32, #tpu.memory_space<vmem>> -> memref<1x128x128xf32, #tpu.memory_space<vmem>>
          %dma_wait3A_151 = tpu.memref_squeeze %dma_wait3A_150 : memref<1x128x128xf32, #tpu.memory_space<vmem>> -> memref<128x128xf32, #tpu.memory_space<vmem>>
          %dma_wait3A_152 = arith.constant 0 : i32
          %dma_wait3A_153 = tpu.memref_slice %arg8[%run_scoped3A_93, %dma_wait3A_152] : memref<2x128xi32, #tpu.memory_space<vmem>> -> memref<1x128xi32, #tpu.memory_space<vmem>>
          %dma_wait3A_154 = tpu.memref_squeeze %dma_wait3A_153 : memref<1x128xi32, #tpu.memory_space<vmem>> -> memref<128xi32, #tpu.memory_space<vmem>>
          %dma_wait3A_155 = arith.constant 0 : i32
          %dma_wait3A_156 = arith.constant 0 : i32
          %dma_wait3A_157 = tpu.memref_slice %arg7[%dma_wait3A_155, %dma_wait3A_156] : memref<10240x128xf32, #tpu.memory_space<vmem_shared>> -> memref<10240x128xf32, #tpu.memory_space<vmem_shared>>
          tpu.wait_indirect_dma semaphore(%run_scoped3A_137 : memref<!tpu.dma_semaphore, #tpu.memory_space<semaphore_mem>>) src(%dma_wait3A_151 : memref<128x128xf32, #tpu.memory_space<vmem>>) dst(%dma_wait3A_157 : memref<10240x128xf32, #tpu.memory_space<vmem_shared>>)
          tpu.yield
        }) : () -> ()
        %add3A_94 = arith.constant 2 : i32
        %add3A_95 = arith.addi %mul3A_52, %add3A_94 : i32
        %mul3A_96 = arith.constant 16 : i32
        %mul3A_97 = arith.muli %add3A_95, %mul3A_96 : i32
        %add3A_98 = arith.addi %arg1, %mul3A_97 : i32
        %mul3A_99 = arith.constant 128 : i32
        %mul3A_100 = arith.muli %add3A_98, %mul3A_99 : i32
        %run_scoped3A_101 = arith.constant 0 : i32
        "tpu.region"() ({
          %run_scoped3A_137 = tpu.sem_alloc : memref<!tpu.dma_semaphore, #tpu.memory_space<semaphore_mem>>
          %dma_start3A_138 = arith.constant 0 : i32
          %dma_start3A_139 = tpu.memref_slice %arg8[%run_scoped3A_101, %dma_start3A_138] : memref<2x128xi32, #tpu.memory_space<vmem>> -> memref<1x128xi32, #tpu.memory_space<vmem>>
          %dma_start3A_140 = tpu.memref_squeeze %dma_start3A_139 : memref<1x128xi32, #tpu.memory_space<vmem>> -> memref<128xi32, #tpu.memory_space<vmem>>
          %dma_start3A_141 = tpu.memref_slice %arg4[%mul3A_100] : memref<80000xi32, #tpu.memory_space<hbm>> -> memref<128xi32, #tpu.memory_space<hbm>>
          %dma_start3A_142 = arith.constant 0 : i32
          %dma_start3A_143 = tpu.memref_slice %arg8[%run_scoped3A_101, %dma_start3A_142] : memref<2x128xi32, #tpu.memory_space<vmem>> -> memref<1x128xi32, #tpu.memory_space<vmem>>
          %dma_start3A_144 = tpu.memref_squeeze %dma_start3A_143 : memref<1x128xi32, #tpu.memory_space<vmem>> -> memref<128xi32, #tpu.memory_space<vmem>>
          %dma_start3A_145 = tpu.memref_slice %arg4[%mul3A_100] : memref<80000xi32, #tpu.memory_space<hbm>> -> memref<128xi32, #tpu.memory_space<hbm>>
          tpu.enqueue_dma source(%dma_start3A_145 : memref<128xi32, #tpu.memory_space<hbm>>) target(%dma_start3A_144 : memref<128xi32, #tpu.memory_space<vmem>>) target_semaphore(%run_scoped3A_137 : memref<!tpu.dma_semaphore, #tpu.memory_space<semaphore_mem>>)
          %dma_wait3A_146 = arith.constant 0 : i32
          %dma_wait3A_147 = tpu.memref_slice %arg8[%run_scoped3A_101, %dma_wait3A_146] : memref<2x128xi32, #tpu.memory_space<vmem>> -> memref<1x128xi32, #tpu.memory_space<vmem>>
          %dma_wait3A_148 = tpu.memref_squeeze %dma_wait3A_147 : memref<1x128xi32, #tpu.memory_space<vmem>> -> memref<128xi32, #tpu.memory_space<vmem>>
          %dma_wait3A_149 = tpu.memref_slice %arg4[%mul3A_100] : memref<80000xi32, #tpu.memory_space<hbm>> -> memref<128xi32, #tpu.memory_space<hbm>>
          %dma_wait3A_150 = arith.constant 0 : i32
          %dma_wait3A_151 = tpu.memref_slice %arg8[%run_scoped3A_101, %dma_wait3A_150] : memref<2x128xi32, #tpu.memory_space<vmem>> -> memref<1x128xi32, #tpu.memory_space<vmem>>
          %dma_wait3A_152 = tpu.memref_squeeze %dma_wait3A_151 : memref<1x128xi32, #tpu.memory_space<vmem>> -> memref<128xi32, #tpu.memory_space<vmem>>
          %dma_wait3A_153 = tpu.memref_slice %arg4[%mul3A_100] : memref<80000xi32, #tpu.memory_space<hbm>> -> memref<128xi32, #tpu.memory_space<hbm>>
          tpu.wait_dma2 semaphore(%run_scoped3A_137 : memref<!tpu.dma_semaphore, #tpu.memory_space<semaphore_mem>>) src(%dma_wait3A_153 : memref<128xi32, #tpu.memory_space<hbm>>) dst(%dma_wait3A_152 : memref<128xi32, #tpu.memory_space<vmem>>)
          tpu.yield
        }) : () -> ()
        %dma_start3A_102 = arith.constant 0 : i32
        %dma_start3A_103 = arith.constant 0 : i32
        %dma_start3A_104 = arith.constant 0 : i32
        %dma_start3A_105 = tpu.memref_slice %arg9[%dma_start3A_102, %dma_start3A_103, %dma_start3A_104] : memref<2x128x128xf32, #tpu.memory_space<vmem>> -> memref<1x128x128xf32, #tpu.memory_space<vmem>>
        %dma_start3A_106 = tpu.memref_squeeze %dma_start3A_105 : memref<1x128x128xf32, #tpu.memory_space<vmem>> -> memref<128x128xf32, #tpu.memory_space<vmem>>
        %dma_start3A_107 = arith.constant 0 : i32
        %dma_start3A_108 = tpu.memref_slice %arg3[%mul3A_100, %dma_start3A_107] : memref<80000x128xf32, #tpu.memory_space<hbm>> -> memref<128x128xf32, #tpu.memory_space<hbm>>
        %dma_start3A_109 = arith.constant 0 : i32
        %dma_start3A_110 = arith.constant 0 : i32
        %dma_start3A_111 = tpu.memref_slice %arg9[%dma_start3A_102, %dma_start3A_109, %dma_start3A_110] : memref<2x128x128xf32, #tpu.memory_space<vmem>> -> memref<1x128x128xf32, #tpu.memory_space<vmem>>
        %dma_start3A_112 = tpu.memref_squeeze %dma_start3A_111 : memref<1x128x128xf32, #tpu.memory_space<vmem>> -> memref<128x128xf32, #tpu.memory_space<vmem>>
        %dma_start3A_113 = arith.constant 0 : i32
        %dma_start3A_114 = tpu.memref_slice %arg3[%mul3A_100, %dma_start3A_113] : memref<80000x128xf32, #tpu.memory_space<hbm>> -> memref<128x128xf32, #tpu.memory_space<hbm>>
        tpu.enqueue_dma source(%dma_start3A_114 : memref<128x128xf32, #tpu.memory_space<hbm>>) target(%dma_start3A_112 : memref<128x128xf32, #tpu.memory_space<vmem>>) target_semaphore(%arg10 : memref<!tpu.dma_semaphore, #tpu.memory_space<semaphore_mem>>)
        %add3A_115 = arith.constant 1 : i32
        %add3A_116 = arith.addi %mul3A_52, %add3A_115 : i32
        %mul3A_117 = arith.constant 16 : i32
        %mul3A_118 = arith.muli %add3A_116, %mul3A_117 : i32
        %add3A_119 = arith.addi %arg1, %mul3A_118 : i32
        %mul3A_120 = arith.constant 128 : i32
        %mul3A_121 = arith.muli %add3A_119, %mul3A_120 : i32
        %dma_wait3A_122 = arith.constant 1 : i32
        %dma_wait3A_123 = arith.constant 0 : i32
        %dma_wait3A_124 = arith.constant 0 : i32
        %dma_wait3A_125 = tpu.memref_slice %arg9[%dma_wait3A_122, %dma_wait3A_123, %dma_wait3A_124] : memref<2x128x128xf32, #tpu.memory_space<vmem>> -> memref<1x128x128xf32, #tpu.memory_space<vmem>>
        %dma_wait3A_126 = tpu.memref_squeeze %dma_wait3A_125 : memref<1x128x128xf32, #tpu.memory_space<vmem>> -> memref<128x128xf32, #tpu.memory_space<vmem>>
        %dma_wait3A_127 = arith.constant 0 : i32
        %dma_wait3A_128 = tpu.memref_slice %arg3[%mul3A_121, %dma_wait3A_127] : memref<80000x128xf32, #tpu.memory_space<hbm>> -> memref<128x128xf32, #tpu.memory_space<hbm>>
        %dma_wait3A_129 = arith.constant 0 : i32
        %dma_wait3A_130 = arith.constant 0 : i32
        %dma_wait3A_131 = tpu.memref_slice %arg9[%dma_wait3A_122, %dma_wait3A_129, %dma_wait3A_130] : memref<2x128x128xf32, #tpu.memory_space<vmem>> -> memref<1x128x128xf32, #tpu.memory_space<vmem>>
        %dma_wait3A_132 = tpu.memref_squeeze %dma_wait3A_131 : memref<1x128x128xf32, #tpu.memory_space<vmem>> -> memref<128x128xf32, #tpu.memory_space<vmem>>
        %dma_wait3A_133 = arith.constant 0 : i32
        %dma_wait3A_134 = tpu.memref_slice %arg3[%mul3A_121, %dma_wait3A_133] : memref<80000x128xf32, #tpu.memory_space<hbm>> -> memref<128x128xf32, #tpu.memory_space<hbm>>
        tpu.wait_dma2 semaphore(%arg11 : memref<!tpu.dma_semaphore, #tpu.memory_space<semaphore_mem>>) src(%dma_wait3A_134 : memref<128x128xf32, #tpu.memory_space<hbm>>) dst(%dma_wait3A_132 : memref<128x128xf32, #tpu.memory_space<vmem>>)
        %run_scoped3A_135 = arith.constant 1 : i32
        %run_scoped3A_136 = arith.constant 1 : i32
        "tpu.region"() ({
          %run_scoped3A_137 = tpu.sem_alloc : memref<!tpu.dma_semaphore, #tpu.memory_space<semaphore_mem>>
          %dma_start3A_138 = arith.constant 0 : i32
          %dma_start3A_139 = arith.constant 0 : i32
          %dma_start3A_140 = tpu.memref_slice %arg9[%run_scoped3A_135, %dma_start3A_138, %dma_start3A_139] : memref<2x128x128xf32, #tpu.memory_space<vmem>> -> memref<1x128x128xf32, #tpu.memory_space<vmem>>
          %dma_start3A_141 = tpu.memref_squeeze %dma_start3A_140 : memref<1x128x128xf32, #tpu.memory_space<vmem>> -> memref<128x128xf32, #tpu.memory_space<vmem>>
          %dma_start3A_142 = arith.constant 0 : i32
          %dma_start3A_143 = tpu.memref_slice %arg8[%run_scoped3A_136, %dma_start3A_142] : memref<2x128xi32, #tpu.memory_space<vmem>> -> memref<1x128xi32, #tpu.memory_space<vmem>>
          %dma_start3A_144 = tpu.memref_squeeze %dma_start3A_143 : memref<1x128xi32, #tpu.memory_space<vmem>> -> memref<128xi32, #tpu.memory_space<vmem>>
          %dma_start3A_145 = arith.constant 0 : i32
          %dma_start3A_146 = arith.constant 0 : i32
          %dma_start3A_147 = tpu.memref_slice %arg7[%dma_start3A_145, %dma_start3A_146] : memref<10240x128xf32, #tpu.memory_space<vmem_shared>> -> memref<10240x128xf32, #tpu.memory_space<vmem_shared>>
          tpu.enqueue_indirect_dma source(%dma_start3A_141 : memref<128x128xf32, #tpu.memory_space<vmem>>) target(%dma_start3A_147 : memref<10240x128xf32, #tpu.memory_space<vmem_shared>>) offsets(%dma_start3A_144 : memref<128xi32, #tpu.memory_space<vmem>>) semaphore(%run_scoped3A_137 : memref<!tpu.dma_semaphore, #tpu.memory_space<semaphore_mem>>) {add = true}
          %dma_wait3A_148 = arith.constant 0 : i32
          %dma_wait3A_149 = arith.constant 0 : i32
          %dma_wait3A_150 = tpu.memref_slice %arg9[%run_scoped3A_135, %dma_wait3A_148, %dma_wait3A_149] : memref<2x128x128xf32, #tpu.memory_space<vmem>> -> memref<1x128x128xf32, #tpu.memory_space<vmem>>
          %dma_wait3A_151 = tpu.memref_squeeze %dma_wait3A_150 : memref<1x128x128xf32, #tpu.memory_space<vmem>> -> memref<128x128xf32, #tpu.memory_space<vmem>>
          %dma_wait3A_152 = arith.constant 0 : i32
          %dma_wait3A_153 = tpu.memref_slice %arg8[%run_scoped3A_136, %dma_wait3A_152] : memref<2x128xi32, #tpu.memory_space<vmem>> -> memref<1x128xi32, #tpu.memory_space<vmem>>
          %dma_wait3A_154 = tpu.memref_squeeze %dma_wait3A_153 : memref<1x128xi32, #tpu.memory_space<vmem>> -> memref<128xi32, #tpu.memory_space<vmem>>
          %dma_wait3A_155 = arith.constant 0 : i32
          %dma_wait3A_156 = arith.constant 0 : i32
          %dma_wait3A_157 = tpu.memref_slice %arg7[%dma_wait3A_155, %dma_wait3A_156] : memref<10240x128xf32, #tpu.memory_space<vmem_shared>> -> memref<10240x128xf32, #tpu.memory_space<vmem_shared>>
          tpu.wait_indirect_dma semaphore(%run_scoped3A_137 : memref<!tpu.dma_semaphore, #tpu.memory_space<semaphore_mem>>) src(%dma_wait3A_151 : memref<128x128xf32, #tpu.memory_space<vmem>>) dst(%dma_wait3A_157 : memref<10240x128xf32, #tpu.memory_space<vmem_shared>>)
          tpu.yield
        }) : () -> ()
      }
      %scan3A_27 = arith.constant 19 : i32
      %add3A_28 = arith.constant 608 : i32
      %add3A_29 = arith.addi %arg1, %add3A_28 : i32
      %mul3A_30 = arith.constant 128 : i32
      %mul3A_31 = arith.muli %add3A_29, %mul3A_30 : i32
      %dma_wait3A = arith.constant 0 : i32
      %dma_wait3A_32 = arith.constant 0 : i32
      %dma_wait3A_33 = arith.constant 0 : i32
      %dma_wait3A_34 = tpu.memref_slice %arg9[%dma_wait3A, %dma_wait3A_32, %dma_wait3A_33] : memref<2x128x128xf32, #tpu.memory_space<vmem>> -> memref<1x128x128xf32, #tpu.memory_space<vmem>>
      %dma_wait3A_35 = tpu.memref_squeeze %dma_wait3A_34 : memref<1x128x128xf32, #tpu.memory_space<vmem>> -> memref<128x128xf32, #tpu.memory_space<vmem>>
      %dma_wait3A_36 = arith.constant 0 : i32
      %dma_wait3A_37 = tpu.memref_slice %arg3[%mul3A_31, %dma_wait3A_36] : memref<80000x128xf32, #tpu.memory_space<hbm>> -> memref<128x128xf32, #tpu.memory_space<hbm>>
      %dma_wait3A_38 = arith.constant 0 : i32
      %dma_wait3A_39 = arith.constant 0 : i32
      %dma_wait3A_40 = tpu.memref_slice %arg9[%dma_wait3A, %dma_wait3A_38, %dma_wait3A_39] : memref<2x128x128xf32, #tpu.memory_space<vmem>> -> memref<1x128x128xf32, #tpu.memory_space<vmem>>
      %dma_wait3A_41 = tpu.memref_squeeze %dma_wait3A_40 : memref<1x128x128xf32, #tpu.memory_space<vmem>> -> memref<128x128xf32, #tpu.memory_space<vmem>>
      %dma_wait3A_42 = arith.constant 0 : i32
      %dma_wait3A_43 = tpu.memref_slice %arg3[%mul3A_31, %dma_wait3A_42] : memref<80000x128xf32, #tpu.memory_space<hbm>> -> memref<128x128xf32, #tpu.memory_space<hbm>>
      tpu.wait_dma2 semaphore(%arg10 : memref<!tpu.dma_semaphore, #tpu.memory_space<semaphore_mem>>) src(%dma_wait3A_43 : memref<128x128xf32, #tpu.memory_space<hbm>>) dst(%dma_wait3A_41 : memref<128x128xf32, #tpu.memory_space<vmem>>)
      %run_scoped3A_44 = arith.constant 0 : i32
      %run_scoped3A_45 = arith.constant 0 : i32
      "tpu.region"() ({
        %run_scoped3A_50 = tpu.sem_alloc : memref<!tpu.dma_semaphore, #tpu.memory_space<semaphore_mem>>
        %dma_start3A_51 = arith.constant 0 : i32
        %dma_start3A_52 = arith.constant 0 : i32
        %dma_start3A_53 = tpu.memref_slice %arg9[%run_scoped3A_44, %dma_start3A_51, %dma_start3A_52] : memref<2x128x128xf32, #tpu.memory_space<vmem>> -> memref<1x128x128xf32, #tpu.memory_space<vmem>>
        %dma_start3A_54 = tpu.memref_squeeze %dma_start3A_53 : memref<1x128x128xf32, #tpu.memory_space<vmem>> -> memref<128x128xf32, #tpu.memory_space<vmem>>
        %dma_start3A_55 = arith.constant 0 : i32
        %dma_start3A_56 = tpu.memref_slice %arg8[%run_scoped3A_45, %dma_start3A_55] : memref<2x128xi32, #tpu.memory_space<vmem>> -> memref<1x128xi32, #tpu.memory_space<vmem>>
        %dma_start3A_57 = tpu.memref_squeeze %dma_start3A_56 : memref<1x128xi32, #tpu.memory_space<vmem>> -> memref<128xi32, #tpu.memory_space<vmem>>
        %dma_start3A_58 = arith.constant 0 : i32
        %dma_start3A_59 = arith.constant 0 : i32
        %dma_start3A_60 = tpu.memref_slice %arg7[%dma_start3A_58, %dma_start3A_59] : memref<10240x128xf32, #tpu.memory_space<vmem_shared>> -> memref<10240x128xf32, #tpu.memory_space<vmem_shared>>
        tpu.enqueue_indirect_dma source(%dma_start3A_54 : memref<128x128xf32, #tpu.memory_space<vmem>>) target(%dma_start3A_60 : memref<10240x128xf32, #tpu.memory_space<vmem_shared>>) offsets(%dma_start3A_57 : memref<128xi32, #tpu.memory_space<vmem>>) semaphore(%run_scoped3A_50 : memref<!tpu.dma_semaphore, #tpu.memory_space<semaphore_mem>>) {add = true}
        %dma_wait3A_61 = arith.constant 0 : i32
        %dma_wait3A_62 = arith.constant 0 : i32
        %dma_wait3A_63 = tpu.memref_slice %arg9[%run_scoped3A_44, %dma_wait3A_61, %dma_wait3A_62] : memref<2x128x128xf32, #tpu.memory_space<vmem>> -> memref<1x128x128xf32, #tpu.memory_space<vmem>>
        %dma_wait3A_64 = tpu.memref_squeeze %dma_wait3A_63 : memref<1x128x128xf32, #tpu.memory_space<vmem>> -> memref<128x128xf32, #tpu.memory_space<vmem>>
        %dma_wait3A_65 = arith.constant 0 : i32
        %dma_wait3A_66 = tpu.memref_slice %arg8[%run_scoped3A_45, %dma_wait3A_65] : memref<2x128xi32, #tpu.memory_space<vmem>> -> memref<1x128xi32, #tpu.memory_space<vmem>>
        %dma_wait3A_67 = tpu.memref_squeeze %dma_wait3A_66 : memref<1x128xi32, #tpu.memory_space<vmem>> -> memref<128xi32, #tpu.memory_space<vmem>>
        %dma_wait3A_68 = arith.constant 0 : i32
        %dma_wait3A_69 = arith.constant 0 : i32
        %dma_wait3A_70 = tpu.memref_slice %arg7[%dma_wait3A_68, %dma_wait3A_69] : memref<10240x128xf32, #tpu.memory_space<vmem_shared>> -> memref<10240x128xf32, #tpu.memory_space<vmem_shared>>
        tpu.wait_indirect_dma semaphore(%run_scoped3A_50 : memref<!tpu.dma_semaphore, #tpu.memory_space<semaphore_mem>>) src(%dma_wait3A_64 : memref<128x128xf32, #tpu.memory_space<vmem>>) dst(%dma_wait3A_70 : memref<10240x128xf32, #tpu.memory_space<vmem_shared>>)
        tpu.yield
      }) : () -> ()
      %lt3A = arith.constant 1 : i32
      %lt3A_46 = arith.cmpi slt, %arg1, %lt3A : i32
      %convert_element_type3A_47 = arith.extui %lt3A_46 : i1 to i32
      %cond3A_48 = arith.constant 0 : i32
      %cond3A_49 = arith.cmpi ne, %convert_element_type3A_47, %cond3A_48 : i32
      scf.if %cond3A_49 {
        %add3A_50 = arith.constant 624 : i32
        %add3A_51 = arith.addi %add3A_50, %arg1 : i32
        %mul3A_52 = arith.constant 128 : i32
        %mul3A_53 = arith.muli %add3A_51, %mul3A_52 : i32
        %run_scoped3A_54 = arith.constant 0 : i32
        "tpu.region"() ({
          %run_scoped3A_58 = tpu.sem_alloc : memref<!tpu.dma_semaphore, #tpu.memory_space<semaphore_mem>>
          %dma_start3A_59 = arith.constant 0 : i32
          %dma_start3A_60 = tpu.memref_slice %arg8[%run_scoped3A_54, %dma_start3A_59] : memref<2x128xi32, #tpu.memory_space<vmem>> -> memref<1x128xi32, #tpu.memory_space<vmem>>
          %dma_start3A_61 = tpu.memref_squeeze %dma_start3A_60 : memref<1x128xi32, #tpu.memory_space<vmem>> -> memref<128xi32, #tpu.memory_space<vmem>>
          %dma_start3A_62 = tpu.memref_slice %arg4[%mul3A_53] : memref<80000xi32, #tpu.memory_space<hbm>> -> memref<128xi32, #tpu.memory_space<hbm>>
          %dma_start3A_63 = arith.constant 0 : i32
          %dma_start3A_64 = tpu.memref_slice %arg8[%run_scoped3A_54, %dma_start3A_63] : memref<2x128xi32, #tpu.memory_space<vmem>> -> memref<1x128xi32, #tpu.memory_space<vmem>>
          %dma_start3A_65 = tpu.memref_squeeze %dma_start3A_64 : memref<1x128xi32, #tpu.memory_space<vmem>> -> memref<128xi32, #tpu.memory_space<vmem>>
          %dma_start3A_66 = tpu.memref_slice %arg4[%mul3A_53] : memref<80000xi32, #tpu.memory_space<hbm>> -> memref<128xi32, #tpu.memory_space<hbm>>
          tpu.enqueue_dma source(%dma_start3A_66 : memref<128xi32, #tpu.memory_space<hbm>>) target(%dma_start3A_65 : memref<128xi32, #tpu.memory_space<vmem>>) target_semaphore(%run_scoped3A_58 : memref<!tpu.dma_semaphore, #tpu.memory_space<semaphore_mem>>)
          %dma_wait3A_67 = arith.constant 0 : i32
          %dma_wait3A_68 = tpu.memref_slice %arg8[%run_scoped3A_54, %dma_wait3A_67] : memref<2x128xi32, #tpu.memory_space<vmem>> -> memref<1x128xi32, #tpu.memory_space<vmem>>
          %dma_wait3A_69 = tpu.memref_squeeze %dma_wait3A_68 : memref<1x128xi32, #tpu.memory_space<vmem>> -> memref<128xi32, #tpu.memory_space<vmem>>
          %dma_wait3A_70 = tpu.memref_slice %arg4[%mul3A_53] : memref<80000xi32, #tpu.memory_space<hbm>> -> memref<128xi32, #tpu.memory_space<hbm>>
          %dma_wait3A_71 = arith.constant 0 : i32
          %dma_wait3A_72 = tpu.memref_slice %arg8[%run_scoped3A_54, %dma_wait3A_71] : memref<2x128xi32, #tpu.memory_space<vmem>> -> memref<1x128xi32, #tpu.memory_space<vmem>>
          %dma_wait3A_73 = tpu.memref_squeeze %dma_wait3A_72 : memref<1x128xi32, #tpu.memory_space<vmem>> -> memref<128xi32, #tpu.memory_space<vmem>>
          %dma_wait3A_74 = tpu.memref_slice %arg4[%mul3A_53] : memref<80000xi32, #tpu.memory_space<hbm>> -> memref<128xi32, #tpu.memory_space<hbm>>
          tpu.wait_dma2 semaphore(%run_scoped3A_58 : memref<!tpu.dma_semaphore, #tpu.memory_space<semaphore_mem>>) src(%dma_wait3A_74 : memref<128xi32, #tpu.memory_space<hbm>>) dst(%dma_wait3A_73 : memref<128xi32, #tpu.memory_space<vmem>>)
          tpu.yield
        }) : () -> ()
        %run_scoped3A_55 = arith.constant 0 : i32
        "tpu.region"() ({
          %run_scoped3A_58 = tpu.sem_alloc : memref<!tpu.dma_semaphore, #tpu.memory_space<semaphore_mem>>
          %dma_start3A_59 = arith.constant 0 : i32
          %dma_start3A_60 = arith.constant 0 : i32
          %dma_start3A_61 = tpu.memref_slice %arg9[%run_scoped3A_55, %dma_start3A_59, %dma_start3A_60] : memref<2x128x128xf32, #tpu.memory_space<vmem>> -> memref<1x128x128xf32, #tpu.memory_space<vmem>>
          %dma_start3A_62 = tpu.memref_squeeze %dma_start3A_61 : memref<1x128x128xf32, #tpu.memory_space<vmem>> -> memref<128x128xf32, #tpu.memory_space<vmem>>
          %dma_start3A_63 = arith.constant 0 : i32
          %dma_start3A_64 = tpu.memref_slice %arg3[%mul3A_53, %dma_start3A_63] : memref<80000x128xf32, #tpu.memory_space<hbm>> -> memref<128x128xf32, #tpu.memory_space<hbm>>
          %dma_start3A_65 = arith.constant 0 : i32
          %dma_start3A_66 = arith.constant 0 : i32
          %dma_start3A_67 = tpu.memref_slice %arg9[%run_scoped3A_55, %dma_start3A_65, %dma_start3A_66] : memref<2x128x128xf32, #tpu.memory_space<vmem>> -> memref<1x128x128xf32, #tpu.memory_space<vmem>>
          %dma_start3A_68 = tpu.memref_squeeze %dma_start3A_67 : memref<1x128x128xf32, #tpu.memory_space<vmem>> -> memref<128x128xf32, #tpu.memory_space<vmem>>
          %dma_start3A_69 = arith.constant 0 : i32
          %dma_start3A_70 = tpu.memref_slice %arg3[%mul3A_53, %dma_start3A_69] : memref<80000x128xf32, #tpu.memory_space<hbm>> -> memref<128x128xf32, #tpu.memory_space<hbm>>
          tpu.enqueue_dma source(%dma_start3A_70 : memref<128x128xf32, #tpu.memory_space<hbm>>) target(%dma_start3A_68 : memref<128x128xf32, #tpu.memory_space<vmem>>) target_semaphore(%run_scoped3A_58 : memref<!tpu.dma_semaphore, #tpu.memory_space<semaphore_mem>>)
          %dma_wait3A_71 = arith.constant 0 : i32
          %dma_wait3A_72 = arith.constant 0 : i32
          %dma_wait3A_73 = tpu.memref_slice %arg9[%run_scoped3A_55, %dma_wait3A_71, %dma_wait3A_72] : memref<2x128x128xf32, #tpu.memory_space<vmem>> -> memref<1x128x128xf32, #tpu.memory_space<vmem>>
          %dma_wait3A_74 = tpu.memref_squeeze %dma_wait3A_73 : memref<1x128x128xf32, #tpu.memory_space<vmem>> -> memref<128x128xf32, #tpu.memory_space<vmem>>
          %dma_wait3A_75 = arith.constant 0 : i32
          %dma_wait3A_76 = tpu.memref_slice %arg3[%mul3A_53, %dma_wait3A_75] : memref<80000x128xf32, #tpu.memory_space<hbm>> -> memref<128x128xf32, #tpu.memory_space<hbm>>
          %dma_wait3A_77 = arith.constant 0 : i32
          %dma_wait3A_78 = arith.constant 0 : i32
          %dma_wait3A_79 = tpu.memref_slice %arg9[%run_scoped3A_55, %dma_wait3A_77, %dma_wait3A_78] : memref<2x128x128xf32, #tpu.memory_space<vmem>> -> memref<1x128x128xf32, #tpu.memory_space<vmem>>
          %dma_wait3A_80 = tpu.memref_squeeze %dma_wait3A_79 : memref<1x128x128xf32, #tpu.memory_space<vmem>> -> memref<128x128xf32, #tpu.memory_space<vmem>>
          %dma_wait3A_81 = arith.constant 0 : i32
          %dma_wait3A_82 = tpu.memref_slice %arg3[%mul3A_53, %dma_wait3A_81] : memref<80000x128xf32, #tpu.memory_space<hbm>> -> memref<128x128xf32, #tpu.memory_space<hbm>>
          tpu.wait_dma2 semaphore(%run_scoped3A_58 : memref<!tpu.dma_semaphore, #tpu.memory_space<semaphore_mem>>) src(%dma_wait3A_82 : memref<128x128xf32, #tpu.memory_space<hbm>>) dst(%dma_wait3A_80 : memref<128x128xf32, #tpu.memory_space<vmem>>)
          tpu.yield
        }) : () -> ()
        %run_scoped3A_56 = arith.constant 0 : i32
        %run_scoped3A_57 = arith.constant 0 : i32
        "tpu.region"() ({
          %run_scoped3A_58 = tpu.sem_alloc : memref<!tpu.dma_semaphore, #tpu.memory_space<semaphore_mem>>
          %dma_start3A_59 = arith.constant 0 : i32
          %dma_start3A_60 = arith.constant 0 : i32
          %dma_start3A_61 = tpu.memref_slice %arg9[%run_scoped3A_56, %dma_start3A_59, %dma_start3A_60] : memref<2x128x128xf32, #tpu.memory_space<vmem>> -> memref<1x128x128xf32, #tpu.memory_space<vmem>>
          %dma_start3A_62 = tpu.memref_squeeze %dma_start3A_61 : memref<1x128x128xf32, #tpu.memory_space<vmem>> -> memref<128x128xf32, #tpu.memory_space<vmem>>
          %dma_start3A_63 = arith.constant 0 : i32
          %dma_start3A_64 = tpu.memref_slice %arg8[%run_scoped3A_57, %dma_start3A_63] : memref<2x128xi32, #tpu.memory_space<vmem>> -> memref<1x128xi32, #tpu.memory_space<vmem>>
          %dma_start3A_65 = tpu.memref_squeeze %dma_start3A_64 : memref<1x128xi32, #tpu.memory_space<vmem>> -> memref<128xi32, #tpu.memory_space<vmem>>
          %dma_start3A_66 = arith.constant 0 : i32
          %dma_start3A_67 = arith.constant 0 : i32
          %dma_start3A_68 = tpu.memref_slice %arg7[%dma_start3A_66, %dma_start3A_67] : memref<10240x128xf32, #tpu.memory_space<vmem_shared>> -> memref<10240x128xf32, #tpu.memory_space<vmem_shared>>
          tpu.enqueue_indirect_dma source(%dma_start3A_62 : memref<128x128xf32, #tpu.memory_space<vmem>>) target(%dma_start3A_68 : memref<10240x128xf32, #tpu.memory_space<vmem_shared>>) offsets(%dma_start3A_65 : memref<128xi32, #tpu.memory_space<vmem>>) semaphore(%run_scoped3A_58 : memref<!tpu.dma_semaphore, #tpu.memory_space<semaphore_mem>>) {add = true}
          %dma_wait3A_69 = arith.constant 0 : i32
          %dma_wait3A_70 = arith.constant 0 : i32
          %dma_wait3A_71 = tpu.memref_slice %arg9[%run_scoped3A_56, %dma_wait3A_69, %dma_wait3A_70] : memref<2x128x128xf32, #tpu.memory_space<vmem>> -> memref<1x128x128xf32, #tpu.memory_space<vmem>>
          %dma_wait3A_72 = tpu.memref_squeeze %dma_wait3A_71 : memref<1x128x128xf32, #tpu.memory_space<vmem>> -> memref<128x128xf32, #tpu.memory_space<vmem>>
          %dma_wait3A_73 = arith.constant 0 : i32
          %dma_wait3A_74 = tpu.memref_slice %arg8[%run_scoped3A_57, %dma_wait3A_73] : memref<2x128xi32, #tpu.memory_space<vmem>> -> memref<1x128xi32, #tpu.memory_space<vmem>>
          %dma_wait3A_75 = tpu.memref_squeeze %dma_wait3A_74 : memref<1x128xi32, #tpu.memory_space<vmem>> -> memref<128xi32, #tpu.memory_space<vmem>>
          %dma_wait3A_76 = arith.constant 0 : i32
          %dma_wait3A_77 = arith.constant 0 : i32
          %dma_wait3A_78 = tpu.memref_slice %arg7[%dma_wait3A_76, %dma_wait3A_77] : memref<10240x128xf32, #tpu.memory_space<vmem_shared>> -> memref<10240x128xf32, #tpu.memory_space<vmem_shared>>
          tpu.wait_indirect_dma semaphore(%run_scoped3A_58 : memref<!tpu.dma_semaphore, #tpu.memory_space<semaphore_mem>>) src(%dma_wait3A_72 : memref<128x128xf32, #tpu.memory_space<vmem>>) dst(%dma_wait3A_78 : memref<10240x128xf32, #tpu.memory_space<vmem_shared>>)
          tpu.yield
        }) : () -> ()
      } else {
      }
    } else {
    }
    %barrier3A_8 = arith.constant 0 : index
    tpu.barrier barrier_id(%barrier3A_8)
    "tpu.region"() ({
      %run_scoped3A = tpu.sem_alloc : memref<!tpu.dma_semaphore, #tpu.memory_space<semaphore_mem>>
      %dma_start3A = arith.constant 0 : i32
      %dma_start3A_9 = tpu.memref_slice %arg6[%arg0, %mul3A_0, %dma_start3A] : memref<2x10240x128xf32, #tpu.memory_space<hbm>> -> memref<1x640x128xf32, #tpu.memory_space<hbm>>
      %dma_start3A_10 = tpu.memref_squeeze %dma_start3A_9 : memref<1x640x128xf32, #tpu.memory_space<hbm>> -> memref<640x128xf32, #tpu.memory_space<hbm>>
      %dma_start3A_11 = arith.constant 0 : i32
      %dma_start3A_12 = tpu.memref_slice %arg7[%mul3A_0, %dma_start3A_11] : memref<10240x128xf32, #tpu.memory_space<vmem_shared>> -> memref<640x128xf32, #tpu.memory_space<vmem_shared>>
      tpu.enqueue_dma source(%dma_start3A_12 : memref<640x128xf32, #tpu.memory_space<vmem_shared>>) target(%dma_start3A_10 : memref<640x128xf32, #tpu.memory_space<hbm>>) target_semaphore(%run_scoped3A : memref<!tpu.dma_semaphore, #tpu.memory_space<semaphore_mem>>)
      %dma_wait3A = arith.constant 0 : i32
      %dma_wait3A_13 = tpu.memref_slice %arg6[%arg0, %mul3A_0, %dma_wait3A] : memref<2x10240x128xf32, #tpu.memory_space<hbm>> -> memref<1x640x128xf32, #tpu.memory_space<hbm>>
      %dma_wait3A_14 = tpu.memref_squeeze %dma_wait3A_13 : memref<1x640x128xf32, #tpu.memory_space<hbm>> -> memref<640x128xf32, #tpu.memory_space<hbm>>
      %dma_wait3A_15 = arith.constant 0 : i32
      %dma_wait3A_16 = tpu.memref_slice %arg7[%mul3A_0, %dma_wait3A_15] : memref<10240x128xf32, #tpu.memory_space<vmem_shared>> -> memref<640x128xf32, #tpu.memory_space<vmem_shared>>
      tpu.wait_dma2 semaphore(%run_scoped3A : memref<!tpu.dma_semaphore, #tpu.memory_space<semaphore_mem>>) src(%dma_wait3A_16 : memref<640x128xf32, #tpu.memory_space<vmem_shared>>) dst(%dma_wait3A_14 : memref<640x128xf32, #tpu.memory_space<hbm>>)
      tpu.yield
    }) : () -> ()
    return
  }
}

#map = affine_map<(d0, d1) -> (0, 0)>
#map1 = affine_map<(d0, d1) -> (0)>
module attributes {stable_mosaic.version = 14 : i64} {
  func.func @body(%arg0: i32, %arg1: i32, %arg2: memref<10000x128xf32, #tpu.memory_space<hbm>>, %arg3: memref<10000x128xf32, #tpu.memory_space<hbm>>, %arg4: memref<80000xi32, #tpu.memory_space<hbm>>, %arg5: memref<80000x128xf32, #tpu.memory_space<hbm>>, %arg6: memref<80000x128xf32, #tpu.memory_space<hbm>>, %arg7: memref<2x128xi32, #tpu.memory_space<vmem>>, %arg8: memref<2x128x128xf32, #tpu.memory_space<vmem>>, %arg9: memref<2x128x128xf32, #tpu.memory_space<vmem>>, %arg10: memref<!tpu.dma_semaphore, #tpu.memory_space<semaphore_mem>>, %arg11: memref<!tpu.dma_semaphore, #tpu.memory_space<semaphore_mem>>, %arg12: memref<!tpu.dma_semaphore, #tpu.memory_space<semaphore_mem>>, %arg13: memref<!tpu.dma_semaphore, #tpu.memory_space<semaphore_mem>>) attributes {dimension_semantics = [#tpu.dimension_semantics<core_parallel>, #tpu.dimension_semantics<subcore_parallel>], iteration_bounds = array<i64: 2, 16>, scalar_prefetch = 0 : i64, scratch_operands = 7 : i64, tpu.core_type = #tpu.core_type<sc_vector_subcore>, window_params = [{transform_indices = #map}, {transform_indices = #map}, {transform_indices = #map1}, {transform_indices = #map}, {transform_indices = #map}]} {
    %mul3A = arith.constant 2 : i32
    %mul3A_0 = arith.muli %arg1, %mul3A : i32
    %add3A = arith.addi %mul3A_0, %arg0 : i32
    %add3A_1 = arith.constant 0 : i32
    %add3A_2 = arith.addi %add3A, %add3A_1 : i32
    %mul3A_3 = arith.constant 128 : i32
    %mul3A_4 = arith.muli %add3A_2, %mul3A_3 : i32
    %run_scoped3A = arith.constant 0 : i32
    "tpu.region"() ({
      %run_scoped3A_63 = tpu.sem_alloc : memref<!tpu.dma_semaphore, #tpu.memory_space<semaphore_mem>>
      %dma_start3A_64 = arith.constant 0 : i32
      %dma_start3A_65 = tpu.memref_slice %arg7[%run_scoped3A, %dma_start3A_64] : memref<2x128xi32, #tpu.memory_space<vmem>> -> memref<1x128xi32, #tpu.memory_space<vmem>>
      %dma_start3A_66 = tpu.memref_squeeze %dma_start3A_65 : memref<1x128xi32, #tpu.memory_space<vmem>> -> memref<128xi32, #tpu.memory_space<vmem>>
      %dma_start3A_67 = tpu.memref_slice %arg4[%mul3A_4] : memref<80000xi32, #tpu.memory_space<hbm>> -> memref<128xi32, #tpu.memory_space<hbm>>
      %dma_start3A_68 = arith.constant 0 : i32
      %dma_start3A_69 = tpu.memref_slice %arg7[%run_scoped3A, %dma_start3A_68] : memref<2x128xi32, #tpu.memory_space<vmem>> -> memref<1x128xi32, #tpu.memory_space<vmem>>
      %dma_start3A_70 = tpu.memref_squeeze %dma_start3A_69 : memref<1x128xi32, #tpu.memory_space<vmem>> -> memref<128xi32, #tpu.memory_space<vmem>>
      %dma_start3A_71 = tpu.memref_slice %arg4[%mul3A_4] : memref<80000xi32, #tpu.memory_space<hbm>> -> memref<128xi32, #tpu.memory_space<hbm>>
      tpu.enqueue_dma source(%dma_start3A_71 : memref<128xi32, #tpu.memory_space<hbm>>) target(%dma_start3A_70 : memref<128xi32, #tpu.memory_space<vmem>>) target_semaphore(%run_scoped3A_63 : memref<!tpu.dma_semaphore, #tpu.memory_space<semaphore_mem>>)
      %dma_wait3A_72 = arith.constant 0 : i32
      %dma_wait3A_73 = tpu.memref_slice %arg7[%run_scoped3A, %dma_wait3A_72] : memref<2x128xi32, #tpu.memory_space<vmem>> -> memref<1x128xi32, #tpu.memory_space<vmem>>
      %dma_wait3A_74 = tpu.memref_squeeze %dma_wait3A_73 : memref<1x128xi32, #tpu.memory_space<vmem>> -> memref<128xi32, #tpu.memory_space<vmem>>
      %dma_wait3A_75 = tpu.memref_slice %arg4[%mul3A_4] : memref<80000xi32, #tpu.memory_space<hbm>> -> memref<128xi32, #tpu.memory_space<hbm>>
      %dma_wait3A_76 = arith.constant 0 : i32
      %dma_wait3A_77 = tpu.memref_slice %arg7[%run_scoped3A, %dma_wait3A_76] : memref<2x128xi32, #tpu.memory_space<vmem>> -> memref<1x128xi32, #tpu.memory_space<vmem>>
      %dma_wait3A_78 = tpu.memref_squeeze %dma_wait3A_77 : memref<1x128xi32, #tpu.memory_space<vmem>> -> memref<128xi32, #tpu.memory_space<vmem>>
      %dma_wait3A_79 = tpu.memref_slice %arg4[%mul3A_4] : memref<80000xi32, #tpu.memory_space<hbm>> -> memref<128xi32, #tpu.memory_space<hbm>>
      tpu.wait_dma2 semaphore(%run_scoped3A_63 : memref<!tpu.dma_semaphore, #tpu.memory_space<semaphore_mem>>) src(%dma_wait3A_79 : memref<128xi32, #tpu.memory_space<hbm>>) dst(%dma_wait3A_78 : memref<128xi32, #tpu.memory_space<vmem>>)
      tpu.yield
    }) : () -> ()
    %dma_start3A = arith.constant 0 : i32
    %dma_start3A_5 = arith.constant 0 : i32
    %dma_start3A_6 = arith.constant 0 : i32
    %dma_start3A_7 = arith.constant 0 : i32
    %dma_start3A_8 = tpu.memref_slice %arg8[%dma_start3A_5, %dma_start3A_6, %dma_start3A_7] : memref<2x128x128xf32, #tpu.memory_space<vmem>> -> memref<1x128x128xf32, #tpu.memory_space<vmem>>
    %dma_start3A_9 = tpu.memref_squeeze %dma_start3A_8 : memref<1x128x128xf32, #tpu.memory_space<vmem>> -> memref<128x128xf32, #tpu.memory_space<vmem>>
    %dma_start3A_10 = arith.constant 0 : i32
    %dma_start3A_11 = tpu.memref_slice %arg7[%dma_start3A, %dma_start3A_10] : memref<2x128xi32, #tpu.memory_space<vmem>> -> memref<1x128xi32, #tpu.memory_space<vmem>>
    %dma_start3A_12 = tpu.memref_squeeze %dma_start3A_11 : memref<1x128xi32, #tpu.memory_space<vmem>> -> memref<128xi32, #tpu.memory_space<vmem>>
    %dma_start3A_13 = arith.constant 0 : i32
    %dma_start3A_14 = arith.constant 0 : i32
    %dma_start3A_15 = tpu.memref_slice %arg2[%dma_start3A_13, %dma_start3A_14] : memref<10000x128xf32, #tpu.memory_space<hbm>> -> memref<10000x128xf32, #tpu.memory_space<hbm>>
    tpu.enqueue_indirect_dma source(%dma_start3A_15 : memref<10000x128xf32, #tpu.memory_space<hbm>>) target(%dma_start3A_9 : memref<128x128xf32, #tpu.memory_space<vmem>>) offsets(%dma_start3A_12 : memref<128xi32, #tpu.memory_space<vmem>>) semaphore(%arg10 : memref<!tpu.dma_semaphore, #tpu.memory_space<semaphore_mem>>)
    %dma_start3A_16 = arith.constant 0 : i32
    %dma_start3A_17 = arith.constant 0 : i32
    %dma_start3A_18 = arith.constant 0 : i32
    %dma_start3A_19 = arith.constant 0 : i32
    %dma_start3A_20 = tpu.memref_slice %arg9[%dma_start3A_17, %dma_start3A_18, %dma_start3A_19] : memref<2x128x128xf32, #tpu.memory_space<vmem>> -> memref<1x128x128xf32, #tpu.memory_space<vmem>>
    %dma_start3A_21 = tpu.memref_squeeze %dma_start3A_20 : memref<1x128x128xf32, #tpu.memory_space<vmem>> -> memref<128x128xf32, #tpu.memory_space<vmem>>
    %dma_start3A_22 = arith.constant 0 : i32
    %dma_start3A_23 = tpu.memref_slice %arg7[%dma_start3A_16, %dma_start3A_22] : memref<2x128xi32, #tpu.memory_space<vmem>> -> memref<1x128xi32, #tpu.memory_space<vmem>>
    %dma_start3A_24 = tpu.memref_squeeze %dma_start3A_23 : memref<1x128xi32, #tpu.memory_space<vmem>> -> memref<128xi32, #tpu.memory_space<vmem>>
    %dma_start3A_25 = arith.constant 0 : i32
    %dma_start3A_26 = arith.constant 0 : i32
    %dma_start3A_27 = tpu.memref_slice %arg3[%dma_start3A_25, %dma_start3A_26] : memref<10000x128xf32, #tpu.memory_space<hbm>> -> memref<10000x128xf32, #tpu.memory_space<hbm>>
    tpu.enqueue_indirect_dma source(%dma_start3A_27 : memref<10000x128xf32, #tpu.memory_space<hbm>>) target(%dma_start3A_21 : memref<128x128xf32, #tpu.memory_space<vmem>>) offsets(%dma_start3A_24 : memref<128xi32, #tpu.memory_space<vmem>>) semaphore(%arg11 : memref<!tpu.dma_semaphore, #tpu.memory_space<semaphore_mem>>)
    %scan3A = arith.constant 0 : i32
    %scan3A_28 = arith.constant 9 : i32
    %scan3A_29 = arith.addi %scan3A, %scan3A_28 : i32
    %scan3A_30 = arith.constant 1 : i32
    scf.for %scan3A_63 = %scan3A to %scan3A_29 step %scan3A_30  : i32 {
      %mul3A_64 = arith.constant 2 : i32
      %mul3A_65 = arith.muli %mul3A_64, %scan3A_63 : i32
      %add3A_66 = arith.constant 1 : i32
      %add3A_67 = arith.addi %mul3A_65, %add3A_66 : i32
      %mul3A_68 = arith.constant 32 : i32
      %mul3A_69 = arith.muli %add3A_67, %mul3A_68 : i32
      %add3A_70 = arith.addi %add3A, %mul3A_69 : i32
      %mul3A_71 = arith.constant 128 : i32
      %mul3A_72 = arith.muli %add3A_70, %mul3A_71 : i32
      %run_scoped3A_73 = arith.constant 1 : i32
      "tpu.region"() ({
        %run_scoped3A_194 = tpu.sem_alloc : memref<!tpu.dma_semaphore, #tpu.memory_space<semaphore_mem>>
        %dma_start3A_195 = arith.constant 0 : i32
        %dma_start3A_196 = tpu.memref_slice %arg7[%run_scoped3A_73, %dma_start3A_195] : memref<2x128xi32, #tpu.memory_space<vmem>> -> memref<1x128xi32, #tpu.memory_space<vmem>>
        %dma_start3A_197 = tpu.memref_squeeze %dma_start3A_196 : memref<1x128xi32, #tpu.memory_space<vmem>> -> memref<128xi32, #tpu.memory_space<vmem>>
        %dma_start3A_198 = tpu.memref_slice %arg4[%mul3A_72] : memref<80000xi32, #tpu.memory_space<hbm>> -> memref<128xi32, #tpu.memory_space<hbm>>
        %dma_start3A_199 = arith.constant 0 : i32
        %dma_start3A_200 = tpu.memref_slice %arg7[%run_scoped3A_73, %dma_start3A_199] : memref<2x128xi32, #tpu.memory_space<vmem>> -> memref<1x128xi32, #tpu.memory_space<vmem>>
        %dma_start3A_201 = tpu.memref_squeeze %dma_start3A_200 : memref<1x128xi32, #tpu.memory_space<vmem>> -> memref<128xi32, #tpu.memory_space<vmem>>
        %dma_start3A_202 = tpu.memref_slice %arg4[%mul3A_72] : memref<80000xi32, #tpu.memory_space<hbm>> -> memref<128xi32, #tpu.memory_space<hbm>>
        tpu.enqueue_dma source(%dma_start3A_202 : memref<128xi32, #tpu.memory_space<hbm>>) target(%dma_start3A_201 : memref<128xi32, #tpu.memory_space<vmem>>) target_semaphore(%run_scoped3A_194 : memref<!tpu.dma_semaphore, #tpu.memory_space<semaphore_mem>>)
        %dma_wait3A_203 = arith.constant 0 : i32
        %dma_wait3A_204 = tpu.memref_slice %arg7[%run_scoped3A_73, %dma_wait3A_203] : memref<2x128xi32, #tpu.memory_space<vmem>> -> memref<1x128xi32, #tpu.memory_space<vmem>>
        %dma_wait3A_205 = tpu.memref_squeeze %dma_wait3A_204 : memref<1x128xi32, #tpu.memory_space<vmem>> -> memref<128xi32, #tpu.memory_space<vmem>>
        %dma_wait3A_206 = tpu.memref_slice %arg4[%mul3A_72] : memref<80000xi32, #tpu.memory_space<hbm>> -> memref<128xi32, #tpu.memory_space<hbm>>
        %dma_wait3A_207 = arith.constant 0 : i32
        %dma_wait3A_208 = tpu.memref_slice %arg7[%run_scoped3A_73, %dma_wait3A_207] : memref<2x128xi32, #tpu.memory_space<vmem>> -> memref<1x128xi32, #tpu.memory_space<vmem>>
        %dma_wait3A_209 = tpu.memref_squeeze %dma_wait3A_208 : memref<1x128xi32, #tpu.memory_space<vmem>> -> memref<128xi32, #tpu.memory_space<vmem>>
        %dma_wait3A_210 = tpu.memref_slice %arg4[%mul3A_72] : memref<80000xi32, #tpu.memory_space<hbm>> -> memref<128xi32, #tpu.memory_space<hbm>>
        tpu.wait_dma2 semaphore(%run_scoped3A_194 : memref<!tpu.dma_semaphore, #tpu.memory_space<semaphore_mem>>) src(%dma_wait3A_210 : memref<128xi32, #tpu.memory_space<hbm>>) dst(%dma_wait3A_209 : memref<128xi32, #tpu.memory_space<vmem>>)
        tpu.yield
      }) : () -> ()
      %dma_start3A_74 = arith.constant 1 : i32
      %dma_start3A_75 = arith.constant 1 : i32
      %dma_start3A_76 = arith.constant 0 : i32
      %dma_start3A_77 = arith.constant 0 : i32
      %dma_start3A_78 = tpu.memref_slice %arg8[%dma_start3A_75, %dma_start3A_76, %dma_start3A_77] : memref<2x128x128xf32, #tpu.memory_space<vmem>> -> memref<1x128x128xf32, #tpu.memory_space<vmem>>
      %dma_start3A_79 = tpu.memref_squeeze %dma_start3A_78 : memref<1x128x128xf32, #tpu.memory_space<vmem>> -> memref<128x128xf32, #tpu.memory_space<vmem>>
      %dma_start3A_80 = arith.constant 0 : i32
      %dma_start3A_81 = tpu.memref_slice %arg7[%dma_start3A_74, %dma_start3A_80] : memref<2x128xi32, #tpu.memory_space<vmem>> -> memref<1x128xi32, #tpu.memory_space<vmem>>
      %dma_start3A_82 = tpu.memref_squeeze %dma_start3A_81 : memref<1x128xi32, #tpu.memory_space<vmem>> -> memref<128xi32, #tpu.memory_space<vmem>>
      %dma_start3A_83 = arith.constant 0 : i32
      %dma_start3A_84 = arith.constant 0 : i32
      %dma_start3A_85 = tpu.memref_slice %arg2[%dma_start3A_83, %dma_start3A_84] : memref<10000x128xf32, #tpu.memory_space<hbm>> -> memref<10000x128xf32, #tpu.memory_space<hbm>>
      tpu.enqueue_indirect_dma source(%dma_start3A_85 : memref<10000x128xf32, #tpu.memory_space<hbm>>) target(%dma_start3A_79 : memref<128x128xf32, #tpu.memory_space<vmem>>) offsets(%dma_start3A_82 : memref<128xi32, #tpu.memory_space<vmem>>) semaphore(%arg12 : memref<!tpu.dma_semaphore, #tpu.memory_space<semaphore_mem>>)
      %dma_start3A_86 = arith.constant 1 : i32
      %dma_start3A_87 = arith.constant 1 : i32
      %dma_start3A_88 = arith.constant 0 : i32
      %dma_start3A_89 = arith.constant 0 : i32
      %dma_start3A_90 = tpu.memref_slice %arg9[%dma_start3A_87, %dma_start3A_88, %dma_start3A_89] : memref<2x128x128xf32, #tpu.memory_space<vmem>> -> memref<1x128x128xf32, #tpu.memory_space<vmem>>
      %dma_start3A_91 = tpu.memref_squeeze %dma_start3A_90 : memref<1x128x128xf32, #tpu.memory_space<vmem>> -> memref<128x128xf32, #tpu.memory_space<vmem>>
      %dma_start3A_92 = arith.constant 0 : i32
      %dma_start3A_93 = tpu.memref_slice %arg7[%dma_start3A_86, %dma_start3A_92] : memref<2x128xi32, #tpu.memory_space<vmem>> -> memref<1x128xi32, #tpu.memory_space<vmem>>
      %dma_start3A_94 = tpu.memref_squeeze %dma_start3A_93 : memref<1x128xi32, #tpu.memory_space<vmem>> -> memref<128xi32, #tpu.memory_space<vmem>>
      %dma_start3A_95 = arith.constant 0 : i32
      %dma_start3A_96 = arith.constant 0 : i32
      %dma_start3A_97 = tpu.memref_slice %arg3[%dma_start3A_95, %dma_start3A_96] : memref<10000x128xf32, #tpu.memory_space<hbm>> -> memref<10000x128xf32, #tpu.memory_space<hbm>>
      tpu.enqueue_indirect_dma source(%dma_start3A_97 : memref<10000x128xf32, #tpu.memory_space<hbm>>) target(%dma_start3A_91 : memref<128x128xf32, #tpu.memory_space<vmem>>) offsets(%dma_start3A_94 : memref<128xi32, #tpu.memory_space<vmem>>) semaphore(%arg13 : memref<!tpu.dma_semaphore, #tpu.memory_space<semaphore_mem>>)
      %dma_wait3A_98 = arith.constant 0 : i32
      %dma_wait3A_99 = arith.constant 0 : i32
      %dma_wait3A_100 = arith.constant 0 : i32
      %dma_wait3A_101 = arith.constant 0 : i32
      %dma_wait3A_102 = tpu.memref_slice %arg8[%dma_wait3A_99, %dma_wait3A_100, %dma_wait3A_101] : memref<2x128x128xf32, #tpu.memory_space<vmem>> -> memref<1x128x128xf32, #tpu.memory_space<vmem>>
      %dma_wait3A_103 = tpu.memref_squeeze %dma_wait3A_102 : memref<1x128x128xf32, #tpu.memory_space<vmem>> -> memref<128x128xf32, #tpu.memory_space<vmem>>
      %dma_wait3A_104 = arith.constant 0 : i32
      %dma_wait3A_105 = tpu.memref_slice %arg7[%dma_wait3A_98, %dma_wait3A_104] : memref<2x128xi32, #tpu.memory_space<vmem>> -> memref<1x128xi32, #tpu.memory_space<vmem>>
      %dma_wait3A_106 = tpu.memref_squeeze %dma_wait3A_105 : memref<1x128xi32, #tpu.memory_space<vmem>> -> memref<128xi32, #tpu.memory_space<vmem>>
      %dma_wait3A_107 = arith.constant 0 : i32
      %dma_wait3A_108 = arith.constant 0 : i32
      %dma_wait3A_109 = tpu.memref_slice %arg2[%dma_wait3A_107, %dma_wait3A_108] : memref<10000x128xf32, #tpu.memory_space<hbm>> -> memref<10000x128xf32, #tpu.memory_space<hbm>>
      tpu.wait_indirect_dma semaphore(%arg10 : memref<!tpu.dma_semaphore, #tpu.memory_space<semaphore_mem>>) src(%dma_wait3A_109 : memref<10000x128xf32, #tpu.memory_space<hbm>>) dst(%dma_wait3A_103 : memref<128x128xf32, #tpu.memory_space<vmem>>)
      %dma_wait3A_110 = arith.constant 0 : i32
      %dma_wait3A_111 = arith.constant 0 : i32
      %dma_wait3A_112 = arith.constant 0 : i32
      %dma_wait3A_113 = arith.constant 0 : i32
      %dma_wait3A_114 = tpu.memref_slice %arg9[%dma_wait3A_111, %dma_wait3A_112, %dma_wait3A_113] : memref<2x128x128xf32, #tpu.memory_space<vmem>> -> memref<1x128x128xf32, #tpu.memory_space<vmem>>
      %dma_wait3A_115 = tpu.memref_squeeze %dma_wait3A_114 : memref<1x128x128xf32, #tpu.memory_space<vmem>> -> memref<128x128xf32, #tpu.memory_space<vmem>>
      %dma_wait3A_116 = arith.constant 0 : i32
      %dma_wait3A_117 = tpu.memref_slice %arg7[%dma_wait3A_110, %dma_wait3A_116] : memref<2x128xi32, #tpu.memory_space<vmem>> -> memref<1x128xi32, #tpu.memory_space<vmem>>
      %dma_wait3A_118 = tpu.memref_squeeze %dma_wait3A_117 : memref<1x128xi32, #tpu.memory_space<vmem>> -> memref<128xi32, #tpu.memory_space<vmem>>
      %dma_wait3A_119 = arith.constant 0 : i32
      %dma_wait3A_120 = arith.constant 0 : i32
      %dma_wait3A_121 = tpu.memref_slice %arg3[%dma_wait3A_119, %dma_wait3A_120] : memref<10000x128xf32, #tpu.memory_space<hbm>> -> memref<10000x128xf32, #tpu.memory_space<hbm>>
      tpu.wait_indirect_dma semaphore(%arg11 : memref<!tpu.dma_semaphore, #tpu.memory_space<semaphore_mem>>) src(%dma_wait3A_121 : memref<10000x128xf32, #tpu.memory_space<hbm>>) dst(%dma_wait3A_115 : memref<128x128xf32, #tpu.memory_space<vmem>>)
      %mul3A_122 = arith.constant 32 : i32
      %mul3A_123 = arith.muli %mul3A_65, %mul3A_122 : i32
      %add3A_124 = arith.addi %add3A, %mul3A_123 : i32
      %mul3A_125 = arith.constant 128 : i32
      %mul3A_126 = arith.muli %add3A_124, %mul3A_125 : i32
      %run_scoped3A_127 = arith.constant 0 : i32
      "tpu.region"() ({
        %run_scoped3A_194 = tpu.sem_alloc : memref<!tpu.dma_semaphore, #tpu.memory_space<semaphore_mem>>
        %dma_start3A_195 = arith.constant 0 : i32
        %dma_start3A_196 = arith.constant 0 : i32
        %dma_start3A_197 = tpu.memref_slice %arg8[%run_scoped3A_127, %dma_start3A_195, %dma_start3A_196] : memref<2x128x128xf32, #tpu.memory_space<vmem>> -> memref<1x128x128xf32, #tpu.memory_space<vmem>>
        %dma_start3A_198 = tpu.memref_squeeze %dma_start3A_197 : memref<1x128x128xf32, #tpu.memory_space<vmem>> -> memref<128x128xf32, #tpu.memory_space<vmem>>
        %dma_start3A_199 = arith.constant 0 : i32
        %dma_start3A_200 = tpu.memref_slice %arg5[%mul3A_126, %dma_start3A_199] : memref<80000x128xf32, #tpu.memory_space<hbm>> -> memref<128x128xf32, #tpu.memory_space<hbm>>
        %dma_start3A_201 = arith.constant 0 : i32
        %dma_start3A_202 = tpu.memref_slice %arg5[%mul3A_126, %dma_start3A_201] : memref<80000x128xf32, #tpu.memory_space<hbm>> -> memref<128x128xf32, #tpu.memory_space<hbm>>
        %dma_start3A_203 = arith.constant 0 : i32
        %dma_start3A_204 = arith.constant 0 : i32
        %dma_start3A_205 = tpu.memref_slice %arg8[%run_scoped3A_127, %dma_start3A_203, %dma_start3A_204] : memref<2x128x128xf32, #tpu.memory_space<vmem>> -> memref<1x128x128xf32, #tpu.memory_space<vmem>>
        %dma_start3A_206 = tpu.memref_squeeze %dma_start3A_205 : memref<1x128x128xf32, #tpu.memory_space<vmem>> -> memref<128x128xf32, #tpu.memory_space<vmem>>
        tpu.enqueue_dma source(%dma_start3A_206 : memref<128x128xf32, #tpu.memory_space<vmem>>) target(%dma_start3A_202 : memref<128x128xf32, #tpu.memory_space<hbm>>) target_semaphore(%run_scoped3A_194 : memref<!tpu.dma_semaphore, #tpu.memory_space<semaphore_mem>>)
        %dma_wait3A_207 = arith.constant 0 : i32
        %dma_wait3A_208 = arith.constant 0 : i32
        %dma_wait3A_209 = tpu.memref_slice %arg8[%run_scoped3A_127, %dma_wait3A_207, %dma_wait3A_208] : memref<2x128x128xf32, #tpu.memory_space<vmem>> -> memref<1x128x128xf32, #tpu.memory_space<vmem>>
        %dma_wait3A_210 = tpu.memref_squeeze %dma_wait3A_209 : memref<1x128x128xf32, #tpu.memory_space<vmem>> -> memref<128x128xf32, #tpu.memory_space<vmem>>
        %dma_wait3A_211 = arith.constant 0 : i32
        %dma_wait3A_212 = tpu.memref_slice %arg5[%mul3A_126, %dma_wait3A_211] : memref<80000x128xf32, #tpu.memory_space<hbm>> -> memref<128x128xf32, #tpu.memory_space<hbm>>
        %dma_wait3A_213 = arith.constant 0 : i32
        %dma_wait3A_214 = tpu.memref_slice %arg5[%mul3A_126, %dma_wait3A_213] : memref<80000x128xf32, #tpu.memory_space<hbm>> -> memref<128x128xf32, #tpu.memory_space<hbm>>
        %dma_wait3A_215 = arith.constant 0 : i32
        %dma_wait3A_216 = arith.constant 0 : i32
        %dma_wait3A_217 = tpu.memref_slice %arg8[%run_scoped3A_127, %dma_wait3A_215, %dma_wait3A_216] : memref<2x128x128xf32, #tpu.memory_space<vmem>> -> memref<1x128x128xf32, #tpu.memory_space<vmem>>
        %dma_wait3A_218 = tpu.memref_squeeze %dma_wait3A_217 : memref<1x128x128xf32, #tpu.memory_space<vmem>> -> memref<128x128xf32, #tpu.memory_space<vmem>>
        tpu.wait_dma2 semaphore(%run_scoped3A_194 : memref<!tpu.dma_semaphore, #tpu.memory_space<semaphore_mem>>) src(%dma_wait3A_218 : memref<128x128xf32, #tpu.memory_space<vmem>>) dst(%dma_wait3A_214 : memref<128x128xf32, #tpu.memory_space<hbm>>)
        tpu.yield
      }) : () -> ()
      %run_scoped3A_128 = arith.constant 0 : i32
      "tpu.region"() ({
        %run_scoped3A_194 = tpu.sem_alloc : memref<!tpu.dma_semaphore, #tpu.memory_space<semaphore_mem>>
        %dma_start3A_195 = arith.constant 0 : i32
        %dma_start3A_196 = arith.constant 0 : i32
        %dma_start3A_197 = tpu.memref_slice %arg9[%run_scoped3A_128, %dma_start3A_195, %dma_start3A_196] : memref<2x128x128xf32, #tpu.memory_space<vmem>> -> memref<1x128x128xf32, #tpu.memory_space<vmem>>
        %dma_start3A_198 = tpu.memref_squeeze %dma_start3A_197 : memref<1x128x128xf32, #tpu.memory_space<vmem>> -> memref<128x128xf32, #tpu.memory_space<vmem>>
        %dma_start3A_199 = arith.constant 0 : i32
        %dma_start3A_200 = tpu.memref_slice %arg6[%mul3A_126, %dma_start3A_199] : memref<80000x128xf32, #tpu.memory_space<hbm>> -> memref<128x128xf32, #tpu.memory_space<hbm>>
        %dma_start3A_201 = arith.constant 0 : i32
        %dma_start3A_202 = tpu.memref_slice %arg6[%mul3A_126, %dma_start3A_201] : memref<80000x128xf32, #tpu.memory_space<hbm>> -> memref<128x128xf32, #tpu.memory_space<hbm>>
        %dma_start3A_203 = arith.constant 0 : i32
        %dma_start3A_204 = arith.constant 0 : i32
        %dma_start3A_205 = tpu.memref_slice %arg9[%run_scoped3A_128, %dma_start3A_203, %dma_start3A_204] : memref<2x128x128xf32, #tpu.memory_space<vmem>> -> memref<1x128x128xf32, #tpu.memory_space<vmem>>
        %dma_start3A_206 = tpu.memref_squeeze %dma_start3A_205 : memref<1x128x128xf32, #tpu.memory_space<vmem>> -> memref<128x128xf32, #tpu.memory_space<vmem>>
        tpu.enqueue_dma source(%dma_start3A_206 : memref<128x128xf32, #tpu.memory_space<vmem>>) target(%dma_start3A_202 : memref<128x128xf32, #tpu.memory_space<hbm>>) target_semaphore(%run_scoped3A_194 : memref<!tpu.dma_semaphore, #tpu.memory_space<semaphore_mem>>)
        %dma_wait3A_207 = arith.constant 0 : i32
        %dma_wait3A_208 = arith.constant 0 : i32
        %dma_wait3A_209 = tpu.memref_slice %arg9[%run_scoped3A_128, %dma_wait3A_207, %dma_wait3A_208] : memref<2x128x128xf32, #tpu.memory_space<vmem>> -> memref<1x128x128xf32, #tpu.memory_space<vmem>>
        %dma_wait3A_210 = tpu.memref_squeeze %dma_wait3A_209 : memref<1x128x128xf32, #tpu.memory_space<vmem>> -> memref<128x128xf32, #tpu.memory_space<vmem>>
        %dma_wait3A_211 = arith.constant 0 : i32
        %dma_wait3A_212 = tpu.memref_slice %arg6[%mul3A_126, %dma_wait3A_211] : memref<80000x128xf32, #tpu.memory_space<hbm>> -> memref<128x128xf32, #tpu.memory_space<hbm>>
        %dma_wait3A_213 = arith.constant 0 : i32
        %dma_wait3A_214 = tpu.memref_slice %arg6[%mul3A_126, %dma_wait3A_213] : memref<80000x128xf32, #tpu.memory_space<hbm>> -> memref<128x128xf32, #tpu.memory_space<hbm>>
        %dma_wait3A_215 = arith.constant 0 : i32
        %dma_wait3A_216 = arith.constant 0 : i32
        %dma_wait3A_217 = tpu.memref_slice %arg9[%run_scoped3A_128, %dma_wait3A_215, %dma_wait3A_216] : memref<2x128x128xf32, #tpu.memory_space<vmem>> -> memref<1x128x128xf32, #tpu.memory_space<vmem>>
        %dma_wait3A_218 = tpu.memref_squeeze %dma_wait3A_217 : memref<1x128x128xf32, #tpu.memory_space<vmem>> -> memref<128x128xf32, #tpu.memory_space<vmem>>
        tpu.wait_dma2 semaphore(%run_scoped3A_194 : memref<!tpu.dma_semaphore, #tpu.memory_space<semaphore_mem>>) src(%dma_wait3A_218 : memref<128x128xf32, #tpu.memory_space<vmem>>) dst(%dma_wait3A_214 : memref<128x128xf32, #tpu.memory_space<hbm>>)
        tpu.yield
      }) : () -> ()
      %add3A_129 = arith.constant 2 : i32
      %add3A_130 = arith.addi %mul3A_65, %add3A_129 : i32
      %mul3A_131 = arith.constant 32 : i32
      %mul3A_132 = arith.muli %add3A_130, %mul3A_131 : i32
      %add3A_133 = arith.addi %add3A, %mul3A_132 : i32
      %mul3A_134 = arith.constant 128 : i32
      %mul3A_135 = arith.muli %add3A_133, %mul3A_134 : i32
      %run_scoped3A_136 = arith.constant 0 : i32
      "tpu.region"() ({
        %run_scoped3A_194 = tpu.sem_alloc : memref<!tpu.dma_semaphore, #tpu.memory_space<semaphore_mem>>
        %dma_start3A_195 = arith.constant 0 : i32
        %dma_start3A_196 = tpu.memref_slice %arg7[%run_scoped3A_136, %dma_start3A_195] : memref<2x128xi32, #tpu.memory_space<vmem>> -> memref<1x128xi32, #tpu.memory_space<vmem>>
        %dma_start3A_197 = tpu.memref_squeeze %dma_start3A_196 : memref<1x128xi32, #tpu.memory_space<vmem>> -> memref<128xi32, #tpu.memory_space<vmem>>
        %dma_start3A_198 = tpu.memref_slice %arg4[%mul3A_135] : memref<80000xi32, #tpu.memory_space<hbm>> -> memref<128xi32, #tpu.memory_space<hbm>>
        %dma_start3A_199 = arith.constant 0 : i32
        %dma_start3A_200 = tpu.memref_slice %arg7[%run_scoped3A_136, %dma_start3A_199] : memref<2x128xi32, #tpu.memory_space<vmem>> -> memref<1x128xi32, #tpu.memory_space<vmem>>
        %dma_start3A_201 = tpu.memref_squeeze %dma_start3A_200 : memref<1x128xi32, #tpu.memory_space<vmem>> -> memref<128xi32, #tpu.memory_space<vmem>>
        %dma_start3A_202 = tpu.memref_slice %arg4[%mul3A_135] : memref<80000xi32, #tpu.memory_space<hbm>> -> memref<128xi32, #tpu.memory_space<hbm>>
        tpu.enqueue_dma source(%dma_start3A_202 : memref<128xi32, #tpu.memory_space<hbm>>) target(%dma_start3A_201 : memref<128xi32, #tpu.memory_space<vmem>>) target_semaphore(%run_scoped3A_194 : memref<!tpu.dma_semaphore, #tpu.memory_space<semaphore_mem>>)
        %dma_wait3A_203 = arith.constant 0 : i32
        %dma_wait3A_204 = tpu.memref_slice %arg7[%run_scoped3A_136, %dma_wait3A_203] : memref<2x128xi32, #tpu.memory_space<vmem>> -> memref<1x128xi32, #tpu.memory_space<vmem>>
        %dma_wait3A_205 = tpu.memref_squeeze %dma_wait3A_204 : memref<1x128xi32, #tpu.memory_space<vmem>> -> memref<128xi32, #tpu.memory_space<vmem>>
        %dma_wait3A_206 = tpu.memref_slice %arg4[%mul3A_135] : memref<80000xi32, #tpu.memory_space<hbm>> -> memref<128xi32, #tpu.memory_space<hbm>>
        %dma_wait3A_207 = arith.constant 0 : i32
        %dma_wait3A_208 = tpu.memref_slice %arg7[%run_scoped3A_136, %dma_wait3A_207] : memref<2x128xi32, #tpu.memory_space<vmem>> -> memref<1x128xi32, #tpu.memory_space<vmem>>
        %dma_wait3A_209 = tpu.memref_squeeze %dma_wait3A_208 : memref<1x128xi32, #tpu.memory_space<vmem>> -> memref<128xi32, #tpu.memory_space<vmem>>
        %dma_wait3A_210 = tpu.memref_slice %arg4[%mul3A_135] : memref<80000xi32, #tpu.memory_space<hbm>> -> memref<128xi32, #tpu.memory_space<hbm>>
        tpu.wait_dma2 semaphore(%run_scoped3A_194 : memref<!tpu.dma_semaphore, #tpu.memory_space<semaphore_mem>>) src(%dma_wait3A_210 : memref<128xi32, #tpu.memory_space<hbm>>) dst(%dma_wait3A_209 : memref<128xi32, #tpu.memory_space<vmem>>)
        tpu.yield
      }) : () -> ()
      %dma_start3A_137 = arith.constant 0 : i32
      %dma_start3A_138 = arith.constant 0 : i32
      %dma_start3A_139 = arith.constant 0 : i32
      %dma_start3A_140 = arith.constant 0 : i32
      %dma_start3A_141 = tpu.memref_slice %arg8[%dma_start3A_138, %dma_start3A_139, %dma_start3A_140] : memref<2x128x128xf32, #tpu.memory_space<vmem>> -> memref<1x128x128xf32, #tpu.memory_space<vmem>>
      %dma_start3A_142 = tpu.memref_squeeze %dma_start3A_141 : memref<1x128x128xf32, #tpu.memory_space<vmem>> -> memref<128x128xf32, #tpu.memory_space<vmem>>
      %dma_start3A_143 = arith.constant 0 : i32
      %dma_start3A_144 = tpu.memref_slice %arg7[%dma_start3A_137, %dma_start3A_143] : memref<2x128xi32, #tpu.memory_space<vmem>> -> memref<1x128xi32, #tpu.memory_space<vmem>>
      %dma_start3A_145 = tpu.memref_squeeze %dma_start3A_144 : memref<1x128xi32, #tpu.memory_space<vmem>> -> memref<128xi32, #tpu.memory_space<vmem>>
      %dma_start3A_146 = arith.constant 0 : i32
      %dma_start3A_147 = arith.constant 0 : i32
      %dma_start3A_148 = tpu.memref_slice %arg2[%dma_start3A_146, %dma_start3A_147] : memref<10000x128xf32, #tpu.memory_space<hbm>> -> memref<10000x128xf32, #tpu.memory_space<hbm>>
      tpu.enqueue_indirect_dma source(%dma_start3A_148 : memref<10000x128xf32, #tpu.memory_space<hbm>>) target(%dma_start3A_142 : memref<128x128xf32, #tpu.memory_space<vmem>>) offsets(%dma_start3A_145 : memref<128xi32, #tpu.memory_space<vmem>>) semaphore(%arg10 : memref<!tpu.dma_semaphore, #tpu.memory_space<semaphore_mem>>)
      %dma_start3A_149 = arith.constant 0 : i32
      %dma_start3A_150 = arith.constant 0 : i32
      %dma_start3A_151 = arith.constant 0 : i32
      %dma_start3A_152 = arith.constant 0 : i32
      %dma_start3A_153 = tpu.memref_slice %arg9[%dma_start3A_150, %dma_start3A_151, %dma_start3A_152] : memref<2x128x128xf32, #tpu.memory_space<vmem>> -> memref<1x128x128xf32, #tpu.memory_space<vmem>>
      %dma_start3A_154 = tpu.memref_squeeze %dma_start3A_153 : memref<1x128x128xf32, #tpu.memory_space<vmem>> -> memref<128x128xf32, #tpu.memory_space<vmem>>
      %dma_start3A_155 = arith.constant 0 : i32
      %dma_start3A_156 = tpu.memref_slice %arg7[%dma_start3A_149, %dma_start3A_155] : memref<2x128xi32, #tpu.memory_space<vmem>> -> memref<1x128xi32, #tpu.memory_space<vmem>>
      %dma_start3A_157 = tpu.memref_squeeze %dma_start3A_156 : memref<1x128xi32, #tpu.memory_space<vmem>> -> memref<128xi32, #tpu.memory_space<vmem>>
      %dma_start3A_158 = arith.constant 0 : i32
      %dma_start3A_159 = arith.constant 0 : i32
      %dma_start3A_160 = tpu.memref_slice %arg3[%dma_start3A_158, %dma_start3A_159] : memref<10000x128xf32, #tpu.memory_space<hbm>> -> memref<10000x128xf32, #tpu.memory_space<hbm>>
      tpu.enqueue_indirect_dma source(%dma_start3A_160 : memref<10000x128xf32, #tpu.memory_space<hbm>>) target(%dma_start3A_154 : memref<128x128xf32, #tpu.memory_space<vmem>>) offsets(%dma_start3A_157 : memref<128xi32, #tpu.memory_space<vmem>>) semaphore(%arg11 : memref<!tpu.dma_semaphore, #tpu.memory_space<semaphore_mem>>)
      %add3A_161 = arith.constant 1 : i32
      %add3A_162 = arith.addi %mul3A_65, %add3A_161 : i32
      %dma_wait3A_163 = arith.constant 1 : i32
      %dma_wait3A_164 = arith.constant 1 : i32
      %dma_wait3A_165 = arith.constant 0 : i32
      %dma_wait3A_166 = arith.constant 0 : i32
      %dma_wait3A_167 = tpu.memref_slice %arg8[%dma_wait3A_164, %dma_wait3A_165, %dma_wait3A_166] : memref<2x128x128xf32, #tpu.memory_space<vmem>> -> memref<1x128x128xf32, #tpu.memory_space<vmem>>
      %dma_wait3A_168 = tpu.memref_squeeze %dma_wait3A_167 : memref<1x128x128xf32, #tpu.memory_space<vmem>> -> memref<128x128xf32, #tpu.memory_space<vmem>>
      %dma_wait3A_169 = arith.constant 0 : i32
      %dma_wait3A_170 = tpu.memref_slice %arg7[%dma_wait3A_163, %dma_wait3A_169] : memref<2x128xi32, #tpu.memory_space<vmem>> -> memref<1x128xi32, #tpu.memory_space<vmem>>
      %dma_wait3A_171 = tpu.memref_squeeze %dma_wait3A_170 : memref<1x128xi32, #tpu.memory_space<vmem>> -> memref<128xi32, #tpu.memory_space<vmem>>
      %dma_wait3A_172 = arith.constant 0 : i32
      %dma_wait3A_173 = arith.constant 0 : i32
      %dma_wait3A_174 = tpu.memref_slice %arg2[%dma_wait3A_172, %dma_wait3A_173] : memref<10000x128xf32, #tpu.memory_space<hbm>> -> memref<10000x128xf32, #tpu.memory_space<hbm>>
      tpu.wait_indirect_dma semaphore(%arg12 : memref<!tpu.dma_semaphore, #tpu.memory_space<semaphore_mem>>) src(%dma_wait3A_174 : memref<10000x128xf32, #tpu.memory_space<hbm>>) dst(%dma_wait3A_168 : memref<128x128xf32, #tpu.memory_space<vmem>>)
      %dma_wait3A_175 = arith.constant 1 : i32
      %dma_wait3A_176 = arith.constant 1 : i32
      %dma_wait3A_177 = arith.constant 0 : i32
      %dma_wait3A_178 = arith.constant 0 : i32
      %dma_wait3A_179 = tpu.memref_slice %arg9[%dma_wait3A_176, %dma_wait3A_177, %dma_wait3A_178] : memref<2x128x128xf32, #tpu.memory_space<vmem>> -> memref<1x128x128xf32, #tpu.memory_space<vmem>>
      %dma_wait3A_180 = tpu.memref_squeeze %dma_wait3A_179 : memref<1x128x128xf32, #tpu.memory_space<vmem>> -> memref<128x128xf32, #tpu.memory_space<vmem>>
      %dma_wait3A_181 = arith.constant 0 : i32
      %dma_wait3A_182 = tpu.memref_slice %arg7[%dma_wait3A_175, %dma_wait3A_181] : memref<2x128xi32, #tpu.memory_space<vmem>> -> memref<1x128xi32, #tpu.memory_space<vmem>>
      %dma_wait3A_183 = tpu.memref_squeeze %dma_wait3A_182 : memref<1x128xi32, #tpu.memory_space<vmem>> -> memref<128xi32, #tpu.memory_space<vmem>>
      %dma_wait3A_184 = arith.constant 0 : i32
      %dma_wait3A_185 = arith.constant 0 : i32
      %dma_wait3A_186 = tpu.memref_slice %arg3[%dma_wait3A_184, %dma_wait3A_185] : memref<10000x128xf32, #tpu.memory_space<hbm>> -> memref<10000x128xf32, #tpu.memory_space<hbm>>
      tpu.wait_indirect_dma semaphore(%arg13 : memref<!tpu.dma_semaphore, #tpu.memory_space<semaphore_mem>>) src(%dma_wait3A_186 : memref<10000x128xf32, #tpu.memory_space<hbm>>) dst(%dma_wait3A_180 : memref<128x128xf32, #tpu.memory_space<vmem>>)
      %mul3A_187 = arith.constant 32 : i32
      %mul3A_188 = arith.muli %add3A_162, %mul3A_187 : i32
      %add3A_189 = arith.addi %add3A, %mul3A_188 : i32
      %mul3A_190 = arith.constant 128 : i32
      %mul3A_191 = arith.muli %add3A_189, %mul3A_190 : i32
      %run_scoped3A_192 = arith.constant 1 : i32
      "tpu.region"() ({
        %run_scoped3A_194 = tpu.sem_alloc : memref<!tpu.dma_semaphore, #tpu.memory_space<semaphore_mem>>
        %dma_start3A_195 = arith.constant 0 : i32
        %dma_start3A_196 = arith.constant 0 : i32
        %dma_start3A_197 = tpu.memref_slice %arg8[%run_scoped3A_192, %dma_start3A_195, %dma_start3A_196] : memref<2x128x128xf32, #tpu.memory_space<vmem>> -> memref<1x128x128xf32, #tpu.memory_space<vmem>>
        %dma_start3A_198 = tpu.memref_squeeze %dma_start3A_197 : memref<1x128x128xf32, #tpu.memory_space<vmem>> -> memref<128x128xf32, #tpu.memory_space<vmem>>
        %dma_start3A_199 = arith.constant 0 : i32
        %dma_start3A_200 = tpu.memref_slice %arg5[%mul3A_191, %dma_start3A_199] : memref<80000x128xf32, #tpu.memory_space<hbm>> -> memref<128x128xf32, #tpu.memory_space<hbm>>
        %dma_start3A_201 = arith.constant 0 : i32
        %dma_start3A_202 = tpu.memref_slice %arg5[%mul3A_191, %dma_start3A_201] : memref<80000x128xf32, #tpu.memory_space<hbm>> -> memref<128x128xf32, #tpu.memory_space<hbm>>
        %dma_start3A_203 = arith.constant 0 : i32
        %dma_start3A_204 = arith.constant 0 : i32
        %dma_start3A_205 = tpu.memref_slice %arg8[%run_scoped3A_192, %dma_start3A_203, %dma_start3A_204] : memref<2x128x128xf32, #tpu.memory_space<vmem>> -> memref<1x128x128xf32, #tpu.memory_space<vmem>>
        %dma_start3A_206 = tpu.memref_squeeze %dma_start3A_205 : memref<1x128x128xf32, #tpu.memory_space<vmem>> -> memref<128x128xf32, #tpu.memory_space<vmem>>
        tpu.enqueue_dma source(%dma_start3A_206 : memref<128x128xf32, #tpu.memory_space<vmem>>) target(%dma_start3A_202 : memref<128x128xf32, #tpu.memory_space<hbm>>) target_semaphore(%run_scoped3A_194 : memref<!tpu.dma_semaphore, #tpu.memory_space<semaphore_mem>>)
        %dma_wait3A_207 = arith.constant 0 : i32
        %dma_wait3A_208 = arith.constant 0 : i32
        %dma_wait3A_209 = tpu.memref_slice %arg8[%run_scoped3A_192, %dma_wait3A_207, %dma_wait3A_208] : memref<2x128x128xf32, #tpu.memory_space<vmem>> -> memref<1x128x128xf32, #tpu.memory_space<vmem>>
        %dma_wait3A_210 = tpu.memref_squeeze %dma_wait3A_209 : memref<1x128x128xf32, #tpu.memory_space<vmem>> -> memref<128x128xf32, #tpu.memory_space<vmem>>
        %dma_wait3A_211 = arith.constant 0 : i32
        %dma_wait3A_212 = tpu.memref_slice %arg5[%mul3A_191, %dma_wait3A_211] : memref<80000x128xf32, #tpu.memory_space<hbm>> -> memref<128x128xf32, #tpu.memory_space<hbm>>
        %dma_wait3A_213 = arith.constant 0 : i32
        %dma_wait3A_214 = tpu.memref_slice %arg5[%mul3A_191, %dma_wait3A_213] : memref<80000x128xf32, #tpu.memory_space<hbm>> -> memref<128x128xf32, #tpu.memory_space<hbm>>
        %dma_wait3A_215 = arith.constant 0 : i32
        %dma_wait3A_216 = arith.constant 0 : i32
        %dma_wait3A_217 = tpu.memref_slice %arg8[%run_scoped3A_192, %dma_wait3A_215, %dma_wait3A_216] : memref<2x128x128xf32, #tpu.memory_space<vmem>> -> memref<1x128x128xf32, #tpu.memory_space<vmem>>
        %dma_wait3A_218 = tpu.memref_squeeze %dma_wait3A_217 : memref<1x128x128xf32, #tpu.memory_space<vmem>> -> memref<128x128xf32, #tpu.memory_space<vmem>>
        tpu.wait_dma2 semaphore(%run_scoped3A_194 : memref<!tpu.dma_semaphore, #tpu.memory_space<semaphore_mem>>) src(%dma_wait3A_218 : memref<128x128xf32, #tpu.memory_space<vmem>>) dst(%dma_wait3A_214 : memref<128x128xf32, #tpu.memory_space<hbm>>)
        tpu.yield
      }) : () -> ()
      %run_scoped3A_193 = arith.constant 1 : i32
      "tpu.region"() ({
        %run_scoped3A_194 = tpu.sem_alloc : memref<!tpu.dma_semaphore, #tpu.memory_space<semaphore_mem>>
        %dma_start3A_195 = arith.constant 0 : i32
        %dma_start3A_196 = arith.constant 0 : i32
        %dma_start3A_197 = tpu.memref_slice %arg9[%run_scoped3A_193, %dma_start3A_195, %dma_start3A_196] : memref<2x128x128xf32, #tpu.memory_space<vmem>> -> memref<1x128x128xf32, #tpu.memory_space<vmem>>
        %dma_start3A_198 = tpu.memref_squeeze %dma_start3A_197 : memref<1x128x128xf32, #tpu.memory_space<vmem>> -> memref<128x128xf32, #tpu.memory_space<vmem>>
        %dma_start3A_199 = arith.constant 0 : i32
        %dma_start3A_200 = tpu.memref_slice %arg6[%mul3A_191, %dma_start3A_199] : memref<80000x128xf32, #tpu.memory_space<hbm>> -> memref<128x128xf32, #tpu.memory_space<hbm>>
        %dma_start3A_201 = arith.constant 0 : i32
        %dma_start3A_202 = tpu.memref_slice %arg6[%mul3A_191, %dma_start3A_201] : memref<80000x128xf32, #tpu.memory_space<hbm>> -> memref<128x128xf32, #tpu.memory_space<hbm>>
        %dma_start3A_203 = arith.constant 0 : i32
        %dma_start3A_204 = arith.constant 0 : i32
        %dma_start3A_205 = tpu.memref_slice %arg9[%run_scoped3A_193, %dma_start3A_203, %dma_start3A_204] : memref<2x128x128xf32, #tpu.memory_space<vmem>> -> memref<1x128x128xf32, #tpu.memory_space<vmem>>
        %dma_start3A_206 = tpu.memref_squeeze %dma_start3A_205 : memref<1x128x128xf32, #tpu.memory_space<vmem>> -> memref<128x128xf32, #tpu.memory_space<vmem>>
        tpu.enqueue_dma source(%dma_start3A_206 : memref<128x128xf32, #tpu.memory_space<vmem>>) target(%dma_start3A_202 : memref<128x128xf32, #tpu.memory_space<hbm>>) target_semaphore(%run_scoped3A_194 : memref<!tpu.dma_semaphore, #tpu.memory_space<semaphore_mem>>)
        %dma_wait3A_207 = arith.constant 0 : i32
        %dma_wait3A_208 = arith.constant 0 : i32
        %dma_wait3A_209 = tpu.memref_slice %arg9[%run_scoped3A_193, %dma_wait3A_207, %dma_wait3A_208] : memref<2x128x128xf32, #tpu.memory_space<vmem>> -> memref<1x128x128xf32, #tpu.memory_space<vmem>>
        %dma_wait3A_210 = tpu.memref_squeeze %dma_wait3A_209 : memref<1x128x128xf32, #tpu.memory_space<vmem>> -> memref<128x128xf32, #tpu.memory_space<vmem>>
        %dma_wait3A_211 = arith.constant 0 : i32
        %dma_wait3A_212 = tpu.memref_slice %arg6[%mul3A_191, %dma_wait3A_211] : memref<80000x128xf32, #tpu.memory_space<hbm>> -> memref<128x128xf32, #tpu.memory_space<hbm>>
        %dma_wait3A_213 = arith.constant 0 : i32
        %dma_wait3A_214 = tpu.memref_slice %arg6[%mul3A_191, %dma_wait3A_213] : memref<80000x128xf32, #tpu.memory_space<hbm>> -> memref<128x128xf32, #tpu.memory_space<hbm>>
        %dma_wait3A_215 = arith.constant 0 : i32
        %dma_wait3A_216 = arith.constant 0 : i32
        %dma_wait3A_217 = tpu.memref_slice %arg9[%run_scoped3A_193, %dma_wait3A_215, %dma_wait3A_216] : memref<2x128x128xf32, #tpu.memory_space<vmem>> -> memref<1x128x128xf32, #tpu.memory_space<vmem>>
        %dma_wait3A_218 = tpu.memref_squeeze %dma_wait3A_217 : memref<1x128x128xf32, #tpu.memory_space<vmem>> -> memref<128x128xf32, #tpu.memory_space<vmem>>
        tpu.wait_dma2 semaphore(%run_scoped3A_194 : memref<!tpu.dma_semaphore, #tpu.memory_space<semaphore_mem>>) src(%dma_wait3A_218 : memref<128x128xf32, #tpu.memory_space<vmem>>) dst(%dma_wait3A_214 : memref<128x128xf32, #tpu.memory_space<hbm>>)
        tpu.yield
      }) : () -> ()
    }
    %scan3A_31 = arith.constant 9 : i32
    %dma_wait3A = arith.constant 0 : i32
    %dma_wait3A_32 = arith.constant 0 : i32
    %dma_wait3A_33 = arith.constant 0 : i32
    %dma_wait3A_34 = arith.constant 0 : i32
    %dma_wait3A_35 = tpu.memref_slice %arg8[%dma_wait3A_32, %dma_wait3A_33, %dma_wait3A_34] : memref<2x128x128xf32, #tpu.memory_space<vmem>> -> memref<1x128x128xf32, #tpu.memory_space<vmem>>
    %dma_wait3A_36 = tpu.memref_squeeze %dma_wait3A_35 : memref<1x128x128xf32, #tpu.memory_space<vmem>> -> memref<128x128xf32, #tpu.memory_space<vmem>>
    %dma_wait3A_37 = arith.constant 0 : i32
    %dma_wait3A_38 = tpu.memref_slice %arg7[%dma_wait3A, %dma_wait3A_37] : memref<2x128xi32, #tpu.memory_space<vmem>> -> memref<1x128xi32, #tpu.memory_space<vmem>>
    %dma_wait3A_39 = tpu.memref_squeeze %dma_wait3A_38 : memref<1x128xi32, #tpu.memory_space<vmem>> -> memref<128xi32, #tpu.memory_space<vmem>>
    %dma_wait3A_40 = arith.constant 0 : i32
    %dma_wait3A_41 = arith.constant 0 : i32
    %dma_wait3A_42 = tpu.memref_slice %arg2[%dma_wait3A_40, %dma_wait3A_41] : memref<10000x128xf32, #tpu.memory_space<hbm>> -> memref<10000x128xf32, #tpu.memory_space<hbm>>
    tpu.wait_indirect_dma semaphore(%arg10 : memref<!tpu.dma_semaphore, #tpu.memory_space<semaphore_mem>>) src(%dma_wait3A_42 : memref<10000x128xf32, #tpu.memory_space<hbm>>) dst(%dma_wait3A_36 : memref<128x128xf32, #tpu.memory_space<vmem>>)
    %dma_wait3A_43 = arith.constant 0 : i32
    %dma_wait3A_44 = arith.constant 0 : i32
    %dma_wait3A_45 = arith.constant 0 : i32
    %dma_wait3A_46 = arith.constant 0 : i32
    %dma_wait3A_47 = tpu.memref_slice %arg9[%dma_wait3A_44, %dma_wait3A_45, %dma_wait3A_46] : memref<2x128x128xf32, #tpu.memory_space<vmem>> -> memref<1x128x128xf32, #tpu.memory_space<vmem>>
    %dma_wait3A_48 = tpu.memref_squeeze %dma_wait3A_47 : memref<1x128x128xf32, #tpu.memory_space<vmem>> -> memref<128x128xf32, #tpu.memory_space<vmem>>
    %dma_wait3A_49 = arith.constant 0 : i32
    %dma_wait3A_50 = tpu.memref_slice %arg7[%dma_wait3A_43, %dma_wait3A_49] : memref<2x128xi32, #tpu.memory_space<vmem>> -> memref<1x128xi32, #tpu.memory_space<vmem>>
    %dma_wait3A_51 = tpu.memref_squeeze %dma_wait3A_50 : memref<1x128xi32, #tpu.memory_space<vmem>> -> memref<128xi32, #tpu.memory_space<vmem>>
    %dma_wait3A_52 = arith.constant 0 : i32
    %dma_wait3A_53 = arith.constant 0 : i32
    %dma_wait3A_54 = tpu.memref_slice %arg3[%dma_wait3A_52, %dma_wait3A_53] : memref<10000x128xf32, #tpu.memory_space<hbm>> -> memref<10000x128xf32, #tpu.memory_space<hbm>>
    tpu.wait_indirect_dma semaphore(%arg11 : memref<!tpu.dma_semaphore, #tpu.memory_space<semaphore_mem>>) src(%dma_wait3A_54 : memref<10000x128xf32, #tpu.memory_space<hbm>>) dst(%dma_wait3A_48 : memref<128x128xf32, #tpu.memory_space<vmem>>)
    %add3A_55 = arith.constant 576 : i32
    %add3A_56 = arith.addi %add3A, %add3A_55 : i32
    %mul3A_57 = arith.constant 128 : i32
    %mul3A_58 = arith.muli %add3A_56, %mul3A_57 : i32
    %run_scoped3A_59 = arith.constant 0 : i32
    "tpu.region"() ({
      %run_scoped3A_63 = tpu.sem_alloc : memref<!tpu.dma_semaphore, #tpu.memory_space<semaphore_mem>>
      %dma_start3A_64 = arith.constant 0 : i32
      %dma_start3A_65 = arith.constant 0 : i32
      %dma_start3A_66 = tpu.memref_slice %arg8[%run_scoped3A_59, %dma_start3A_64, %dma_start3A_65] : memref<2x128x128xf32, #tpu.memory_space<vmem>> -> memref<1x128x128xf32, #tpu.memory_space<vmem>>
      %dma_start3A_67 = tpu.memref_squeeze %dma_start3A_66 : memref<1x128x128xf32, #tpu.memory_space<vmem>> -> memref<128x128xf32, #tpu.memory_space<vmem>>
      %dma_start3A_68 = arith.constant 0 : i32
      %dma_start3A_69 = tpu.memref_slice %arg5[%mul3A_58, %dma_start3A_68] : memref<80000x128xf32, #tpu.memory_space<hbm>> -> memref<128x128xf32, #tpu.memory_space<hbm>>
      %dma_start3A_70 = arith.constant 0 : i32
      %dma_start3A_71 = tpu.memref_slice %arg5[%mul3A_58, %dma_start3A_70] : memref<80000x128xf32, #tpu.memory_space<hbm>> -> memref<128x128xf32, #tpu.memory_space<hbm>>
      %dma_start3A_72 = arith.constant 0 : i32
      %dma_start3A_73 = arith.constant 0 : i32
      %dma_start3A_74 = tpu.memref_slice %arg8[%run_scoped3A_59, %dma_start3A_72, %dma_start3A_73] : memref<2x128x128xf32, #tpu.memory_space<vmem>> -> memref<1x128x128xf32, #tpu.memory_space<vmem>>
      %dma_start3A_75 = tpu.memref_squeeze %dma_start3A_74 : memref<1x128x128xf32, #tpu.memory_space<vmem>> -> memref<128x128xf32, #tpu.memory_space<vmem>>
      tpu.enqueue_dma source(%dma_start3A_75 : memref<128x128xf32, #tpu.memory_space<vmem>>) target(%dma_start3A_71 : memref<128x128xf32, #tpu.memory_space<hbm>>) target_semaphore(%run_scoped3A_63 : memref<!tpu.dma_semaphore, #tpu.memory_space<semaphore_mem>>)
      %dma_wait3A_76 = arith.constant 0 : i32
      %dma_wait3A_77 = arith.constant 0 : i32
      %dma_wait3A_78 = tpu.memref_slice %arg8[%run_scoped3A_59, %dma_wait3A_76, %dma_wait3A_77] : memref<2x128x128xf32, #tpu.memory_space<vmem>> -> memref<1x128x128xf32, #tpu.memory_space<vmem>>
      %dma_wait3A_79 = tpu.memref_squeeze %dma_wait3A_78 : memref<1x128x128xf32, #tpu.memory_space<vmem>> -> memref<128x128xf32, #tpu.memory_space<vmem>>
      %dma_wait3A_80 = arith.constant 0 : i32
      %dma_wait3A_81 = tpu.memref_slice %arg5[%mul3A_58, %dma_wait3A_80] : memref<80000x128xf32, #tpu.memory_space<hbm>> -> memref<128x128xf32, #tpu.memory_space<hbm>>
      %dma_wait3A_82 = arith.constant 0 : i32
      %dma_wait3A_83 = tpu.memref_slice %arg5[%mul3A_58, %dma_wait3A_82] : memref<80000x128xf32, #tpu.memory_space<hbm>> -> memref<128x128xf32, #tpu.memory_space<hbm>>
      %dma_wait3A_84 = arith.constant 0 : i32
      %dma_wait3A_85 = arith.constant 0 : i32
      %dma_wait3A_86 = tpu.memref_slice %arg8[%run_scoped3A_59, %dma_wait3A_84, %dma_wait3A_85] : memref<2x128x128xf32, #tpu.memory_space<vmem>> -> memref<1x128x128xf32, #tpu.memory_space<vmem>>
      %dma_wait3A_87 = tpu.memref_squeeze %dma_wait3A_86 : memref<1x128x128xf32, #tpu.memory_space<vmem>> -> memref<128x128xf32, #tpu.memory_space<vmem>>
      tpu.wait_dma2 semaphore(%run_scoped3A_63 : memref<!tpu.dma_semaphore, #tpu.memory_space<semaphore_mem>>) src(%dma_wait3A_87 : memref<128x128xf32, #tpu.memory_space<vmem>>) dst(%dma_wait3A_83 : memref<128x128xf32, #tpu.memory_space<hbm>>)
      tpu.yield
    }) : () -> ()
    %run_scoped3A_60 = arith.constant 0 : i32
    "tpu.region"() ({
      %run_scoped3A_63 = tpu.sem_alloc : memref<!tpu.dma_semaphore, #tpu.memory_space<semaphore_mem>>
      %dma_start3A_64 = arith.constant 0 : i32
      %dma_start3A_65 = arith.constant 0 : i32
      %dma_start3A_66 = tpu.memref_slice %arg9[%run_scoped3A_60, %dma_start3A_64, %dma_start3A_65] : memref<2x128x128xf32, #tpu.memory_space<vmem>> -> memref<1x128x128xf32, #tpu.memory_space<vmem>>
      %dma_start3A_67 = tpu.memref_squeeze %dma_start3A_66 : memref<1x128x128xf32, #tpu.memory_space<vmem>> -> memref<128x128xf32, #tpu.memory_space<vmem>>
      %dma_start3A_68 = arith.constant 0 : i32
      %dma_start3A_69 = tpu.memref_slice %arg6[%mul3A_58, %dma_start3A_68] : memref<80000x128xf32, #tpu.memory_space<hbm>> -> memref<128x128xf32, #tpu.memory_space<hbm>>
      %dma_start3A_70 = arith.constant 0 : i32
      %dma_start3A_71 = tpu.memref_slice %arg6[%mul3A_58, %dma_start3A_70] : memref<80000x128xf32, #tpu.memory_space<hbm>> -> memref<128x128xf32, #tpu.memory_space<hbm>>
      %dma_start3A_72 = arith.constant 0 : i32
      %dma_start3A_73 = arith.constant 0 : i32
      %dma_start3A_74 = tpu.memref_slice %arg9[%run_scoped3A_60, %dma_start3A_72, %dma_start3A_73] : memref<2x128x128xf32, #tpu.memory_space<vmem>> -> memref<1x128x128xf32, #tpu.memory_space<vmem>>
      %dma_start3A_75 = tpu.memref_squeeze %dma_start3A_74 : memref<1x128x128xf32, #tpu.memory_space<vmem>> -> memref<128x128xf32, #tpu.memory_space<vmem>>
      tpu.enqueue_dma source(%dma_start3A_75 : memref<128x128xf32, #tpu.memory_space<vmem>>) target(%dma_start3A_71 : memref<128x128xf32, #tpu.memory_space<hbm>>) target_semaphore(%run_scoped3A_63 : memref<!tpu.dma_semaphore, #tpu.memory_space<semaphore_mem>>)
      %dma_wait3A_76 = arith.constant 0 : i32
      %dma_wait3A_77 = arith.constant 0 : i32
      %dma_wait3A_78 = tpu.memref_slice %arg9[%run_scoped3A_60, %dma_wait3A_76, %dma_wait3A_77] : memref<2x128x128xf32, #tpu.memory_space<vmem>> -> memref<1x128x128xf32, #tpu.memory_space<vmem>>
      %dma_wait3A_79 = tpu.memref_squeeze %dma_wait3A_78 : memref<1x128x128xf32, #tpu.memory_space<vmem>> -> memref<128x128xf32, #tpu.memory_space<vmem>>
      %dma_wait3A_80 = arith.constant 0 : i32
      %dma_wait3A_81 = tpu.memref_slice %arg6[%mul3A_58, %dma_wait3A_80] : memref<80000x128xf32, #tpu.memory_space<hbm>> -> memref<128x128xf32, #tpu.memory_space<hbm>>
      %dma_wait3A_82 = arith.constant 0 : i32
      %dma_wait3A_83 = tpu.memref_slice %arg6[%mul3A_58, %dma_wait3A_82] : memref<80000x128xf32, #tpu.memory_space<hbm>> -> memref<128x128xf32, #tpu.memory_space<hbm>>
      %dma_wait3A_84 = arith.constant 0 : i32
      %dma_wait3A_85 = arith.constant 0 : i32
      %dma_wait3A_86 = tpu.memref_slice %arg9[%run_scoped3A_60, %dma_wait3A_84, %dma_wait3A_85] : memref<2x128x128xf32, #tpu.memory_space<vmem>> -> memref<1x128x128xf32, #tpu.memory_space<vmem>>
      %dma_wait3A_87 = tpu.memref_squeeze %dma_wait3A_86 : memref<1x128x128xf32, #tpu.memory_space<vmem>> -> memref<128x128xf32, #tpu.memory_space<vmem>>
      tpu.wait_dma2 semaphore(%run_scoped3A_63 : memref<!tpu.dma_semaphore, #tpu.memory_space<semaphore_mem>>) src(%dma_wait3A_87 : memref<128x128xf32, #tpu.memory_space<vmem>>) dst(%dma_wait3A_83 : memref<128x128xf32, #tpu.memory_space<hbm>>)
      tpu.yield
    }) : () -> ()
    %lt3A = arith.constant 17 : i32
    %lt3A_61 = arith.cmpi slt, %add3A, %lt3A : i32
    %convert_element_type3A = arith.extui %lt3A_61 : i1 to i32
    %cond3A = arith.constant 0 : i32
    %cond3A_62 = arith.cmpi ne, %convert_element_type3A, %cond3A : i32
    scf.if %cond3A_62 {
      %add3A_63 = arith.constant 608 : i32
      %add3A_64 = arith.addi %add3A_63, %add3A : i32
      %mul3A_65 = arith.constant 128 : i32
      %mul3A_66 = arith.muli %add3A_64, %mul3A_65 : i32
      %run_scoped3A_67 = arith.constant 0 : i32
      "tpu.region"() ({
        %run_scoped3A_118 = tpu.sem_alloc : memref<!tpu.dma_semaphore, #tpu.memory_space<semaphore_mem>>
        %dma_start3A_119 = arith.constant 0 : i32
        %dma_start3A_120 = tpu.memref_slice %arg7[%run_scoped3A_67, %dma_start3A_119] : memref<2x128xi32, #tpu.memory_space<vmem>> -> memref<1x128xi32, #tpu.memory_space<vmem>>
        %dma_start3A_121 = tpu.memref_squeeze %dma_start3A_120 : memref<1x128xi32, #tpu.memory_space<vmem>> -> memref<128xi32, #tpu.memory_space<vmem>>
        %dma_start3A_122 = tpu.memref_slice %arg4[%mul3A_66] : memref<80000xi32, #tpu.memory_space<hbm>> -> memref<128xi32, #tpu.memory_space<hbm>>
        %dma_start3A_123 = arith.constant 0 : i32
        %dma_start3A_124 = tpu.memref_slice %arg7[%run_scoped3A_67, %dma_start3A_123] : memref<2x128xi32, #tpu.memory_space<vmem>> -> memref<1x128xi32, #tpu.memory_space<vmem>>
        %dma_start3A_125 = tpu.memref_squeeze %dma_start3A_124 : memref<1x128xi32, #tpu.memory_space<vmem>> -> memref<128xi32, #tpu.memory_space<vmem>>
        %dma_start3A_126 = tpu.memref_slice %arg4[%mul3A_66] : memref<80000xi32, #tpu.memory_space<hbm>> -> memref<128xi32, #tpu.memory_space<hbm>>
        tpu.enqueue_dma source(%dma_start3A_126 : memref<128xi32, #tpu.memory_space<hbm>>) target(%dma_start3A_125 : memref<128xi32, #tpu.memory_space<vmem>>) target_semaphore(%run_scoped3A_118 : memref<!tpu.dma_semaphore, #tpu.memory_space<semaphore_mem>>)
        %dma_wait3A_127 = arith.constant 0 : i32
        %dma_wait3A_128 = tpu.memref_slice %arg7[%run_scoped3A_67, %dma_wait3A_127] : memref<2x128xi32, #tpu.memory_space<vmem>> -> memref<1x128xi32, #tpu.memory_space<vmem>>
        %dma_wait3A_129 = tpu.memref_squeeze %dma_wait3A_128 : memref<1x128xi32, #tpu.memory_space<vmem>> -> memref<128xi32, #tpu.memory_space<vmem>>
        %dma_wait3A_130 = tpu.memref_slice %arg4[%mul3A_66] : memref<80000xi32, #tpu.memory_space<hbm>> -> memref<128xi32, #tpu.memory_space<hbm>>
        %dma_wait3A_131 = arith.constant 0 : i32
        %dma_wait3A_132 = tpu.memref_slice %arg7[%run_scoped3A_67, %dma_wait3A_131] : memref<2x128xi32, #tpu.memory_space<vmem>> -> memref<1x128xi32, #tpu.memory_space<vmem>>
        %dma_wait3A_133 = tpu.memref_squeeze %dma_wait3A_132 : memref<1x128xi32, #tpu.memory_space<vmem>> -> memref<128xi32, #tpu.memory_space<vmem>>
        %dma_wait3A_134 = tpu.memref_slice %arg4[%mul3A_66] : memref<80000xi32, #tpu.memory_space<hbm>> -> memref<128xi32, #tpu.memory_space<hbm>>
        tpu.wait_dma2 semaphore(%run_scoped3A_118 : memref<!tpu.dma_semaphore, #tpu.memory_space<semaphore_mem>>) src(%dma_wait3A_134 : memref<128xi32, #tpu.memory_space<hbm>>) dst(%dma_wait3A_133 : memref<128xi32, #tpu.memory_space<vmem>>)
        tpu.yield
      }) : () -> ()
      %dma_start3A_68 = arith.constant 0 : i32
      %dma_start3A_69 = arith.constant 0 : i32
      %dma_start3A_70 = arith.constant 0 : i32
      %dma_start3A_71 = arith.constant 0 : i32
      %dma_start3A_72 = tpu.memref_slice %arg8[%dma_start3A_69, %dma_start3A_70, %dma_start3A_71] : memref<2x128x128xf32, #tpu.memory_space<vmem>> -> memref<1x128x128xf32, #tpu.memory_space<vmem>>
      %dma_start3A_73 = tpu.memref_squeeze %dma_start3A_72 : memref<1x128x128xf32, #tpu.memory_space<vmem>> -> memref<128x128xf32, #tpu.memory_space<vmem>>
      %dma_start3A_74 = arith.constant 0 : i32
      %dma_start3A_75 = tpu.memref_slice %arg7[%dma_start3A_68, %dma_start3A_74] : memref<2x128xi32, #tpu.memory_space<vmem>> -> memref<1x128xi32, #tpu.memory_space<vmem>>
      %dma_start3A_76 = tpu.memref_squeeze %dma_start3A_75 : memref<1x128xi32, #tpu.memory_space<vmem>> -> memref<128xi32, #tpu.memory_space<vmem>>
      %dma_start3A_77 = arith.constant 0 : i32
      %dma_start3A_78 = arith.constant 0 : i32
      %dma_start3A_79 = tpu.memref_slice %arg2[%dma_start3A_77, %dma_start3A_78] : memref<10000x128xf32, #tpu.memory_space<hbm>> -> memref<10000x128xf32, #tpu.memory_space<hbm>>
      tpu.enqueue_indirect_dma source(%dma_start3A_79 : memref<10000x128xf32, #tpu.memory_space<hbm>>) target(%dma_start3A_73 : memref<128x128xf32, #tpu.memory_space<vmem>>) offsets(%dma_start3A_76 : memref<128xi32, #tpu.memory_space<vmem>>) semaphore(%arg10 : memref<!tpu.dma_semaphore, #tpu.memory_space<semaphore_mem>>)
      %dma_wait3A_80 = arith.constant 0 : i32
      %dma_wait3A_81 = arith.constant 0 : i32
      %dma_wait3A_82 = arith.constant 0 : i32
      %dma_wait3A_83 = arith.constant 0 : i32
      %dma_wait3A_84 = tpu.memref_slice %arg8[%dma_wait3A_81, %dma_wait3A_82, %dma_wait3A_83] : memref<2x128x128xf32, #tpu.memory_space<vmem>> -> memref<1x128x128xf32, #tpu.memory_space<vmem>>
      %dma_wait3A_85 = tpu.memref_squeeze %dma_wait3A_84 : memref<1x128x128xf32, #tpu.memory_space<vmem>> -> memref<128x128xf32, #tpu.memory_space<vmem>>
      %dma_wait3A_86 = arith.constant 0 : i32
      %dma_wait3A_87 = tpu.memref_slice %arg7[%dma_wait3A_80, %dma_wait3A_86] : memref<2x128xi32, #tpu.memory_space<vmem>> -> memref<1x128xi32, #tpu.memory_space<vmem>>
      %dma_wait3A_88 = tpu.memref_squeeze %dma_wait3A_87 : memref<1x128xi32, #tpu.memory_space<vmem>> -> memref<128xi32, #tpu.memory_space<vmem>>
      %dma_wait3A_89 = arith.constant 0 : i32
      %dma_wait3A_90 = arith.constant 0 : i32
      %dma_wait3A_91 = tpu.memref_slice %arg2[%dma_wait3A_89, %dma_wait3A_90] : memref<10000x128xf32, #tpu.memory_space<hbm>> -> memref<10000x128xf32, #tpu.memory_space<hbm>>
      tpu.wait_indirect_dma semaphore(%arg10 : memref<!tpu.dma_semaphore, #tpu.memory_space<semaphore_mem>>) src(%dma_wait3A_91 : memref<10000x128xf32, #tpu.memory_space<hbm>>) dst(%dma_wait3A_85 : memref<128x128xf32, #tpu.memory_space<vmem>>)
      %dma_start3A_92 = arith.constant 0 : i32
      %dma_start3A_93 = arith.constant 0 : i32
      %dma_start3A_94 = arith.constant 0 : i32
      %dma_start3A_95 = arith.constant 0 : i32
      %dma_start3A_96 = tpu.memref_slice %arg9[%dma_start3A_93, %dma_start3A_94, %dma_start3A_95] : memref<2x128x128xf32, #tpu.memory_space<vmem>> -> memref<1x128x128xf32, #tpu.memory_space<vmem>>
      %dma_start3A_97 = tpu.memref_squeeze %dma_start3A_96 : memref<1x128x128xf32, #tpu.memory_space<vmem>> -> memref<128x128xf32, #tpu.memory_space<vmem>>
      %dma_start3A_98 = arith.constant 0 : i32
      %dma_start3A_99 = tpu.memref_slice %arg7[%dma_start3A_92, %dma_start3A_98] : memref<2x128xi32, #tpu.memory_space<vmem>> -> memref<1x128xi32, #tpu.memory_space<vmem>>
      %dma_start3A_100 = tpu.memref_squeeze %dma_start3A_99 : memref<1x128xi32, #tpu.memory_space<vmem>> -> memref<128xi32, #tpu.memory_space<vmem>>
      %dma_start3A_101 = arith.constant 0 : i32
      %dma_start3A_102 = arith.constant 0 : i32
      %dma_start3A_103 = tpu.memref_slice %arg3[%dma_start3A_101, %dma_start3A_102] : memref<10000x128xf32, #tpu.memory_space<hbm>> -> memref<10000x128xf32, #tpu.memory_space<hbm>>
      tpu.enqueue_indirect_dma source(%dma_start3A_103 : memref<10000x128xf32, #tpu.memory_space<hbm>>) target(%dma_start3A_97 : memref<128x128xf32, #tpu.memory_space<vmem>>) offsets(%dma_start3A_100 : memref<128xi32, #tpu.memory_space<vmem>>) semaphore(%arg11 : memref<!tpu.dma_semaphore, #tpu.memory_space<semaphore_mem>>)
      %dma_wait3A_104 = arith.constant 0 : i32
      %dma_wait3A_105 = arith.constant 0 : i32
      %dma_wait3A_106 = arith.constant 0 : i32
      %dma_wait3A_107 = arith.constant 0 : i32
      %dma_wait3A_108 = tpu.memref_slice %arg9[%dma_wait3A_105, %dma_wait3A_106, %dma_wait3A_107] : memref<2x128x128xf32, #tpu.memory_space<vmem>> -> memref<1x128x128xf32, #tpu.memory_space<vmem>>
      %dma_wait3A_109 = tpu.memref_squeeze %dma_wait3A_108 : memref<1x128x128xf32, #tpu.memory_space<vmem>> -> memref<128x128xf32, #tpu.memory_space<vmem>>
      %dma_wait3A_110 = arith.constant 0 : i32
      %dma_wait3A_111 = tpu.memref_slice %arg7[%dma_wait3A_104, %dma_wait3A_110] : memref<2x128xi32, #tpu.memory_space<vmem>> -> memref<1x128xi32, #tpu.memory_space<vmem>>
      %dma_wait3A_112 = tpu.memref_squeeze %dma_wait3A_111 : memref<1x128xi32, #tpu.memory_space<vmem>> -> memref<128xi32, #tpu.memory_space<vmem>>
      %dma_wait3A_113 = arith.constant 0 : i32
      %dma_wait3A_114 = arith.constant 0 : i32
      %dma_wait3A_115 = tpu.memref_slice %arg3[%dma_wait3A_113, %dma_wait3A_114] : memref<10000x128xf32, #tpu.memory_space<hbm>> -> memref<10000x128xf32, #tpu.memory_space<hbm>>
      tpu.wait_indirect_dma semaphore(%arg11 : memref<!tpu.dma_semaphore, #tpu.memory_space<semaphore_mem>>) src(%dma_wait3A_115 : memref<10000x128xf32, #tpu.memory_space<hbm>>) dst(%dma_wait3A_109 : memref<128x128xf32, #tpu.memory_space<vmem>>)
      %run_scoped3A_116 = arith.constant 0 : i32
      "tpu.region"() ({
        %run_scoped3A_118 = tpu.sem_alloc : memref<!tpu.dma_semaphore, #tpu.memory_space<semaphore_mem>>
        %dma_start3A_119 = arith.constant 0 : i32
        %dma_start3A_120 = arith.constant 0 : i32
        %dma_start3A_121 = tpu.memref_slice %arg8[%run_scoped3A_116, %dma_start3A_119, %dma_start3A_120] : memref<2x128x128xf32, #tpu.memory_space<vmem>> -> memref<1x128x128xf32, #tpu.memory_space<vmem>>
        %dma_start3A_122 = tpu.memref_squeeze %dma_start3A_121 : memref<1x128x128xf32, #tpu.memory_space<vmem>> -> memref<128x128xf32, #tpu.memory_space<vmem>>
        %dma_start3A_123 = arith.constant 0 : i32
        %dma_start3A_124 = tpu.memref_slice %arg5[%mul3A_66, %dma_start3A_123] : memref<80000x128xf32, #tpu.memory_space<hbm>> -> memref<128x128xf32, #tpu.memory_space<hbm>>
        %dma_start3A_125 = arith.constant 0 : i32
        %dma_start3A_126 = tpu.memref_slice %arg5[%mul3A_66, %dma_start3A_125] : memref<80000x128xf32, #tpu.memory_space<hbm>> -> memref<128x128xf32, #tpu.memory_space<hbm>>
        %dma_start3A_127 = arith.constant 0 : i32
        %dma_start3A_128 = arith.constant 0 : i32
        %dma_start3A_129 = tpu.memref_slice %arg8[%run_scoped3A_116, %dma_start3A_127, %dma_start3A_128] : memref<2x128x128xf32, #tpu.memory_space<vmem>> -> memref<1x128x128xf32, #tpu.memory_space<vmem>>
        %dma_start3A_130 = tpu.memref_squeeze %dma_start3A_129 : memref<1x128x128xf32, #tpu.memory_space<vmem>> -> memref<128x128xf32, #tpu.memory_space<vmem>>
        tpu.enqueue_dma source(%dma_start3A_130 : memref<128x128xf32, #tpu.memory_space<vmem>>) target(%dma_start3A_126 : memref<128x128xf32, #tpu.memory_space<hbm>>) target_semaphore(%run_scoped3A_118 : memref<!tpu.dma_semaphore, #tpu.memory_space<semaphore_mem>>)
        %dma_wait3A_131 = arith.constant 0 : i32
        %dma_wait3A_132 = arith.constant 0 : i32
        %dma_wait3A_133 = tpu.memref_slice %arg8[%run_scoped3A_116, %dma_wait3A_131, %dma_wait3A_132] : memref<2x128x128xf32, #tpu.memory_space<vmem>> -> memref<1x128x128xf32, #tpu.memory_space<vmem>>
        %dma_wait3A_134 = tpu.memref_squeeze %dma_wait3A_133 : memref<1x128x128xf32, #tpu.memory_space<vmem>> -> memref<128x128xf32, #tpu.memory_space<vmem>>
        %dma_wait3A_135 = arith.constant 0 : i32
        %dma_wait3A_136 = tpu.memref_slice %arg5[%mul3A_66, %dma_wait3A_135] : memref<80000x128xf32, #tpu.memory_space<hbm>> -> memref<128x128xf32, #tpu.memory_space<hbm>>
        %dma_wait3A_137 = arith.constant 0 : i32
        %dma_wait3A_138 = tpu.memref_slice %arg5[%mul3A_66, %dma_wait3A_137] : memref<80000x128xf32, #tpu.memory_space<hbm>> -> memref<128x128xf32, #tpu.memory_space<hbm>>
        %dma_wait3A_139 = arith.constant 0 : i32
        %dma_wait3A_140 = arith.constant 0 : i32
        %dma_wait3A_141 = tpu.memref_slice %arg8[%run_scoped3A_116, %dma_wait3A_139, %dma_wait3A_140] : memref<2x128x128xf32, #tpu.memory_space<vmem>> -> memref<1x128x128xf32, #tpu.memory_space<vmem>>
        %dma_wait3A_142 = tpu.memref_squeeze %dma_wait3A_141 : memref<1x128x128xf32, #tpu.memory_space<vmem>> -> memref<128x128xf32, #tpu.memory_space<vmem>>
        tpu.wait_dma2 semaphore(%run_scoped3A_118 : memref<!tpu.dma_semaphore, #tpu.memory_space<semaphore_mem>>) src(%dma_wait3A_142 : memref<128x128xf32, #tpu.memory_space<vmem>>) dst(%dma_wait3A_138 : memref<128x128xf32, #tpu.memory_space<hbm>>)
        tpu.yield
      }) : () -> ()
      %run_scoped3A_117 = arith.constant 0 : i32
      "tpu.region"() ({
        %run_scoped3A_118 = tpu.sem_alloc : memref<!tpu.dma_semaphore, #tpu.memory_space<semaphore_mem>>
        %dma_start3A_119 = arith.constant 0 : i32
        %dma_start3A_120 = arith.constant 0 : i32
        %dma_start3A_121 = tpu.memref_slice %arg9[%run_scoped3A_117, %dma_start3A_119, %dma_start3A_120] : memref<2x128x128xf32, #tpu.memory_space<vmem>> -> memref<1x128x128xf32, #tpu.memory_space<vmem>>
        %dma_start3A_122 = tpu.memref_squeeze %dma_start3A_121 : memref<1x128x128xf32, #tpu.memory_space<vmem>> -> memref<128x128xf32, #tpu.memory_space<vmem>>
        %dma_start3A_123 = arith.constant 0 : i32
        %dma_start3A_124 = tpu.memref_slice %arg6[%mul3A_66, %dma_start3A_123] : memref<80000x128xf32, #tpu.memory_space<hbm>> -> memref<128x128xf32, #tpu.memory_space<hbm>>
        %dma_start3A_125 = arith.constant 0 : i32
        %dma_start3A_126 = tpu.memref_slice %arg6[%mul3A_66, %dma_start3A_125] : memref<80000x128xf32, #tpu.memory_space<hbm>> -> memref<128x128xf32, #tpu.memory_space<hbm>>
        %dma_start3A_127 = arith.constant 0 : i32
        %dma_start3A_128 = arith.constant 0 : i32
        %dma_start3A_129 = tpu.memref_slice %arg9[%run_scoped3A_117, %dma_start3A_127, %dma_start3A_128] : memref<2x128x128xf32, #tpu.memory_space<vmem>> -> memref<1x128x128xf32, #tpu.memory_space<vmem>>
        %dma_start3A_130 = tpu.memref_squeeze %dma_start3A_129 : memref<1x128x128xf32, #tpu.memory_space<vmem>> -> memref<128x128xf32, #tpu.memory_space<vmem>>
        tpu.enqueue_dma source(%dma_start3A_130 : memref<128x128xf32, #tpu.memory_space<vmem>>) target(%dma_start3A_126 : memref<128x128xf32, #tpu.memory_space<hbm>>) target_semaphore(%run_scoped3A_118 : memref<!tpu.dma_semaphore, #tpu.memory_space<semaphore_mem>>)
        %dma_wait3A_131 = arith.constant 0 : i32
        %dma_wait3A_132 = arith.constant 0 : i32
        %dma_wait3A_133 = tpu.memref_slice %arg9[%run_scoped3A_117, %dma_wait3A_131, %dma_wait3A_132] : memref<2x128x128xf32, #tpu.memory_space<vmem>> -> memref<1x128x128xf32, #tpu.memory_space<vmem>>
        %dma_wait3A_134 = tpu.memref_squeeze %dma_wait3A_133 : memref<1x128x128xf32, #tpu.memory_space<vmem>> -> memref<128x128xf32, #tpu.memory_space<vmem>>
        %dma_wait3A_135 = arith.constant 0 : i32
        %dma_wait3A_136 = tpu.memref_slice %arg6[%mul3A_66, %dma_wait3A_135] : memref<80000x128xf32, #tpu.memory_space<hbm>> -> memref<128x128xf32, #tpu.memory_space<hbm>>
        %dma_wait3A_137 = arith.constant 0 : i32
        %dma_wait3A_138 = tpu.memref_slice %arg6[%mul3A_66, %dma_wait3A_137] : memref<80000x128xf32, #tpu.memory_space<hbm>> -> memref<128x128xf32, #tpu.memory_space<hbm>>
        %dma_wait3A_139 = arith.constant 0 : i32
        %dma_wait3A_140 = arith.constant 0 : i32
        %dma_wait3A_141 = tpu.memref_slice %arg9[%run_scoped3A_117, %dma_wait3A_139, %dma_wait3A_140] : memref<2x128x128xf32, #tpu.memory_space<vmem>> -> memref<1x128x128xf32, #tpu.memory_space<vmem>>
        %dma_wait3A_142 = tpu.memref_squeeze %dma_wait3A_141 : memref<1x128x128xf32, #tpu.memory_space<vmem>> -> memref<128x128xf32, #tpu.memory_space<vmem>>
        tpu.wait_dma2 semaphore(%run_scoped3A_118 : memref<!tpu.dma_semaphore, #tpu.memory_space<semaphore_mem>>) src(%dma_wait3A_142 : memref<128x128xf32, #tpu.memory_space<vmem>>) dst(%dma_wait3A_138 : memref<128x128xf32, #tpu.memory_space<hbm>>)
        tpu.yield
      }) : () -> ()
    } else {
    }
    return
  }
}

#map = affine_map<(d0, d1) -> (0, 0)>
#map1 = affine_map<(d0, d1) -> (0)>
module attributes {stable_mosaic.version = 14 : i64} {
  func.func @body(%arg0: i32, %arg1: i32, %arg2: memref<10000x128xf32, #tpu.memory_space<hbm>>, %arg3: memref<10000x128xf32, #tpu.memory_space<hbm>>, %arg4: memref<80000xi32, #tpu.memory_space<hbm>>, %arg5: memref<80000x128xf32, #tpu.memory_space<hbm>>, %arg6: memref<80000x128xf32, #tpu.memory_space<hbm>>, %arg7: memref<2x128xi32, #tpu.memory_space<vmem>>, %arg8: memref<2x128x128xf32, #tpu.memory_space<vmem>>, %arg9: memref<2x128x128xf32, #tpu.memory_space<vmem>>, %arg10: memref<!tpu.dma_semaphore, #tpu.memory_space<semaphore_mem>>, %arg11: memref<!tpu.dma_semaphore, #tpu.memory_space<semaphore_mem>>, %arg12: memref<!tpu.dma_semaphore, #tpu.memory_space<semaphore_mem>>, %arg13: memref<!tpu.dma_semaphore, #tpu.memory_space<semaphore_mem>>) attributes {dimension_semantics = [#tpu.dimension_semantics<core_parallel>, #tpu.dimension_semantics<subcore_parallel>], iteration_bounds = array<i64: 2, 16>, scalar_prefetch = 0 : i64, scratch_operands = 7 : i64, tpu.core_type = #tpu.core_type<sc_vector_subcore>, window_params = [{transform_indices = #map}, {transform_indices = #map}, {transform_indices = #map1}, {transform_indices = #map}, {transform_indices = #map}]} {
    %mul3A = arith.constant 2 : i32
    %mul3A_0 = arith.muli %arg1, %mul3A : i32
    %add3A = arith.addi %mul3A_0, %arg0 : i32
    %add3A_1 = arith.constant 0 : i32
    %add3A_2 = arith.addi %add3A, %add3A_1 : i32
    %mul3A_3 = arith.constant 128 : i32
    %mul3A_4 = arith.muli %add3A_2, %mul3A_3 : i32
    %run_scoped3A = arith.constant 0 : i32
    "tpu.region"() ({
      %run_scoped3A_63 = tpu.sem_alloc : memref<!tpu.dma_semaphore, #tpu.memory_space<semaphore_mem>>
      %dma_start3A_64 = arith.constant 0 : i32
      %dma_start3A_65 = tpu.memref_slice %arg7[%run_scoped3A, %dma_start3A_64] : memref<2x128xi32, #tpu.memory_space<vmem>> -> memref<1x128xi32, #tpu.memory_space<vmem>>
      %dma_start3A_66 = tpu.memref_squeeze %dma_start3A_65 : memref<1x128xi32, #tpu.memory_space<vmem>> -> memref<128xi32, #tpu.memory_space<vmem>>
      %dma_start3A_67 = tpu.memref_slice %arg4[%mul3A_4] : memref<80000xi32, #tpu.memory_space<hbm>> -> memref<128xi32, #tpu.memory_space<hbm>>
      %dma_start3A_68 = arith.constant 0 : i32
      %dma_start3A_69 = tpu.memref_slice %arg7[%run_scoped3A, %dma_start3A_68] : memref<2x128xi32, #tpu.memory_space<vmem>> -> memref<1x128xi32, #tpu.memory_space<vmem>>
      %dma_start3A_70 = tpu.memref_squeeze %dma_start3A_69 : memref<1x128xi32, #tpu.memory_space<vmem>> -> memref<128xi32, #tpu.memory_space<vmem>>
      %dma_start3A_71 = tpu.memref_slice %arg4[%mul3A_4] : memref<80000xi32, #tpu.memory_space<hbm>> -> memref<128xi32, #tpu.memory_space<hbm>>
      tpu.enqueue_dma source(%dma_start3A_71 : memref<128xi32, #tpu.memory_space<hbm>>) target(%dma_start3A_70 : memref<128xi32, #tpu.memory_space<vmem>>) target_semaphore(%run_scoped3A_63 : memref<!tpu.dma_semaphore, #tpu.memory_space<semaphore_mem>>)
      %dma_wait3A_72 = arith.constant 0 : i32
      %dma_wait3A_73 = tpu.memref_slice %arg7[%run_scoped3A, %dma_wait3A_72] : memref<2x128xi32, #tpu.memory_space<vmem>> -> memref<1x128xi32, #tpu.memory_space<vmem>>
      %dma_wait3A_74 = tpu.memref_squeeze %dma_wait3A_73 : memref<1x128xi32, #tpu.memory_space<vmem>> -> memref<128xi32, #tpu.memory_space<vmem>>
      %dma_wait3A_75 = tpu.memref_slice %arg4[%mul3A_4] : memref<80000xi32, #tpu.memory_space<hbm>> -> memref<128xi32, #tpu.memory_space<hbm>>
      %dma_wait3A_76 = arith.constant 0 : i32
      %dma_wait3A_77 = tpu.memref_slice %arg7[%run_scoped3A, %dma_wait3A_76] : memref<2x128xi32, #tpu.memory_space<vmem>> -> memref<1x128xi32, #tpu.memory_space<vmem>>
      %dma_wait3A_78 = tpu.memref_squeeze %dma_wait3A_77 : memref<1x128xi32, #tpu.memory_space<vmem>> -> memref<128xi32, #tpu.memory_space<vmem>>
      %dma_wait3A_79 = tpu.memref_slice %arg4[%mul3A_4] : memref<80000xi32, #tpu.memory_space<hbm>> -> memref<128xi32, #tpu.memory_space<hbm>>
      tpu.wait_dma2 semaphore(%run_scoped3A_63 : memref<!tpu.dma_semaphore, #tpu.memory_space<semaphore_mem>>) src(%dma_wait3A_79 : memref<128xi32, #tpu.memory_space<hbm>>) dst(%dma_wait3A_78 : memref<128xi32, #tpu.memory_space<vmem>>)
      tpu.yield
    }) : () -> ()
    %dma_start3A = arith.constant 0 : i32
    %dma_start3A_5 = arith.constant 0 : i32
    %dma_start3A_6 = arith.constant 0 : i32
    %dma_start3A_7 = arith.constant 0 : i32
    %dma_start3A_8 = tpu.memref_slice %arg8[%dma_start3A_5, %dma_start3A_6, %dma_start3A_7] : memref<2x128x128xf32, #tpu.memory_space<vmem>> -> memref<1x128x128xf32, #tpu.memory_space<vmem>>
    %dma_start3A_9 = tpu.memref_squeeze %dma_start3A_8 : memref<1x128x128xf32, #tpu.memory_space<vmem>> -> memref<128x128xf32, #tpu.memory_space<vmem>>
    %dma_start3A_10 = arith.constant 0 : i32
    %dma_start3A_11 = tpu.memref_slice %arg7[%dma_start3A, %dma_start3A_10] : memref<2x128xi32, #tpu.memory_space<vmem>> -> memref<1x128xi32, #tpu.memory_space<vmem>>
    %dma_start3A_12 = tpu.memref_squeeze %dma_start3A_11 : memref<1x128xi32, #tpu.memory_space<vmem>> -> memref<128xi32, #tpu.memory_space<vmem>>
    %dma_start3A_13 = arith.constant 0 : i32
    %dma_start3A_14 = arith.constant 0 : i32
    %dma_start3A_15 = tpu.memref_slice %arg2[%dma_start3A_13, %dma_start3A_14] : memref<10000x128xf32, #tpu.memory_space<hbm>> -> memref<10000x128xf32, #tpu.memory_space<hbm>>
    tpu.enqueue_indirect_dma source(%dma_start3A_15 : memref<10000x128xf32, #tpu.memory_space<hbm>>) target(%dma_start3A_9 : memref<128x128xf32, #tpu.memory_space<vmem>>) offsets(%dma_start3A_12 : memref<128xi32, #tpu.memory_space<vmem>>) semaphore(%arg10 : memref<!tpu.dma_semaphore, #tpu.memory_space<semaphore_mem>>)
    %dma_start3A_16 = arith.constant 0 : i32
    %dma_start3A_17 = arith.constant 0 : i32
    %dma_start3A_18 = arith.constant 0 : i32
    %dma_start3A_19 = arith.constant 0 : i32
    %dma_start3A_20 = tpu.memref_slice %arg9[%dma_start3A_17, %dma_start3A_18, %dma_start3A_19] : memref<2x128x128xf32, #tpu.memory_space<vmem>> -> memref<1x128x128xf32, #tpu.memory_space<vmem>>
    %dma_start3A_21 = tpu.memref_squeeze %dma_start3A_20 : memref<1x128x128xf32, #tpu.memory_space<vmem>> -> memref<128x128xf32, #tpu.memory_space<vmem>>
    %dma_start3A_22 = arith.constant 0 : i32
    %dma_start3A_23 = tpu.memref_slice %arg7[%dma_start3A_16, %dma_start3A_22] : memref<2x128xi32, #tpu.memory_space<vmem>> -> memref<1x128xi32, #tpu.memory_space<vmem>>
    %dma_start3A_24 = tpu.memref_squeeze %dma_start3A_23 : memref<1x128xi32, #tpu.memory_space<vmem>> -> memref<128xi32, #tpu.memory_space<vmem>>
    %dma_start3A_25 = arith.constant 0 : i32
    %dma_start3A_26 = arith.constant 0 : i32
    %dma_start3A_27 = tpu.memref_slice %arg3[%dma_start3A_25, %dma_start3A_26] : memref<10000x128xf32, #tpu.memory_space<hbm>> -> memref<10000x128xf32, #tpu.memory_space<hbm>>
    tpu.enqueue_indirect_dma source(%dma_start3A_27 : memref<10000x128xf32, #tpu.memory_space<hbm>>) target(%dma_start3A_21 : memref<128x128xf32, #tpu.memory_space<vmem>>) offsets(%dma_start3A_24 : memref<128xi32, #tpu.memory_space<vmem>>) semaphore(%arg11 : memref<!tpu.dma_semaphore, #tpu.memory_space<semaphore_mem>>)
    %scan3A = arith.constant 0 : i32
    %scan3A_28 = arith.constant 9 : i32
    %scan3A_29 = arith.addi %scan3A, %scan3A_28 : i32
    %scan3A_30 = arith.constant 1 : i32
    scf.for %scan3A_63 = %scan3A to %scan3A_29 step %scan3A_30  : i32 {
      %mul3A_64 = arith.constant 2 : i32
      %mul3A_65 = arith.muli %mul3A_64, %scan3A_63 : i32
      %add3A_66 = arith.constant 1 : i32
      %add3A_67 = arith.addi %mul3A_65, %add3A_66 : i32
      %mul3A_68 = arith.constant 32 : i32
      %mul3A_69 = arith.muli %add3A_67, %mul3A_68 : i32
      %add3A_70 = arith.addi %add3A, %mul3A_69 : i32
      %mul3A_71 = arith.constant 128 : i32
      %mul3A_72 = arith.muli %add3A_70, %mul3A_71 : i32
      %run_scoped3A_73 = arith.constant 1 : i32
      "tpu.region"() ({
        %run_scoped3A_194 = tpu.sem_alloc : memref<!tpu.dma_semaphore, #tpu.memory_space<semaphore_mem>>
        %dma_start3A_195 = arith.constant 0 : i32
        %dma_start3A_196 = tpu.memref_slice %arg7[%run_scoped3A_73, %dma_start3A_195] : memref<2x128xi32, #tpu.memory_space<vmem>> -> memref<1x128xi32, #tpu.memory_space<vmem>>
        %dma_start3A_197 = tpu.memref_squeeze %dma_start3A_196 : memref<1x128xi32, #tpu.memory_space<vmem>> -> memref<128xi32, #tpu.memory_space<vmem>>
        %dma_start3A_198 = tpu.memref_slice %arg4[%mul3A_72] : memref<80000xi32, #tpu.memory_space<hbm>> -> memref<128xi32, #tpu.memory_space<hbm>>
        %dma_start3A_199 = arith.constant 0 : i32
        %dma_start3A_200 = tpu.memref_slice %arg7[%run_scoped3A_73, %dma_start3A_199] : memref<2x128xi32, #tpu.memory_space<vmem>> -> memref<1x128xi32, #tpu.memory_space<vmem>>
        %dma_start3A_201 = tpu.memref_squeeze %dma_start3A_200 : memref<1x128xi32, #tpu.memory_space<vmem>> -> memref<128xi32, #tpu.memory_space<vmem>>
        %dma_start3A_202 = tpu.memref_slice %arg4[%mul3A_72] : memref<80000xi32, #tpu.memory_space<hbm>> -> memref<128xi32, #tpu.memory_space<hbm>>
        tpu.enqueue_dma source(%dma_start3A_202 : memref<128xi32, #tpu.memory_space<hbm>>) target(%dma_start3A_201 : memref<128xi32, #tpu.memory_space<vmem>>) target_semaphore(%run_scoped3A_194 : memref<!tpu.dma_semaphore, #tpu.memory_space<semaphore_mem>>)
        %dma_wait3A_203 = arith.constant 0 : i32
        %dma_wait3A_204 = tpu.memref_slice %arg7[%run_scoped3A_73, %dma_wait3A_203] : memref<2x128xi32, #tpu.memory_space<vmem>> -> memref<1x128xi32, #tpu.memory_space<vmem>>
        %dma_wait3A_205 = tpu.memref_squeeze %dma_wait3A_204 : memref<1x128xi32, #tpu.memory_space<vmem>> -> memref<128xi32, #tpu.memory_space<vmem>>
        %dma_wait3A_206 = tpu.memref_slice %arg4[%mul3A_72] : memref<80000xi32, #tpu.memory_space<hbm>> -> memref<128xi32, #tpu.memory_space<hbm>>
        %dma_wait3A_207 = arith.constant 0 : i32
        %dma_wait3A_208 = tpu.memref_slice %arg7[%run_scoped3A_73, %dma_wait3A_207] : memref<2x128xi32, #tpu.memory_space<vmem>> -> memref<1x128xi32, #tpu.memory_space<vmem>>
        %dma_wait3A_209 = tpu.memref_squeeze %dma_wait3A_208 : memref<1x128xi32, #tpu.memory_space<vmem>> -> memref<128xi32, #tpu.memory_space<vmem>>
        %dma_wait3A_210 = tpu.memref_slice %arg4[%mul3A_72] : memref<80000xi32, #tpu.memory_space<hbm>> -> memref<128xi32, #tpu.memory_space<hbm>>
        tpu.wait_dma2 semaphore(%run_scoped3A_194 : memref<!tpu.dma_semaphore, #tpu.memory_space<semaphore_mem>>) src(%dma_wait3A_210 : memref<128xi32, #tpu.memory_space<hbm>>) dst(%dma_wait3A_209 : memref<128xi32, #tpu.memory_space<vmem>>)
        tpu.yield
      }) : () -> ()
      %dma_start3A_74 = arith.constant 1 : i32
      %dma_start3A_75 = arith.constant 1 : i32
      %dma_start3A_76 = arith.constant 0 : i32
      %dma_start3A_77 = arith.constant 0 : i32
      %dma_start3A_78 = tpu.memref_slice %arg8[%dma_start3A_75, %dma_start3A_76, %dma_start3A_77] : memref<2x128x128xf32, #tpu.memory_space<vmem>> -> memref<1x128x128xf32, #tpu.memory_space<vmem>>
      %dma_start3A_79 = tpu.memref_squeeze %dma_start3A_78 : memref<1x128x128xf32, #tpu.memory_space<vmem>> -> memref<128x128xf32, #tpu.memory_space<vmem>>
      %dma_start3A_80 = arith.constant 0 : i32
      %dma_start3A_81 = tpu.memref_slice %arg7[%dma_start3A_74, %dma_start3A_80] : memref<2x128xi32, #tpu.memory_space<vmem>> -> memref<1x128xi32, #tpu.memory_space<vmem>>
      %dma_start3A_82 = tpu.memref_squeeze %dma_start3A_81 : memref<1x128xi32, #tpu.memory_space<vmem>> -> memref<128xi32, #tpu.memory_space<vmem>>
      %dma_start3A_83 = arith.constant 0 : i32
      %dma_start3A_84 = arith.constant 0 : i32
      %dma_start3A_85 = tpu.memref_slice %arg2[%dma_start3A_83, %dma_start3A_84] : memref<10000x128xf32, #tpu.memory_space<hbm>> -> memref<10000x128xf32, #tpu.memory_space<hbm>>
      tpu.enqueue_indirect_dma source(%dma_start3A_85 : memref<10000x128xf32, #tpu.memory_space<hbm>>) target(%dma_start3A_79 : memref<128x128xf32, #tpu.memory_space<vmem>>) offsets(%dma_start3A_82 : memref<128xi32, #tpu.memory_space<vmem>>) semaphore(%arg12 : memref<!tpu.dma_semaphore, #tpu.memory_space<semaphore_mem>>)
      %dma_start3A_86 = arith.constant 1 : i32
      %dma_start3A_87 = arith.constant 1 : i32
      %dma_start3A_88 = arith.constant 0 : i32
      %dma_start3A_89 = arith.constant 0 : i32
      %dma_start3A_90 = tpu.memref_slice %arg9[%dma_start3A_87, %dma_start3A_88, %dma_start3A_89] : memref<2x128x128xf32, #tpu.memory_space<vmem>> -> memref<1x128x128xf32, #tpu.memory_space<vmem>>
      %dma_start3A_91 = tpu.memref_squeeze %dma_start3A_90 : memref<1x128x128xf32, #tpu.memory_space<vmem>> -> memref<128x128xf32, #tpu.memory_space<vmem>>
      %dma_start3A_92 = arith.constant 0 : i32
      %dma_start3A_93 = tpu.memref_slice %arg7[%dma_start3A_86, %dma_start3A_92] : memref<2x128xi32, #tpu.memory_space<vmem>> -> memref<1x128xi32, #tpu.memory_space<vmem>>
      %dma_start3A_94 = tpu.memref_squeeze %dma_start3A_93 : memref<1x128xi32, #tpu.memory_space<vmem>> -> memref<128xi32, #tpu.memory_space<vmem>>
      %dma_start3A_95 = arith.constant 0 : i32
      %dma_start3A_96 = arith.constant 0 : i32
      %dma_start3A_97 = tpu.memref_slice %arg3[%dma_start3A_95, %dma_start3A_96] : memref<10000x128xf32, #tpu.memory_space<hbm>> -> memref<10000x128xf32, #tpu.memory_space<hbm>>
      tpu.enqueue_indirect_dma source(%dma_start3A_97 : memref<10000x128xf32, #tpu.memory_space<hbm>>) target(%dma_start3A_91 : memref<128x128xf32, #tpu.memory_space<vmem>>) offsets(%dma_start3A_94 : memref<128xi32, #tpu.memory_space<vmem>>) semaphore(%arg13 : memref<!tpu.dma_semaphore, #tpu.memory_space<semaphore_mem>>)
      %dma_wait3A_98 = arith.constant 0 : i32
      %dma_wait3A_99 = arith.constant 0 : i32
      %dma_wait3A_100 = arith.constant 0 : i32
      %dma_wait3A_101 = arith.constant 0 : i32
      %dma_wait3A_102 = tpu.memref_slice %arg8[%dma_wait3A_99, %dma_wait3A_100, %dma_wait3A_101] : memref<2x128x128xf32, #tpu.memory_space<vmem>> -> memref<1x128x128xf32, #tpu.memory_space<vmem>>
      %dma_wait3A_103 = tpu.memref_squeeze %dma_wait3A_102 : memref<1x128x128xf32, #tpu.memory_space<vmem>> -> memref<128x128xf32, #tpu.memory_space<vmem>>
      %dma_wait3A_104 = arith.constant 0 : i32
      %dma_wait3A_105 = tpu.memref_slice %arg7[%dma_wait3A_98, %dma_wait3A_104] : memref<2x128xi32, #tpu.memory_space<vmem>> -> memref<1x128xi32, #tpu.memory_space<vmem>>
      %dma_wait3A_106 = tpu.memref_squeeze %dma_wait3A_105 : memref<1x128xi32, #tpu.memory_space<vmem>> -> memref<128xi32, #tpu.memory_space<vmem>>
      %dma_wait3A_107 = arith.constant 0 : i32
      %dma_wait3A_108 = arith.constant 0 : i32
      %dma_wait3A_109 = tpu.memref_slice %arg2[%dma_wait3A_107, %dma_wait3A_108] : memref<10000x128xf32, #tpu.memory_space<hbm>> -> memref<10000x128xf32, #tpu.memory_space<hbm>>
      tpu.wait_indirect_dma semaphore(%arg10 : memref<!tpu.dma_semaphore, #tpu.memory_space<semaphore_mem>>) src(%dma_wait3A_109 : memref<10000x128xf32, #tpu.memory_space<hbm>>) dst(%dma_wait3A_103 : memref<128x128xf32, #tpu.memory_space<vmem>>)
      %dma_wait3A_110 = arith.constant 0 : i32
      %dma_wait3A_111 = arith.constant 0 : i32
      %dma_wait3A_112 = arith.constant 0 : i32
      %dma_wait3A_113 = arith.constant 0 : i32
      %dma_wait3A_114 = tpu.memref_slice %arg9[%dma_wait3A_111, %dma_wait3A_112, %dma_wait3A_113] : memref<2x128x128xf32, #tpu.memory_space<vmem>> -> memref<1x128x128xf32, #tpu.memory_space<vmem>>
      %dma_wait3A_115 = tpu.memref_squeeze %dma_wait3A_114 : memref<1x128x128xf32, #tpu.memory_space<vmem>> -> memref<128x128xf32, #tpu.memory_space<vmem>>
      %dma_wait3A_116 = arith.constant 0 : i32
      %dma_wait3A_117 = tpu.memref_slice %arg7[%dma_wait3A_110, %dma_wait3A_116] : memref<2x128xi32, #tpu.memory_space<vmem>> -> memref<1x128xi32, #tpu.memory_space<vmem>>
      %dma_wait3A_118 = tpu.memref_squeeze %dma_wait3A_117 : memref<1x128xi32, #tpu.memory_space<vmem>> -> memref<128xi32, #tpu.memory_space<vmem>>
      %dma_wait3A_119 = arith.constant 0 : i32
      %dma_wait3A_120 = arith.constant 0 : i32
      %dma_wait3A_121 = tpu.memref_slice %arg3[%dma_wait3A_119, %dma_wait3A_120] : memref<10000x128xf32, #tpu.memory_space<hbm>> -> memref<10000x128xf32, #tpu.memory_space<hbm>>
      tpu.wait_indirect_dma semaphore(%arg11 : memref<!tpu.dma_semaphore, #tpu.memory_space<semaphore_mem>>) src(%dma_wait3A_121 : memref<10000x128xf32, #tpu.memory_space<hbm>>) dst(%dma_wait3A_115 : memref<128x128xf32, #tpu.memory_space<vmem>>)
      %mul3A_122 = arith.constant 32 : i32
      %mul3A_123 = arith.muli %mul3A_65, %mul3A_122 : i32
      %add3A_124 = arith.addi %add3A, %mul3A_123 : i32
      %mul3A_125 = arith.constant 128 : i32
      %mul3A_126 = arith.muli %add3A_124, %mul3A_125 : i32
      %run_scoped3A_127 = arith.constant 0 : i32
      "tpu.region"() ({
        %run_scoped3A_194 = tpu.sem_alloc : memref<!tpu.dma_semaphore, #tpu.memory_space<semaphore_mem>>
        %dma_start3A_195 = arith.constant 0 : i32
        %dma_start3A_196 = arith.constant 0 : i32
        %dma_start3A_197 = tpu.memref_slice %arg8[%run_scoped3A_127, %dma_start3A_195, %dma_start3A_196] : memref<2x128x128xf32, #tpu.memory_space<vmem>> -> memref<1x128x128xf32, #tpu.memory_space<vmem>>
        %dma_start3A_198 = tpu.memref_squeeze %dma_start3A_197 : memref<1x128x128xf32, #tpu.memory_space<vmem>> -> memref<128x128xf32, #tpu.memory_space<vmem>>
        %dma_start3A_199 = arith.constant 0 : i32
        %dma_start3A_200 = tpu.memref_slice %arg5[%mul3A_126, %dma_start3A_199] : memref<80000x128xf32, #tpu.memory_space<hbm>> -> memref<128x128xf32, #tpu.memory_space<hbm>>
        %dma_start3A_201 = arith.constant 0 : i32
        %dma_start3A_202 = tpu.memref_slice %arg5[%mul3A_126, %dma_start3A_201] : memref<80000x128xf32, #tpu.memory_space<hbm>> -> memref<128x128xf32, #tpu.memory_space<hbm>>
        %dma_start3A_203 = arith.constant 0 : i32
        %dma_start3A_204 = arith.constant 0 : i32
        %dma_start3A_205 = tpu.memref_slice %arg8[%run_scoped3A_127, %dma_start3A_203, %dma_start3A_204] : memref<2x128x128xf32, #tpu.memory_space<vmem>> -> memref<1x128x128xf32, #tpu.memory_space<vmem>>
        %dma_start3A_206 = tpu.memref_squeeze %dma_start3A_205 : memref<1x128x128xf32, #tpu.memory_space<vmem>> -> memref<128x128xf32, #tpu.memory_space<vmem>>
        tpu.enqueue_dma source(%dma_start3A_206 : memref<128x128xf32, #tpu.memory_space<vmem>>) target(%dma_start3A_202 : memref<128x128xf32, #tpu.memory_space<hbm>>) target_semaphore(%run_scoped3A_194 : memref<!tpu.dma_semaphore, #tpu.memory_space<semaphore_mem>>)
        %dma_wait3A_207 = arith.constant 0 : i32
        %dma_wait3A_208 = arith.constant 0 : i32
        %dma_wait3A_209 = tpu.memref_slice %arg8[%run_scoped3A_127, %dma_wait3A_207, %dma_wait3A_208] : memref<2x128x128xf32, #tpu.memory_space<vmem>> -> memref<1x128x128xf32, #tpu.memory_space<vmem>>
        %dma_wait3A_210 = tpu.memref_squeeze %dma_wait3A_209 : memref<1x128x128xf32, #tpu.memory_space<vmem>> -> memref<128x128xf32, #tpu.memory_space<vmem>>
        %dma_wait3A_211 = arith.constant 0 : i32
        %dma_wait3A_212 = tpu.memref_slice %arg5[%mul3A_126, %dma_wait3A_211] : memref<80000x128xf32, #tpu.memory_space<hbm>> -> memref<128x128xf32, #tpu.memory_space<hbm>>
        %dma_wait3A_213 = arith.constant 0 : i32
        %dma_wait3A_214 = tpu.memref_slice %arg5[%mul3A_126, %dma_wait3A_213] : memref<80000x128xf32, #tpu.memory_space<hbm>> -> memref<128x128xf32, #tpu.memory_space<hbm>>
        %dma_wait3A_215 = arith.constant 0 : i32
        %dma_wait3A_216 = arith.constant 0 : i32
        %dma_wait3A_217 = tpu.memref_slice %arg8[%run_scoped3A_127, %dma_wait3A_215, %dma_wait3A_216] : memref<2x128x128xf32, #tpu.memory_space<vmem>> -> memref<1x128x128xf32, #tpu.memory_space<vmem>>
        %dma_wait3A_218 = tpu.memref_squeeze %dma_wait3A_217 : memref<1x128x128xf32, #tpu.memory_space<vmem>> -> memref<128x128xf32, #tpu.memory_space<vmem>>
        tpu.wait_dma2 semaphore(%run_scoped3A_194 : memref<!tpu.dma_semaphore, #tpu.memory_space<semaphore_mem>>) src(%dma_wait3A_218 : memref<128x128xf32, #tpu.memory_space<vmem>>) dst(%dma_wait3A_214 : memref<128x128xf32, #tpu.memory_space<hbm>>)
        tpu.yield
      }) : () -> ()
      %run_scoped3A_128 = arith.constant 0 : i32
      "tpu.region"() ({
        %run_scoped3A_194 = tpu.sem_alloc : memref<!tpu.dma_semaphore, #tpu.memory_space<semaphore_mem>>
        %dma_start3A_195 = arith.constant 0 : i32
        %dma_start3A_196 = arith.constant 0 : i32
        %dma_start3A_197 = tpu.memref_slice %arg9[%run_scoped3A_128, %dma_start3A_195, %dma_start3A_196] : memref<2x128x128xf32, #tpu.memory_space<vmem>> -> memref<1x128x128xf32, #tpu.memory_space<vmem>>
        %dma_start3A_198 = tpu.memref_squeeze %dma_start3A_197 : memref<1x128x128xf32, #tpu.memory_space<vmem>> -> memref<128x128xf32, #tpu.memory_space<vmem>>
        %dma_start3A_199 = arith.constant 0 : i32
        %dma_start3A_200 = tpu.memref_slice %arg6[%mul3A_126, %dma_start3A_199] : memref<80000x128xf32, #tpu.memory_space<hbm>> -> memref<128x128xf32, #tpu.memory_space<hbm>>
        %dma_start3A_201 = arith.constant 0 : i32
        %dma_start3A_202 = tpu.memref_slice %arg6[%mul3A_126, %dma_start3A_201] : memref<80000x128xf32, #tpu.memory_space<hbm>> -> memref<128x128xf32, #tpu.memory_space<hbm>>
        %dma_start3A_203 = arith.constant 0 : i32
        %dma_start3A_204 = arith.constant 0 : i32
        %dma_start3A_205 = tpu.memref_slice %arg9[%run_scoped3A_128, %dma_start3A_203, %dma_start3A_204] : memref<2x128x128xf32, #tpu.memory_space<vmem>> -> memref<1x128x128xf32, #tpu.memory_space<vmem>>
        %dma_start3A_206 = tpu.memref_squeeze %dma_start3A_205 : memref<1x128x128xf32, #tpu.memory_space<vmem>> -> memref<128x128xf32, #tpu.memory_space<vmem>>
        tpu.enqueue_dma source(%dma_start3A_206 : memref<128x128xf32, #tpu.memory_space<vmem>>) target(%dma_start3A_202 : memref<128x128xf32, #tpu.memory_space<hbm>>) target_semaphore(%run_scoped3A_194 : memref<!tpu.dma_semaphore, #tpu.memory_space<semaphore_mem>>)
        %dma_wait3A_207 = arith.constant 0 : i32
        %dma_wait3A_208 = arith.constant 0 : i32
        %dma_wait3A_209 = tpu.memref_slice %arg9[%run_scoped3A_128, %dma_wait3A_207, %dma_wait3A_208] : memref<2x128x128xf32, #tpu.memory_space<vmem>> -> memref<1x128x128xf32, #tpu.memory_space<vmem>>
        %dma_wait3A_210 = tpu.memref_squeeze %dma_wait3A_209 : memref<1x128x128xf32, #tpu.memory_space<vmem>> -> memref<128x128xf32, #tpu.memory_space<vmem>>
        %dma_wait3A_211 = arith.constant 0 : i32
        %dma_wait3A_212 = tpu.memref_slice %arg6[%mul3A_126, %dma_wait3A_211] : memref<80000x128xf32, #tpu.memory_space<hbm>> -> memref<128x128xf32, #tpu.memory_space<hbm>>
        %dma_wait3A_213 = arith.constant 0 : i32
        %dma_wait3A_214 = tpu.memref_slice %arg6[%mul3A_126, %dma_wait3A_213] : memref<80000x128xf32, #tpu.memory_space<hbm>> -> memref<128x128xf32, #tpu.memory_space<hbm>>
        %dma_wait3A_215 = arith.constant 0 : i32
        %dma_wait3A_216 = arith.constant 0 : i32
        %dma_wait3A_217 = tpu.memref_slice %arg9[%run_scoped3A_128, %dma_wait3A_215, %dma_wait3A_216] : memref<2x128x128xf32, #tpu.memory_space<vmem>> -> memref<1x128x128xf32, #tpu.memory_space<vmem>>
        %dma_wait3A_218 = tpu.memref_squeeze %dma_wait3A_217 : memref<1x128x128xf32, #tpu.memory_space<vmem>> -> memref<128x128xf32, #tpu.memory_space<vmem>>
        tpu.wait_dma2 semaphore(%run_scoped3A_194 : memref<!tpu.dma_semaphore, #tpu.memory_space<semaphore_mem>>) src(%dma_wait3A_218 : memref<128x128xf32, #tpu.memory_space<vmem>>) dst(%dma_wait3A_214 : memref<128x128xf32, #tpu.memory_space<hbm>>)
        tpu.yield
      }) : () -> ()
      %add3A_129 = arith.constant 2 : i32
      %add3A_130 = arith.addi %mul3A_65, %add3A_129 : i32
      %mul3A_131 = arith.constant 32 : i32
      %mul3A_132 = arith.muli %add3A_130, %mul3A_131 : i32
      %add3A_133 = arith.addi %add3A, %mul3A_132 : i32
      %mul3A_134 = arith.constant 128 : i32
      %mul3A_135 = arith.muli %add3A_133, %mul3A_134 : i32
      %run_scoped3A_136 = arith.constant 0 : i32
      "tpu.region"() ({
        %run_scoped3A_194 = tpu.sem_alloc : memref<!tpu.dma_semaphore, #tpu.memory_space<semaphore_mem>>
        %dma_start3A_195 = arith.constant 0 : i32
        %dma_start3A_196 = tpu.memref_slice %arg7[%run_scoped3A_136, %dma_start3A_195] : memref<2x128xi32, #tpu.memory_space<vmem>> -> memref<1x128xi32, #tpu.memory_space<vmem>>
        %dma_start3A_197 = tpu.memref_squeeze %dma_start3A_196 : memref<1x128xi32, #tpu.memory_space<vmem>> -> memref<128xi32, #tpu.memory_space<vmem>>
        %dma_start3A_198 = tpu.memref_slice %arg4[%mul3A_135] : memref<80000xi32, #tpu.memory_space<hbm>> -> memref<128xi32, #tpu.memory_space<hbm>>
        %dma_start3A_199 = arith.constant 0 : i32
        %dma_start3A_200 = tpu.memref_slice %arg7[%run_scoped3A_136, %dma_start3A_199] : memref<2x128xi32, #tpu.memory_space<vmem>> -> memref<1x128xi32, #tpu.memory_space<vmem>>
        %dma_start3A_201 = tpu.memref_squeeze %dma_start3A_200 : memref<1x128xi32, #tpu.memory_space<vmem>> -> memref<128xi32, #tpu.memory_space<vmem>>
        %dma_start3A_202 = tpu.memref_slice %arg4[%mul3A_135] : memref<80000xi32, #tpu.memory_space<hbm>> -> memref<128xi32, #tpu.memory_space<hbm>>
        tpu.enqueue_dma source(%dma_start3A_202 : memref<128xi32, #tpu.memory_space<hbm>>) target(%dma_start3A_201 : memref<128xi32, #tpu.memory_space<vmem>>) target_semaphore(%run_scoped3A_194 : memref<!tpu.dma_semaphore, #tpu.memory_space<semaphore_mem>>)
        %dma_wait3A_203 = arith.constant 0 : i32
        %dma_wait3A_204 = tpu.memref_slice %arg7[%run_scoped3A_136, %dma_wait3A_203] : memref<2x128xi32, #tpu.memory_space<vmem>> -> memref<1x128xi32, #tpu.memory_space<vmem>>
        %dma_wait3A_205 = tpu.memref_squeeze %dma_wait3A_204 : memref<1x128xi32, #tpu.memory_space<vmem>> -> memref<128xi32, #tpu.memory_space<vmem>>
        %dma_wait3A_206 = tpu.memref_slice %arg4[%mul3A_135] : memref<80000xi32, #tpu.memory_space<hbm>> -> memref<128xi32, #tpu.memory_space<hbm>>
        %dma_wait3A_207 = arith.constant 0 : i32
        %dma_wait3A_208 = tpu.memref_slice %arg7[%run_scoped3A_136, %dma_wait3A_207] : memref<2x128xi32, #tpu.memory_space<vmem>> -> memref<1x128xi32, #tpu.memory_space<vmem>>
        %dma_wait3A_209 = tpu.memref_squeeze %dma_wait3A_208 : memref<1x128xi32, #tpu.memory_space<vmem>> -> memref<128xi32, #tpu.memory_space<vmem>>
        %dma_wait3A_210 = tpu.memref_slice %arg4[%mul3A_135] : memref<80000xi32, #tpu.memory_space<hbm>> -> memref<128xi32, #tpu.memory_space<hbm>>
        tpu.wait_dma2 semaphore(%run_scoped3A_194 : memref<!tpu.dma_semaphore, #tpu.memory_space<semaphore_mem>>) src(%dma_wait3A_210 : memref<128xi32, #tpu.memory_space<hbm>>) dst(%dma_wait3A_209 : memref<128xi32, #tpu.memory_space<vmem>>)
        tpu.yield
      }) : () -> ()
      %dma_start3A_137 = arith.constant 0 : i32
      %dma_start3A_138 = arith.constant 0 : i32
      %dma_start3A_139 = arith.constant 0 : i32
      %dma_start3A_140 = arith.constant 0 : i32
      %dma_start3A_141 = tpu.memref_slice %arg8[%dma_start3A_138, %dma_start3A_139, %dma_start3A_140] : memref<2x128x128xf32, #tpu.memory_space<vmem>> -> memref<1x128x128xf32, #tpu.memory_space<vmem>>
      %dma_start3A_142 = tpu.memref_squeeze %dma_start3A_141 : memref<1x128x128xf32, #tpu.memory_space<vmem>> -> memref<128x128xf32, #tpu.memory_space<vmem>>
      %dma_start3A_143 = arith.constant 0 : i32
      %dma_start3A_144 = tpu.memref_slice %arg7[%dma_start3A_137, %dma_start3A_143] : memref<2x128xi32, #tpu.memory_space<vmem>> -> memref<1x128xi32, #tpu.memory_space<vmem>>
      %dma_start3A_145 = tpu.memref_squeeze %dma_start3A_144 : memref<1x128xi32, #tpu.memory_space<vmem>> -> memref<128xi32, #tpu.memory_space<vmem>>
      %dma_start3A_146 = arith.constant 0 : i32
      %dma_start3A_147 = arith.constant 0 : i32
      %dma_start3A_148 = tpu.memref_slice %arg2[%dma_start3A_146, %dma_start3A_147] : memref<10000x128xf32, #tpu.memory_space<hbm>> -> memref<10000x128xf32, #tpu.memory_space<hbm>>
      tpu.enqueue_indirect_dma source(%dma_start3A_148 : memref<10000x128xf32, #tpu.memory_space<hbm>>) target(%dma_start3A_142 : memref<128x128xf32, #tpu.memory_space<vmem>>) offsets(%dma_start3A_145 : memref<128xi32, #tpu.memory_space<vmem>>) semaphore(%arg10 : memref<!tpu.dma_semaphore, #tpu.memory_space<semaphore_mem>>)
      %dma_start3A_149 = arith.constant 0 : i32
      %dma_start3A_150 = arith.constant 0 : i32
      %dma_start3A_151 = arith.constant 0 : i32
      %dma_start3A_152 = arith.constant 0 : i32
      %dma_start3A_153 = tpu.memref_slice %arg9[%dma_start3A_150, %dma_start3A_151, %dma_start3A_152] : memref<2x128x128xf32, #tpu.memory_space<vmem>> -> memref<1x128x128xf32, #tpu.memory_space<vmem>>
      %dma_start3A_154 = tpu.memref_squeeze %dma_start3A_153 : memref<1x128x128xf32, #tpu.memory_space<vmem>> -> memref<128x128xf32, #tpu.memory_space<vmem>>
      %dma_start3A_155 = arith.constant 0 : i32
      %dma_start3A_156 = tpu.memref_slice %arg7[%dma_start3A_149, %dma_start3A_155] : memref<2x128xi32, #tpu.memory_space<vmem>> -> memref<1x128xi32, #tpu.memory_space<vmem>>
      %dma_start3A_157 = tpu.memref_squeeze %dma_start3A_156 : memref<1x128xi32, #tpu.memory_space<vmem>> -> memref<128xi32, #tpu.memory_space<vmem>>
      %dma_start3A_158 = arith.constant 0 : i32
      %dma_start3A_159 = arith.constant 0 : i32
      %dma_start3A_160 = tpu.memref_slice %arg3[%dma_start3A_158, %dma_start3A_159] : memref<10000x128xf32, #tpu.memory_space<hbm>> -> memref<10000x128xf32, #tpu.memory_space<hbm>>
      tpu.enqueue_indirect_dma source(%dma_start3A_160 : memref<10000x128xf32, #tpu.memory_space<hbm>>) target(%dma_start3A_154 : memref<128x128xf32, #tpu.memory_space<vmem>>) offsets(%dma_start3A_157 : memref<128xi32, #tpu.memory_space<vmem>>) semaphore(%arg11 : memref<!tpu.dma_semaphore, #tpu.memory_space<semaphore_mem>>)
      %add3A_161 = arith.constant 1 : i32
      %add3A_162 = arith.addi %mul3A_65, %add3A_161 : i32
      %dma_wait3A_163 = arith.constant 1 : i32
      %dma_wait3A_164 = arith.constant 1 : i32
      %dma_wait3A_165 = arith.constant 0 : i32
      %dma_wait3A_166 = arith.constant 0 : i32
      %dma_wait3A_167 = tpu.memref_slice %arg8[%dma_wait3A_164, %dma_wait3A_165, %dma_wait3A_166] : memref<2x128x128xf32, #tpu.memory_space<vmem>> -> memref<1x128x128xf32, #tpu.memory_space<vmem>>
      %dma_wait3A_168 = tpu.memref_squeeze %dma_wait3A_167 : memref<1x128x128xf32, #tpu.memory_space<vmem>> -> memref<128x128xf32, #tpu.memory_space<vmem>>
      %dma_wait3A_169 = arith.constant 0 : i32
      %dma_wait3A_170 = tpu.memref_slice %arg7[%dma_wait3A_163, %dma_wait3A_169] : memref<2x128xi32, #tpu.memory_space<vmem>> -> memref<1x128xi32, #tpu.memory_space<vmem>>
      %dma_wait3A_171 = tpu.memref_squeeze %dma_wait3A_170 : memref<1x128xi32, #tpu.memory_space<vmem>> -> memref<128xi32, #tpu.memory_space<vmem>>
      %dma_wait3A_172 = arith.constant 0 : i32
      %dma_wait3A_173 = arith.constant 0 : i32
      %dma_wait3A_174 = tpu.memref_slice %arg2[%dma_wait3A_172, %dma_wait3A_173] : memref<10000x128xf32, #tpu.memory_space<hbm>> -> memref<10000x128xf32, #tpu.memory_space<hbm>>
      tpu.wait_indirect_dma semaphore(%arg12 : memref<!tpu.dma_semaphore, #tpu.memory_space<semaphore_mem>>) src(%dma_wait3A_174 : memref<10000x128xf32, #tpu.memory_space<hbm>>) dst(%dma_wait3A_168 : memref<128x128xf32, #tpu.memory_space<vmem>>)
      %dma_wait3A_175 = arith.constant 1 : i32
      %dma_wait3A_176 = arith.constant 1 : i32
      %dma_wait3A_177 = arith.constant 0 : i32
      %dma_wait3A_178 = arith.constant 0 : i32
      %dma_wait3A_179 = tpu.memref_slice %arg9[%dma_wait3A_176, %dma_wait3A_177, %dma_wait3A_178] : memref<2x128x128xf32, #tpu.memory_space<vmem>> -> memref<1x128x128xf32, #tpu.memory_space<vmem>>
      %dma_wait3A_180 = tpu.memref_squeeze %dma_wait3A_179 : memref<1x128x128xf32, #tpu.memory_space<vmem>> -> memref<128x128xf32, #tpu.memory_space<vmem>>
      %dma_wait3A_181 = arith.constant 0 : i32
      %dma_wait3A_182 = tpu.memref_slice %arg7[%dma_wait3A_175, %dma_wait3A_181] : memref<2x128xi32, #tpu.memory_space<vmem>> -> memref<1x128xi32, #tpu.memory_space<vmem>>
      %dma_wait3A_183 = tpu.memref_squeeze %dma_wait3A_182 : memref<1x128xi32, #tpu.memory_space<vmem>> -> memref<128xi32, #tpu.memory_space<vmem>>
      %dma_wait3A_184 = arith.constant 0 : i32
      %dma_wait3A_185 = arith.constant 0 : i32
      %dma_wait3A_186 = tpu.memref_slice %arg3[%dma_wait3A_184, %dma_wait3A_185] : memref<10000x128xf32, #tpu.memory_space<hbm>> -> memref<10000x128xf32, #tpu.memory_space<hbm>>
      tpu.wait_indirect_dma semaphore(%arg13 : memref<!tpu.dma_semaphore, #tpu.memory_space<semaphore_mem>>) src(%dma_wait3A_186 : memref<10000x128xf32, #tpu.memory_space<hbm>>) dst(%dma_wait3A_180 : memref<128x128xf32, #tpu.memory_space<vmem>>)
      %mul3A_187 = arith.constant 32 : i32
      %mul3A_188 = arith.muli %add3A_162, %mul3A_187 : i32
      %add3A_189 = arith.addi %add3A, %mul3A_188 : i32
      %mul3A_190 = arith.constant 128 : i32
      %mul3A_191 = arith.muli %add3A_189, %mul3A_190 : i32
      %run_scoped3A_192 = arith.constant 1 : i32
      "tpu.region"() ({
        %run_scoped3A_194 = tpu.sem_alloc : memref<!tpu.dma_semaphore, #tpu.memory_space<semaphore_mem>>
        %dma_start3A_195 = arith.constant 0 : i32
        %dma_start3A_196 = arith.constant 0 : i32
        %dma_start3A_197 = tpu.memref_slice %arg8[%run_scoped3A_192, %dma_start3A_195, %dma_start3A_196] : memref<2x128x128xf32, #tpu.memory_space<vmem>> -> memref<1x128x128xf32, #tpu.memory_space<vmem>>
        %dma_start3A_198 = tpu.memref_squeeze %dma_start3A_197 : memref<1x128x128xf32, #tpu.memory_space<vmem>> -> memref<128x128xf32, #tpu.memory_space<vmem>>
        %dma_start3A_199 = arith.constant 0 : i32
        %dma_start3A_200 = tpu.memref_slice %arg5[%mul3A_191, %dma_start3A_199] : memref<80000x128xf32, #tpu.memory_space<hbm>> -> memref<128x128xf32, #tpu.memory_space<hbm>>
        %dma_start3A_201 = arith.constant 0 : i32
        %dma_start3A_202 = tpu.memref_slice %arg5[%mul3A_191, %dma_start3A_201] : memref<80000x128xf32, #tpu.memory_space<hbm>> -> memref<128x128xf32, #tpu.memory_space<hbm>>
        %dma_start3A_203 = arith.constant 0 : i32
        %dma_start3A_204 = arith.constant 0 : i32
        %dma_start3A_205 = tpu.memref_slice %arg8[%run_scoped3A_192, %dma_start3A_203, %dma_start3A_204] : memref<2x128x128xf32, #tpu.memory_space<vmem>> -> memref<1x128x128xf32, #tpu.memory_space<vmem>>
        %dma_start3A_206 = tpu.memref_squeeze %dma_start3A_205 : memref<1x128x128xf32, #tpu.memory_space<vmem>> -> memref<128x128xf32, #tpu.memory_space<vmem>>
        tpu.enqueue_dma source(%dma_start3A_206 : memref<128x128xf32, #tpu.memory_space<vmem>>) target(%dma_start3A_202 : memref<128x128xf32, #tpu.memory_space<hbm>>) target_semaphore(%run_scoped3A_194 : memref<!tpu.dma_semaphore, #tpu.memory_space<semaphore_mem>>)
        %dma_wait3A_207 = arith.constant 0 : i32
        %dma_wait3A_208 = arith.constant 0 : i32
        %dma_wait3A_209 = tpu.memref_slice %arg8[%run_scoped3A_192, %dma_wait3A_207, %dma_wait3A_208] : memref<2x128x128xf32, #tpu.memory_space<vmem>> -> memref<1x128x128xf32, #tpu.memory_space<vmem>>
        %dma_wait3A_210 = tpu.memref_squeeze %dma_wait3A_209 : memref<1x128x128xf32, #tpu.memory_space<vmem>> -> memref<128x128xf32, #tpu.memory_space<vmem>>
        %dma_wait3A_211 = arith.constant 0 : i32
        %dma_wait3A_212 = tpu.memref_slice %arg5[%mul3A_191, %dma_wait3A_211] : memref<80000x128xf32, #tpu.memory_space<hbm>> -> memref<128x128xf32, #tpu.memory_space<hbm>>
        %dma_wait3A_213 = arith.constant 0 : i32
        %dma_wait3A_214 = tpu.memref_slice %arg5[%mul3A_191, %dma_wait3A_213] : memref<80000x128xf32, #tpu.memory_space<hbm>> -> memref<128x128xf32, #tpu.memory_space<hbm>>
        %dma_wait3A_215 = arith.constant 0 : i32
        %dma_wait3A_216 = arith.constant 0 : i32
        %dma_wait3A_217 = tpu.memref_slice %arg8[%run_scoped3A_192, %dma_wait3A_215, %dma_wait3A_216] : memref<2x128x128xf32, #tpu.memory_space<vmem>> -> memref<1x128x128xf32, #tpu.memory_space<vmem>>
        %dma_wait3A_218 = tpu.memref_squeeze %dma_wait3A_217 : memref<1x128x128xf32, #tpu.memory_space<vmem>> -> memref<128x128xf32, #tpu.memory_space<vmem>>
        tpu.wait_dma2 semaphore(%run_scoped3A_194 : memref<!tpu.dma_semaphore, #tpu.memory_space<semaphore_mem>>) src(%dma_wait3A_218 : memref<128x128xf32, #tpu.memory_space<vmem>>) dst(%dma_wait3A_214 : memref<128x128xf32, #tpu.memory_space<hbm>>)
        tpu.yield
      }) : () -> ()
      %run_scoped3A_193 = arith.constant 1 : i32
      "tpu.region"() ({
        %run_scoped3A_194 = tpu.sem_alloc : memref<!tpu.dma_semaphore, #tpu.memory_space<semaphore_mem>>
        %dma_start3A_195 = arith.constant 0 : i32
        %dma_start3A_196 = arith.constant 0 : i32
        %dma_start3A_197 = tpu.memref_slice %arg9[%run_scoped3A_193, %dma_start3A_195, %dma_start3A_196] : memref<2x128x128xf32, #tpu.memory_space<vmem>> -> memref<1x128x128xf32, #tpu.memory_space<vmem>>
        %dma_start3A_198 = tpu.memref_squeeze %dma_start3A_197 : memref<1x128x128xf32, #tpu.memory_space<vmem>> -> memref<128x128xf32, #tpu.memory_space<vmem>>
        %dma_start3A_199 = arith.constant 0 : i32
        %dma_start3A_200 = tpu.memref_slice %arg6[%mul3A_191, %dma_start3A_199] : memref<80000x128xf32, #tpu.memory_space<hbm>> -> memref<128x128xf32, #tpu.memory_space<hbm>>
        %dma_start3A_201 = arith.constant 0 : i32
        %dma_start3A_202 = tpu.memref_slice %arg6[%mul3A_191, %dma_start3A_201] : memref<80000x128xf32, #tpu.memory_space<hbm>> -> memref<128x128xf32, #tpu.memory_space<hbm>>
        %dma_start3A_203 = arith.constant 0 : i32
        %dma_start3A_204 = arith.constant 0 : i32
        %dma_start3A_205 = tpu.memref_slice %arg9[%run_scoped3A_193, %dma_start3A_203, %dma_start3A_204] : memref<2x128x128xf32, #tpu.memory_space<vmem>> -> memref<1x128x128xf32, #tpu.memory_space<vmem>>
        %dma_start3A_206 = tpu.memref_squeeze %dma_start3A_205 : memref<1x128x128xf32, #tpu.memory_space<vmem>> -> memref<128x128xf32, #tpu.memory_space<vmem>>
        tpu.enqueue_dma source(%dma_start3A_206 : memref<128x128xf32, #tpu.memory_space<vmem>>) target(%dma_start3A_202 : memref<128x128xf32, #tpu.memory_space<hbm>>) target_semaphore(%run_scoped3A_194 : memref<!tpu.dma_semaphore, #tpu.memory_space<semaphore_mem>>)
        %dma_wait3A_207 = arith.constant 0 : i32
        %dma_wait3A_208 = arith.constant 0 : i32
        %dma_wait3A_209 = tpu.memref_slice %arg9[%run_scoped3A_193, %dma_wait3A_207, %dma_wait3A_208] : memref<2x128x128xf32, #tpu.memory_space<vmem>> -> memref<1x128x128xf32, #tpu.memory_space<vmem>>
        %dma_wait3A_210 = tpu.memref_squeeze %dma_wait3A_209 : memref<1x128x128xf32, #tpu.memory_space<vmem>> -> memref<128x128xf32, #tpu.memory_space<vmem>>
        %dma_wait3A_211 = arith.constant 0 : i32
        %dma_wait3A_212 = tpu.memref_slice %arg6[%mul3A_191, %dma_wait3A_211] : memref<80000x128xf32, #tpu.memory_space<hbm>> -> memref<128x128xf32, #tpu.memory_space<hbm>>
        %dma_wait3A_213 = arith.constant 0 : i32
        %dma_wait3A_214 = tpu.memref_slice %arg6[%mul3A_191, %dma_wait3A_213] : memref<80000x128xf32, #tpu.memory_space<hbm>> -> memref<128x128xf32, #tpu.memory_space<hbm>>
        %dma_wait3A_215 = arith.constant 0 : i32
        %dma_wait3A_216 = arith.constant 0 : i32
        %dma_wait3A_217 = tpu.memref_slice %arg9[%run_scoped3A_193, %dma_wait3A_215, %dma_wait3A_216] : memref<2x128x128xf32, #tpu.memory_space<vmem>> -> memref<1x128x128xf32, #tpu.memory_space<vmem>>
        %dma_wait3A_218 = tpu.memref_squeeze %dma_wait3A_217 : memref<1x128x128xf32, #tpu.memory_space<vmem>> -> memref<128x128xf32, #tpu.memory_space<vmem>>
        tpu.wait_dma2 semaphore(%run_scoped3A_194 : memref<!tpu.dma_semaphore, #tpu.memory_space<semaphore_mem>>) src(%dma_wait3A_218 : memref<128x128xf32, #tpu.memory_space<vmem>>) dst(%dma_wait3A_214 : memref<128x128xf32, #tpu.memory_space<hbm>>)
        tpu.yield
      }) : () -> ()
    }
    %scan3A_31 = arith.constant 9 : i32
    %dma_wait3A = arith.constant 0 : i32
    %dma_wait3A_32 = arith.constant 0 : i32
    %dma_wait3A_33 = arith.constant 0 : i32
    %dma_wait3A_34 = arith.constant 0 : i32
    %dma_wait3A_35 = tpu.memref_slice %arg8[%dma_wait3A_32, %dma_wait3A_33, %dma_wait3A_34] : memref<2x128x128xf32, #tpu.memory_space<vmem>> -> memref<1x128x128xf32, #tpu.memory_space<vmem>>
    %dma_wait3A_36 = tpu.memref_squeeze %dma_wait3A_35 : memref<1x128x128xf32, #tpu.memory_space<vmem>> -> memref<128x128xf32, #tpu.memory_space<vmem>>
    %dma_wait3A_37 = arith.constant 0 : i32
    %dma_wait3A_38 = tpu.memref_slice %arg7[%dma_wait3A, %dma_wait3A_37] : memref<2x128xi32, #tpu.memory_space<vmem>> -> memref<1x128xi32, #tpu.memory_space<vmem>>
    %dma_wait3A_39 = tpu.memref_squeeze %dma_wait3A_38 : memref<1x128xi32, #tpu.memory_space<vmem>> -> memref<128xi32, #tpu.memory_space<vmem>>
    %dma_wait3A_40 = arith.constant 0 : i32
    %dma_wait3A_41 = arith.constant 0 : i32
    %dma_wait3A_42 = tpu.memref_slice %arg2[%dma_wait3A_40, %dma_wait3A_41] : memref<10000x128xf32, #tpu.memory_space<hbm>> -> memref<10000x128xf32, #tpu.memory_space<hbm>>
    tpu.wait_indirect_dma semaphore(%arg10 : memref<!tpu.dma_semaphore, #tpu.memory_space<semaphore_mem>>) src(%dma_wait3A_42 : memref<10000x128xf32, #tpu.memory_space<hbm>>) dst(%dma_wait3A_36 : memref<128x128xf32, #tpu.memory_space<vmem>>)
    %dma_wait3A_43 = arith.constant 0 : i32
    %dma_wait3A_44 = arith.constant 0 : i32
    %dma_wait3A_45 = arith.constant 0 : i32
    %dma_wait3A_46 = arith.constant 0 : i32
    %dma_wait3A_47 = tpu.memref_slice %arg9[%dma_wait3A_44, %dma_wait3A_45, %dma_wait3A_46] : memref<2x128x128xf32, #tpu.memory_space<vmem>> -> memref<1x128x128xf32, #tpu.memory_space<vmem>>
    %dma_wait3A_48 = tpu.memref_squeeze %dma_wait3A_47 : memref<1x128x128xf32, #tpu.memory_space<vmem>> -> memref<128x128xf32, #tpu.memory_space<vmem>>
    %dma_wait3A_49 = arith.constant 0 : i32
    %dma_wait3A_50 = tpu.memref_slice %arg7[%dma_wait3A_43, %dma_wait3A_49] : memref<2x128xi32, #tpu.memory_space<vmem>> -> memref<1x128xi32, #tpu.memory_space<vmem>>
    %dma_wait3A_51 = tpu.memref_squeeze %dma_wait3A_50 : memref<1x128xi32, #tpu.memory_space<vmem>> -> memref<128xi32, #tpu.memory_space<vmem>>
    %dma_wait3A_52 = arith.constant 0 : i32
    %dma_wait3A_53 = arith.constant 0 : i32
    %dma_wait3A_54 = tpu.memref_slice %arg3[%dma_wait3A_52, %dma_wait3A_53] : memref<10000x128xf32, #tpu.memory_space<hbm>> -> memref<10000x128xf32, #tpu.memory_space<hbm>>
    tpu.wait_indirect_dma semaphore(%arg11 : memref<!tpu.dma_semaphore, #tpu.memory_space<semaphore_mem>>) src(%dma_wait3A_54 : memref<10000x128xf32, #tpu.memory_space<hbm>>) dst(%dma_wait3A_48 : memref<128x128xf32, #tpu.memory_space<vmem>>)
    %add3A_55 = arith.constant 576 : i32
    %add3A_56 = arith.addi %add3A, %add3A_55 : i32
    %mul3A_57 = arith.constant 128 : i32
    %mul3A_58 = arith.muli %add3A_56, %mul3A_57 : i32
    %run_scoped3A_59 = arith.constant 0 : i32
    "tpu.region"() ({
      %run_scoped3A_63 = tpu.sem_alloc : memref<!tpu.dma_semaphore, #tpu.memory_space<semaphore_mem>>
      %dma_start3A_64 = arith.constant 0 : i32
      %dma_start3A_65 = arith.constant 0 : i32
      %dma_start3A_66 = tpu.memref_slice %arg8[%run_scoped3A_59, %dma_start3A_64, %dma_start3A_65] : memref<2x128x128xf32, #tpu.memory_space<vmem>> -> memref<1x128x128xf32, #tpu.memory_space<vmem>>
      %dma_start3A_67 = tpu.memref_squeeze %dma_start3A_66 : memref<1x128x128xf32, #tpu.memory_space<vmem>> -> memref<128x128xf32, #tpu.memory_space<vmem>>
      %dma_start3A_68 = arith.constant 0 : i32
      %dma_start3A_69 = tpu.memref_slice %arg5[%mul3A_58, %dma_start3A_68] : memref<80000x128xf32, #tpu.memory_space<hbm>> -> memref<128x128xf32, #tpu.memory_space<hbm>>
      %dma_start3A_70 = arith.constant 0 : i32
      %dma_start3A_71 = tpu.memref_slice %arg5[%mul3A_58, %dma_start3A_70] : memref<80000x128xf32, #tpu.memory_space<hbm>> -> memref<128x128xf32, #tpu.memory_space<hbm>>
      %dma_start3A_72 = arith.constant 0 : i32
      %dma_start3A_73 = arith.constant 0 : i32
      %dma_start3A_74 = tpu.memref_slice %arg8[%run_scoped3A_59, %dma_start3A_72, %dma_start3A_73] : memref<2x128x128xf32, #tpu.memory_space<vmem>> -> memref<1x128x128xf32, #tpu.memory_space<vmem>>
      %dma_start3A_75 = tpu.memref_squeeze %dma_start3A_74 : memref<1x128x128xf32, #tpu.memory_space<vmem>> -> memref<128x128xf32, #tpu.memory_space<vmem>>
      tpu.enqueue_dma source(%dma_start3A_75 : memref<128x128xf32, #tpu.memory_space<vmem>>) target(%dma_start3A_71 : memref<128x128xf32, #tpu.memory_space<hbm>>) target_semaphore(%run_scoped3A_63 : memref<!tpu.dma_semaphore, #tpu.memory_space<semaphore_mem>>)
      %dma_wait3A_76 = arith.constant 0 : i32
      %dma_wait3A_77 = arith.constant 0 : i32
      %dma_wait3A_78 = tpu.memref_slice %arg8[%run_scoped3A_59, %dma_wait3A_76, %dma_wait3A_77] : memref<2x128x128xf32, #tpu.memory_space<vmem>> -> memref<1x128x128xf32, #tpu.memory_space<vmem>>
      %dma_wait3A_79 = tpu.memref_squeeze %dma_wait3A_78 : memref<1x128x128xf32, #tpu.memory_space<vmem>> -> memref<128x128xf32, #tpu.memory_space<vmem>>
      %dma_wait3A_80 = arith.constant 0 : i32
      %dma_wait3A_81 = tpu.memref_slice %arg5[%mul3A_58, %dma_wait3A_80] : memref<80000x128xf32, #tpu.memory_space<hbm>> -> memref<128x128xf32, #tpu.memory_space<hbm>>
      %dma_wait3A_82 = arith.constant 0 : i32
      %dma_wait3A_83 = tpu.memref_slice %arg5[%mul3A_58, %dma_wait3A_82] : memref<80000x128xf32, #tpu.memory_space<hbm>> -> memref<128x128xf32, #tpu.memory_space<hbm>>
      %dma_wait3A_84 = arith.constant 0 : i32
      %dma_wait3A_85 = arith.constant 0 : i32
      %dma_wait3A_86 = tpu.memref_slice %arg8[%run_scoped3A_59, %dma_wait3A_84, %dma_wait3A_85] : memref<2x128x128xf32, #tpu.memory_space<vmem>> -> memref<1x128x128xf32, #tpu.memory_space<vmem>>
      %dma_wait3A_87 = tpu.memref_squeeze %dma_wait3A_86 : memref<1x128x128xf32, #tpu.memory_space<vmem>> -> memref<128x128xf32, #tpu.memory_space<vmem>>
      tpu.wait_dma2 semaphore(%run_scoped3A_63 : memref<!tpu.dma_semaphore, #tpu.memory_space<semaphore_mem>>) src(%dma_wait3A_87 : memref<128x128xf32, #tpu.memory_space<vmem>>) dst(%dma_wait3A_83 : memref<128x128xf32, #tpu.memory_space<hbm>>)
      tpu.yield
    }) : () -> ()
    %run_scoped3A_60 = arith.constant 0 : i32
    "tpu.region"() ({
      %run_scoped3A_63 = tpu.sem_alloc : memref<!tpu.dma_semaphore, #tpu.memory_space<semaphore_mem>>
      %dma_start3A_64 = arith.constant 0 : i32
      %dma_start3A_65 = arith.constant 0 : i32
      %dma_start3A_66 = tpu.memref_slice %arg9[%run_scoped3A_60, %dma_start3A_64, %dma_start3A_65] : memref<2x128x128xf32, #tpu.memory_space<vmem>> -> memref<1x128x128xf32, #tpu.memory_space<vmem>>
      %dma_start3A_67 = tpu.memref_squeeze %dma_start3A_66 : memref<1x128x128xf32, #tpu.memory_space<vmem>> -> memref<128x128xf32, #tpu.memory_space<vmem>>
      %dma_start3A_68 = arith.constant 0 : i32
      %dma_start3A_69 = tpu.memref_slice %arg6[%mul3A_58, %dma_start3A_68] : memref<80000x128xf32, #tpu.memory_space<hbm>> -> memref<128x128xf32, #tpu.memory_space<hbm>>
      %dma_start3A_70 = arith.constant 0 : i32
      %dma_start3A_71 = tpu.memref_slice %arg6[%mul3A_58, %dma_start3A_70] : memref<80000x128xf32, #tpu.memory_space<hbm>> -> memref<128x128xf32, #tpu.memory_space<hbm>>
      %dma_start3A_72 = arith.constant 0 : i32
      %dma_start3A_73 = arith.constant 0 : i32
      %dma_start3A_74 = tpu.memref_slice %arg9[%run_scoped3A_60, %dma_start3A_72, %dma_start3A_73] : memref<2x128x128xf32, #tpu.memory_space<vmem>> -> memref<1x128x128xf32, #tpu.memory_space<vmem>>
      %dma_start3A_75 = tpu.memref_squeeze %dma_start3A_74 : memref<1x128x128xf32, #tpu.memory_space<vmem>> -> memref<128x128xf32, #tpu.memory_space<vmem>>
      tpu.enqueue_dma source(%dma_start3A_75 : memref<128x128xf32, #tpu.memory_space<vmem>>) target(%dma_start3A_71 : memref<128x128xf32, #tpu.memory_space<hbm>>) target_semaphore(%run_scoped3A_63 : memref<!tpu.dma_semaphore, #tpu.memory_space<semaphore_mem>>)
      %dma_wait3A_76 = arith.constant 0 : i32
      %dma_wait3A_77 = arith.constant 0 : i32
      %dma_wait3A_78 = tpu.memref_slice %arg9[%run_scoped3A_60, %dma_wait3A_76, %dma_wait3A_77] : memref<2x128x128xf32, #tpu.memory_space<vmem>> -> memref<1x128x128xf32, #tpu.memory_space<vmem>>
      %dma_wait3A_79 = tpu.memref_squeeze %dma_wait3A_78 : memref<1x128x128xf32, #tpu.memory_space<vmem>> -> memref<128x128xf32, #tpu.memory_space<vmem>>
      %dma_wait3A_80 = arith.constant 0 : i32
      %dma_wait3A_81 = tpu.memref_slice %arg6[%mul3A_58, %dma_wait3A_80] : memref<80000x128xf32, #tpu.memory_space<hbm>> -> memref<128x128xf32, #tpu.memory_space<hbm>>
      %dma_wait3A_82 = arith.constant 0 : i32
      %dma_wait3A_83 = tpu.memref_slice %arg6[%mul3A_58, %dma_wait3A_82] : memref<80000x128xf32, #tpu.memory_space<hbm>> -> memref<128x128xf32, #tpu.memory_space<hbm>>
      %dma_wait3A_84 = arith.constant 0 : i32
      %dma_wait3A_85 = arith.constant 0 : i32
      %dma_wait3A_86 = tpu.memref_slice %arg9[%run_scoped3A_60, %dma_wait3A_84, %dma_wait3A_85] : memref<2x128x128xf32, #tpu.memory_space<vmem>> -> memref<1x128x128xf32, #tpu.memory_space<vmem>>
      %dma_wait3A_87 = tpu.memref_squeeze %dma_wait3A_86 : memref<1x128x128xf32, #tpu.memory_space<vmem>> -> memref<128x128xf32, #tpu.memory_space<vmem>>
      tpu.wait_dma2 semaphore(%run_scoped3A_63 : memref<!tpu.dma_semaphore, #tpu.memory_space<semaphore_mem>>) src(%dma_wait3A_87 : memref<128x128xf32, #tpu.memory_space<vmem>>) dst(%dma_wait3A_83 : memref<128x128xf32, #tpu.memory_space<hbm>>)
      tpu.yield
    }) : () -> ()
    %lt3A = arith.constant 17 : i32
    %lt3A_61 = arith.cmpi slt, %add3A, %lt3A : i32
    %convert_element_type3A = arith.extui %lt3A_61 : i1 to i32
    %cond3A = arith.constant 0 : i32
    %cond3A_62 = arith.cmpi ne, %convert_element_type3A, %cond3A : i32
    scf.if %cond3A_62 {
      %add3A_63 = arith.constant 608 : i32
      %add3A_64 = arith.addi %add3A_63, %add3A : i32
      %mul3A_65 = arith.constant 128 : i32
      %mul3A_66 = arith.muli %add3A_64, %mul3A_65 : i32
      %run_scoped3A_67 = arith.constant 0 : i32
      "tpu.region"() ({
        %run_scoped3A_118 = tpu.sem_alloc : memref<!tpu.dma_semaphore, #tpu.memory_space<semaphore_mem>>
        %dma_start3A_119 = arith.constant 0 : i32
        %dma_start3A_120 = tpu.memref_slice %arg7[%run_scoped3A_67, %dma_start3A_119] : memref<2x128xi32, #tpu.memory_space<vmem>> -> memref<1x128xi32, #tpu.memory_space<vmem>>
        %dma_start3A_121 = tpu.memref_squeeze %dma_start3A_120 : memref<1x128xi32, #tpu.memory_space<vmem>> -> memref<128xi32, #tpu.memory_space<vmem>>
        %dma_start3A_122 = tpu.memref_slice %arg4[%mul3A_66] : memref<80000xi32, #tpu.memory_space<hbm>> -> memref<128xi32, #tpu.memory_space<hbm>>
        %dma_start3A_123 = arith.constant 0 : i32
        %dma_start3A_124 = tpu.memref_slice %arg7[%run_scoped3A_67, %dma_start3A_123] : memref<2x128xi32, #tpu.memory_space<vmem>> -> memref<1x128xi32, #tpu.memory_space<vmem>>
        %dma_start3A_125 = tpu.memref_squeeze %dma_start3A_124 : memref<1x128xi32, #tpu.memory_space<vmem>> -> memref<128xi32, #tpu.memory_space<vmem>>
        %dma_start3A_126 = tpu.memref_slice %arg4[%mul3A_66] : memref<80000xi32, #tpu.memory_space<hbm>> -> memref<128xi32, #tpu.memory_space<hbm>>
        tpu.enqueue_dma source(%dma_start3A_126 : memref<128xi32, #tpu.memory_space<hbm>>) target(%dma_start3A_125 : memref<128xi32, #tpu.memory_space<vmem>>) target_semaphore(%run_scoped3A_118 : memref<!tpu.dma_semaphore, #tpu.memory_space<semaphore_mem>>)
        %dma_wait3A_127 = arith.constant 0 : i32
        %dma_wait3A_128 = tpu.memref_slice %arg7[%run_scoped3A_67, %dma_wait3A_127] : memref<2x128xi32, #tpu.memory_space<vmem>> -> memref<1x128xi32, #tpu.memory_space<vmem>>
        %dma_wait3A_129 = tpu.memref_squeeze %dma_wait3A_128 : memref<1x128xi32, #tpu.memory_space<vmem>> -> memref<128xi32, #tpu.memory_space<vmem>>
        %dma_wait3A_130 = tpu.memref_slice %arg4[%mul3A_66] : memref<80000xi32, #tpu.memory_space<hbm>> -> memref<128xi32, #tpu.memory_space<hbm>>
        %dma_wait3A_131 = arith.constant 0 : i32
        %dma_wait3A_132 = tpu.memref_slice %arg7[%run_scoped3A_67, %dma_wait3A_131] : memref<2x128xi32, #tpu.memory_space<vmem>> -> memref<1x128xi32, #tpu.memory_space<vmem>>
        %dma_wait3A_133 = tpu.memref_squeeze %dma_wait3A_132 : memref<1x128xi32, #tpu.memory_space<vmem>> -> memref<128xi32, #tpu.memory_space<vmem>>
        %dma_wait3A_134 = tpu.memref_slice %arg4[%mul3A_66] : memref<80000xi32, #tpu.memory_space<hbm>> -> memref<128xi32, #tpu.memory_space<hbm>>
        tpu.wait_dma2 semaphore(%run_scoped3A_118 : memref<!tpu.dma_semaphore, #tpu.memory_space<semaphore_mem>>) src(%dma_wait3A_134 : memref<128xi32, #tpu.memory_space<hbm>>) dst(%dma_wait3A_133 : memref<128xi32, #tpu.memory_space<vmem>>)
        tpu.yield
      }) : () -> ()
      %dma_start3A_68 = arith.constant 0 : i32
      %dma_start3A_69 = arith.constant 0 : i32
      %dma_start3A_70 = arith.constant 0 : i32
      %dma_start3A_71 = arith.constant 0 : i32
      %dma_start3A_72 = tpu.memref_slice %arg8[%dma_start3A_69, %dma_start3A_70, %dma_start3A_71] : memref<2x128x128xf32, #tpu.memory_space<vmem>> -> memref<1x128x128xf32, #tpu.memory_space<vmem>>
      %dma_start3A_73 = tpu.memref_squeeze %dma_start3A_72 : memref<1x128x128xf32, #tpu.memory_space<vmem>> -> memref<128x128xf32, #tpu.memory_space<vmem>>
      %dma_start3A_74 = arith.constant 0 : i32
      %dma_start3A_75 = tpu.memref_slice %arg7[%dma_start3A_68, %dma_start3A_74] : memref<2x128xi32, #tpu.memory_space<vmem>> -> memref<1x128xi32, #tpu.memory_space<vmem>>
      %dma_start3A_76 = tpu.memref_squeeze %dma_start3A_75 : memref<1x128xi32, #tpu.memory_space<vmem>> -> memref<128xi32, #tpu.memory_space<vmem>>
      %dma_start3A_77 = arith.constant 0 : i32
      %dma_start3A_78 = arith.constant 0 : i32
      %dma_start3A_79 = tpu.memref_slice %arg2[%dma_start3A_77, %dma_start3A_78] : memref<10000x128xf32, #tpu.memory_space<hbm>> -> memref<10000x128xf32, #tpu.memory_space<hbm>>
      tpu.enqueue_indirect_dma source(%dma_start3A_79 : memref<10000x128xf32, #tpu.memory_space<hbm>>) target(%dma_start3A_73 : memref<128x128xf32, #tpu.memory_space<vmem>>) offsets(%dma_start3A_76 : memref<128xi32, #tpu.memory_space<vmem>>) semaphore(%arg10 : memref<!tpu.dma_semaphore, #tpu.memory_space<semaphore_mem>>)
      %dma_wait3A_80 = arith.constant 0 : i32
      %dma_wait3A_81 = arith.constant 0 : i32
      %dma_wait3A_82 = arith.constant 0 : i32
      %dma_wait3A_83 = arith.constant 0 : i32
      %dma_wait3A_84 = tpu.memref_slice %arg8[%dma_wait3A_81, %dma_wait3A_82, %dma_wait3A_83] : memref<2x128x128xf32, #tpu.memory_space<vmem>> -> memref<1x128x128xf32, #tpu.memory_space<vmem>>
      %dma_wait3A_85 = tpu.memref_squeeze %dma_wait3A_84 : memref<1x128x128xf32, #tpu.memory_space<vmem>> -> memref<128x128xf32, #tpu.memory_space<vmem>>
      %dma_wait3A_86 = arith.constant 0 : i32
      %dma_wait3A_87 = tpu.memref_slice %arg7[%dma_wait3A_80, %dma_wait3A_86] : memref<2x128xi32, #tpu.memory_space<vmem>> -> memref<1x128xi32, #tpu.memory_space<vmem>>
      %dma_wait3A_88 = tpu.memref_squeeze %dma_wait3A_87 : memref<1x128xi32, #tpu.memory_space<vmem>> -> memref<128xi32, #tpu.memory_space<vmem>>
      %dma_wait3A_89 = arith.constant 0 : i32
      %dma_wait3A_90 = arith.constant 0 : i32
      %dma_wait3A_91 = tpu.memref_slice %arg2[%dma_wait3A_89, %dma_wait3A_90] : memref<10000x128xf32, #tpu.memory_space<hbm>> -> memref<10000x128xf32, #tpu.memory_space<hbm>>
      tpu.wait_indirect_dma semaphore(%arg10 : memref<!tpu.dma_semaphore, #tpu.memory_space<semaphore_mem>>) src(%dma_wait3A_91 : memref<10000x128xf32, #tpu.memory_space<hbm>>) dst(%dma_wait3A_85 : memref<128x128xf32, #tpu.memory_space<vmem>>)
      %dma_start3A_92 = arith.constant 0 : i32
      %dma_start3A_93 = arith.constant 0 : i32
      %dma_start3A_94 = arith.constant 0 : i32
      %dma_start3A_95 = arith.constant 0 : i32
      %dma_start3A_96 = tpu.memref_slice %arg9[%dma_start3A_93, %dma_start3A_94, %dma_start3A_95] : memref<2x128x128xf32, #tpu.memory_space<vmem>> -> memref<1x128x128xf32, #tpu.memory_space<vmem>>
      %dma_start3A_97 = tpu.memref_squeeze %dma_start3A_96 : memref<1x128x128xf32, #tpu.memory_space<vmem>> -> memref<128x128xf32, #tpu.memory_space<vmem>>
      %dma_start3A_98 = arith.constant 0 : i32
      %dma_start3A_99 = tpu.memref_slice %arg7[%dma_start3A_92, %dma_start3A_98] : memref<2x128xi32, #tpu.memory_space<vmem>> -> memref<1x128xi32, #tpu.memory_space<vmem>>
      %dma_start3A_100 = tpu.memref_squeeze %dma_start3A_99 : memref<1x128xi32, #tpu.memory_space<vmem>> -> memref<128xi32, #tpu.memory_space<vmem>>
      %dma_start3A_101 = arith.constant 0 : i32
      %dma_start3A_102 = arith.constant 0 : i32
      %dma_start3A_103 = tpu.memref_slice %arg3[%dma_start3A_101, %dma_start3A_102] : memref<10000x128xf32, #tpu.memory_space<hbm>> -> memref<10000x128xf32, #tpu.memory_space<hbm>>
      tpu.enqueue_indirect_dma source(%dma_start3A_103 : memref<10000x128xf32, #tpu.memory_space<hbm>>) target(%dma_start3A_97 : memref<128x128xf32, #tpu.memory_space<vmem>>) offsets(%dma_start3A_100 : memref<128xi32, #tpu.memory_space<vmem>>) semaphore(%arg11 : memref<!tpu.dma_semaphore, #tpu.memory_space<semaphore_mem>>)
      %dma_wait3A_104 = arith.constant 0 : i32
      %dma_wait3A_105 = arith.constant 0 : i32
      %dma_wait3A_106 = arith.constant 0 : i32
      %dma_wait3A_107 = arith.constant 0 : i32
      %dma_wait3A_108 = tpu.memref_slice %arg9[%dma_wait3A_105, %dma_wait3A_106, %dma_wait3A_107] : memref<2x128x128xf32, #tpu.memory_space<vmem>> -> memref<1x128x128xf32, #tpu.memory_space<vmem>>
      %dma_wait3A_109 = tpu.memref_squeeze %dma_wait3A_108 : memref<1x128x128xf32, #tpu.memory_space<vmem>> -> memref<128x128xf32, #tpu.memory_space<vmem>>
      %dma_wait3A_110 = arith.constant 0 : i32
      %dma_wait3A_111 = tpu.memref_slice %arg7[%dma_wait3A_104, %dma_wait3A_110] : memref<2x128xi32, #tpu.memory_space<vmem>> -> memref<1x128xi32, #tpu.memory_space<vmem>>
      %dma_wait3A_112 = tpu.memref_squeeze %dma_wait3A_111 : memref<1x128xi32, #tpu.memory_space<vmem>> -> memref<128xi32, #tpu.memory_space<vmem>>
      %dma_wait3A_113 = arith.constant 0 : i32
      %dma_wait3A_114 = arith.constant 0 : i32
      %dma_wait3A_115 = tpu.memref_slice %arg3[%dma_wait3A_113, %dma_wait3A_114] : memref<10000x128xf32, #tpu.memory_space<hbm>> -> memref<10000x128xf32, #tpu.memory_space<hbm>>
      tpu.wait_indirect_dma semaphore(%arg11 : memref<!tpu.dma_semaphore, #tpu.memory_space<semaphore_mem>>) src(%dma_wait3A_115 : memref<10000x128xf32, #tpu.memory_space<hbm>>) dst(%dma_wait3A_109 : memref<128x128xf32, #tpu.memory_space<vmem>>)
      %run_scoped3A_116 = arith.constant 0 : i32
      "tpu.region"() ({
        %run_scoped3A_118 = tpu.sem_alloc : memref<!tpu.dma_semaphore, #tpu.memory_space<semaphore_mem>>
        %dma_start3A_119 = arith.constant 0 : i32
        %dma_start3A_120 = arith.constant 0 : i32
        %dma_start3A_121 = tpu.memref_slice %arg8[%run_scoped3A_116, %dma_start3A_119, %dma_start3A_120] : memref<2x128x128xf32, #tpu.memory_space<vmem>> -> memref<1x128x128xf32, #tpu.memory_space<vmem>>
        %dma_start3A_122 = tpu.memref_squeeze %dma_start3A_121 : memref<1x128x128xf32, #tpu.memory_space<vmem>> -> memref<128x128xf32, #tpu.memory_space<vmem>>
        %dma_start3A_123 = arith.constant 0 : i32
        %dma_start3A_124 = tpu.memref_slice %arg5[%mul3A_66, %dma_start3A_123] : memref<80000x128xf32, #tpu.memory_space<hbm>> -> memref<128x128xf32, #tpu.memory_space<hbm>>
        %dma_start3A_125 = arith.constant 0 : i32
        %dma_start3A_126 = tpu.memref_slice %arg5[%mul3A_66, %dma_start3A_125] : memref<80000x128xf32, #tpu.memory_space<hbm>> -> memref<128x128xf32, #tpu.memory_space<hbm>>
        %dma_start3A_127 = arith.constant 0 : i32
        %dma_start3A_128 = arith.constant 0 : i32
        %dma_start3A_129 = tpu.memref_slice %arg8[%run_scoped3A_116, %dma_start3A_127, %dma_start3A_128] : memref<2x128x128xf32, #tpu.memory_space<vmem>> -> memref<1x128x128xf32, #tpu.memory_space<vmem>>
        %dma_start3A_130 = tpu.memref_squeeze %dma_start3A_129 : memref<1x128x128xf32, #tpu.memory_space<vmem>> -> memref<128x128xf32, #tpu.memory_space<vmem>>
        tpu.enqueue_dma source(%dma_start3A_130 : memref<128x128xf32, #tpu.memory_space<vmem>>) target(%dma_start3A_126 : memref<128x128xf32, #tpu.memory_space<hbm>>) target_semaphore(%run_scoped3A_118 : memref<!tpu.dma_semaphore, #tpu.memory_space<semaphore_mem>>)
        %dma_wait3A_131 = arith.constant 0 : i32
        %dma_wait3A_132 = arith.constant 0 : i32
        %dma_wait3A_133 = tpu.memref_slice %arg8[%run_scoped3A_116, %dma_wait3A_131, %dma_wait3A_132] : memref<2x128x128xf32, #tpu.memory_space<vmem>> -> memref<1x128x128xf32, #tpu.memory_space<vmem>>
        %dma_wait3A_134 = tpu.memref_squeeze %dma_wait3A_133 : memref<1x128x128xf32, #tpu.memory_space<vmem>> -> memref<128x128xf32, #tpu.memory_space<vmem>>
        %dma_wait3A_135 = arith.constant 0 : i32
        %dma_wait3A_136 = tpu.memref_slice %arg5[%mul3A_66, %dma_wait3A_135] : memref<80000x128xf32, #tpu.memory_space<hbm>> -> memref<128x128xf32, #tpu.memory_space<hbm>>
        %dma_wait3A_137 = arith.constant 0 : i32
        %dma_wait3A_138 = tpu.memref_slice %arg5[%mul3A_66, %dma_wait3A_137] : memref<80000x128xf32, #tpu.memory_space<hbm>> -> memref<128x128xf32, #tpu.memory_space<hbm>>
        %dma_wait3A_139 = arith.constant 0 : i32
        %dma_wait3A_140 = arith.constant 0 : i32
        %dma_wait3A_141 = tpu.memref_slice %arg8[%run_scoped3A_116, %dma_wait3A_139, %dma_wait3A_140] : memref<2x128x128xf32, #tpu.memory_space<vmem>> -> memref<1x128x128xf32, #tpu.memory_space<vmem>>
        %dma_wait3A_142 = tpu.memref_squeeze %dma_wait3A_141 : memref<1x128x128xf32, #tpu.memory_space<vmem>> -> memref<128x128xf32, #tpu.memory_space<vmem>>
        tpu.wait_dma2 semaphore(%run_scoped3A_118 : memref<!tpu.dma_semaphore, #tpu.memory_space<semaphore_mem>>) src(%dma_wait3A_142 : memref<128x128xf32, #tpu.memory_space<vmem>>) dst(%dma_wait3A_138 : memref<128x128xf32, #tpu.memory_space<hbm>>)
        tpu.yield
      }) : () -> ()
      %run_scoped3A_117 = arith.constant 0 : i32
      "tpu.region"() ({
        %run_scoped3A_118 = tpu.sem_alloc : memref<!tpu.dma_semaphore, #tpu.memory_space<semaphore_mem>>
        %dma_start3A_119 = arith.constant 0 : i32
        %dma_start3A_120 = arith.constant 0 : i32
        %dma_start3A_121 = tpu.memref_slice %arg9[%run_scoped3A_117, %dma_start3A_119, %dma_start3A_120] : memref<2x128x128xf32, #tpu.memory_space<vmem>> -> memref<1x128x128xf32, #tpu.memory_space<vmem>>
        %dma_start3A_122 = tpu.memref_squeeze %dma_start3A_121 : memref<1x128x128xf32, #tpu.memory_space<vmem>> -> memref<128x128xf32, #tpu.memory_space<vmem>>
        %dma_start3A_123 = arith.constant 0 : i32
        %dma_start3A_124 = tpu.memref_slice %arg6[%mul3A_66, %dma_start3A_123] : memref<80000x128xf32, #tpu.memory_space<hbm>> -> memref<128x128xf32, #tpu.memory_space<hbm>>
        %dma_start3A_125 = arith.constant 0 : i32
        %dma_start3A_126 = tpu.memref_slice %arg6[%mul3A_66, %dma_start3A_125] : memref<80000x128xf32, #tpu.memory_space<hbm>> -> memref<128x128xf32, #tpu.memory_space<hbm>>
        %dma_start3A_127 = arith.constant 0 : i32
        %dma_start3A_128 = arith.constant 0 : i32
        %dma_start3A_129 = tpu.memref_slice %arg9[%run_scoped3A_117, %dma_start3A_127, %dma_start3A_128] : memref<2x128x128xf32, #tpu.memory_space<vmem>> -> memref<1x128x128xf32, #tpu.memory_space<vmem>>
        %dma_start3A_130 = tpu.memref_squeeze %dma_start3A_129 : memref<1x128x128xf32, #tpu.memory_space<vmem>> -> memref<128x128xf32, #tpu.memory_space<vmem>>
        tpu.enqueue_dma source(%dma_start3A_130 : memref<128x128xf32, #tpu.memory_space<vmem>>) target(%dma_start3A_126 : memref<128x128xf32, #tpu.memory_space<hbm>>) target_semaphore(%run_scoped3A_118 : memref<!tpu.dma_semaphore, #tpu.memory_space<semaphore_mem>>)
        %dma_wait3A_131 = arith.constant 0 : i32
        %dma_wait3A_132 = arith.constant 0 : i32
        %dma_wait3A_133 = tpu.memref_slice %arg9[%run_scoped3A_117, %dma_wait3A_131, %dma_wait3A_132] : memref<2x128x128xf32, #tpu.memory_space<vmem>> -> memref<1x128x128xf32, #tpu.memory_space<vmem>>
        %dma_wait3A_134 = tpu.memref_squeeze %dma_wait3A_133 : memref<1x128x128xf32, #tpu.memory_space<vmem>> -> memref<128x128xf32, #tpu.memory_space<vmem>>
        %dma_wait3A_135 = arith.constant 0 : i32
        %dma_wait3A_136 = tpu.memref_slice %arg6[%mul3A_66, %dma_wait3A_135] : memref<80000x128xf32, #tpu.memory_space<hbm>> -> memref<128x128xf32, #tpu.memory_space<hbm>>
        %dma_wait3A_137 = arith.constant 0 : i32
        %dma_wait3A_138 = tpu.memref_slice %arg6[%mul3A_66, %dma_wait3A_137] : memref<80000x128xf32, #tpu.memory_space<hbm>> -> memref<128x128xf32, #tpu.memory_space<hbm>>
        %dma_wait3A_139 = arith.constant 0 : i32
        %dma_wait3A_140 = arith.constant 0 : i32
        %dma_wait3A_141 = tpu.memref_slice %arg9[%run_scoped3A_117, %dma_wait3A_139, %dma_wait3A_140] : memref<2x128x128xf32, #tpu.memory_space<vmem>> -> memref<1x128x128xf32, #tpu.memory_space<vmem>>
        %dma_wait3A_142 = tpu.memref_squeeze %dma_wait3A_141 : memref<1x128x128xf32, #tpu.memory_space<vmem>> -> memref<128x128xf32, #tpu.memory_space<vmem>>
        tpu.wait_dma2 semaphore(%run_scoped3A_118 : memref<!tpu.dma_semaphore, #tpu.memory_space<semaphore_mem>>) src(%dma_wait3A_142 : memref<128x128xf32, #tpu.memory_space<vmem>>) dst(%dma_wait3A_138 : memref<128x128xf32, #tpu.memory_space<hbm>>)
        tpu.yield
      }) : () -> ()
    } else {
    }
    return
  }
}

module attributes {stable_mosaic.version = 14 : i64} {
  func.func @_k2_body(%arg0: i32, %arg1: memref<3200x128xf32, #tpu.memory_space<vmem>>, %arg2: memref<3200x128xf32, #tpu.memory_space<vmem>>, %arg3: memref<9x3200xf32, #tpu.memory_space<vmem>>, %arg4: memref<16x3200xf32, #tpu.memory_space<vmem>>, %arg5: memref<18x91xf32, #tpu.memory_space<vmem>>, %arg6: memref<64x16xf32, #tpu.memory_space<vmem>>, %arg7: memref<64x1xf32, #tpu.memory_space<vmem>>, %arg8: memref<16x1xf32, #tpu.memory_space<vmem>>, %arg9: memref<144x1xf32, #tpu.memory_space<vmem>>, %arg10: memref<144x1xf32, #tpu.memory_space<vmem>>, %arg11: memref<176x16xf32, #tpu.memory_space<vmem>>, %arg12: memref<176x1xf32, #tpu.memory_space<vmem>>, %arg13: memref<3200x128xf32, #tpu.memory_space<vmem>>, %arg14: memref<3200x128xf32, #tpu.memory_space<vmem>>) attributes {dimension_semantics = [#tpu.dimension_semantics<parallel>], iteration_bounds = array<i64: 25>, scalar_prefetch = 0 : i64, scratch_operands = 0 : i64, tpu.core_type = #tpu.core_type<tc>, window_params = [{transform_indices = @transform_0, window_bounds = array<i64: 3200, 128>}, {transform_indices = @transform_1, window_bounds = array<i64: 3200, 128>}, {transform_indices = @transform_2, window_bounds = array<i64: 9, 3200>}, {transform_indices = @transform_3, window_bounds = array<i64: 16, 3200>}, {pipeline_mode = #tpu.pipeline_mode<synchronous>, transform_indices = @transform_4, window_bounds = array<i64: 18, 91>}, {pipeline_mode = #tpu.pipeline_mode<synchronous>, transform_indices = @transform_5, window_bounds = array<i64: 64, 16>}, {pipeline_mode = #tpu.pipeline_mode<synchronous>, transform_indices = @transform_6, window_bounds = array<i64: 64, 1>}, {pipeline_mode = #tpu.pipeline_mode<synchronous>, transform_indices = @transform_7, window_bounds = array<i64: 16, 1>}, {pipeline_mode = #tpu.pipeline_mode<synchronous>, transform_indices = @transform_8, window_bounds = array<i64: 144, 1>}, {pipeline_mode = #tpu.pipeline_mode<synchronous>, transform_indices = @transform_9, window_bounds = array<i64: 144, 1>}, {pipeline_mode = #tpu.pipeline_mode<synchronous>, transform_indices = @transform_10, window_bounds = array<i64: 176, 16>}, {pipeline_mode = #tpu.pipeline_mode<synchronous>, transform_indices = @transform_11, window_bounds = array<i64: 176, 1>}, {transform_indices = @transform_12, window_bounds = array<i64: 3200, 128>}, {transform_indices = @transform_13, window_bounds = array<i64: 3200, 128>}]} {
    %get3A = arith.constant 0 : index
    %get3A_0 = arith.constant 0 : index
    %get3A_1 = vector.load %arg1[%get3A, %get3A_0] : memref<3200x128xf32, #tpu.memory_space<vmem>>, vector<3200x128xf32>
    %transpose3A = tpu.transpose %get3A_1, [1, 0] : vector<3200x128xf32> -> vector<128x3200xf32>
    %get3A_2 = arith.constant 0 : index
    %get3A_3 = arith.constant 0 : index
    %get3A_4 = vector.load %arg2[%get3A_2, %get3A_3] : memref<3200x128xf32, #tpu.memory_space<vmem>>, vector<3200x128xf32>
    %transpose3A_5 = tpu.transpose %get3A_4, [1, 0] : vector<3200x128xf32> -> vector<128x3200xf32>
    %slice3A = vector.extract_strided_slice %transpose3A_5 {offsets = [0, 0], sizes = [16, 3200], strides = [1, 1]} : vector<128x3200xf32> to vector<16x3200xf32>
    %concatenate3A = tpu.concatenate %transpose3A, %slice3A in 0 : vector<128x3200xf32>, vector<16x3200xf32> -> vector<144x3200xf32>
    %get3A_6 = arith.constant 0 : index
    %get3A_7 = arith.constant 0 : index
    %get3A_8 = vector.load %arg3[%get3A_6, %get3A_7] : memref<9x3200xf32, #tpu.memory_space<vmem>>, vector<9x3200xf32>
    %get3A_9 = arith.constant 0 : index
    %get3A_10 = arith.constant 0 : index
    %get3A_11 = vector.load %arg4[%get3A_9, %get3A_10] : memref<16x3200xf32, #tpu.memory_space<vmem>>, vector<16x3200xf32>
    %get3A_12 = arith.constant 0 : index
    %get3A_13 = arith.constant 0 : index
    %get3A_14 = vector.load %arg5[%get3A_12, %get3A_13] : memref<18x91xf32, #tpu.memory_space<vmem>>, vector<18x91xf32>
    %get3A_15 = arith.constant 0 : index
    %get3A_16 = arith.constant 0 : index
    %get3A_17 = vector.load %arg6[%get3A_15, %get3A_16] : memref<64x16xf32, #tpu.memory_space<vmem>>, vector<64x16xf32>
    %get3A_18 = arith.constant 0 : index
    %get3A_19 = arith.constant 0 : index
    %get3A_20 = vector.load %arg7[%get3A_18, %get3A_19] : memref<64x1xf32, #tpu.memory_space<vmem>>, vector<64x1xf32>
    %get3A_21 = arith.constant 0 : index
    %get3A_22 = arith.constant 0 : index
    %get3A_23 = vector.load %arg8[%get3A_21, %get3A_22] : memref<16x1xf32, #tpu.memory_space<vmem>>, vector<16x1xf32>
    %get3A_24 = arith.constant 0 : index
    %get3A_25 = arith.constant 0 : index
    %get3A_26 = vector.load %arg9[%get3A_24, %get3A_25] : memref<144x1xf32, #tpu.memory_space<vmem>>, vector<144x1xf32>
    %get3A_27 = arith.constant 0 : index
    %get3A_28 = arith.constant 0 : index
    %get3A_29 = vector.load %arg10[%get3A_27, %get3A_28] : memref<144x1xf32, #tpu.memory_space<vmem>>, vector<144x1xf32>
    %get3A_30 = arith.constant 0 : index
    %get3A_31 = arith.constant 0 : index
    %get3A_32 = vector.load %arg11[%get3A_30, %get3A_31] : memref<176x16xf32, #tpu.memory_space<vmem>>, vector<176x16xf32>
    %get3A_33 = arith.constant 0 : index
    %get3A_34 = arith.constant 0 : index
    %get3A_35 = vector.load %arg12[%get3A_33, %get3A_34] : memref<176x1xf32, #tpu.memory_space<vmem>>, vector<176x1xf32>
    %slice3A_36 = vector.extract_strided_slice %get3A_8 {offsets = [0, 0], sizes = [1, 3200], strides = [1, 1]} : vector<9x3200xf32> to vector<1x3200xf32>
    %mul3A = vector.broadcast %slice3A_36 : vector<1x3200xf32> to vector<9x3200xf32>
    %mul3A_37 = arith.mulf %mul3A, %get3A_8 : vector<9x3200xf32>
    %slice3A_38 = vector.extract_strided_slice %get3A_8 {offsets = [1, 0], sizes = [1, 3200], strides = [1, 1]} : vector<9x3200xf32> to vector<1x3200xf32>
    %mul3A_39 = vector.broadcast %slice3A_38 : vector<1x3200xf32> to vector<9x3200xf32>
    %mul3A_40 = arith.mulf %mul3A_39, %get3A_8 : vector<9x3200xf32>
    %slice3A_41 = vector.extract_strided_slice %get3A_8 {offsets = [2, 0], sizes = [1, 3200], strides = [1, 1]} : vector<9x3200xf32> to vector<1x3200xf32>
    %mul3A_42 = vector.broadcast %slice3A_41 : vector<1x3200xf32> to vector<9x3200xf32>
    %mul3A_43 = arith.mulf %mul3A_42, %get3A_8 : vector<9x3200xf32>
    %slice3A_44 = vector.extract_strided_slice %get3A_8 {offsets = [3, 0], sizes = [1, 3200], strides = [1, 1]} : vector<9x3200xf32> to vector<1x3200xf32>
    %mul3A_45 = vector.broadcast %slice3A_44 : vector<1x3200xf32> to vector<9x3200xf32>
    %mul3A_46 = arith.mulf %mul3A_45, %get3A_8 : vector<9x3200xf32>
    %slice3A_47 = vector.extract_strided_slice %get3A_8 {offsets = [4, 0], sizes = [1, 3200], strides = [1, 1]} : vector<9x3200xf32> to vector<1x3200xf32>
    %mul3A_48 = vector.broadcast %slice3A_47 : vector<1x3200xf32> to vector<9x3200xf32>
    %mul3A_49 = arith.mulf %mul3A_48, %get3A_8 : vector<9x3200xf32>
    %slice3A_50 = vector.extract_strided_slice %get3A_8 {offsets = [5, 0], sizes = [1, 3200], strides = [1, 1]} : vector<9x3200xf32> to vector<1x3200xf32>
    %mul3A_51 = vector.broadcast %slice3A_50 : vector<1x3200xf32> to vector<9x3200xf32>
    %mul3A_52 = arith.mulf %mul3A_51, %get3A_8 : vector<9x3200xf32>
    %slice3A_53 = vector.extract_strided_slice %get3A_8 {offsets = [6, 0], sizes = [1, 3200], strides = [1, 1]} : vector<9x3200xf32> to vector<1x3200xf32>
    %mul3A_54 = vector.broadcast %slice3A_53 : vector<1x3200xf32> to vector<9x3200xf32>
    %mul3A_55 = arith.mulf %mul3A_54, %get3A_8 : vector<9x3200xf32>
    %slice3A_56 = vector.extract_strided_slice %get3A_8 {offsets = [7, 0], sizes = [1, 3200], strides = [1, 1]} : vector<9x3200xf32> to vector<1x3200xf32>
    %mul3A_57 = vector.broadcast %slice3A_56 : vector<1x3200xf32> to vector<9x3200xf32>
    %mul3A_58 = arith.mulf %mul3A_57, %get3A_8 : vector<9x3200xf32>
    %slice3A_59 = vector.extract_strided_slice %get3A_8 {offsets = [8, 0], sizes = [1, 3200], strides = [1, 1]} : vector<9x3200xf32> to vector<1x3200xf32>
    %mul3A_60 = vector.broadcast %slice3A_59 : vector<1x3200xf32> to vector<9x3200xf32>
    %mul3A_61 = arith.mulf %mul3A_60, %get3A_8 : vector<9x3200xf32>
    %broadcast_in_dim3A = arith.constant 1.000000e+00 : f32
    %broadcast_in_dim3A_62 = vector.broadcast %broadcast_in_dim3A : f32 to vector<1x3200xf32>
    %concatenate3A_63 = tpu.concatenate %mul3A_37, %mul3A_40, %mul3A_43, %mul3A_46, %mul3A_49, %mul3A_52, %mul3A_55, %mul3A_58, %mul3A_61, %get3A_8, %broadcast_in_dim3A_62 in 0 : vector<9x3200xf32>, vector<9x3200xf32>, vector<9x3200xf32>, vector<9x3200xf32>, vector<9x3200xf32>, vector<9x3200xf32>, vector<9x3200xf32>, vector<9x3200xf32>, vector<9x3200xf32>, vector<9x3200xf32>, vector<1x3200xf32> -> vector<91x3200xf32>
    %dot_general3A = arith.constant dense<0.000000e+00> : vector<18x3200xf32>
    %dot_general3A_64 = tpu.matmul %get3A_14, %concatenate3A_63, %dot_general3A {dimension_numbers = #tpu.dot_dimension_numbers<[1], [0], [0], [1], [0, 0, 1, 1], [], []>, transpose_lhs_hint = false} : vector<18x91xf32>, vector<91x3200xf32>, vector<18x3200xf32> -> vector<18x3200xf32>
    %slice3A_65 = vector.extract_strided_slice %dot_general3A_64 {offsets = [0, 0], sizes = [9, 3200], strides = [1, 1]} : vector<18x3200xf32> to vector<9x3200xf32>
    %slice3A_66 = vector.extract_strided_slice %dot_general3A_64 {offsets = [9, 0], sizes = [9, 3200], strides = [1, 1]} : vector<18x3200xf32> to vector<9x3200xf32>
    %dot_general3A_67 = arith.constant dense<0.000000e+00> : vector<64x3200xf32>
    %dot_general3A_68 = tpu.matmul %get3A_17, %get3A_11, %dot_general3A_67 {dimension_numbers = #tpu.dot_dimension_numbers<[1], [0], [0], [1], [0, 0, 1, 1], [], []>, transpose_lhs_hint = false} : vector<64x16xf32>, vector<16x3200xf32>, vector<64x3200xf32> -> vector<64x3200xf32>
    %add3A = vector.broadcast %get3A_20 : vector<64x1xf32> to vector<64x3200xf32>
    %add3A_69 = arith.addf %dot_general3A_68, %add3A : vector<64x3200xf32>
    %dot_general3A_70 = arith.constant dense<0.000000e+00> : vector<176x3200xf32>
    %dot_general3A_71 = tpu.matmul %get3A_32, %get3A_11, %dot_general3A_70 {dimension_numbers = #tpu.dot_dimension_numbers<[1], [0], [0], [1], [0, 0, 1, 1], [], []>, transpose_lhs_hint = false} : vector<176x16xf32>, vector<16x3200xf32>, vector<176x3200xf32> -> vector<176x3200xf32>
    %add3A_72 = vector.broadcast %get3A_35 : vector<176x1xf32> to vector<176x3200xf32>
    %add3A_73 = arith.addf %dot_general3A_71, %add3A_72 : vector<176x3200xf32>
    %slice3A_74 = vector.extract_strided_slice %concatenate3A {offsets = [0, 0], sizes = [16, 3200], strides = [1, 1]} : vector<144x3200xf32> to vector<16x3200xf32>
    %slice3A_75 = vector.extract_strided_slice %add3A_69 {offsets = [0, 0], sizes = [16, 3200], strides = [1, 1]} : vector<64x3200xf32> to vector<16x3200xf32>
    %mul3A_76 = arith.mulf %slice3A_75, %slice3A_74 : vector<16x3200xf32>
    %slice3A_77 = vector.extract_strided_slice %add3A_69 {offsets = [16, 0], sizes = [16, 3200], strides = [1, 1]} : vector<64x3200xf32> to vector<16x3200xf32>
    %mul3A_78 = arith.mulf %slice3A_77, %slice3A_74 : vector<16x3200xf32>
    %slice3A_79 = vector.extract_strided_slice %add3A_69 {offsets = [32, 0], sizes = [16, 3200], strides = [1, 1]} : vector<64x3200xf32> to vector<16x3200xf32>
    %mul3A_80 = arith.mulf %slice3A_79, %slice3A_74 : vector<16x3200xf32>
    %slice3A_81 = vector.extract_strided_slice %add3A_69 {offsets = [48, 0], sizes = [16, 3200], strides = [1, 1]} : vector<64x3200xf32> to vector<16x3200xf32>
    %mul3A_82 = arith.mulf %slice3A_81, %slice3A_74 : vector<16x3200xf32>
    %mul3A_83 = vector.broadcast %get3A_23 : vector<16x1xf32> to vector<16x3200xf32>
    %mul3A_84 = arith.mulf %mul3A_82, %mul3A_83 : vector<16x3200xf32>
    %slice3A_85 = vector.extract_strided_slice %slice3A_65 {offsets = [0, 0], sizes = [1, 3200], strides = [1, 1]} : vector<9x3200xf32> to vector<1x3200xf32>
    %mul3A_86 = vector.broadcast %slice3A_85 : vector<1x3200xf32> to vector<16x3200xf32>
    %mul3A_87 = arith.mulf %mul3A_76, %mul3A_86 : vector<16x3200xf32>
    %add3A_88 = arith.addf %mul3A_87, %mul3A_84 : vector<16x3200xf32>
    %slice3A_89 = vector.extract_strided_slice %slice3A_65 {offsets = [1, 0], sizes = [1, 3200], strides = [1, 1]} : vector<9x3200xf32> to vector<1x3200xf32>
    %mul3A_90 = vector.broadcast %slice3A_89 : vector<1x3200xf32> to vector<16x3200xf32>
    %mul3A_91 = arith.mulf %mul3A_78, %mul3A_90 : vector<16x3200xf32>
    %slice3A_92 = vector.extract_strided_slice %slice3A_65 {offsets = [2, 0], sizes = [1, 3200], strides = [1, 1]} : vector<9x3200xf32> to vector<1x3200xf32>
    %mul3A_93 = vector.broadcast %slice3A_92 : vector<1x3200xf32> to vector<16x3200xf32>
    %mul3A_94 = arith.mulf %mul3A_78, %mul3A_93 : vector<16x3200xf32>
    %slice3A_95 = vector.extract_strided_slice %slice3A_65 {offsets = [3, 0], sizes = [1, 3200], strides = [1, 1]} : vector<9x3200xf32> to vector<1x3200xf32>
    %mul3A_96 = vector.broadcast %slice3A_95 : vector<1x3200xf32> to vector<16x3200xf32>
    %mul3A_97 = arith.mulf %mul3A_78, %mul3A_96 : vector<16x3200xf32>
    %slice3A_98 = vector.extract_strided_slice %slice3A_65 {offsets = [4, 0], sizes = [1, 3200], strides = [1, 1]} : vector<9x3200xf32> to vector<1x3200xf32>
    %mul3A_99 = vector.broadcast %slice3A_98 : vector<1x3200xf32> to vector<16x3200xf32>
    %mul3A_100 = arith.mulf %mul3A_80, %mul3A_99 : vector<16x3200xf32>
    %slice3A_101 = vector.extract_strided_slice %slice3A_65 {offsets = [5, 0], sizes = [1, 3200], strides = [1, 1]} : vector<9x3200xf32> to vector<1x3200xf32>
    %mul3A_102 = vector.broadcast %slice3A_101 : vector<1x3200xf32> to vector<16x3200xf32>
    %mul3A_103 = arith.mulf %mul3A_80, %mul3A_102 : vector<16x3200xf32>
    %slice3A_104 = vector.extract_strided_slice %slice3A_65 {offsets = [6, 0], sizes = [1, 3200], strides = [1, 1]} : vector<9x3200xf32> to vector<1x3200xf32>
    %mul3A_105 = vector.broadcast %slice3A_104 : vector<1x3200xf32> to vector<16x3200xf32>
    %mul3A_106 = arith.mulf %mul3A_80, %mul3A_105 : vector<16x3200xf32>
    %slice3A_107 = vector.extract_strided_slice %slice3A_65 {offsets = [7, 0], sizes = [1, 3200], strides = [1, 1]} : vector<9x3200xf32> to vector<1x3200xf32>
    %mul3A_108 = vector.broadcast %slice3A_107 : vector<1x3200xf32> to vector<16x3200xf32>
    %mul3A_109 = arith.mulf %mul3A_80, %mul3A_108 : vector<16x3200xf32>
    %slice3A_110 = vector.extract_strided_slice %slice3A_65 {offsets = [8, 0], sizes = [1, 3200], strides = [1, 1]} : vector<9x3200xf32> to vector<1x3200xf32>
    %mul3A_111 = vector.broadcast %slice3A_110 : vector<1x3200xf32> to vector<16x3200xf32>
    %mul3A_112 = arith.mulf %mul3A_80, %mul3A_111 : vector<16x3200xf32>
    %concatenate3A_113 = tpu.concatenate %add3A_88, %mul3A_91, %mul3A_94, %mul3A_97, %mul3A_100, %mul3A_103, %mul3A_106, %mul3A_109, %mul3A_112 in 0 : vector<16x3200xf32>, vector<16x3200xf32>, vector<16x3200xf32>, vector<16x3200xf32>, vector<16x3200xf32>, vector<16x3200xf32>, vector<16x3200xf32>, vector<16x3200xf32>, vector<16x3200xf32> -> vector<144x3200xf32>
    %slice3A_114 = vector.extract_strided_slice %get3A_26 {offsets = [0, 0], sizes = [16, 1], strides = [1, 1]} : vector<144x1xf32> to vector<16x1xf32>
    %slice3A_115 = vector.extract_strided_slice %slice3A_66 {offsets = [0, 0], sizes = [1, 3200], strides = [1, 1]} : vector<9x3200xf32> to vector<1x3200xf32>
    %mul3A_116 = vector.broadcast %slice3A_114 : vector<16x1xf32> to vector<16x3200xf32>
    %mul3A_117 = vector.broadcast %slice3A_115 : vector<1x3200xf32> to vector<16x3200xf32>
    %mul3A_118 = arith.mulf %mul3A_116, %mul3A_117 : vector<16x3200xf32>
    %slice3A_119 = vector.extract_strided_slice %get3A_29 {offsets = [0, 0], sizes = [16, 1], strides = [1, 1]} : vector<144x1xf32> to vector<16x1xf32>
    %add3A_120 = vector.broadcast %slice3A_119 : vector<16x1xf32> to vector<16x3200xf32>
    %add3A_121 = arith.addf %mul3A_118, %add3A_120 : vector<16x3200xf32>
    %slice3A_122 = vector.extract_strided_slice %get3A_26 {offsets = [16, 0], sizes = [16, 1], strides = [1, 1]} : vector<144x1xf32> to vector<16x1xf32>
    %slice3A_123 = vector.extract_strided_slice %slice3A_66 {offsets = [1, 0], sizes = [1, 3200], strides = [1, 1]} : vector<9x3200xf32> to vector<1x3200xf32>
    %mul3A_124 = vector.broadcast %slice3A_122 : vector<16x1xf32> to vector<16x3200xf32>
    %mul3A_125 = vector.broadcast %slice3A_123 : vector<1x3200xf32> to vector<16x3200xf32>
    %mul3A_126 = arith.mulf %mul3A_124, %mul3A_125 : vector<16x3200xf32>
    %slice3A_127 = vector.extract_strided_slice %get3A_29 {offsets = [16, 0], sizes = [16, 1], strides = [1, 1]} : vector<144x1xf32> to vector<16x1xf32>
    %add3A_128 = vector.broadcast %slice3A_127 : vector<16x1xf32> to vector<16x3200xf32>
    %add3A_129 = arith.addf %mul3A_126, %add3A_128 : vector<16x3200xf32>
    %slice3A_130 = vector.extract_strided_slice %get3A_26 {offsets = [32, 0], sizes = [16, 1], strides = [1, 1]} : vector<144x1xf32> to vector<16x1xf32>
    %slice3A_131 = vector.extract_strided_slice %slice3A_66 {offsets = [2, 0], sizes = [1, 3200], strides = [1, 1]} : vector<9x3200xf32> to vector<1x3200xf32>
    %mul3A_132 = vector.broadcast %slice3A_130 : vector<16x1xf32> to vector<16x3200xf32>
    %mul3A_133 = vector.broadcast %slice3A_131 : vector<1x3200xf32> to vector<16x3200xf32>
    %mul3A_134 = arith.mulf %mul3A_132, %mul3A_133 : vector<16x3200xf32>
    %slice3A_135 = vector.extract_strided_slice %get3A_29 {offsets = [32, 0], sizes = [16, 1], strides = [1, 1]} : vector<144x1xf32> to vector<16x1xf32>
    %add3A_136 = vector.broadcast %slice3A_135 : vector<16x1xf32> to vector<16x3200xf32>
    %add3A_137 = arith.addf %mul3A_134, %add3A_136 : vector<16x3200xf32>
    %slice3A_138 = vector.extract_strided_slice %get3A_26 {offsets = [48, 0], sizes = [16, 1], strides = [1, 1]} : vector<144x1xf32> to vector<16x1xf32>
    %slice3A_139 = vector.extract_strided_slice %slice3A_66 {offsets = [3, 0], sizes = [1, 3200], strides = [1, 1]} : vector<9x3200xf32> to vector<1x3200xf32>
    %mul3A_140 = vector.broadcast %slice3A_138 : vector<16x1xf32> to vector<16x3200xf32>
    %mul3A_141 = vector.broadcast %slice3A_139 : vector<1x3200xf32> to vector<16x3200xf32>
    %mul3A_142 = arith.mulf %mul3A_140, %mul3A_141 : vector<16x3200xf32>
    %slice3A_143 = vector.extract_strided_slice %get3A_29 {offsets = [48, 0], sizes = [16, 1], strides = [1, 1]} : vector<144x1xf32> to vector<16x1xf32>
    %add3A_144 = vector.broadcast %slice3A_143 : vector<16x1xf32> to vector<16x3200xf32>
    %add3A_145 = arith.addf %mul3A_142, %add3A_144 : vector<16x3200xf32>
    %slice3A_146 = vector.extract_strided_slice %get3A_26 {offsets = [64, 0], sizes = [16, 1], strides = [1, 1]} : vector<144x1xf32> to vector<16x1xf32>
    %slice3A_147 = vector.extract_strided_slice %slice3A_66 {offsets = [4, 0], sizes = [1, 3200], strides = [1, 1]} : vector<9x3200xf32> to vector<1x3200xf32>
    %mul3A_148 = vector.broadcast %slice3A_146 : vector<16x1xf32> to vector<16x3200xf32>
    %mul3A_149 = vector.broadcast %slice3A_147 : vector<1x3200xf32> to vector<16x3200xf32>
    %mul3A_150 = arith.mulf %mul3A_148, %mul3A_149 : vector<16x3200xf32>
    %slice3A_151 = vector.extract_strided_slice %get3A_29 {offsets = [64, 0], sizes = [16, 1], strides = [1, 1]} : vector<144x1xf32> to vector<16x1xf32>
    %add3A_152 = vector.broadcast %slice3A_151 : vector<16x1xf32> to vector<16x3200xf32>
    %add3A_153 = arith.addf %mul3A_150, %add3A_152 : vector<16x3200xf32>
    %slice3A_154 = vector.extract_strided_slice %get3A_26 {offsets = [80, 0], sizes = [16, 1], strides = [1, 1]} : vector<144x1xf32> to vector<16x1xf32>
    %slice3A_155 = vector.extract_strided_slice %slice3A_66 {offsets = [5, 0], sizes = [1, 3200], strides = [1, 1]} : vector<9x3200xf32> to vector<1x3200xf32>
    %mul3A_156 = vector.broadcast %slice3A_154 : vector<16x1xf32> to vector<16x3200xf32>
    %mul3A_157 = vector.broadcast %slice3A_155 : vector<1x3200xf32> to vector<16x3200xf32>
    %mul3A_158 = arith.mulf %mul3A_156, %mul3A_157 : vector<16x3200xf32>
    %slice3A_159 = vector.extract_strided_slice %get3A_29 {offsets = [80, 0], sizes = [16, 1], strides = [1, 1]} : vector<144x1xf32> to vector<16x1xf32>
    %add3A_160 = vector.broadcast %slice3A_159 : vector<16x1xf32> to vector<16x3200xf32>
    %add3A_161 = arith.addf %mul3A_158, %add3A_160 : vector<16x3200xf32>
    %slice3A_162 = vector.extract_strided_slice %get3A_26 {offsets = [96, 0], sizes = [16, 1], strides = [1, 1]} : vector<144x1xf32> to vector<16x1xf32>
    %slice3A_163 = vector.extract_strided_slice %slice3A_66 {offsets = [6, 0], sizes = [1, 3200], strides = [1, 1]} : vector<9x3200xf32> to vector<1x3200xf32>
    %mul3A_164 = vector.broadcast %slice3A_162 : vector<16x1xf32> to vector<16x3200xf32>
    %mul3A_165 = vector.broadcast %slice3A_163 : vector<1x3200xf32> to vector<16x3200xf32>
    %mul3A_166 = arith.mulf %mul3A_164, %mul3A_165 : vector<16x3200xf32>
    %slice3A_167 = vector.extract_strided_slice %get3A_29 {offsets = [96, 0], sizes = [16, 1], strides = [1, 1]} : vector<144x1xf32> to vector<16x1xf32>
    %add3A_168 = vector.broadcast %slice3A_167 : vector<16x1xf32> to vector<16x3200xf32>
    %add3A_169 = arith.addf %mul3A_166, %add3A_168 : vector<16x3200xf32>
    %slice3A_170 = vector.extract_strided_slice %get3A_26 {offsets = [112, 0], sizes = [16, 1], strides = [1, 1]} : vector<144x1xf32> to vector<16x1xf32>
    %slice3A_171 = vector.extract_strided_slice %slice3A_66 {offsets = [7, 0], sizes = [1, 3200], strides = [1, 1]} : vector<9x3200xf32> to vector<1x3200xf32>
    %mul3A_172 = vector.broadcast %slice3A_170 : vector<16x1xf32> to vector<16x3200xf32>
    %mul3A_173 = vector.broadcast %slice3A_171 : vector<1x3200xf32> to vector<16x3200xf32>
    %mul3A_174 = arith.mulf %mul3A_172, %mul3A_173 : vector<16x3200xf32>
    %slice3A_175 = vector.extract_strided_slice %get3A_29 {offsets = [112, 0], sizes = [16, 1], strides = [1, 1]} : vector<144x1xf32> to vector<16x1xf32>
    %add3A_176 = vector.broadcast %slice3A_175 : vector<16x1xf32> to vector<16x3200xf32>
    %add3A_177 = arith.addf %mul3A_174, %add3A_176 : vector<16x3200xf32>
    %slice3A_178 = vector.extract_strided_slice %get3A_26 {offsets = [128, 0], sizes = [16, 1], strides = [1, 1]} : vector<144x1xf32> to vector<16x1xf32>
    %slice3A_179 = vector.extract_strided_slice %slice3A_66 {offsets = [8, 0], sizes = [1, 3200], strides = [1, 1]} : vector<9x3200xf32> to vector<1x3200xf32>
    %mul3A_180 = vector.broadcast %slice3A_178 : vector<16x1xf32> to vector<16x3200xf32>
    %mul3A_181 = vector.broadcast %slice3A_179 : vector<1x3200xf32> to vector<16x3200xf32>
    %mul3A_182 = arith.mulf %mul3A_180, %mul3A_181 : vector<16x3200xf32>
    %slice3A_183 = vector.extract_strided_slice %get3A_29 {offsets = [128, 0], sizes = [16, 1], strides = [1, 1]} : vector<144x1xf32> to vector<16x1xf32>
    %add3A_184 = vector.broadcast %slice3A_183 : vector<16x1xf32> to vector<16x3200xf32>
    %add3A_185 = arith.addf %mul3A_182, %add3A_184 : vector<16x3200xf32>
    %slice3A_186 = vector.extract_strided_slice %concatenate3A {offsets = [0, 0], sizes = [16, 3200], strides = [1, 1]} : vector<144x3200xf32> to vector<16x3200xf32>
    %mul3A_187 = arith.mulf %slice3A_186, %add3A_121 : vector<16x3200xf32>
    %slice3A_188 = vector.extract_strided_slice %concatenate3A {offsets = [0, 0], sizes = [16, 3200], strides = [1, 1]} : vector<144x3200xf32> to vector<16x3200xf32>
    %mul3A_189 = arith.mulf %slice3A_188, %add3A_129 : vector<16x3200xf32>
    %slice3A_190 = vector.extract_strided_slice %concatenate3A {offsets = [0, 0], sizes = [16, 3200], strides = [1, 1]} : vector<144x3200xf32> to vector<16x3200xf32>
    %mul3A_191 = arith.mulf %slice3A_190, %add3A_137 : vector<16x3200xf32>
    %slice3A_192 = vector.extract_strided_slice %concatenate3A {offsets = [0, 0], sizes = [16, 3200], strides = [1, 1]} : vector<144x3200xf32> to vector<16x3200xf32>
    %mul3A_193 = arith.mulf %slice3A_192, %add3A_145 : vector<16x3200xf32>
    %slice3A_194 = vector.extract_strided_slice %concatenate3A {offsets = [0, 0], sizes = [16, 3200], strides = [1, 1]} : vector<144x3200xf32> to vector<16x3200xf32>
    %mul3A_195 = arith.mulf %slice3A_194, %add3A_153 : vector<16x3200xf32>
    %slice3A_196 = vector.extract_strided_slice %concatenate3A {offsets = [0, 0], sizes = [16, 3200], strides = [1, 1]} : vector<144x3200xf32> to vector<16x3200xf32>
    %mul3A_197 = arith.mulf %slice3A_196, %add3A_161 : vector<16x3200xf32>
    %slice3A_198 = vector.extract_strided_slice %concatenate3A {offsets = [0, 0], sizes = [16, 3200], strides = [1, 1]} : vector<144x3200xf32> to vector<16x3200xf32>
    %mul3A_199 = arith.mulf %slice3A_198, %add3A_169 : vector<16x3200xf32>
    %slice3A_200 = vector.extract_strided_slice %concatenate3A {offsets = [0, 0], sizes = [16, 3200], strides = [1, 1]} : vector<144x3200xf32> to vector<16x3200xf32>
    %mul3A_201 = arith.mulf %slice3A_200, %add3A_177 : vector<16x3200xf32>
    %slice3A_202 = vector.extract_strided_slice %concatenate3A {offsets = [0, 0], sizes = [16, 3200], strides = [1, 1]} : vector<144x3200xf32> to vector<16x3200xf32>
    %mul3A_203 = arith.mulf %slice3A_202, %add3A_185 : vector<16x3200xf32>
    %slice3A_204 = vector.extract_strided_slice %concatenate3A {offsets = [16, 0], sizes = [16, 3200], strides = [1, 1]} : vector<144x3200xf32> to vector<16x3200xf32>
    %mul3A_205 = arith.mulf %slice3A_204, %add3A_121 : vector<16x3200xf32>
    %slice3A_206 = vector.extract_strided_slice %concatenate3A {offsets = [32, 0], sizes = [16, 3200], strides = [1, 1]} : vector<144x3200xf32> to vector<16x3200xf32>
    %mul3A_207 = arith.mulf %slice3A_206, %add3A_121 : vector<16x3200xf32>
    %slice3A_208 = vector.extract_strided_slice %concatenate3A {offsets = [48, 0], sizes = [16, 3200], strides = [1, 1]} : vector<144x3200xf32> to vector<16x3200xf32>
    %mul3A_209 = arith.mulf %slice3A_208, %add3A_121 : vector<16x3200xf32>
    %slice3A_210 = vector.extract_strided_slice %concatenate3A {offsets = [16, 0], sizes = [16, 3200], strides = [1, 1]} : vector<144x3200xf32> to vector<16x3200xf32>
    %mul3A_211 = arith.mulf %slice3A_210, %add3A_129 : vector<16x3200xf32>
    %slice3A_212 = vector.extract_strided_slice %concatenate3A {offsets = [32, 0], sizes = [16, 3200], strides = [1, 1]} : vector<144x3200xf32> to vector<16x3200xf32>
    %mul3A_213 = arith.mulf %slice3A_212, %add3A_137 : vector<16x3200xf32>
    %slice3A_214 = vector.extract_strided_slice %concatenate3A {offsets = [48, 0], sizes = [16, 3200], strides = [1, 1]} : vector<144x3200xf32> to vector<16x3200xf32>
    %mul3A_215 = arith.mulf %slice3A_214, %add3A_145 : vector<16x3200xf32>
    %slice3A_216 = vector.extract_strided_slice %concatenate3A {offsets = [16, 0], sizes = [16, 3200], strides = [1, 1]} : vector<144x3200xf32> to vector<16x3200xf32>
    %mul3A_217 = arith.mulf %slice3A_216, %add3A_137 : vector<16x3200xf32>
    %slice3A_218 = vector.extract_strided_slice %concatenate3A {offsets = [16, 0], sizes = [16, 3200], strides = [1, 1]} : vector<144x3200xf32> to vector<16x3200xf32>
    %mul3A_219 = arith.mulf %slice3A_218, %add3A_145 : vector<16x3200xf32>
    %slice3A_220 = vector.extract_strided_slice %concatenate3A {offsets = [32, 0], sizes = [16, 3200], strides = [1, 1]} : vector<144x3200xf32> to vector<16x3200xf32>
    %mul3A_221 = arith.mulf %slice3A_220, %add3A_129 : vector<16x3200xf32>
    %slice3A_222 = vector.extract_strided_slice %concatenate3A {offsets = [32, 0], sizes = [16, 3200], strides = [1, 1]} : vector<144x3200xf32> to vector<16x3200xf32>
    %mul3A_223 = arith.mulf %slice3A_222, %add3A_145 : vector<16x3200xf32>
    %slice3A_224 = vector.extract_strided_slice %concatenate3A {offsets = [48, 0], sizes = [16, 3200], strides = [1, 1]} : vector<144x3200xf32> to vector<16x3200xf32>
    %mul3A_225 = arith.mulf %slice3A_224, %add3A_129 : vector<16x3200xf32>
    %slice3A_226 = vector.extract_strided_slice %concatenate3A {offsets = [48, 0], sizes = [16, 3200], strides = [1, 1]} : vector<144x3200xf32> to vector<16x3200xf32>
    %mul3A_227 = arith.mulf %slice3A_226, %add3A_137 : vector<16x3200xf32>
    %slice3A_228 = vector.extract_strided_slice %concatenate3A {offsets = [16, 0], sizes = [16, 3200], strides = [1, 1]} : vector<144x3200xf32> to vector<16x3200xf32>
    %mul3A_229 = arith.mulf %slice3A_228, %add3A_153 : vector<16x3200xf32>
    %slice3A_230 = vector.extract_strided_slice %concatenate3A {offsets = [16, 0], sizes = [16, 3200], strides = [1, 1]} : vector<144x3200xf32> to vector<16x3200xf32>
    %mul3A_231 = arith.mulf %slice3A_230, %add3A_161 : vector<16x3200xf32>
    %slice3A_232 = vector.extract_strided_slice %concatenate3A {offsets = [16, 0], sizes = [16, 3200], strides = [1, 1]} : vector<144x3200xf32> to vector<16x3200xf32>
    %mul3A_233 = arith.mulf %slice3A_232, %add3A_169 : vector<16x3200xf32>
    %slice3A_234 = vector.extract_strided_slice %concatenate3A {offsets = [16, 0], sizes = [16, 3200], strides = [1, 1]} : vector<144x3200xf32> to vector<16x3200xf32>
    %mul3A_235 = arith.mulf %slice3A_234, %add3A_185 : vector<16x3200xf32>
    %slice3A_236 = vector.extract_strided_slice %concatenate3A {offsets = [32, 0], sizes = [16, 3200], strides = [1, 1]} : vector<144x3200xf32> to vector<16x3200xf32>
    %mul3A_237 = arith.mulf %slice3A_236, %add3A_161 : vector<16x3200xf32>
    %slice3A_238 = vector.extract_strided_slice %concatenate3A {offsets = [32, 0], sizes = [16, 3200], strides = [1, 1]} : vector<144x3200xf32> to vector<16x3200xf32>
    %mul3A_239 = arith.mulf %slice3A_238, %add3A_169 : vector<16x3200xf32>
    %slice3A_240 = vector.extract_strided_slice %concatenate3A {offsets = [32, 0], sizes = [16, 3200], strides = [1, 1]} : vector<144x3200xf32> to vector<16x3200xf32>
    %mul3A_241 = arith.mulf %slice3A_240, %add3A_177 : vector<16x3200xf32>
    %slice3A_242 = vector.extract_strided_slice %concatenate3A {offsets = [48, 0], sizes = [16, 3200], strides = [1, 1]} : vector<144x3200xf32> to vector<16x3200xf32>
    %mul3A_243 = arith.mulf %slice3A_242, %add3A_153 : vector<16x3200xf32>
    %slice3A_244 = vector.extract_strided_slice %concatenate3A {offsets = [48, 0], sizes = [16, 3200], strides = [1, 1]} : vector<144x3200xf32> to vector<16x3200xf32>
    %mul3A_245 = arith.mulf %slice3A_244, %add3A_169 : vector<16x3200xf32>
    %slice3A_246 = vector.extract_strided_slice %concatenate3A {offsets = [48, 0], sizes = [16, 3200], strides = [1, 1]} : vector<144x3200xf32> to vector<16x3200xf32>
    %mul3A_247 = arith.mulf %slice3A_246, %add3A_177 : vector<16x3200xf32>
    %slice3A_248 = vector.extract_strided_slice %concatenate3A {offsets = [48, 0], sizes = [16, 3200], strides = [1, 1]} : vector<144x3200xf32> to vector<16x3200xf32>
    %mul3A_249 = arith.mulf %slice3A_248, %add3A_185 : vector<16x3200xf32>
    %slice3A_250 = vector.extract_strided_slice %concatenate3A {offsets = [64, 0], sizes = [16, 3200], strides = [1, 1]} : vector<144x3200xf32> to vector<16x3200xf32>
    %mul3A_251 = arith.mulf %slice3A_250, %add3A_121 : vector<16x3200xf32>
    %slice3A_252 = vector.extract_strided_slice %concatenate3A {offsets = [80, 0], sizes = [16, 3200], strides = [1, 1]} : vector<144x3200xf32> to vector<16x3200xf32>
    %mul3A_253 = arith.mulf %slice3A_252, %add3A_121 : vector<16x3200xf32>
    %slice3A_254 = vector.extract_strided_slice %concatenate3A {offsets = [96, 0], sizes = [16, 3200], strides = [1, 1]} : vector<144x3200xf32> to vector<16x3200xf32>
    %mul3A_255 = arith.mulf %slice3A_254, %add3A_121 : vector<16x3200xf32>
    %slice3A_256 = vector.extract_strided_slice %concatenate3A {offsets = [112, 0], sizes = [16, 3200], strides = [1, 1]} : vector<144x3200xf32> to vector<16x3200xf32>
    %mul3A_257 = arith.mulf %slice3A_256, %add3A_121 : vector<16x3200xf32>
    %slice3A_258 = vector.extract_strided_slice %concatenate3A {offsets = [128, 0], sizes = [16, 3200], strides = [1, 1]} : vector<144x3200xf32> to vector<16x3200xf32>
    %mul3A_259 = arith.mulf %slice3A_258, %add3A_121 : vector<16x3200xf32>
    %slice3A_260 = vector.extract_strided_slice %concatenate3A {offsets = [64, 0], sizes = [16, 3200], strides = [1, 1]} : vector<144x3200xf32> to vector<16x3200xf32>
    %mul3A_261 = arith.mulf %slice3A_260, %add3A_129 : vector<16x3200xf32>
    %slice3A_262 = vector.extract_strided_slice %concatenate3A {offsets = [64, 0], sizes = [16, 3200], strides = [1, 1]} : vector<144x3200xf32> to vector<16x3200xf32>
    %mul3A_263 = arith.mulf %slice3A_262, %add3A_145 : vector<16x3200xf32>
    %slice3A_264 = vector.extract_strided_slice %concatenate3A {offsets = [80, 0], sizes = [16, 3200], strides = [1, 1]} : vector<144x3200xf32> to vector<16x3200xf32>
    %mul3A_265 = arith.mulf %slice3A_264, %add3A_129 : vector<16x3200xf32>
    %slice3A_266 = vector.extract_strided_slice %concatenate3A {offsets = [80, 0], sizes = [16, 3200], strides = [1, 1]} : vector<144x3200xf32> to vector<16x3200xf32>
    %mul3A_267 = arith.mulf %slice3A_266, %add3A_137 : vector<16x3200xf32>
    %slice3A_268 = vector.extract_strided_slice %concatenate3A {offsets = [96, 0], sizes = [16, 3200], strides = [1, 1]} : vector<144x3200xf32> to vector<16x3200xf32>
    %mul3A_269 = arith.mulf %slice3A_268, %add3A_129 : vector<16x3200xf32>
    %slice3A_270 = vector.extract_strided_slice %concatenate3A {offsets = [96, 0], sizes = [16, 3200], strides = [1, 1]} : vector<144x3200xf32> to vector<16x3200xf32>
    %mul3A_271 = arith.mulf %slice3A_270, %add3A_137 : vector<16x3200xf32>
    %slice3A_272 = vector.extract_strided_slice %concatenate3A {offsets = [96, 0], sizes = [16, 3200], strides = [1, 1]} : vector<144x3200xf32> to vector<16x3200xf32>
    %mul3A_273 = arith.mulf %slice3A_272, %add3A_145 : vector<16x3200xf32>
    %slice3A_274 = vector.extract_strided_slice %concatenate3A {offsets = [112, 0], sizes = [16, 3200], strides = [1, 1]} : vector<144x3200xf32> to vector<16x3200xf32>
    %mul3A_275 = arith.mulf %slice3A_274, %add3A_137 : vector<16x3200xf32>
    %slice3A_276 = vector.extract_strided_slice %concatenate3A {offsets = [112, 0], sizes = [16, 3200], strides = [1, 1]} : vector<144x3200xf32> to vector<16x3200xf32>
    %mul3A_277 = arith.mulf %slice3A_276, %add3A_145 : vector<16x3200xf32>
    %slice3A_278 = vector.extract_strided_slice %concatenate3A {offsets = [128, 0], sizes = [16, 3200], strides = [1, 1]} : vector<144x3200xf32> to vector<16x3200xf32>
    %mul3A_279 = arith.mulf %slice3A_278, %add3A_129 : vector<16x3200xf32>
    %slice3A_280 = vector.extract_strided_slice %concatenate3A {offsets = [128, 0], sizes = [16, 3200], strides = [1, 1]} : vector<144x3200xf32> to vector<16x3200xf32>
    %mul3A_281 = arith.mulf %slice3A_280, %add3A_145 : vector<16x3200xf32>
    %slice3A_282 = vector.extract_strided_slice %concatenate3A {offsets = [64, 0], sizes = [16, 3200], strides = [1, 1]} : vector<144x3200xf32> to vector<16x3200xf32>
    %mul3A_283 = arith.mulf %slice3A_282, %add3A_153 : vector<16x3200xf32>
    %slice3A_284 = vector.extract_strided_slice %concatenate3A {offsets = [80, 0], sizes = [16, 3200], strides = [1, 1]} : vector<144x3200xf32> to vector<16x3200xf32>
    %mul3A_285 = arith.mulf %slice3A_284, %add3A_161 : vector<16x3200xf32>
    %slice3A_286 = vector.extract_strided_slice %concatenate3A {offsets = [96, 0], sizes = [16, 3200], strides = [1, 1]} : vector<144x3200xf32> to vector<16x3200xf32>
    %mul3A_287 = arith.mulf %slice3A_286, %add3A_169 : vector<16x3200xf32>
    %slice3A_288 = vector.extract_strided_slice %concatenate3A {offsets = [112, 0], sizes = [16, 3200], strides = [1, 1]} : vector<144x3200xf32> to vector<16x3200xf32>
    %mul3A_289 = arith.mulf %slice3A_288, %add3A_177 : vector<16x3200xf32>
    %slice3A_290 = vector.extract_strided_slice %concatenate3A {offsets = [128, 0], sizes = [16, 3200], strides = [1, 1]} : vector<144x3200xf32> to vector<16x3200xf32>
    %mul3A_291 = arith.mulf %slice3A_290, %add3A_185 : vector<16x3200xf32>
    %slice3A_292 = vector.extract_strided_slice %concatenate3A {offsets = [64, 0], sizes = [16, 3200], strides = [1, 1]} : vector<144x3200xf32> to vector<16x3200xf32>
    %mul3A_293 = arith.mulf %slice3A_292, %add3A_161 : vector<16x3200xf32>
    %slice3A_294 = vector.extract_strided_slice %concatenate3A {offsets = [64, 0], sizes = [16, 3200], strides = [1, 1]} : vector<144x3200xf32> to vector<16x3200xf32>
    %mul3A_295 = arith.mulf %slice3A_294, %add3A_169 : vector<16x3200xf32>
    %slice3A_296 = vector.extract_strided_slice %concatenate3A {offsets = [64, 0], sizes = [16, 3200], strides = [1, 1]} : vector<144x3200xf32> to vector<16x3200xf32>
    %mul3A_297 = arith.mulf %slice3A_296, %add3A_177 : vector<16x3200xf32>
    %slice3A_298 = vector.extract_strided_slice %concatenate3A {offsets = [80, 0], sizes = [16, 3200], strides = [1, 1]} : vector<144x3200xf32> to vector<16x3200xf32>
    %mul3A_299 = arith.mulf %slice3A_298, %add3A_153 : vector<16x3200xf32>
    %slice3A_300 = vector.extract_strided_slice %concatenate3A {offsets = [80, 0], sizes = [16, 3200], strides = [1, 1]} : vector<144x3200xf32> to vector<16x3200xf32>
    %mul3A_301 = arith.mulf %slice3A_300, %add3A_169 : vector<16x3200xf32>
    %slice3A_302 = vector.extract_strided_slice %concatenate3A {offsets = [80, 0], sizes = [16, 3200], strides = [1, 1]} : vector<144x3200xf32> to vector<16x3200xf32>
    %mul3A_303 = arith.mulf %slice3A_302, %add3A_177 : vector<16x3200xf32>
    %slice3A_304 = vector.extract_strided_slice %concatenate3A {offsets = [80, 0], sizes = [16, 3200], strides = [1, 1]} : vector<144x3200xf32> to vector<16x3200xf32>
    %mul3A_305 = arith.mulf %slice3A_304, %add3A_185 : vector<16x3200xf32>
    %slice3A_306 = vector.extract_strided_slice %concatenate3A {offsets = [96, 0], sizes = [16, 3200], strides = [1, 1]} : vector<144x3200xf32> to vector<16x3200xf32>
    %mul3A_307 = arith.mulf %slice3A_306, %add3A_153 : vector<16x3200xf32>
    %slice3A_308 = vector.extract_strided_slice %concatenate3A {offsets = [96, 0], sizes = [16, 3200], strides = [1, 1]} : vector<144x3200xf32> to vector<16x3200xf32>
    %mul3A_309 = arith.mulf %slice3A_308, %add3A_161 : vector<16x3200xf32>
    %slice3A_310 = vector.extract_strided_slice %concatenate3A {offsets = [96, 0], sizes = [16, 3200], strides = [1, 1]} : vector<144x3200xf32> to vector<16x3200xf32>
    %mul3A_311 = arith.mulf %slice3A_310, %add3A_177 : vector<16x3200xf32>
    %slice3A_312 = vector.extract_strided_slice %concatenate3A {offsets = [96, 0], sizes = [16, 3200], strides = [1, 1]} : vector<144x3200xf32> to vector<16x3200xf32>
    %mul3A_313 = arith.mulf %slice3A_312, %add3A_185 : vector<16x3200xf32>
    %slice3A_314 = vector.extract_strided_slice %concatenate3A {offsets = [112, 0], sizes = [16, 3200], strides = [1, 1]} : vector<144x3200xf32> to vector<16x3200xf32>
    %mul3A_315 = arith.mulf %slice3A_314, %add3A_153 : vector<16x3200xf32>
    %slice3A_316 = vector.extract_strided_slice %concatenate3A {offsets = [112, 0], sizes = [16, 3200], strides = [1, 1]} : vector<144x3200xf32> to vector<16x3200xf32>
    %mul3A_317 = arith.mulf %slice3A_316, %add3A_161 : vector<16x3200xf32>
    %slice3A_318 = vector.extract_strided_slice %concatenate3A {offsets = [112, 0], sizes = [16, 3200], strides = [1, 1]} : vector<144x3200xf32> to vector<16x3200xf32>
    %mul3A_319 = arith.mulf %slice3A_318, %add3A_169 : vector<16x3200xf32>
    %slice3A_320 = vector.extract_strided_slice %concatenate3A {offsets = [112, 0], sizes = [16, 3200], strides = [1, 1]} : vector<144x3200xf32> to vector<16x3200xf32>
    %mul3A_321 = arith.mulf %slice3A_320, %add3A_185 : vector<16x3200xf32>
    %slice3A_322 = vector.extract_strided_slice %concatenate3A {offsets = [128, 0], sizes = [16, 3200], strides = [1, 1]} : vector<144x3200xf32> to vector<16x3200xf32>
    %mul3A_323 = arith.mulf %slice3A_322, %add3A_161 : vector<16x3200xf32>
    %slice3A_324 = vector.extract_strided_slice %concatenate3A {offsets = [128, 0], sizes = [16, 3200], strides = [1, 1]} : vector<144x3200xf32> to vector<16x3200xf32>
    %mul3A_325 = arith.mulf %slice3A_324, %add3A_169 : vector<16x3200xf32>
    %slice3A_326 = vector.extract_strided_slice %concatenate3A {offsets = [128, 0], sizes = [16, 3200], strides = [1, 1]} : vector<144x3200xf32> to vector<16x3200xf32>
    %mul3A_327 = arith.mulf %slice3A_326, %add3A_177 : vector<16x3200xf32>
    %slice3A_328 = vector.extract_strided_slice %add3A_73 {offsets = [0, 0], sizes = [16, 3200], strides = [1, 1]} : vector<176x3200xf32> to vector<16x3200xf32>
    %mul3A_329 = arith.constant 1.000000e+00 : f32
    %mul3A_330 = vector.broadcast %mul3A_329 : f32 to vector<16x3200xf32>
    %mul3A_331 = arith.mulf %mul3A_330, %slice3A_328 : vector<16x3200xf32>
    %mul3A_332 = arith.mulf %mul3A_331, %mul3A_187 : vector<16x3200xf32>
    %slice3A_333 = vector.extract_strided_slice %add3A_73 {offsets = [16, 0], sizes = [16, 3200], strides = [1, 1]} : vector<176x3200xf32> to vector<16x3200xf32>
    %mul3A_334 = arith.constant 0.577350259 : f32
    %mul3A_335 = vector.broadcast %mul3A_334 : f32 to vector<16x3200xf32>
    %mul3A_336 = arith.mulf %mul3A_335, %slice3A_333 : vector<16x3200xf32>
    %mul3A_337 = arith.mulf %mul3A_336, %mul3A_189 : vector<16x3200xf32>
    %slice3A_338 = vector.extract_strided_slice %add3A_73 {offsets = [16, 0], sizes = [16, 3200], strides = [1, 1]} : vector<176x3200xf32> to vector<16x3200xf32>
    %mul3A_339 = arith.constant 0.577350259 : f32
    %mul3A_340 = vector.broadcast %mul3A_339 : f32 to vector<16x3200xf32>
    %mul3A_341 = arith.mulf %mul3A_340, %slice3A_338 : vector<16x3200xf32>
    %mul3A_342 = arith.mulf %mul3A_341, %mul3A_191 : vector<16x3200xf32>
    %slice3A_343 = vector.extract_strided_slice %add3A_73 {offsets = [16, 0], sizes = [16, 3200], strides = [1, 1]} : vector<176x3200xf32> to vector<16x3200xf32>
    %mul3A_344 = arith.constant 0.577350259 : f32
    %mul3A_345 = vector.broadcast %mul3A_344 : f32 to vector<16x3200xf32>
    %mul3A_346 = arith.mulf %mul3A_345, %slice3A_343 : vector<16x3200xf32>
    %mul3A_347 = arith.mulf %mul3A_346, %mul3A_193 : vector<16x3200xf32>
    %slice3A_348 = vector.extract_strided_slice %add3A_73 {offsets = [32, 0], sizes = [16, 3200], strides = [1, 1]} : vector<176x3200xf32> to vector<16x3200xf32>
    %mul3A_349 = arith.constant 0.44721359 : f32
    %mul3A_350 = vector.broadcast %mul3A_349 : f32 to vector<16x3200xf32>
    %mul3A_351 = arith.mulf %mul3A_350, %slice3A_348 : vector<16x3200xf32>
    %mul3A_352 = arith.mulf %mul3A_351, %mul3A_195 : vector<16x3200xf32>
    %slice3A_353 = vector.extract_strided_slice %add3A_73 {offsets = [32, 0], sizes = [16, 3200], strides = [1, 1]} : vector<176x3200xf32> to vector<16x3200xf32>
    %mul3A_354 = arith.constant 0.44721359 : f32
    %mul3A_355 = vector.broadcast %mul3A_354 : f32 to vector<16x3200xf32>
    %mul3A_356 = arith.mulf %mul3A_355, %slice3A_353 : vector<16x3200xf32>
    %mul3A_357 = arith.mulf %mul3A_356, %mul3A_197 : vector<16x3200xf32>
    %slice3A_358 = vector.extract_strided_slice %add3A_73 {offsets = [32, 0], sizes = [16, 3200], strides = [1, 1]} : vector<176x3200xf32> to vector<16x3200xf32>
    %mul3A_359 = arith.constant 0.44721359 : f32
    %mul3A_360 = vector.broadcast %mul3A_359 : f32 to vector<16x3200xf32>
    %mul3A_361 = arith.mulf %mul3A_360, %slice3A_358 : vector<16x3200xf32>
    %mul3A_362 = arith.mulf %mul3A_361, %mul3A_199 : vector<16x3200xf32>
    %slice3A_363 = vector.extract_strided_slice %add3A_73 {offsets = [32, 0], sizes = [16, 3200], strides = [1, 1]} : vector<176x3200xf32> to vector<16x3200xf32>
    %mul3A_364 = arith.constant 0.44721359 : f32
    %mul3A_365 = vector.broadcast %mul3A_364 : f32 to vector<16x3200xf32>
    %mul3A_366 = arith.mulf %mul3A_365, %slice3A_363 : vector<16x3200xf32>
    %mul3A_367 = arith.mulf %mul3A_366, %mul3A_201 : vector<16x3200xf32>
    %slice3A_368 = vector.extract_strided_slice %add3A_73 {offsets = [32, 0], sizes = [16, 3200], strides = [1, 1]} : vector<176x3200xf32> to vector<16x3200xf32>
    %mul3A_369 = arith.constant 0.44721359 : f32
    %mul3A_370 = vector.broadcast %mul3A_369 : f32 to vector<16x3200xf32>
    %mul3A_371 = arith.mulf %mul3A_370, %slice3A_368 : vector<16x3200xf32>
    %mul3A_372 = arith.mulf %mul3A_371, %mul3A_203 : vector<16x3200xf32>
    %slice3A_373 = vector.extract_strided_slice %add3A_73 {offsets = [48, 0], sizes = [16, 3200], strides = [1, 1]} : vector<176x3200xf32> to vector<16x3200xf32>
    %mul3A_374 = arith.constant 0.577350259 : f32
    %mul3A_375 = vector.broadcast %mul3A_374 : f32 to vector<16x3200xf32>
    %mul3A_376 = arith.mulf %mul3A_375, %slice3A_373 : vector<16x3200xf32>
    %mul3A_377 = arith.mulf %mul3A_376, %mul3A_205 : vector<16x3200xf32>
    %add3A_378 = arith.addf %mul3A_337, %mul3A_377 : vector<16x3200xf32>
    %slice3A_379 = vector.extract_strided_slice %add3A_73 {offsets = [48, 0], sizes = [16, 3200], strides = [1, 1]} : vector<176x3200xf32> to vector<16x3200xf32>
    %mul3A_380 = arith.constant 0.577350259 : f32
    %mul3A_381 = vector.broadcast %mul3A_380 : f32 to vector<16x3200xf32>
    %mul3A_382 = arith.mulf %mul3A_381, %slice3A_379 : vector<16x3200xf32>
    %mul3A_383 = arith.mulf %mul3A_382, %mul3A_207 : vector<16x3200xf32>
    %add3A_384 = arith.addf %mul3A_342, %mul3A_383 : vector<16x3200xf32>
    %slice3A_385 = vector.extract_strided_slice %add3A_73 {offsets = [48, 0], sizes = [16, 3200], strides = [1, 1]} : vector<176x3200xf32> to vector<16x3200xf32>
    %mul3A_386 = arith.constant 0.577350259 : f32
    %mul3A_387 = vector.broadcast %mul3A_386 : f32 to vector<16x3200xf32>
    %mul3A_388 = arith.mulf %mul3A_387, %slice3A_385 : vector<16x3200xf32>
    %mul3A_389 = arith.mulf %mul3A_388, %mul3A_209 : vector<16x3200xf32>
    %add3A_390 = arith.addf %mul3A_347, %mul3A_389 : vector<16x3200xf32>
    %slice3A_391 = vector.extract_strided_slice %add3A_73 {offsets = [64, 0], sizes = [16, 3200], strides = [1, 1]} : vector<176x3200xf32> to vector<16x3200xf32>
    %mul3A_392 = arith.constant 0.577350259 : f32
    %mul3A_393 = vector.broadcast %mul3A_392 : f32 to vector<16x3200xf32>
    %mul3A_394 = arith.mulf %mul3A_393, %slice3A_391 : vector<16x3200xf32>
    %mul3A_395 = arith.mulf %mul3A_394, %mul3A_211 : vector<16x3200xf32>
    %add3A_396 = arith.addf %mul3A_332, %mul3A_395 : vector<16x3200xf32>
    %slice3A_397 = vector.extract_strided_slice %add3A_73 {offsets = [64, 0], sizes = [16, 3200], strides = [1, 1]} : vector<176x3200xf32> to vector<16x3200xf32>
    %mul3A_398 = arith.constant 0.577350259 : f32
    %mul3A_399 = vector.broadcast %mul3A_398 : f32 to vector<16x3200xf32>
    %mul3A_400 = arith.mulf %mul3A_399, %slice3A_397 : vector<16x3200xf32>
    %mul3A_401 = arith.mulf %mul3A_400, %mul3A_213 : vector<16x3200xf32>
    %add3A_402 = arith.addf %add3A_396, %mul3A_401 : vector<16x3200xf32>
    %slice3A_403 = vector.extract_strided_slice %add3A_73 {offsets = [64, 0], sizes = [16, 3200], strides = [1, 1]} : vector<176x3200xf32> to vector<16x3200xf32>
    %mul3A_404 = arith.constant 0.577350259 : f32
    %mul3A_405 = vector.broadcast %mul3A_404 : f32 to vector<16x3200xf32>
    %mul3A_406 = arith.mulf %mul3A_405, %slice3A_403 : vector<16x3200xf32>
    %mul3A_407 = arith.mulf %mul3A_406, %mul3A_215 : vector<16x3200xf32>
    %add3A_408 = arith.addf %add3A_402, %mul3A_407 : vector<16x3200xf32>
    %slice3A_409 = vector.extract_strided_slice %add3A_73 {offsets = [80, 0], sizes = [16, 3200], strides = [1, 1]} : vector<176x3200xf32> to vector<16x3200xf32>
    %mul3A_410 = arith.constant -0.182574183 : f32
    %mul3A_411 = vector.broadcast %mul3A_410 : f32 to vector<16x3200xf32>
    %mul3A_412 = arith.mulf %mul3A_411, %slice3A_409 : vector<16x3200xf32>
    %mul3A_413 = arith.mulf %mul3A_412, %mul3A_211 : vector<16x3200xf32>
    %add3A_414 = arith.addf %mul3A_362, %mul3A_413 : vector<16x3200xf32>
    %slice3A_415 = vector.extract_strided_slice %add3A_73 {offsets = [80, 0], sizes = [16, 3200], strides = [1, 1]} : vector<176x3200xf32> to vector<16x3200xf32>
    %mul3A_416 = arith.constant -0.316227764 : f32
    %mul3A_417 = vector.broadcast %mul3A_416 : f32 to vector<16x3200xf32>
    %mul3A_418 = arith.mulf %mul3A_417, %slice3A_415 : vector<16x3200xf32>
    %mul3A_419 = arith.mulf %mul3A_418, %mul3A_211 : vector<16x3200xf32>
    %add3A_420 = arith.addf %mul3A_372, %mul3A_419 : vector<16x3200xf32>
    %slice3A_421 = vector.extract_strided_slice %add3A_73 {offsets = [80, 0], sizes = [16, 3200], strides = [1, 1]} : vector<176x3200xf32> to vector<16x3200xf32>
    %mul3A_422 = arith.constant 0.316227764 : f32
    %mul3A_423 = vector.broadcast %mul3A_422 : f32 to vector<16x3200xf32>
    %mul3A_424 = arith.mulf %mul3A_423, %slice3A_421 : vector<16x3200xf32>
    %mul3A_425 = arith.mulf %mul3A_424, %mul3A_217 : vector<16x3200xf32>
    %add3A_426 = arith.addf %mul3A_357, %mul3A_425 : vector<16x3200xf32>
    %slice3A_427 = vector.extract_strided_slice %add3A_73 {offsets = [80, 0], sizes = [16, 3200], strides = [1, 1]} : vector<176x3200xf32> to vector<16x3200xf32>
    %mul3A_428 = arith.constant 0.316227764 : f32
    %mul3A_429 = vector.broadcast %mul3A_428 : f32 to vector<16x3200xf32>
    %mul3A_430 = arith.mulf %mul3A_429, %slice3A_427 : vector<16x3200xf32>
    %mul3A_431 = arith.mulf %mul3A_430, %mul3A_219 : vector<16x3200xf32>
    %add3A_432 = arith.addf %mul3A_352, %mul3A_431 : vector<16x3200xf32>
    %slice3A_433 = vector.extract_strided_slice %add3A_73 {offsets = [80, 0], sizes = [16, 3200], strides = [1, 1]} : vector<176x3200xf32> to vector<16x3200xf32>
    %mul3A_434 = arith.constant 0.316227764 : f32
    %mul3A_435 = vector.broadcast %mul3A_434 : f32 to vector<16x3200xf32>
    %mul3A_436 = arith.mulf %mul3A_435, %slice3A_433 : vector<16x3200xf32>
    %mul3A_437 = arith.mulf %mul3A_436, %mul3A_221 : vector<16x3200xf32>
    %add3A_438 = arith.addf %add3A_426, %mul3A_437 : vector<16x3200xf32>
    %slice3A_439 = vector.extract_strided_slice %add3A_73 {offsets = [80, 0], sizes = [16, 3200], strides = [1, 1]} : vector<176x3200xf32> to vector<16x3200xf32>
    %mul3A_440 = arith.constant 0.365148365 : f32
    %mul3A_441 = vector.broadcast %mul3A_440 : f32 to vector<16x3200xf32>
    %mul3A_442 = arith.mulf %mul3A_441, %slice3A_439 : vector<16x3200xf32>
    %mul3A_443 = arith.mulf %mul3A_442, %mul3A_213 : vector<16x3200xf32>
    %add3A_444 = arith.addf %add3A_414, %mul3A_443 : vector<16x3200xf32>
    %slice3A_445 = vector.extract_strided_slice %add3A_73 {offsets = [80, 0], sizes = [16, 3200], strides = [1, 1]} : vector<176x3200xf32> to vector<16x3200xf32>
    %mul3A_446 = arith.constant 0.316227764 : f32
    %mul3A_447 = vector.broadcast %mul3A_446 : f32 to vector<16x3200xf32>
    %mul3A_448 = arith.mulf %mul3A_447, %slice3A_445 : vector<16x3200xf32>
    %mul3A_449 = arith.mulf %mul3A_448, %mul3A_223 : vector<16x3200xf32>
    %add3A_450 = arith.addf %mul3A_367, %mul3A_449 : vector<16x3200xf32>
    %slice3A_451 = vector.extract_strided_slice %add3A_73 {offsets = [80, 0], sizes = [16, 3200], strides = [1, 1]} : vector<176x3200xf32> to vector<16x3200xf32>
    %mul3A_452 = arith.constant 0.316227764 : f32
    %mul3A_453 = vector.broadcast %mul3A_452 : f32 to vector<16x3200xf32>
    %mul3A_454 = arith.mulf %mul3A_453, %slice3A_451 : vector<16x3200xf32>
    %mul3A_455 = arith.mulf %mul3A_454, %mul3A_225 : vector<16x3200xf32>
    %add3A_456 = arith.addf %add3A_432, %mul3A_455 : vector<16x3200xf32>
    %slice3A_457 = vector.extract_strided_slice %add3A_73 {offsets = [80, 0], sizes = [16, 3200], strides = [1, 1]} : vector<176x3200xf32> to vector<16x3200xf32>
    %mul3A_458 = arith.constant 0.316227764 : f32
    %mul3A_459 = vector.broadcast %mul3A_458 : f32 to vector<16x3200xf32>
    %mul3A_460 = arith.mulf %mul3A_459, %slice3A_457 : vector<16x3200xf32>
    %mul3A_461 = arith.mulf %mul3A_460, %mul3A_227 : vector<16x3200xf32>
    %add3A_462 = arith.addf %add3A_450, %mul3A_461 : vector<16x3200xf32>
    %slice3A_463 = vector.extract_strided_slice %add3A_73 {offsets = [80, 0], sizes = [16, 3200], strides = [1, 1]} : vector<176x3200xf32> to vector<16x3200xf32>
    %mul3A_464 = arith.constant -0.182574183 : f32
    %mul3A_465 = vector.broadcast %mul3A_464 : f32 to vector<16x3200xf32>
    %mul3A_466 = arith.mulf %mul3A_465, %slice3A_463 : vector<16x3200xf32>
    %mul3A_467 = arith.mulf %mul3A_466, %mul3A_215 : vector<16x3200xf32>
    %add3A_468 = arith.addf %add3A_444, %mul3A_467 : vector<16x3200xf32>
    %slice3A_469 = vector.extract_strided_slice %add3A_73 {offsets = [80, 0], sizes = [16, 3200], strides = [1, 1]} : vector<176x3200xf32> to vector<16x3200xf32>
    %mul3A_470 = arith.constant 0.316227764 : f32
    %mul3A_471 = vector.broadcast %mul3A_470 : f32 to vector<16x3200xf32>
    %mul3A_472 = arith.mulf %mul3A_471, %slice3A_469 : vector<16x3200xf32>
    %mul3A_473 = arith.mulf %mul3A_472, %mul3A_215 : vector<16x3200xf32>
    %add3A_474 = arith.addf %add3A_420, %mul3A_473 : vector<16x3200xf32>
    %slice3A_475 = vector.extract_strided_slice %add3A_73 {offsets = [96, 0], sizes = [16, 3200], strides = [1, 1]} : vector<176x3200xf32> to vector<16x3200xf32>
    %mul3A_476 = arith.constant 0.316227764 : f32
    %mul3A_477 = vector.broadcast %mul3A_476 : f32 to vector<16x3200xf32>
    %mul3A_478 = arith.mulf %mul3A_477, %slice3A_475 : vector<16x3200xf32>
    %mul3A_479 = arith.mulf %mul3A_478, %mul3A_229 : vector<16x3200xf32>
    %add3A_480 = arith.addf %add3A_390, %mul3A_479 : vector<16x3200xf32>
    %slice3A_481 = vector.extract_strided_slice %add3A_73 {offsets = [96, 0], sizes = [16, 3200], strides = [1, 1]} : vector<176x3200xf32> to vector<16x3200xf32>
    %mul3A_482 = arith.constant 0.316227764 : f32
    %mul3A_483 = vector.broadcast %mul3A_482 : f32 to vector<16x3200xf32>
    %mul3A_484 = arith.mulf %mul3A_483, %slice3A_481 : vector<16x3200xf32>
    %mul3A_485 = arith.mulf %mul3A_484, %mul3A_231 : vector<16x3200xf32>
    %add3A_486 = arith.addf %add3A_384, %mul3A_485 : vector<16x3200xf32>
    %slice3A_487 = vector.extract_strided_slice %add3A_73 {offsets = [96, 0], sizes = [16, 3200], strides = [1, 1]} : vector<176x3200xf32> to vector<16x3200xf32>
    %mul3A_488 = arith.constant -0.182574183 : f32
    %mul3A_489 = vector.broadcast %mul3A_488 : f32 to vector<16x3200xf32>
    %mul3A_490 = arith.mulf %mul3A_489, %slice3A_487 : vector<16x3200xf32>
    %mul3A_491 = arith.mulf %mul3A_490, %mul3A_233 : vector<16x3200xf32>
    %add3A_492 = arith.addf %add3A_378, %mul3A_491 : vector<16x3200xf32>
    %slice3A_493 = vector.extract_strided_slice %add3A_73 {offsets = [96, 0], sizes = [16, 3200], strides = [1, 1]} : vector<176x3200xf32> to vector<16x3200xf32>
    %mul3A_494 = arith.constant -0.316227764 : f32
    %mul3A_495 = vector.broadcast %mul3A_494 : f32 to vector<16x3200xf32>
    %mul3A_496 = arith.mulf %mul3A_495, %slice3A_493 : vector<16x3200xf32>
    %mul3A_497 = arith.mulf %mul3A_496, %mul3A_235 : vector<16x3200xf32>
    %add3A_498 = arith.addf %add3A_492, %mul3A_497 : vector<16x3200xf32>
    %slice3A_499 = vector.extract_strided_slice %add3A_73 {offsets = [96, 0], sizes = [16, 3200], strides = [1, 1]} : vector<176x3200xf32> to vector<16x3200xf32>
    %mul3A_500 = arith.constant 0.316227764 : f32
    %mul3A_501 = vector.broadcast %mul3A_500 : f32 to vector<16x3200xf32>
    %mul3A_502 = arith.mulf %mul3A_501, %slice3A_499 : vector<16x3200xf32>
    %mul3A_503 = arith.mulf %mul3A_502, %mul3A_237 : vector<16x3200xf32>
    %add3A_504 = arith.addf %add3A_498, %mul3A_503 : vector<16x3200xf32>
    %slice3A_505 = vector.extract_strided_slice %add3A_73 {offsets = [96, 0], sizes = [16, 3200], strides = [1, 1]} : vector<176x3200xf32> to vector<16x3200xf32>
    %mul3A_506 = arith.constant 0.365148365 : f32
    %mul3A_507 = vector.broadcast %mul3A_506 : f32 to vector<16x3200xf32>
    %mul3A_508 = arith.mulf %mul3A_507, %slice3A_505 : vector<16x3200xf32>
    %mul3A_509 = arith.mulf %mul3A_508, %mul3A_239 : vector<16x3200xf32>
    %add3A_510 = arith.addf %add3A_486, %mul3A_509 : vector<16x3200xf32>
    %slice3A_511 = vector.extract_strided_slice %add3A_73 {offsets = [96, 0], sizes = [16, 3200], strides = [1, 1]} : vector<176x3200xf32> to vector<16x3200xf32>
    %mul3A_512 = arith.constant 0.316227764 : f32
    %mul3A_513 = vector.broadcast %mul3A_512 : f32 to vector<16x3200xf32>
    %mul3A_514 = arith.mulf %mul3A_513, %slice3A_511 : vector<16x3200xf32>
    %mul3A_515 = arith.mulf %mul3A_514, %mul3A_241 : vector<16x3200xf32>
    %add3A_516 = arith.addf %add3A_480, %mul3A_515 : vector<16x3200xf32>
    %slice3A_517 = vector.extract_strided_slice %add3A_73 {offsets = [96, 0], sizes = [16, 3200], strides = [1, 1]} : vector<176x3200xf32> to vector<16x3200xf32>
    %mul3A_518 = arith.constant 0.316227764 : f32
    %mul3A_519 = vector.broadcast %mul3A_518 : f32 to vector<16x3200xf32>
    %mul3A_520 = arith.mulf %mul3A_519, %slice3A_517 : vector<16x3200xf32>
    %mul3A_521 = arith.mulf %mul3A_520, %mul3A_243 : vector<16x3200xf32>
    %add3A_522 = arith.addf %add3A_504, %mul3A_521 : vector<16x3200xf32>
    %slice3A_523 = vector.extract_strided_slice %add3A_73 {offsets = [96, 0], sizes = [16, 3200], strides = [1, 1]} : vector<176x3200xf32> to vector<16x3200xf32>
    %mul3A_524 = arith.constant -0.182574183 : f32
    %mul3A_525 = vector.broadcast %mul3A_524 : f32 to vector<16x3200xf32>
    %mul3A_526 = arith.mulf %mul3A_525, %slice3A_523 : vector<16x3200xf32>
    %mul3A_527 = arith.mulf %mul3A_526, %mul3A_245 : vector<16x3200xf32>
    %add3A_528 = arith.addf %add3A_516, %mul3A_527 : vector<16x3200xf32>
    %slice3A_529 = vector.extract_strided_slice %add3A_73 {offsets = [96, 0], sizes = [16, 3200], strides = [1, 1]} : vector<176x3200xf32> to vector<16x3200xf32>
    %mul3A_530 = arith.constant 0.316227764 : f32
    %mul3A_531 = vector.broadcast %mul3A_530 : f32 to vector<16x3200xf32>
    %mul3A_532 = arith.mulf %mul3A_531, %slice3A_529 : vector<16x3200xf32>
    %mul3A_533 = arith.mulf %mul3A_532, %mul3A_247 : vector<16x3200xf32>
    %add3A_534 = arith.addf %add3A_510, %mul3A_533 : vector<16x3200xf32>
    %slice3A_535 = vector.extract_strided_slice %add3A_73 {offsets = [96, 0], sizes = [16, 3200], strides = [1, 1]} : vector<176x3200xf32> to vector<16x3200xf32>
    %mul3A_536 = arith.constant 0.316227764 : f32
    %mul3A_537 = vector.broadcast %mul3A_536 : f32 to vector<16x3200xf32>
    %mul3A_538 = arith.mulf %mul3A_537, %slice3A_535 : vector<16x3200xf32>
    %mul3A_539 = arith.mulf %mul3A_538, %mul3A_249 : vector<16x3200xf32>
    %add3A_540 = arith.addf %add3A_528, %mul3A_539 : vector<16x3200xf32>
    %slice3A_541 = vector.extract_strided_slice %add3A_73 {offsets = [112, 0], sizes = [16, 3200], strides = [1, 1]} : vector<176x3200xf32> to vector<16x3200xf32>
    %mul3A_542 = arith.constant 0.44721359 : f32
    %mul3A_543 = vector.broadcast %mul3A_542 : f32 to vector<16x3200xf32>
    %mul3A_544 = arith.mulf %mul3A_543, %slice3A_541 : vector<16x3200xf32>
    %mul3A_545 = arith.mulf %mul3A_544, %mul3A_251 : vector<16x3200xf32>
    %add3A_546 = arith.addf %add3A_456, %mul3A_545 : vector<16x3200xf32>
    %slice3A_547 = vector.extract_strided_slice %add3A_73 {offsets = [112, 0], sizes = [16, 3200], strides = [1, 1]} : vector<176x3200xf32> to vector<16x3200xf32>
    %mul3A_548 = arith.constant 0.44721359 : f32
    %mul3A_549 = vector.broadcast %mul3A_548 : f32 to vector<16x3200xf32>
    %mul3A_550 = arith.mulf %mul3A_549, %slice3A_547 : vector<16x3200xf32>
    %mul3A_551 = arith.mulf %mul3A_550, %mul3A_253 : vector<16x3200xf32>
    %add3A_552 = arith.addf %add3A_438, %mul3A_551 : vector<16x3200xf32>
    %slice3A_553 = vector.extract_strided_slice %add3A_73 {offsets = [112, 0], sizes = [16, 3200], strides = [1, 1]} : vector<176x3200xf32> to vector<16x3200xf32>
    %mul3A_554 = arith.constant 0.44721359 : f32
    %mul3A_555 = vector.broadcast %mul3A_554 : f32 to vector<16x3200xf32>
    %mul3A_556 = arith.mulf %mul3A_555, %slice3A_553 : vector<16x3200xf32>
    %mul3A_557 = arith.mulf %mul3A_556, %mul3A_255 : vector<16x3200xf32>
    %add3A_558 = arith.addf %add3A_468, %mul3A_557 : vector<16x3200xf32>
    %slice3A_559 = vector.extract_strided_slice %add3A_73 {offsets = [112, 0], sizes = [16, 3200], strides = [1, 1]} : vector<176x3200xf32> to vector<16x3200xf32>
    %mul3A_560 = arith.constant 0.44721359 : f32
    %mul3A_561 = vector.broadcast %mul3A_560 : f32 to vector<16x3200xf32>
    %mul3A_562 = arith.mulf %mul3A_561, %slice3A_559 : vector<16x3200xf32>
    %mul3A_563 = arith.mulf %mul3A_562, %mul3A_257 : vector<16x3200xf32>
    %add3A_564 = arith.addf %add3A_462, %mul3A_563 : vector<16x3200xf32>
    %slice3A_565 = vector.extract_strided_slice %add3A_73 {offsets = [112, 0], sizes = [16, 3200], strides = [1, 1]} : vector<176x3200xf32> to vector<16x3200xf32>
    %mul3A_566 = arith.constant 0.44721359 : f32
    %mul3A_567 = vector.broadcast %mul3A_566 : f32 to vector<16x3200xf32>
    %mul3A_568 = arith.mulf %mul3A_567, %slice3A_565 : vector<16x3200xf32>
    %mul3A_569 = arith.mulf %mul3A_568, %mul3A_259 : vector<16x3200xf32>
    %add3A_570 = arith.addf %add3A_474, %mul3A_569 : vector<16x3200xf32>
    %slice3A_571 = vector.extract_strided_slice %add3A_73 {offsets = [128, 0], sizes = [16, 3200], strides = [1, 1]} : vector<176x3200xf32> to vector<16x3200xf32>
    %mul3A_572 = arith.constant 0.316227764 : f32
    %mul3A_573 = vector.broadcast %mul3A_572 : f32 to vector<16x3200xf32>
    %mul3A_574 = arith.mulf %mul3A_573, %slice3A_571 : vector<16x3200xf32>
    %mul3A_575 = arith.mulf %mul3A_574, %mul3A_261 : vector<16x3200xf32>
    %add3A_576 = arith.addf %add3A_540, %mul3A_575 : vector<16x3200xf32>
    %slice3A_577 = vector.extract_strided_slice %add3A_73 {offsets = [128, 0], sizes = [16, 3200], strides = [1, 1]} : vector<176x3200xf32> to vector<16x3200xf32>
    %mul3A_578 = arith.constant 0.316227764 : f32
    %mul3A_579 = vector.broadcast %mul3A_578 : f32 to vector<16x3200xf32>
    %mul3A_580 = arith.mulf %mul3A_579, %slice3A_577 : vector<16x3200xf32>
    %mul3A_581 = arith.mulf %mul3A_580, %mul3A_263 : vector<16x3200xf32>
    %add3A_582 = arith.addf %add3A_522, %mul3A_581 : vector<16x3200xf32>
    %slice3A_583 = vector.extract_strided_slice %add3A_73 {offsets = [128, 0], sizes = [16, 3200], strides = [1, 1]} : vector<176x3200xf32> to vector<16x3200xf32>
    %mul3A_584 = arith.constant 0.316227764 : f32
    %mul3A_585 = vector.broadcast %mul3A_584 : f32 to vector<16x3200xf32>
    %mul3A_586 = arith.mulf %mul3A_585, %slice3A_583 : vector<16x3200xf32>
    %mul3A_587 = arith.mulf %mul3A_586, %mul3A_265 : vector<16x3200xf32>
    %add3A_588 = arith.addf %add3A_534, %mul3A_587 : vector<16x3200xf32>
    %slice3A_589 = vector.extract_strided_slice %add3A_73 {offsets = [128, 0], sizes = [16, 3200], strides = [1, 1]} : vector<176x3200xf32> to vector<16x3200xf32>
    %mul3A_590 = arith.constant 0.316227764 : f32
    %mul3A_591 = vector.broadcast %mul3A_590 : f32 to vector<16x3200xf32>
    %mul3A_592 = arith.mulf %mul3A_591, %slice3A_589 : vector<16x3200xf32>
    %mul3A_593 = arith.mulf %mul3A_592, %mul3A_267 : vector<16x3200xf32>
    %add3A_594 = arith.addf %add3A_582, %mul3A_593 : vector<16x3200xf32>
    %slice3A_595 = vector.extract_strided_slice %add3A_73 {offsets = [128, 0], sizes = [16, 3200], strides = [1, 1]} : vector<176x3200xf32> to vector<16x3200xf32>
    %mul3A_596 = arith.constant -0.182574183 : f32
    %mul3A_597 = vector.broadcast %mul3A_596 : f32 to vector<16x3200xf32>
    %mul3A_598 = arith.mulf %mul3A_597, %slice3A_595 : vector<16x3200xf32>
    %mul3A_599 = arith.mulf %mul3A_598, %mul3A_269 : vector<16x3200xf32>
    %add3A_600 = arith.addf %add3A_594, %mul3A_599 : vector<16x3200xf32>
    %slice3A_601 = vector.extract_strided_slice %add3A_73 {offsets = [128, 0], sizes = [16, 3200], strides = [1, 1]} : vector<176x3200xf32> to vector<16x3200xf32>
    %mul3A_602 = arith.constant 0.365148365 : f32
    %mul3A_603 = vector.broadcast %mul3A_602 : f32 to vector<16x3200xf32>
    %mul3A_604 = arith.mulf %mul3A_603, %slice3A_601 : vector<16x3200xf32>
    %mul3A_605 = arith.mulf %mul3A_604, %mul3A_271 : vector<16x3200xf32>
    %add3A_606 = arith.addf %add3A_588, %mul3A_605 : vector<16x3200xf32>
    %slice3A_607 = vector.extract_strided_slice %add3A_73 {offsets = [128, 0], sizes = [16, 3200], strides = [1, 1]} : vector<176x3200xf32> to vector<16x3200xf32>
    %mul3A_608 = arith.constant -0.182574183 : f32
    %mul3A_609 = vector.broadcast %mul3A_608 : f32 to vector<16x3200xf32>
    %mul3A_610 = arith.mulf %mul3A_609, %slice3A_607 : vector<16x3200xf32>
    %mul3A_611 = arith.mulf %mul3A_610, %mul3A_273 : vector<16x3200xf32>
    %add3A_612 = arith.addf %add3A_576, %mul3A_611 : vector<16x3200xf32>
    %slice3A_613 = vector.extract_strided_slice %add3A_73 {offsets = [128, 0], sizes = [16, 3200], strides = [1, 1]} : vector<176x3200xf32> to vector<16x3200xf32>
    %mul3A_614 = arith.constant 0.316227764 : f32
    %mul3A_615 = vector.broadcast %mul3A_614 : f32 to vector<16x3200xf32>
    %mul3A_616 = arith.mulf %mul3A_615, %slice3A_613 : vector<16x3200xf32>
    %mul3A_617 = arith.mulf %mul3A_616, %mul3A_275 : vector<16x3200xf32>
    %add3A_618 = arith.addf %add3A_612, %mul3A_617 : vector<16x3200xf32>
    %slice3A_619 = vector.extract_strided_slice %add3A_73 {offsets = [128, 0], sizes = [16, 3200], strides = [1, 1]} : vector<176x3200xf32> to vector<16x3200xf32>
    %mul3A_620 = arith.constant 0.316227764 : f32
    %mul3A_621 = vector.broadcast %mul3A_620 : f32 to vector<16x3200xf32>
    %mul3A_622 = arith.mulf %mul3A_621, %slice3A_619 : vector<16x3200xf32>
    %mul3A_623 = arith.mulf %mul3A_622, %mul3A_277 : vector<16x3200xf32>
    %add3A_624 = arith.addf %add3A_606, %mul3A_623 : vector<16x3200xf32>
    %slice3A_625 = vector.extract_strided_slice %add3A_73 {offsets = [128, 0], sizes = [16, 3200], strides = [1, 1]} : vector<176x3200xf32> to vector<16x3200xf32>
    %mul3A_626 = arith.constant -0.316227764 : f32
    %mul3A_627 = vector.broadcast %mul3A_626 : f32 to vector<16x3200xf32>
    %mul3A_628 = arith.mulf %mul3A_627, %slice3A_625 : vector<16x3200xf32>
    %mul3A_629 = arith.mulf %mul3A_628, %mul3A_279 : vector<16x3200xf32>
    %add3A_630 = arith.addf %add3A_600, %mul3A_629 : vector<16x3200xf32>
    %slice3A_631 = vector.extract_strided_slice %add3A_73 {offsets = [128, 0], sizes = [16, 3200], strides = [1, 1]} : vector<176x3200xf32> to vector<16x3200xf32>
    %mul3A_632 = arith.constant 0.316227764 : f32
    %mul3A_633 = vector.broadcast %mul3A_632 : f32 to vector<16x3200xf32>
    %mul3A_634 = arith.mulf %mul3A_633, %slice3A_631 : vector<16x3200xf32>
    %mul3A_635 = arith.mulf %mul3A_634, %mul3A_281 : vector<16x3200xf32>
    %add3A_636 = arith.addf %add3A_618, %mul3A_635 : vector<16x3200xf32>
    %slice3A_637 = vector.extract_strided_slice %add3A_73 {offsets = [144, 0], sizes = [16, 3200], strides = [1, 1]} : vector<176x3200xf32> to vector<16x3200xf32>
    %mul3A_638 = arith.constant 0.44721359 : f32
    %mul3A_639 = vector.broadcast %mul3A_638 : f32 to vector<16x3200xf32>
    %mul3A_640 = arith.mulf %mul3A_639, %slice3A_637 : vector<16x3200xf32>
    %mul3A_641 = arith.mulf %mul3A_640, %mul3A_283 : vector<16x3200xf32>
    %add3A_642 = arith.addf %add3A_408, %mul3A_641 : vector<16x3200xf32>
    %slice3A_643 = vector.extract_strided_slice %add3A_73 {offsets = [144, 0], sizes = [16, 3200], strides = [1, 1]} : vector<176x3200xf32> to vector<16x3200xf32>
    %mul3A_644 = arith.constant 0.44721359 : f32
    %mul3A_645 = vector.broadcast %mul3A_644 : f32 to vector<16x3200xf32>
    %mul3A_646 = arith.mulf %mul3A_645, %slice3A_643 : vector<16x3200xf32>
    %mul3A_647 = arith.mulf %mul3A_646, %mul3A_285 : vector<16x3200xf32>
    %add3A_648 = arith.addf %add3A_642, %mul3A_647 : vector<16x3200xf32>
    %slice3A_649 = vector.extract_strided_slice %add3A_73 {offsets = [144, 0], sizes = [16, 3200], strides = [1, 1]} : vector<176x3200xf32> to vector<16x3200xf32>
    %mul3A_650 = arith.constant 0.44721359 : f32
    %mul3A_651 = vector.broadcast %mul3A_650 : f32 to vector<16x3200xf32>
    %mul3A_652 = arith.mulf %mul3A_651, %slice3A_649 : vector<16x3200xf32>
    %mul3A_653 = arith.mulf %mul3A_652, %mul3A_287 : vector<16x3200xf32>
    %add3A_654 = arith.addf %add3A_648, %mul3A_653 : vector<16x3200xf32>
    %slice3A_655 = vector.extract_strided_slice %add3A_73 {offsets = [144, 0], sizes = [16, 3200], strides = [1, 1]} : vector<176x3200xf32> to vector<16x3200xf32>
    %mul3A_656 = arith.constant 0.44721359 : f32
    %mul3A_657 = vector.broadcast %mul3A_656 : f32 to vector<16x3200xf32>
    %mul3A_658 = arith.mulf %mul3A_657, %slice3A_655 : vector<16x3200xf32>
    %mul3A_659 = arith.mulf %mul3A_658, %mul3A_289 : vector<16x3200xf32>
    %add3A_660 = arith.addf %add3A_654, %mul3A_659 : vector<16x3200xf32>
    %slice3A_661 = vector.extract_strided_slice %add3A_73 {offsets = [144, 0], sizes = [16, 3200], strides = [1, 1]} : vector<176x3200xf32> to vector<16x3200xf32>
    %mul3A_662 = arith.constant 0.44721359 : f32
    %mul3A_663 = vector.broadcast %mul3A_662 : f32 to vector<16x3200xf32>
    %mul3A_664 = arith.mulf %mul3A_663, %slice3A_661 : vector<16x3200xf32>
    %mul3A_665 = arith.mulf %mul3A_664, %mul3A_291 : vector<16x3200xf32>
    %add3A_666 = arith.addf %add3A_660, %mul3A_665 : vector<16x3200xf32>
    %slice3A_667 = vector.extract_strided_slice %add3A_73 {offsets = [160, 0], sizes = [16, 3200], strides = [1, 1]} : vector<176x3200xf32> to vector<16x3200xf32>
    %mul3A_668 = arith.constant -0.239045724 : f32
    %mul3A_669 = vector.broadcast %mul3A_668 : f32 to vector<16x3200xf32>
    %mul3A_670 = arith.mulf %mul3A_669, %slice3A_667 : vector<16x3200xf32>
    %mul3A_671 = arith.mulf %mul3A_670, %mul3A_283 : vector<16x3200xf32>
    %add3A_672 = arith.addf %add3A_558, %mul3A_671 : vector<16x3200xf32>
    %slice3A_673 = vector.extract_strided_slice %add3A_73 {offsets = [160, 0], sizes = [16, 3200], strides = [1, 1]} : vector<176x3200xf32> to vector<16x3200xf32>
    %mul3A_674 = arith.constant 0.207019672 : f32
    %mul3A_675 = vector.broadcast %mul3A_674 : f32 to vector<16x3200xf32>
    %mul3A_676 = arith.mulf %mul3A_675, %slice3A_673 : vector<16x3200xf32>
    %mul3A_677 = arith.mulf %mul3A_676, %mul3A_293 : vector<16x3200xf32>
    %add3A_678 = arith.addf %add3A_564, %mul3A_677 : vector<16x3200xf32>
    %slice3A_679 = vector.extract_strided_slice %add3A_73 {offsets = [160, 0], sizes = [16, 3200], strides = [1, 1]} : vector<176x3200xf32> to vector<16x3200xf32>
    %mul3A_680 = arith.constant -0.239045724 : f32
    %mul3A_681 = vector.broadcast %mul3A_680 : f32 to vector<16x3200xf32>
    %mul3A_682 = arith.mulf %mul3A_681, %slice3A_679 : vector<16x3200xf32>
    %mul3A_683 = arith.mulf %mul3A_682, %mul3A_295 : vector<16x3200xf32>
    %add3A_684 = arith.addf %add3A_546, %mul3A_683 : vector<16x3200xf32>
    %slice3A_685 = vector.extract_strided_slice %add3A_73 {offsets = [160, 0], sizes = [16, 3200], strides = [1, 1]} : vector<176x3200xf32> to vector<16x3200xf32>
    %mul3A_686 = arith.constant 0.207019672 : f32
    %mul3A_687 = vector.broadcast %mul3A_686 : f32 to vector<16x3200xf32>
    %mul3A_688 = arith.mulf %mul3A_687, %slice3A_685 : vector<16x3200xf32>
    %mul3A_689 = arith.mulf %mul3A_688, %mul3A_297 : vector<16x3200xf32>
    %add3A_690 = arith.addf %add3A_552, %mul3A_689 : vector<16x3200xf32>
    %slice3A_691 = vector.extract_strided_slice %add3A_73 {offsets = [160, 0], sizes = [16, 3200], strides = [1, 1]} : vector<176x3200xf32> to vector<16x3200xf32>
    %mul3A_692 = arith.constant 0.207019672 : f32
    %mul3A_693 = vector.broadcast %mul3A_692 : f32 to vector<16x3200xf32>
    %mul3A_694 = arith.mulf %mul3A_693, %slice3A_691 : vector<16x3200xf32>
    %mul3A_695 = arith.mulf %mul3A_694, %mul3A_299 : vector<16x3200xf32>
    %add3A_696 = arith.addf %add3A_678, %mul3A_695 : vector<16x3200xf32>
    %slice3A_697 = vector.extract_strided_slice %add3A_73 {offsets = [160, 0], sizes = [16, 3200], strides = [1, 1]} : vector<176x3200xf32> to vector<16x3200xf32>
    %mul3A_698 = arith.constant 0.119522862 : f32
    %mul3A_699 = vector.broadcast %mul3A_698 : f32 to vector<16x3200xf32>
    %mul3A_700 = arith.mulf %mul3A_699, %slice3A_697 : vector<16x3200xf32>
    %mul3A_701 = arith.mulf %mul3A_700, %mul3A_285 : vector<16x3200xf32>
    %add3A_702 = arith.addf %add3A_672, %mul3A_701 : vector<16x3200xf32>
    %slice3A_703 = vector.extract_strided_slice %add3A_73 {offsets = [160, 0], sizes = [16, 3200], strides = [1, 1]} : vector<176x3200xf32> to vector<16x3200xf32>
    %mul3A_704 = arith.constant -0.207019672 : f32
    %mul3A_705 = vector.broadcast %mul3A_704 : f32 to vector<16x3200xf32>
    %mul3A_706 = arith.mulf %mul3A_705, %slice3A_703 : vector<16x3200xf32>
    %mul3A_707 = arith.mulf %mul3A_706, %mul3A_285 : vector<16x3200xf32>
    %add3A_708 = arith.addf %add3A_570, %mul3A_707 : vector<16x3200xf32>
    %slice3A_709 = vector.extract_strided_slice %add3A_73 {offsets = [160, 0], sizes = [16, 3200], strides = [1, 1]} : vector<176x3200xf32> to vector<16x3200xf32>
    %mul3A_710 = arith.constant 0.119522862 : f32
    %mul3A_711 = vector.broadcast %mul3A_710 : f32 to vector<16x3200xf32>
    %mul3A_712 = arith.mulf %mul3A_711, %slice3A_709 : vector<16x3200xf32>
    %mul3A_713 = arith.mulf %mul3A_712, %mul3A_301 : vector<16x3200xf32>
    %add3A_714 = arith.addf %add3A_690, %mul3A_713 : vector<16x3200xf32>
    %slice3A_715 = vector.extract_strided_slice %add3A_73 {offsets = [160, 0], sizes = [16, 3200], strides = [1, 1]} : vector<176x3200xf32> to vector<16x3200xf32>
    %mul3A_716 = arith.constant 0.207019672 : f32
    %mul3A_717 = vector.broadcast %mul3A_716 : f32 to vector<16x3200xf32>
    %mul3A_718 = arith.mulf %mul3A_717, %slice3A_715 : vector<16x3200xf32>
    %mul3A_719 = arith.mulf %mul3A_718, %mul3A_303 : vector<16x3200xf32>
    %add3A_720 = arith.addf %add3A_684, %mul3A_719 : vector<16x3200xf32>
    %slice3A_721 = vector.extract_strided_slice %add3A_73 {offsets = [160, 0], sizes = [16, 3200], strides = [1, 1]} : vector<176x3200xf32> to vector<16x3200xf32>
    %mul3A_722 = arith.constant -0.207019672 : f32
    %mul3A_723 = vector.broadcast %mul3A_722 : f32 to vector<16x3200xf32>
    %mul3A_724 = arith.mulf %mul3A_723, %slice3A_721 : vector<16x3200xf32>
    %mul3A_725 = arith.mulf %mul3A_724, %mul3A_305 : vector<16x3200xf32>
    %add3A_726 = arith.addf %add3A_714, %mul3A_725 : vector<16x3200xf32>
    %slice3A_727 = vector.extract_strided_slice %add3A_73 {offsets = [160, 0], sizes = [16, 3200], strides = [1, 1]} : vector<176x3200xf32> to vector<16x3200xf32>
    %mul3A_728 = arith.constant -0.239045724 : f32
    %mul3A_729 = vector.broadcast %mul3A_728 : f32 to vector<16x3200xf32>
    %mul3A_730 = arith.mulf %mul3A_729, %slice3A_727 : vector<16x3200xf32>
    %mul3A_731 = arith.mulf %mul3A_730, %mul3A_307 : vector<16x3200xf32>
    %add3A_732 = arith.addf %add3A_720, %mul3A_731 : vector<16x3200xf32>
    %slice3A_733 = vector.extract_strided_slice %add3A_73 {offsets = [160, 0], sizes = [16, 3200], strides = [1, 1]} : vector<176x3200xf32> to vector<16x3200xf32>
    %mul3A_734 = arith.constant 0.119522862 : f32
    %mul3A_735 = vector.broadcast %mul3A_734 : f32 to vector<16x3200xf32>
    %mul3A_736 = arith.mulf %mul3A_735, %slice3A_733 : vector<16x3200xf32>
    %mul3A_737 = arith.mulf %mul3A_736, %mul3A_309 : vector<16x3200xf32>
    %add3A_738 = arith.addf %add3A_726, %mul3A_737 : vector<16x3200xf32>
    %slice3A_739 = vector.extract_strided_slice %add3A_73 {offsets = [160, 0], sizes = [16, 3200], strides = [1, 1]} : vector<176x3200xf32> to vector<16x3200xf32>
    %mul3A_740 = arith.constant 0.239045724 : f32
    %mul3A_741 = vector.broadcast %mul3A_740 : f32 to vector<16x3200xf32>
    %mul3A_742 = arith.mulf %mul3A_741, %slice3A_739 : vector<16x3200xf32>
    %mul3A_743 = arith.mulf %mul3A_742, %mul3A_287 : vector<16x3200xf32>
    %add3A_744 = arith.addf %add3A_702, %mul3A_743 : vector<16x3200xf32>
    %slice3A_745 = vector.extract_strided_slice %add3A_73 {offsets = [160, 0], sizes = [16, 3200], strides = [1, 1]} : vector<176x3200xf32> to vector<16x3200xf32>
    %mul3A_746 = arith.constant 0.119522862 : f32
    %mul3A_747 = vector.broadcast %mul3A_746 : f32 to vector<16x3200xf32>
    %mul3A_748 = arith.mulf %mul3A_747, %slice3A_745 : vector<16x3200xf32>
    %mul3A_749 = arith.mulf %mul3A_748, %mul3A_311 : vector<16x3200xf32>
    %add3A_750 = arith.addf %add3A_696, %mul3A_749 : vector<16x3200xf32>
    %slice3A_751 = vector.extract_strided_slice %add3A_73 {offsets = [160, 0], sizes = [16, 3200], strides = [1, 1]} : vector<176x3200xf32> to vector<16x3200xf32>
    %mul3A_752 = arith.constant -0.239045724 : f32
    %mul3A_753 = vector.broadcast %mul3A_752 : f32 to vector<16x3200xf32>
    %mul3A_754 = arith.mulf %mul3A_753, %slice3A_751 : vector<16x3200xf32>
    %mul3A_755 = arith.mulf %mul3A_754, %mul3A_313 : vector<16x3200xf32>
    %add3A_756 = arith.addf %add3A_708, %mul3A_755 : vector<16x3200xf32>
    %slice3A_757 = vector.extract_strided_slice %add3A_73 {offsets = [160, 0], sizes = [16, 3200], strides = [1, 1]} : vector<176x3200xf32> to vector<16x3200xf32>
    %mul3A_758 = arith.constant 0.207019672 : f32
    %mul3A_759 = vector.broadcast %mul3A_758 : f32 to vector<16x3200xf32>
    %mul3A_760 = arith.mulf %mul3A_759, %slice3A_757 : vector<16x3200xf32>
    %mul3A_761 = arith.mulf %mul3A_760, %mul3A_315 : vector<16x3200xf32>
    %add3A_762 = arith.addf %add3A_738, %mul3A_761 : vector<16x3200xf32>
    %slice3A_763 = vector.extract_strided_slice %add3A_73 {offsets = [160, 0], sizes = [16, 3200], strides = [1, 1]} : vector<176x3200xf32> to vector<16x3200xf32>
    %mul3A_764 = arith.constant 0.207019672 : f32
    %mul3A_765 = vector.broadcast %mul3A_764 : f32 to vector<16x3200xf32>
    %mul3A_766 = arith.mulf %mul3A_765, %slice3A_763 : vector<16x3200xf32>
    %mul3A_767 = arith.mulf %mul3A_766, %mul3A_317 : vector<16x3200xf32>
    %add3A_768 = arith.addf %add3A_732, %mul3A_767 : vector<16x3200xf32>
    %slice3A_769 = vector.extract_strided_slice %add3A_73 {offsets = [160, 0], sizes = [16, 3200], strides = [1, 1]} : vector<176x3200xf32> to vector<16x3200xf32>
    %mul3A_770 = arith.constant 0.119522862 : f32
    %mul3A_771 = vector.broadcast %mul3A_770 : f32 to vector<16x3200xf32>
    %mul3A_772 = arith.mulf %mul3A_771, %slice3A_769 : vector<16x3200xf32>
    %mul3A_773 = arith.mulf %mul3A_772, %mul3A_319 : vector<16x3200xf32>
    %add3A_774 = arith.addf %add3A_750, %mul3A_773 : vector<16x3200xf32>
    %slice3A_775 = vector.extract_strided_slice %add3A_73 {offsets = [160, 0], sizes = [16, 3200], strides = [1, 1]} : vector<176x3200xf32> to vector<16x3200xf32>
    %mul3A_776 = arith.constant 0.119522862 : f32
    %mul3A_777 = vector.broadcast %mul3A_776 : f32 to vector<16x3200xf32>
    %mul3A_778 = arith.mulf %mul3A_777, %slice3A_775 : vector<16x3200xf32>
    %mul3A_779 = arith.mulf %mul3A_778, %mul3A_289 : vector<16x3200xf32>
    %add3A_780 = arith.addf %add3A_744, %mul3A_779 : vector<16x3200xf32>
    %slice3A_781 = vector.extract_strided_slice %add3A_73 {offsets = [160, 0], sizes = [16, 3200], strides = [1, 1]} : vector<176x3200xf32> to vector<16x3200xf32>
    %mul3A_782 = arith.constant 0.207019672 : f32
    %mul3A_783 = vector.broadcast %mul3A_782 : f32 to vector<16x3200xf32>
    %mul3A_784 = arith.mulf %mul3A_783, %slice3A_781 : vector<16x3200xf32>
    %mul3A_785 = arith.mulf %mul3A_784, %mul3A_289 : vector<16x3200xf32>
    %add3A_786 = arith.addf %add3A_756, %mul3A_785 : vector<16x3200xf32>
    %slice3A_787 = vector.extract_strided_slice %add3A_73 {offsets = [160, 0], sizes = [16, 3200], strides = [1, 1]} : vector<176x3200xf32> to vector<16x3200xf32>
    %mul3A_788 = arith.constant 0.207019672 : f32
    %mul3A_789 = vector.broadcast %mul3A_788 : f32 to vector<16x3200xf32>
    %mul3A_790 = arith.mulf %mul3A_789, %slice3A_787 : vector<16x3200xf32>
    %mul3A_791 = arith.mulf %mul3A_790, %mul3A_321 : vector<16x3200xf32>
    %add3A_792 = arith.addf %add3A_774, %mul3A_791 : vector<16x3200xf32>
    %slice3A_793 = vector.extract_strided_slice %add3A_73 {offsets = [160, 0], sizes = [16, 3200], strides = [1, 1]} : vector<176x3200xf32> to vector<16x3200xf32>
    %mul3A_794 = arith.constant -0.207019672 : f32
    %mul3A_795 = vector.broadcast %mul3A_794 : f32 to vector<16x3200xf32>
    %mul3A_796 = arith.mulf %mul3A_795, %slice3A_793 : vector<16x3200xf32>
    %mul3A_797 = arith.mulf %mul3A_796, %mul3A_323 : vector<16x3200xf32>
    %add3A_798 = arith.addf %add3A_762, %mul3A_797 : vector<16x3200xf32>
    %slice3A_799 = vector.extract_strided_slice %add3A_73 {offsets = [160, 0], sizes = [16, 3200], strides = [1, 1]} : vector<176x3200xf32> to vector<16x3200xf32>
    %mul3A_800 = arith.constant -0.239045724 : f32
    %mul3A_801 = vector.broadcast %mul3A_800 : f32 to vector<16x3200xf32>
    %mul3A_802 = arith.mulf %mul3A_801, %slice3A_799 : vector<16x3200xf32>
    %mul3A_803 = arith.mulf %mul3A_802, %mul3A_325 : vector<16x3200xf32>
    %add3A_804 = arith.addf %add3A_786, %mul3A_803 : vector<16x3200xf32>
    %slice3A_805 = vector.extract_strided_slice %add3A_73 {offsets = [160, 0], sizes = [16, 3200], strides = [1, 1]} : vector<176x3200xf32> to vector<16x3200xf32>
    %mul3A_806 = arith.constant 0.207019672 : f32
    %mul3A_807 = vector.broadcast %mul3A_806 : f32 to vector<16x3200xf32>
    %mul3A_808 = arith.mulf %mul3A_807, %slice3A_805 : vector<16x3200xf32>
    %mul3A_809 = arith.mulf %mul3A_808, %mul3A_327 : vector<16x3200xf32>
    %add3A_810 = arith.addf %add3A_792, %mul3A_809 : vector<16x3200xf32>
    %slice3A_811 = vector.extract_strided_slice %add3A_73 {offsets = [160, 0], sizes = [16, 3200], strides = [1, 1]} : vector<176x3200xf32> to vector<16x3200xf32>
    %mul3A_812 = arith.constant -0.239045724 : f32
    %mul3A_813 = vector.broadcast %mul3A_812 : f32 to vector<16x3200xf32>
    %mul3A_814 = arith.mulf %mul3A_813, %slice3A_811 : vector<16x3200xf32>
    %mul3A_815 = arith.mulf %mul3A_814, %mul3A_291 : vector<16x3200xf32>
    %add3A_816 = arith.addf %add3A_780, %mul3A_815 : vector<16x3200xf32>
    %concatenate3A_817 = tpu.concatenate %add3A_666, %add3A_630, %add3A_624, %add3A_636, %add3A_768, %add3A_798, %add3A_816, %add3A_810, %add3A_804 in 0 : vector<16x3200xf32>, vector<16x3200xf32>, vector<16x3200xf32>, vector<16x3200xf32>, vector<16x3200xf32>, vector<16x3200xf32>, vector<16x3200xf32>, vector<16x3200xf32>, vector<16x3200xf32> -> vector<144x3200xf32>
    %add3A_818 = arith.addf %concatenate3A_113, %concatenate3A_817 : vector<144x3200xf32>
    %slice3A_819 = vector.extract_strided_slice %add3A_818 {offsets = [0, 0], sizes = [128, 3200], strides = [1, 1]} : vector<144x3200xf32> to vector<128x3200xf32>
    %transpose3A_820 = tpu.transpose %slice3A_819, [1, 0] : vector<128x3200xf32> -> vector<3200x128xf32>
    %swap3A = arith.constant 0 : index
    %swap3A_821 = arith.constant 0 : index
    %swap3A_822 = vector.load %arg13[%swap3A, %swap3A_821] : memref<3200x128xf32, #tpu.memory_space<vmem>>, vector<3200x128xf32>
    tpu.vector_store %arg13[%swap3A, %swap3A_821], %transpose3A_820 {strides = array<i32>} : memref<3200x128xf32, #tpu.memory_space<vmem>>, vector<3200x128xf32>,
    %slice3A_823 = vector.extract_strided_slice %add3A_818 {offsets = [128, 0], sizes = [16, 3200], strides = [1, 1]} : vector<144x3200xf32> to vector<16x3200xf32>
    %transpose3A_824 = tpu.transpose %slice3A_823, [1, 0] : vector<16x3200xf32> -> vector<3200x16xf32>
    %swap3A_825 = arith.constant 0 : index
    %swap3A_826 = arith.constant 0 : index
    %swap3A_827 = vector.load %arg14[%swap3A_825, %swap3A_826] : memref<3200x128xf32, #tpu.memory_space<vmem>>, vector<3200x16xf32>
    tpu.vector_store %arg14[%swap3A_825, %swap3A_826], %transpose3A_824 {strides = array<i32>} : memref<3200x128xf32, #tpu.memory_space<vmem>>, vector<3200x16xf32>,
    %broadcast_in_dim3A_828 = arith.constant 0.000000e+00 : f32
    %broadcast_in_dim3A_829 = vector.broadcast %broadcast_in_dim3A_828 : f32 to vector<3200x112xf32>
    %swap3A_830 = arith.constant 0 : index
    %swap3A_831 = arith.constant 16 : index
    %swap3A_832 = vector.load %arg14[%swap3A_830, %swap3A_831] : memref<3200x128xf32, #tpu.memory_space<vmem>>, vector<3200x112xf32>
    tpu.vector_store %arg14[%swap3A_830, %swap3A_831], %broadcast_in_dim3A_829 {strides = array<i32>} : memref<3200x128xf32, #tpu.memory_space<vmem>>, vector<3200x112xf32>,
    return
  }
  func.func @transform_0(%arg0: i32) -> (i32, i32) {
    %c0_i32 = arith.constant 0 : i32
    %c0_i32_0 = arith.constant 0 : i32
    return %arg0, %c0_i32 : i32, i32
  }
  func.func @transform_1(%arg0: i32) -> (i32, i32) {
    %c0_i32 = arith.constant 0 : i32
    %c0_i32_0 = arith.constant 0 : i32
    return %arg0, %c0_i32 : i32, i32
  }
  func.func @transform_2(%arg0: i32) -> (i32, i32) {
    %c0_i32 = arith.constant 0 : i32
    %c0_i32_0 = arith.constant 0 : i32
    return %c0_i32, %arg0 : i32, i32
  }
  func.func @transform_3(%arg0: i32) -> (i32, i32) {
    %c0_i32 = arith.constant 0 : i32
    %c0_i32_0 = arith.constant 0 : i32
    return %c0_i32, %arg0 : i32, i32
  }
  func.func @transform_4(%arg0: i32) -> (i32, i32) {
    %c0_i32 = arith.constant 0 : i32
    %c0_i32_0 = arith.constant 0 : i32
    %c0_i32_1 = arith.constant 0 : i32
    return %c0_i32, %c0_i32_0 : i32, i32
  }
  func.func @transform_5(%arg0: i32) -> (i32, i32) {
    %c0_i32 = arith.constant 0 : i32
    %c0_i32_0 = arith.constant 0 : i32
    %c0_i32_1 = arith.constant 0 : i32
    return %c0_i32, %c0_i32_0 : i32, i32
  }
  func.func @transform_6(%arg0: i32) -> (i32, i32) {
    %c0_i32 = arith.constant 0 : i32
    %c0_i32_0 = arith.constant 0 : i32
    %c0_i32_1 = arith.constant 0 : i32
    return %c0_i32, %c0_i32_0 : i32, i32
  }
  func.func @transform_7(%arg0: i32) -> (i32, i32) {
    %c0_i32 = arith.constant 0 : i32
    %c0_i32_0 = arith.constant 0 : i32
    %c0_i32_1 = arith.constant 0 : i32
    return %c0_i32, %c0_i32_0 : i32, i32
  }
  func.func @transform_8(%arg0: i32) -> (i32, i32) {
    %c0_i32 = arith.constant 0 : i32
    %c0_i32_0 = arith.constant 0 : i32
    %c0_i32_1 = arith.constant 0 : i32
    return %c0_i32, %c0_i32_0 : i32, i32
  }
  func.func @transform_9(%arg0: i32) -> (i32, i32) {
    %c0_i32 = arith.constant 0 : i32
    %c0_i32_0 = arith.constant 0 : i32
    %c0_i32_1 = arith.constant 0 : i32
    return %c0_i32, %c0_i32_0 : i32, i32
  }
  func.func @transform_10(%arg0: i32) -> (i32, i32) {
    %c0_i32 = arith.constant 0 : i32
    %c0_i32_0 = arith.constant 0 : i32
    %c0_i32_1 = arith.constant 0 : i32
    return %c0_i32, %c0_i32_0 : i32, i32
  }
  func.func @transform_11(%arg0: i32) -> (i32, i32) {
    %c0_i32 = arith.constant 0 : i32
    %c0_i32_0 = arith.constant 0 : i32
    %c0_i32_1 = arith.constant 0 : i32
    return %c0_i32, %c0_i32_0 : i32, i32
  }
  func.func @transform_12(%arg0: i32) -> (i32, i32) {
    %c0_i32 = arith.constant 0 : i32
    %c0_i32_0 = arith.constant 0 : i32
    return %arg0, %c0_i32 : i32, i32
  }
  func.func @transform_13(%arg0: i32) -> (i32, i32) {
    %c0_i32 = arith.constant 0 : i32
    %c0_i32_0 = arith.constant 0 : i32
    return %arg0, %c0_i32 : i32, i32
  }
}

</mosaic_0001>

<sc_bundles>
// kernel: kernel.11.cloned.1.call-start
scs
__scs_entry_jumppad:
0x0: {  	(pc) =	sbr.rel $0x88, $3  }
0x1: {  	(tag) =	ssettag $0x0;
	lr =	simm.s32 $0x1  }
0x2: {  	[smem:$0x3F8E] =	sst lr;
	_ =	strace $0xD0000000  }
0x3: {  	_ = 	snop  }
0x4: {  	_ = 	snop  }
0x5: {  	_ = 	snop  }
0x6: {  	_ = 	snop  }
0x7: {  	_ = 	snop  }
__scs_overlays_trampoline_lowered:
0x8: {  	[smem:$0x3F9D] =	sst s0  }
0x9: {  	[smem:$0x3F9E] =	sst s1  }
0xa: {  	[smem:$0x3F9F] =	sst s2  }
0xb: {  	[smem:$0x3FA0] =	sst s3  }
0xc: {  	[smem:$0x3FA1] =	sst s4  }
0xd: {  	[smem:$0x3FA2] =	sst s5  }
0xe: {  	[smem:$0x3FA3] =	sst s6  }
0xf: {  	[smem:$0x3FA4] =	sst s7  }
0x10: {  	[smem:$0x3FA5] =	sst s8  }
0x11: {  	[smem:$0x3FA6] =	sst s9;
	s0 =	simm.s32 @!p0 $0x0  }
0x12: {  	s1 =	sld [smem:$0x3F8C];
	s0 =	simm.s32 @p0 $0x1  }
0x13: {  	[smem:$0x3FA7] =	sst s0;
	s0 =	simm.s32 @!p1 $0x0  }
0x14: {  	s2 =	sld [smem:$0x3F8B];
	s0 =	simm.s32 @p1 $0x1  }
0x15: {  	[smem:$0x3FA8] =	sst s0;
	s0 =	simm.s32 @!p2 $0x0  }
0x16: {  	s3 =	sld [smem:$0x3FDB];
	s0 =	simm.s32 @p2 $0x1  }
0x17: {  	s4 =	simm.s32 $0x1BF5;
	[smem:$0x3FAA] =	sst s0  }
0x18: {  	s0 =	sld [smem:$0x3F8D];
	_ =	swait.ge [sflag:s4], $0x0  }
0x19: {  	s7 =	sld [smem:$0x3F8E]  }
0x1a: {  	s8 =	sadd.s32 $0xFFFFE003, lr  }
0x1b: {  	s9 =	sadd.s32 $0xFFFFFEF7, lr;
	s5 =	simm.s32 $0xFFFFFFFF;
	p2 =	slt.u32 s8, $0xFFFFF086  }
0x1c: {  	p1 =	slt.u32 s9, $0xF7A;
	s5 =	simm.s32 @!p2 $0x0  }
0x1d: {  	s5 =	simm.s32 @p1 $0x1;
	p0 =	seq.s32 s7, s2  }
0x1e: {  	s7 =	smul.u32 @!p0 $0xF7A, s2;
	p2 =	seq.s32 @!p0 s5, $0x0  }
0x1f: {  	s9 =	smul.u32 $0xF7A, s1;
	s8 =	simm.s32 @!p0 $0x1BF5;
	p2 =	por !p2, p0  }
0x20: {  	[sflag:s8] =	ssyncset.s32 @!p0 $0xFFFFF086;
	s6 =	sadd.s32 @!p0 s3, s7;
	s7 =	simm.s32 @!p0 $0x108  }
0x21: {  	s3 =	sadd.s32 s3, s9;
	s6 =	sadd.s32 @!p0 $0x88, s6;
	s7 =	simm.s32 @p2 $0x1082  }
0x22: {  	[simem:s7], [sflag:s8] =	dma.local @!p0 [hbm:s6], $0xF7A  }
0x23: {  	s9 =	sor.u32 $0xD0000000, s2;
	s6 =	simm.s32 $0x108;
	_ =	swait.ge @!p0 [sflag:s8], $0x0  }
0x24: {  	s3 =	sadd.s32 $0x88, s3;
	s6 =	simm.s32 @!p1 $0x1082;
	[sflag:s4] =	ssyncset.s32 $0xFFFFF086  }
0x25: {  	[simem:s6], [sflag:s4] =	dma.local [hbm:s3], $0xF7A  }
0x26: {  	[smem:$0x3F8E] =	sst s1;
	(tag) =	ssettag s2;
	_ =	strace s9  }
0x27: {  	s1 =	sld [smem:$0x3F9E]  }
0x28: {  	s2 =	sld [smem:$0x3F9F]  }
0x29: {  	s4 =	sld [smem:$0x3FA1]  }
0x2a: {  	p0 =	seq.s32 s5, $0x0;
	s5 =	sld [smem:$0x3FA2]  }
0x2b: {  	s6 =	sld [smem:$0x3FA3]  }
0x2c: {  	s7 =	sld [smem:$0x3FA4]  }
0x2d: {  	s3 =	simm.s32 $0x108;
	s8 =	sld [smem:$0x3FA5]  }
0x2e: {  	s3 =	simm.s32 @!p0 $0x1082;
	s9 =	sld [smem:$0x3FA6]  }
0x2f: {  	lr =	sadd.s32 s0, s3;
	s0 =	sld [smem:$0x3F9D]  }
0x30: {  	s3 =	sld [smem:$0x3FA0]  }
0x31: {  	[smem:$0x3FA9] =	sst s10  }
0x32: {  	s10 =	sld [smem:$0x3FA7];
	_ =	sdelay $0x3  }
0x33: {  	p0 =	seq.s32 s10, $0x1;
	s10 =	sld [smem:$0x3FA9];
	_ =	sdelay $0x3  }
0x34: {  	[smem:$0x3FA9] =	sst s10  }
0x35: {  	s10 =	sld [smem:$0x3FA8];
	_ =	sdelay $0x3  }
0x36: {  	p1 =	seq.s32 s10, $0x1;
	s10 =	sld [smem:$0x3FA9];
	_ =	sdelay $0x3  }
0x37: {  	[smem:$0x3FA9] =	sst s10  }
0x38: {  	s10 =	sld [smem:$0x3FAA]  }
0x39: {  	_ = 	snop;
	(pc) =	sbr.ind lr, $3  }
0x3a: {  	_ = 	snop  }
0x3b: {  	_ = 	snop  }
0x3c: {  	p2 =	seq.s32 s10, $0x1;
	s10 =	sld [smem:$0x3FA9]  }
0x3d: {  	_ =	shalt  }
0x3e: {  	_ =	shalt  }
0x3f: {  	_ =	shalt  }
0x40: {  	_ =	shalt  }
0x41: {  	_ =	shalt  }
0x42: {  	_ =	shalt  }
0x43: {  	_ =	shalt  }
0x44: {  	_ =	shalt  }
0x45: {  	_ =	shalt  }
0x46: {  	_ =	shalt  }
0x47: {  	_ =	shalt  }
0x48: {  	_ =	shalt  }
0x49: {  	_ =	shalt  }
0x4a: {  	_ =	shalt  }
0x4b: {  	_ =	shalt  }
0x4c: {  	_ =	shalt  }
0x4d: {  	_ =	shalt  }
0x4e: {  	_ =	shalt  }
0x4f: {  	_ =	shalt  }
0x50: {  	_ =	shalt  }
0x51: {  	_ =	shalt  }
0x52: {  	_ =	shalt  }
0x53: {  	_ =	shalt  }
0x54: {  	_ =	shalt  }
0x55: {  	_ =	shalt  }
0x56: {  	_ =	shalt  }
0x57: {  	_ =	shalt  }
0x58: {  	_ =	shalt  }
0x59: {  	_ =	shalt  }
0x5a: {  	_ =	shalt  }
0x5b: {  	_ =	shalt  }
0x5c: {  	_ =	shalt  }
0x5d: {  	_ =	shalt  }
0x5e: {  	_ =	shalt  }
0x5f: {  	_ =	shalt  }
0x60: {  	_ =	shalt  }
0x61: {  	_ =	shalt  }
0x62: {  	_ =	shalt  }
0x63: {  	_ =	shalt  }
0x64: {  	_ =	shalt  }
0x65: {  	_ =	shalt  }
0x66: {  	_ =	shalt  }
0x67: {  	_ =	shalt  }
0x68: {  	_ =	shalt  }
0x69: {  	_ =	shalt  }
0x6a: {  	_ =	shalt  }
0x6b: {  	_ =	shalt  }
0x6c: {  	_ =	shalt  }
0x6d: {  	_ =	shalt  }
0x6e: {  	_ =	shalt  }
0x6f: {  	_ =	shalt  }
0x70: {  	_ =	shalt  }
0x71: {  	_ =	shalt  }
0x72: {  	_ =	shalt  }
0x73: {  	_ =	shalt  }
0x74: {  	_ =	shalt  }
0x75: {  	_ =	shalt  }
0x76: {  	_ =	shalt  }
0x77: {  	_ =	shalt  }
0x78: {  	_ =	shalt  }
0x79: {  	_ =	shalt  }
0x7a: {  	_ =	shalt  }
0x7b: {  	_ =	shalt  }
0x7c: {  	_ =	shalt  }
0x7d: {  	_ =	shalt  }
0x7e: {  	_ =	shalt  }
0x7f: {  	_ =	shalt  }
0x80: {  	_ =	shalt  }
0x81: {  	_ =	shalt  }
0x82: {  	_ =	shalt  }
0x83: {  	_ =	shalt  }
0x84: {  	_ =	shalt  }
0x85: {  	_ =	shalt  }
0x86: {  	_ =	shalt  }
0x87: {  	_ =	shalt  }
.Lfunc_end0:
.L_simem_size_0:
called_computation.1_lowered:
.L_overlay_start_0:
0x88: {  	s2 =	sld [smem:$0x3FD9]  }
0x89: {  	s3 =	sld [smem:$0x3FFE];
	_ =	sdelay $0x1  }
0x8a: {  	s1 =	srdreg.scid  }
0x8b: {  	s0 =	sand.u32 $0x1, s1  }
0x8c: {  	s17 =	sshll.u32 s0, $0xA;
	s2 =	sadd.s32 s3, s2  }
0x8d: {  	s2 =	sadd.s32 s2, s17  }
0x8e: {  	[smem:$0x3FB5] =	sst s2  }
0x8f: {  	_ = 	snop  }
0x90: {  	(tm) =	ssettm $0x1  }
0x91: {  	s18 =	sld [smem:$0x3FFB];
	_ =	sdelay $0x3  }
0x92: {  	_ =	strace s18  }
0x93: {  	s2 =	sld [smem:$0x3FFC];
	_ =	sdelay $0x3  }
0x94: {  	_ =	strace s2  }
0x95: {  	s2 =	sld [smem:$0x3FFD];
	_ =	sdelay $0x3  }
0x96: {  	_ =	strace s2  }
0x97: {  	_ =	strace $0x8FFFFFFF  }
0x98: {  	s19 =	sld [smem:$0x3FDB];
	_ =	sdelay $0x1  }
0x99: {  	s20 =	simm.s32 $_scs_section_size  }
0x9a: {  	s4 =	simm.s32 $_size__tile_overlayer_lowered;
	s5 =	simm.s32 $_tile_overlayer_lowered  }
0x9b: {  	s6 =	simm.s32 $0x1BFF;
	s21 =	sshll.u32 s5, $0x1;
	s3 =	sadd.s32 s20, s19  }
0x9c: {  	s22 =	simm.s32 $0x0;
	s4 =	sshll.u32 s4, $0x1;
	s5 =	sadd.s32 s21, s3  }
0x9d: {  	[timem:s22], [sflag:s6] =	dma.local [hbm:s5], s4  }
0x9e: {  	_ =	swait.ge [sflag:s6], s4  }
0x9f: {  	s4 =	ssub.s32 $0x0, s4;
	[sflag:s6] =	ssyncset.done $0x0  }
0xa0: {  	[sflag:s6] =	ssyncadd.s32 s4;
	_ =	sdelay $0x1  }
0xa1: {  	s23 =	simm.s32 $0x1B8B  }
0xa2: {  	_ =	swait.ge [sflag:s23], $0x1  }
0xa3: {  	[sflag:s23] =	ssyncset.done $0x0  }
0xa4: {  	[sflag:s23] =	ssyncadd.s32 $0xFFFFFFFF  }
0xa5: {  	s4 =	sld [smem:$0x0]  }
0xa6: {  	s5 =	sand.u32 $0xFFFFFFFE, s1  }
0xa7: {  	p0 =	sne.s32 s1, s5  }
0xa8: {  	s5 =	sshll.u32 @p0 s5, $0xE  }
0xa9: {  	s5 =	sadd.s32 @p0 $0x11B8D, s5;
	s6 =	sshll.u32 @p0 s4, $0x11  }
0xaa: {  	s5 =	sor.u32 @p0 s6, s5  }
0xab: {  	[sflag:s5] =	ssyncadd.remote.s32 @p0 $0x1;
	_ =	sdelay $0x1  }
0xac: {  	s5 =	simm.s32 @p0 $0x1B8D  }
0xad: {  	_ =	swait.eq @p0 [sflag:s5], $0x1  }
0xae: {  	[sflag:s5] =	ssyncadd.s32 @p0 $0xFFFFFFFF  }
0xaf: {  	s6 =	sshll.u32 @!p0 s1, $0xE  }
0xb0: {  	s6 =	sor.u32 @!p0 $0x4000, s6;
	s5 =	simm.s32 @!p0 $0x1B8D  }
0xb1: {  	s4 =	sshll.u32 @!p0 s4, $0x11;
	s6 =	sadd.s32 @!p0 $0x11B8D, s6;
	_ =	swait.eq @!p0 [sflag:s5], $0x1  }
0xb2: {  	s4 =	sor.u32 @!p0 s4, s6;
	[sflag:s5] =	ssyncadd.s32 @!p0 $0xFFFFFFFF  }
0xb3: {  	s25 =	simm.s32 $0x1B8E;
	s24 =	sld [smem:$0x3FFE];
	[sflag:s4] =	ssyncadd.remote.s32 @!p0 $0x1  }
0xb4: {  	s26 =	simm.s32 $execute0_lowered;
	[smem:$0x3FD2] =	sst s25  }
0xb5: {  	s5 =	sshll.u32 s26, $0x1;
	_ =	strace $0x8000004C;
	[dreg:$0x1] =	wrdreg $0xFFFFFFFF  }
0xb6: {  	s28 =	simm.s32 $_size_execute0_lowered;
	s3 =	sadd.s32 s3, s5;
	[dreg:$0x0] =	wrdreg $0x0  }
0xb7: {  	s5 =	sshll.u32 s28, $0x1;
	[dreg:$0x2] =	wrdreg s3  }
0xb8: {  	[dreg:$0x3] =	wrdreg s5  }
0xb9: {  	[dreg:$0x4] =	wrdreg $0xC0  }
0xba: {  	_ =	task [dreg:s22], $0x5FFFF  }
0xbb: {  	[dreg:$0x1] =	wrdreg $0xFFFFFFFF  }
0xbc: {  	[dreg:$0x0] =	wrdreg $0x60  }
0xbd: {  	[dreg:$0x2] =	wrdreg s24  }
0xbe: {  	[dreg:$0x3] =	wrdreg $0x0  }
0xbf: {  	[dreg:$0x4] =	wrdreg $0xA  }
0xc0: {  	_ =	task.clear_ibuf [dreg:s22], $0x5FFFF;
	_ =	strace $0x9000004C  }
0xc1: {  	s29 =	simm.s32 $0xA;
	_ =	strace $0x8000004E  }
0xc2: {  	_ =	swait.ge [sflag:s29], $0x1  }
0xc3: {  	[sflag:s29] =	ssyncadd.s32 $0xFFFFFFFF  }
0xc4: {  	_ =	strace $0x9000004E  }
0xc5: {  	_ =	sfence  }
0xc6: {  	s30 =	sld [smem:$0x0];
	_ =	sdelay $0x2  }
0xc7: {  	s31 =	sshll.u32 s1, $0xD;
	s1 =	sshrl.u32 s1, $0x2  }
0xc8: {  	s4 =	sand.u32 $0x4000, s31;
	s1 =	sadd.s32 s1, s30  }
0xc9: {  	s0 =	sor.u32 s4, s0;
	s1 =	sshll.u32 s1, $0x11  }
0xca: {  	s0 =	sor.u32 s1, s0  }
0xcb: {  	s0 =	sadd.s32 $0x8F2B, s0  }
0xcc: {  	[sflag:s0] =	ssyncadd.remote.s32 $0x1  }
0xcd: {  	_ =	sfence.sel $0xFFFF  }
0xce: {  	[dreg:$0x0] =	wrdreg $0xFFFFFFFF;
	(pc) =	sbr.abs _section_cstart, $3  }
0xcf: {  	[dreg:$0x1] =	wrdreg $0xFFFFFFFF  }
0xd0: {  	_ =	task.clear_ibuf [dreg:s22], $0x2FFFF;
	_ =	strace $0x9FFFFFFF  }
0xd1: {  	(tm) =	ssettm $0x7FFFFFFF  }
tec
execute0_lowered:
.L_overlay_start_1:
0x0: {  	(tag) =	ssettag $0x1  }
0x1: {  	s9 =	rddreg [dreg:$0x0]  }
0x2: {  	s1 =	rddreg [dreg:$0x1]  }
0x3: {  	s0 =	rddreg [dreg:$0x2];
	s2 =	simm.s32 $0x0;
	s3 =	srdreg.scid  }
0x4: {  	s24 =	stileid.u32;
	s16 =	simm.s32 $0x3;
	s17 =	simm.s32 $0x14000  }
0x5: {  	s18 =	simm.s32 $0x14100;
	s19 =	simm.s32 $0x14080;
	s20 =	simm.s32 $0x18100  }
0x6: {  	s21 =	simm.s32 $0x1;
	s22 =	simm.s32 $0x80;
	s23 =	simm.s32 $0x2  }
0x7: {  	[smem:$0x7FF] =	sst s2;
	s7 =	sand.u32 $0x1, s3;
	s6 =	smul.u32 $0x14000, s24  }
0x8: {  	s3 =	sadd.s32 $0x56A000, s9;
	s4 =	sadd.s32 $0x6A2800, s9;
	s8 =	sshll.u32 s24, $0x4  }
0x9: {  	s28 =	smul.u32 $0x50000, s24;
	s30 =	sshll.u32 s24, $0x6;
	s31 =	sshll.u32 s24, $0xB  }
0xa: {  	p1 =	sne.s32 s24, $0x0;
	p2 =	seq.s32 s24, $0x0;
	s24 =	simm.s32 $0x0  }
0xb: {  	s5 =	smul.u32 $0x140000, s7;
	_ =	strace $0x8000004D;
	s10 =	ssub.s32 $0x2, s7  }
0xc: {  	s8 =	sadd.s32 s8, s9;
	p0 =	seq.s32 s7, $0x1;
	s29 =	sshrl.u32 s10, $0x1  }
0xd: {  	s7 =	sadd.s32 $0x6E00, s8;
	s8 =	sadd.s32 s3, s31;
	s5 =	sadd.s32 s6, s5  }
.Ltmp0:
0xe: {  	s6 =	sshrl.u32 s28, $0x2;
	s12 =	ssub.s32 s10, s29;
	(pc) =	sbr.rel .LBB2_1-.Ltmp0, $4  }
0xf: {  	s10 =	sadd.s32 s4, s31;
	s13 =	sadd.s32 $0x8000, s8;
	s5 =	sshrl.u32 s5, $0x3  }
0x10: {  	s15 =	sadd.s32 s6, s1;
	s6 =	sor.u32 $0x1C03, s30;
	s12 =	smax.u32 s12, $0x1  }
0x11: {  	s14 =	sadd.s32 $0x8000, s10;
	s11 =	sadd.s32 s5, s9;
	s9 =	sadd.s32 $0x9500, s9  }
0x12: {  	s15 =	sshrl.u32 s15, $0x3;
	s5 =	sadd.s32 $0x51A000, s11;
	s11 =	sadd.s32 $0x30800, s11  }
.LBB2_8:
0x13: {  	[tilespmem:s17], [sflag:$0x3] =	stream.linear.gather [hbm4b:s9+s2], $0x80, $0x38;
	[tilespmem:$0x1C100] =	vst v63  }
0x14: {  	_ =	swait.ge [sflag:s16], $0x80  }
0x15: {  	[sflag:s16] =	ssyncset.done $0x0  }
0x16: {  	s25 =	sadd.s32 $0x138000, s25;
	[sflag:s16] =	ssyncadd.s32 $0xFFFFFF80  }
0x17: {  	[tilespmem:s18], [sflag:$0x3] =	stream.linear.gather [hbm4b:s25+s2], $0x4000, $0x38;
	[tilespmem:$0x1C100] =	vst v63  }
0x18: {  	_ =	swait.ge [sflag:s16], $0x4000  }
0x19: {  	[sflag:s16] =	ssyncset.done $0x0  }
0x1a: {  	[sflag:s16] =	ssyncadd.s32 $0xFFFFC000  }
0x1b: {  	[spmem:s1] =	stream.indirect.scatter.add.f32 [tilespmem:s18], [sflag:$0x3], $0x80, s17, s22, $0xb8;
	[tilespmem:$0x1C100] =	vst v63  }
0x1c: {  	_ =	swait.ge [sflag:s16], $0x4000  }
0x1d: {  	[sflag:s16] =	ssyncset.done $0x0  }
0x1e: {  	[sflag:s16] =	ssyncadd.s32 $0xFFFFC000  }
.LBB2_9:
0x1f: {  	s24 =	sadd.s32 $0x1, s24  }
0x20: {  	p3 =	sne.s32 s24, s12  }
.Ltmp1:
0x21: {  	[bflag:$0x0] =	sbarrier.arrive $0xFFFF;
	(pc) =	sbr.rel @!p3 .LBB2_10-.Ltmp1, $4  }
0x22: {  	[hbm:s11], [sflag:s6] =	dma.local [spmem:s15], $0x2800  }
0x23: {  	_ =	swait.ge [sflag:s16], $0x2800  }
0x24: {  	[sflag:s16] =	ssyncset.done $0x0  }
0x25: {  	[sflag:s16] =	ssyncadd.s32 $0xFFFFD800  }
.LBB2_1:
0x26: {  	[spmem:s15], [sflag:s6] =	dma.local [hbm:s5], $0x2800  }
0x27: {  	_ =	swait.ge [sflag:s16], $0x2800  }
0x28: {  	[sflag:s16] =	ssyncset.done $0x0  }
0x29: {  	[sflag:s16] =	ssyncadd.s32 $0xFFFFD800  }
.Ltmp2:
0x2a: {  	[bflag:$0x0] =	sbarrier.arrive $0xFFFF;
	(pc) =	sbr.rel @!p0 .LBB2_2-.Ltmp2, $4  }
0x2b: {  	[tilespmem:s17], [sflag:$0x3] =	stream.linear.gather [hbm4b:s7+s2], $0x80, $0x38;
	[tilespmem:$0x1C100] =	vst v63  }
0x2c: {  	_ =	swait.ge [sflag:s16], $0x80  }
0x2d: {  	[sflag:s16] =	ssyncset.done $0x0  }
0x2e: {  	s25 =	simm.s32 $0x0;
	[sflag:s16] =	ssyncadd.s32 $0xFFFFFF80  }
0x2f: {  	[tilespmem:s18], [sflag:$0x1] =	stream.linear.gather [hbm4b:s10+s25], $0x4000, $0x38;
	[tilespmem:$0x1C100] =	vst v63  }
0x30: {  	s30 =	sadd.s32 $0x0, s7  }
0x31: {  	s26 =	sadd.s32 $0x100, s30  }
0x32: {  	[tilespmem:s19], [sflag:$0x3] =	stream.linear.gather [hbm4b:s26+s2], $0x80, $0x38;
	[tilespmem:$0x1C100] =	vst v63  }
0x33: {  	_ =	swait.ge [sflag:s16], $0x80  }
0x34: {  	[sflag:s16] =	ssyncset.done $0x0  }
0x35: {  	[sflag:s16] =	ssyncadd.s32 $0xFFFFFF80  }
0x36: {  	[tilespmem:s20], [sflag:$0x2] =	stream.linear.gather [hbm4b:s14+s2], $0x4000, $0x38;
	[tilespmem:$0x1C100] =	vst v63  }
0x37: {  	_ =	swait.ge [sflag:s21], $0x4000  }
0x38: {  	[sflag:s21] =	ssyncset.done $0x0  }
0x39: {  	[sflag:s21] =	ssyncadd.s32 $0xFFFFC000  }
0x3a: {  	[spmem:s1] =	stream.indirect.scatter.add.f32 [tilespmem:s18], [sflag:$0x3], $0x80, s17, s22, $0xb8;
	[tilespmem:$0x1C100] =	vst v63  }
0x3b: {  	_ =	swait.ge [sflag:s16], $0x4000  }
0x3c: {  	[sflag:s16] =	ssyncset.done $0x0  }
0x3d: {  	s25 =	sadd.s32 $0x200, s30;
	[sflag:s16] =	ssyncadd.s32 $0xFFFFC000  }
0x3e: {  	[tilespmem:s17], [sflag:$0x3] =	stream.linear.gather [hbm4b:s25+s2], $0x80, $0x38;
	[tilespmem:$0x1C100] =	vst v63  }
0x3f: {  	_ =	swait.ge [sflag:s16], $0x80  }
0x40: {  	[sflag:s16] =	ssyncset.done $0x0  }
0x41: {  	s31 =	sadd.s32 $0x8000, s14;
	[sflag:s16] =	ssyncadd.s32 $0xFFFFFF80  }
0x42: {  	[tilespmem:s18], [sflag:$0x1] =	stream.linear.gather [hbm4b:s31+s2], $0x4000, $0x38;
	[tilespmem:$0x1C100] =	vst v63  }
0x43: {  	_ =	swait.ge [sflag:s23], $0x4000  }
0x44: {  	[sflag:s23] =	ssyncset.done $0x0  }
0x45: {  	[sflag:s23] =	ssyncadd.s32 $0xFFFFC000  }
0x46: {  	[spmem:s1] =	stream.indirect.scatter.add.f32 [tilespmem:s20], [sflag:$0x3], $0x80, s19, s22, $0xb8;
	[tilespmem:$0x1C100] =	vst v63  }
0x47: {  	s28 =	simm.s32 $0x400;
	_ =	swait.ge [sflag:s16], $0x4000  }
0x48: {  	s26 =	sadd.s32 $0x200, s7;
	s25 =	sadd.s32 $0x10000, s14;
	[sflag:s16] =	ssyncset.done $0x0  }
.LBB2_6:
0x49: {  	s29 =	sadd.s32 $0x100, s26  }
0x4a: {  	[sflag:s16] =	ssyncadd.s32 $0xFFFFC000;
	s30 =	smov.u32 s28;
	s31 =	sadd.s32 $0x200, s28  }
0x4b: {  	[tilespmem:s19], [sflag:$0x3] =	stream.linear.gather [hbm4b:s29+s2], $0x80, $0x38;
	[tilespmem:$0x1C100] =	vst v63  }
0x4c: {  	p3 =	sne.s32 s28, $0x2400;
	_ =	swait.ge [sflag:s16], $0x80  }
0x4d: {  	[sflag:s16] =	ssyncset.done $0x0  }
0x4e: {  	[sflag:s16] =	ssyncadd.s32 $0xFFFFFF80  }
0x4f: {  	[tilespmem:s20], [sflag:$0x2] =	stream.linear.gather [hbm4b:s25+s2], $0x4000, $0x38;
	[tilespmem:$0x1C100] =	vst v63  }
0x50: {  	_ =	swait.ge [sflag:s21], $0x4000  }
0x51: {  	[sflag:s21] =	ssyncset.done $0x0  }
0x52: {  	[sflag:s21] =	ssyncadd.s32 $0xFFFFC000  }
0x53: {  	[spmem:s1] =	stream.indirect.scatter.add.f32 [tilespmem:s18], [sflag:$0x3], $0x80, s17, s22, $0xb8;
	[tilespmem:$0x1C100] =	vst v63  }
0x54: {  	_ =	swait.ge [sflag:s16], $0x4000  }
0x55: {  	[sflag:s16] =	ssyncset.done $0x0  }
0x56: {  	s26 =	sadd.s32 $0x200, s26;
	[sflag:s16] =	ssyncadd.s32 $0xFFFFC000  }
0x57: {  	[tilespmem:s17], [sflag:$0x3] =	stream.linear.gather [hbm4b:s26+s2], $0x80, $0x38;
	[tilespmem:$0x1C100] =	vst v63  }
0x58: {  	_ =	swait.ge [sflag:s16], $0x80  }
0x59: {  	[sflag:s16] =	ssyncset.done $0x0  }
0x5a: {  	s26 =	sadd.s32 $0x8000, s25;
	[sflag:s16] =	ssyncadd.s32 $0xFFFFFF80  }
0x5b: {  	[tilespmem:s18], [sflag:$0x1] =	stream.linear.gather [hbm4b:s26+s2], $0x4000, $0x38;
	[tilespmem:$0x1C100] =	vst v63  }
0x5c: {  	_ =	swait.ge [sflag:s23], $0x4000  }
.Ltmp3:
0x5d: {  	[sflag:s23] =	ssyncset.done $0x0;
	(pc) =	sbr.rel @p3 .LBB2_6-.Ltmp3, $4  }
0x5e: {  	[sflag:s23] =	ssyncadd.s32 $0xFFFFC000  }
0x5f: {  	[spmem:s1] =	stream.indirect.scatter.add.f32 [tilespmem:s20], [sflag:$0x3], $0x80, s19, s22, $0xb8;
	[tilespmem:$0x1C100] =	vst v63  }
0x60: {  	s28 =	smov.u32 s31;
	_ =	swait.ge [sflag:s16], $0x4000  }
0x61: {  	s25 =	sadd.s32 $0x10000, s25;
	s26 =	sadd.s32 s30, s7;
	[sflag:s16] =	ssyncset.done $0x0  }
0x62: {  	s28 =	sadd.s32 $0x100, s26;
	[sflag:s16] =	ssyncadd.s32 $0xFFFFC000  }
0x63: {  	[tilespmem:s19], [sflag:$0x3] =	stream.linear.gather [hbm4b:s28+s2], $0x80, $0x38;
	[tilespmem:$0x1C100] =	vst v63  }
0x64: {  	_ =	swait.ge [sflag:s16], $0x80  }
0x65: {  	[sflag:s16] =	ssyncset.done $0x0  }
0x66: {  	[sflag:s16] =	ssyncadd.s32 $0xFFFFFF80  }
0x67: {  	[tilespmem:s20], [sflag:$0x2] =	stream.linear.gather [hbm4b:s25+s2], $0x4000, $0x38;
	[tilespmem:$0x1C100] =	vst v63  }
0x68: {  	_ =	swait.ge [sflag:s21], $0x4000  }
0x69: {  	[sflag:s21] =	ssyncset.done $0x0  }
0x6a: {  	[sflag:s21] =	ssyncadd.s32 $0xFFFFC000  }
0x6b: {  	[spmem:s1] =	stream.indirect.scatter.add.f32 [tilespmem:s18], [sflag:$0x3], $0x80, s17, s22, $0xb8;
	[tilespmem:$0x1C100] =	vst v63  }
0x6c: {  	_ =	swait.ge [sflag:s16], $0x4000  }
0x6d: {  	[sflag:s16] =	ssyncset.done $0x0  }
0x6e: {  	s30 =	sadd.s32 $0x200, s26;
	[sflag:s16] =	ssyncadd.s32 $0xFFFFC000  }
0x6f: {  	[tilespmem:s17], [sflag:$0x3] =	stream.linear.gather [hbm4b:s30+s2], $0x80, $0x38;
	[tilespmem:$0x1C100] =	vst v63  }
0x70: {  	_ =	swait.ge [sflag:s16], $0x80  }
0x71: {  	[sflag:s16] =	ssyncset.done $0x0  }
0x72: {  	s31 =	sadd.s32 $0x8000, s25;
	[sflag:s16] =	ssyncadd.s32 $0xFFFFFF80  }
0x73: {  	[tilespmem:s18], [sflag:$0x1] =	stream.linear.gather [hbm4b:s31+s2], $0x4000, $0x38;
	[tilespmem:$0x1C100] =	vst v63  }
0x74: {  	_ =	swait.ge [sflag:s23], $0x4000  }
0x75: {  	[sflag:s23] =	ssyncset.done $0x0  }
0x76: {  	[sflag:s23] =	ssyncadd.s32 $0xFFFFC000  }
0x77: {  	[spmem:s1] =	stream.indirect.scatter.add.f32 [tilespmem:s20], [sflag:$0x3], $0x80, s19, s22, $0xb8;
	[tilespmem:$0x1C100] =	vst v63  }
0x78: {  	_ =	swait.ge [sflag:s16], $0x4000  }
0x79: {  	[sflag:s16] =	ssyncset.done $0x0  }
0x7a: {  	[sflag:s16] =	ssyncadd.s32 $0xFFFFC000  }
0x7b: {  	_ =	swait.ge [sflag:s21], $0x4000  }
0x7c: {  	[sflag:s21] =	ssyncset.done $0x0  }
0x7d: {  	[sflag:s21] =	ssyncadd.s32 $0xFFFFC000  }
0x7e: {  	[spmem:s1] =	stream.indirect.scatter.add.f32 [tilespmem:s18], [sflag:$0x3], $0x80, s17, s22, $0xb8;
	[tilespmem:$0x1C100] =	vst v63  }
.Ltmp4:
0x7f: {  	_ = 	snop;
	(pc) =	sbr.rel @p1 .LBB2_9-.Ltmp4, $4  }
.Ltmp5:
0x80: {  	_ = 	snop;
	(pc) =	sbr.rel @!p1 .LBB2_8-.Ltmp5, $4  }
0x81: {  	_ =	swait.ge [sflag:s16], $0x4000  }
0x82: {  	[sflag:s16] =	ssyncset.done $0x0  }
0x83: {  	s25 =	smov.u32 s4;
	[sflag:s16] =	ssyncadd.s32 $0xFFFFC000  }
0x84: {  	_ = 	snop  }
.LBB2_2:
0x85: {  	[tilespmem:s18], [sflag:$0x1] =	stream.linear.gather [hbm4b:s8+s25], $0x4000, $0x38;
	[tilespmem:$0x1C100] =	vst v63  }
0x86: {  	s30 =	sadd.s32 $0x0, s7  }
0x87: {  	s26 =	sadd.s32 $0x100, s30  }
0x88: {  	[tilespmem:s19], [sflag:$0x3] =	stream.linear.gather [hbm4b:s26+s2], $0x80, $0x38;
	[tilespmem:$0x1C100] =	vst v63  }
0x89: {  	_ =	swait.ge [sflag:s16], $0x80  }
0x8a: {  	[sflag:s16] =	ssyncset.done $0x0  }
0x8b: {  	[sflag:s16] =	ssyncadd.s32 $0xFFFFFF80  }
0x8c: {  	[tilespmem:s20], [sflag:$0x2] =	stream.linear.gather [hbm4b:s13+s2], $0x4000, $0x38;
	[tilespmem:$0x1C100] =	vst v63  }
0x8d: {  	_ =	swait.ge [sflag:s21], $0x4000  }
0x8e: {  	[sflag:s21] =	ssyncset.done $0x0  }
0x8f: {  	[sflag:s21] =	ssyncadd.s32 $0xFFFFC000  }
0x90: {  	[spmem:s1] =	stream.indirect.scatter.add.f32 [tilespmem:s18], [sflag:$0x3], $0x80, s17, s22, $0xb8;
	[tilespmem:$0x1C100] =	vst v63  }
0x91: {  	_ =	swait.ge [sflag:s16], $0x4000  }
0x92: {  	[sflag:s16] =	ssyncset.done $0x0  }
0x93: {  	s25 =	sadd.s32 $0x200, s30;
	[sflag:s16] =	ssyncadd.s32 $0xFFFFC000  }
0x94: {  	[tilespmem:s17], [sflag:$0x3] =	stream.linear.gather [hbm4b:s25+s2], $0x80, $0x38;
	[tilespmem:$0x1C100] =	vst v63  }
0x95: {  	_ =	swait.ge [sflag:s16], $0x80  }
0x96: {  	[sflag:s16] =	ssyncset.done $0x0  }
0x97: {  	s31 =	sadd.s32 $0x8000, s13;
	[sflag:s16] =	ssyncadd.s32 $0xFFFFFF80  }
0x98: {  	[tilespmem:s18], [sflag:$0x1] =	stream.linear.gather [hbm4b:s31+s2], $0x4000, $0x38;
	[tilespmem:$0x1C100] =	vst v63  }
0x99: {  	_ =	swait.ge [sflag:s23], $0x4000  }
0x9a: {  	[sflag:s23] =	ssyncset.done $0x0  }
0x9b: {  	[sflag:s23] =	ssyncadd.s32 $0xFFFFC000  }
0x9c: {  	[spmem:s1] =	stream.indirect.scatter.add.f32 [tilespmem:s20], [sflag:$0x3], $0x80, s19, s22, $0xb8;
	[tilespmem:$0x1C100] =	vst v63  }
0x9d: {  	s28 =	simm.s32 $0x400;
	_ =	swait.ge [sflag:s16], $0x4000  }
0x9e: {  	s26 =	sadd.s32 $0x200, s7;
	s25 =	sadd.s32 $0x10000, s13;
	[sflag:s16] =	ssyncset.done $0x0  }
.LBB2_3:
0x9f: {  	s29 =	sadd.s32 $0x100, s26  }
0xa0: {  	[sflag:s16] =	ssyncadd.s32 $0xFFFFC000;
	s30 =	smov.u32 s28;
	s31 =	sadd.s32 $0x200, s28  }
0xa1: {  	[tilespmem:s19], [sflag:$0x3] =	stream.linear.gather [hbm4b:s29+s2], $0x80, $0x38;
	[tilespmem:$0x1C100] =	vst v63  }
0xa2: {  	p3 =	sne.s32 s28, $0x2400;
	_ =	swait.ge [sflag:s16], $0x80  }
0xa3: {  	[sflag:s16] =	ssyncset.done $0x0  }
0xa4: {  	[sflag:s16] =	ssyncadd.s32 $0xFFFFFF80  }
0xa5: {  	[tilespmem:s20], [sflag:$0x2] =	stream.linear.gather [hbm4b:s25+s2], $0x4000, $0x38;
	[tilespmem:$0x1C100] =	vst v63  }
0xa6: {  	_ =	swait.ge [sflag:s21], $0x4000  }
0xa7: {  	[sflag:s21] =	ssyncset.done $0x0  }
0xa8: {  	[sflag:s21] =	ssyncadd.s32 $0xFFFFC000  }
0xa9: {  	[spmem:s1] =	stream.indirect.scatter.add.f32 [tilespmem:s18], [sflag:$0x3], $0x80, s17, s22, $0xb8;
	[tilespmem:$0x1C100] =	vst v63  }
0xaa: {  	_ =	swait.ge [sflag:s16], $0x4000  }
0xab: {  	[sflag:s16] =	ssyncset.done $0x0  }
0xac: {  	s26 =	sadd.s32 $0x200, s26;
	[sflag:s16] =	ssyncadd.s32 $0xFFFFC000  }
0xad: {  	[tilespmem:s17], [sflag:$0x3] =	stream.linear.gather [hbm4b:s26+s2], $0x80, $0x38;
	[tilespmem:$0x1C100] =	vst v63  }
0xae: {  	_ =	swait.ge [sflag:s16], $0x80  }
0xaf: {  	[sflag:s16] =	ssyncset.done $0x0  }
0xb0: {  	s26 =	sadd.s32 $0x8000, s25;
	[sflag:s16] =	ssyncadd.s32 $0xFFFFFF80  }
0xb1: {  	[tilespmem:s18], [sflag:$0x1] =	stream.linear.gather [hbm4b:s26+s2], $0x4000, $0x38;
	[tilespmem:$0x1C100] =	vst v63  }
0xb2: {  	_ =	swait.ge [sflag:s23], $0x4000  }
.Ltmp6:
0xb3: {  	[sflag:s23] =	ssyncset.done $0x0;
	(pc) =	sbr.rel @p3 .LBB2_3-.Ltmp6, $4  }
0xb4: {  	[sflag:s23] =	ssyncadd.s32 $0xFFFFC000  }
0xb5: {  	[spmem:s1] =	stream.indirect.scatter.add.f32 [tilespmem:s20], [sflag:$0x3], $0x80, s19, s22, $0xb8;
	[tilespmem:$0x1C100] =	vst v63  }
0xb6: {  	s28 =	smov.u32 s31;
	_ =	swait.ge [sflag:s16], $0x4000  }
0xb7: {  	s25 =	sadd.s32 $0x10000, s25;
	s26 =	sadd.s32 s30, s7;
	[sflag:s16] =	ssyncset.done $0x0  }
0xb8: {  	s28 =	sadd.s32 $0x100, s26;
	[sflag:s16] =	ssyncadd.s32 $0xFFFFC000  }
0xb9: {  	[tilespmem:s19], [sflag:$0x3] =	stream.linear.gather [hbm4b:s28+s2], $0x80, $0x38;
	[tilespmem:$0x1C100] =	vst v63  }
0xba: {  	_ =	swait.ge [sflag:s16], $0x80  }
0xbb: {  	[sflag:s16] =	ssyncset.done $0x0  }
0xbc: {  	[sflag:s16] =	ssyncadd.s32 $0xFFFFFF80  }
0xbd: {  	[tilespmem:s20], [sflag:$0x2] =	stream.linear.gather [hbm4b:s25+s2], $0x4000, $0x38;
	[tilespmem:$0x1C100] =	vst v63  }
0xbe: {  	_ =	swait.ge [sflag:s21], $0x4000  }
0xbf: {  	[sflag:s21] =	ssyncset.done $0x0  }
0xc0: {  	[sflag:s21] =	ssyncadd.s32 $0xFFFFC000  }
0xc1: {  	[spmem:s1] =	stream.indirect.scatter.add.f32 [tilespmem:s18], [sflag:$0x3], $0x80, s17, s22, $0xb8;
	[tilespmem:$0x1C100] =	vst v63  }
0xc2: {  	_ =	swait.ge [sflag:s16], $0x4000  }
0xc3: {  	[sflag:s16] =	ssyncset.done $0x0  }
0xc4: {  	s30 =	sadd.s32 $0x200, s26;
	[sflag:s16] =	ssyncadd.s32 $0xFFFFC000  }
0xc5: {  	[tilespmem:s17], [sflag:$0x3] =	stream.linear.gather [hbm4b:s30+s2], $0x80, $0x38;
	[tilespmem:$0x1C100] =	vst v63  }
0xc6: {  	_ =	swait.ge [sflag:s16], $0x80  }
0xc7: {  	[sflag:s16] =	ssyncset.done $0x0  }
0xc8: {  	s31 =	sadd.s32 $0x8000, s25;
	[sflag:s16] =	ssyncadd.s32 $0xFFFFFF80  }
0xc9: {  	[tilespmem:s18], [sflag:$0x1] =	stream.linear.gather [hbm4b:s31+s2], $0x4000, $0x38;
	[tilespmem:$0x1C100] =	vst v63  }
0xca: {  	_ =	swait.ge [sflag:s23], $0x4000  }
0xcb: {  	[sflag:s23] =	ssyncset.done $0x0  }
0xcc: {  	[sflag:s23] =	ssyncadd.s32 $0xFFFFC000  }
0xcd: {  	[spmem:s1] =	stream.indirect.scatter.add.f32 [tilespmem:s20], [sflag:$0x3], $0x80, s19, s22, $0xb8;
	[tilespmem:$0x1C100] =	vst v63  }
0xce: {  	_ =	swait.ge [sflag:s16], $0x4000  }
0xcf: {  	[sflag:s16] =	ssyncset.done $0x0  }
0xd0: {  	[sflag:s16] =	ssyncadd.s32 $0xFFFFC000  }
0xd1: {  	_ =	swait.ge [sflag:s21], $0x4000  }
0xd2: {  	[sflag:s21] =	ssyncset.done $0x0  }
0xd3: {  	[sflag:s21] =	ssyncadd.s32 $0xFFFFC000  }
0xd4: {  	[spmem:s1] =	stream.indirect.scatter.add.f32 [tilespmem:s18], [sflag:$0x3], $0x80, s17, s22, $0xb8;
	[tilespmem:$0x1C100] =	vst v63  }
.Ltmp7:
0xd5: {  	_ = 	snop;
	(pc) =	sbr.rel @!p2 .LBB2_9-.Ltmp7, $4  }
.Ltmp8:
0xd6: {  	_ = 	snop;
	(pc) =	sbr.rel @p2 .LBB2_8-.Ltmp8, $4  }
0xd7: {  	_ =	swait.ge [sflag:s16], $0x4000  }
0xd8: {  	[sflag:s16] =	ssyncset.done $0x0  }
0xd9: {  	s25 =	smov.u32 s3;
	[sflag:s16] =	ssyncadd.s32 $0xFFFFC000  }
0xda: {  	_ = 	snop  }
.LBB2_10:
0xdb: {  	_ =	sfence.sel $0x180000  }
0xdc: {  	[bflag:$0x0] =	sbarrier.arrive $0xFFFF  }
0xdd: {  	_ =	strace $0x9000004D  }
0xde: {  	s0 =	sadd.s32 @!p1 $0x100000, s0;
	[bflag:$0x2] =	sbarrier.arrive $0xFFFF  }
0xdf: {  	[sflag:s0] =	ssyncadd.tile.s32 @!p1 $0x1;
	_ =	shalt  }
.Lfunc_end2:
_tile_overlayer_lowered:
.L_overlay_start_2:
0xe0: {  	(tag) =	ssettag $0x2  }
0xe1: {  	s0 =	rddreg [dreg:$0x0];
	s2 =	stileid.u32  }
0xe2: {  	s1 =	rddreg [dreg:$0x1];
	p0 =	sne.s32 s2, $0x0  }
0xe3: {  	s3 =	rddreg [dreg:$0x2];
	[bflag:$0x3] =	sbarrier.arrive $0xFFFF;
	s2 =	simm.s32 @!p0 $0x1C03  }
0xe4: {  	[timem:s3], [sflag:s2] =	dma.local @!p0 [hbm:s0], s1  }
0xe5: {  	s0 =	simm.s32 @!p0 $0x3  }
0xe6: {  	_ =	swait.ge @!p0 [sflag:s0], s1  }
0xe7: {  	s1 =	ssub.s32 @!p0 $0x0, s1;
	[sflag:s0] =	ssyncset.done @!p0 $0x0  }
0xe8: {  	[sflag:s0] =	ssyncadd.s32 @!p0 s1  }
0xe9: {  	[bflag:$0x3] =	sbarrier.arrive $0xFFFF  }
0xea: {  	_ =	shalt  }

// kernel: kernel.14.cloned.1.call-start
scs
__scs_entry_jumppad:
0x0: {  	(pc) =	sbr.rel $0x88, $3  }
0x1: {  	(tag) =	ssettag $0x0;
	lr =	simm.s32 $0x1  }
0x2: {  	[smem:$0x3F8E] =	sst lr;
	_ =	strace $0xD0000000  }
0x3: {  	_ = 	snop  }
0x4: {  	_ = 	snop  }
0x5: {  	_ = 	snop  }
0x6: {  	_ = 	snop  }
0x7: {  	_ = 	snop  }
__scs_overlays_trampoline_lowered:
0x8: {  	[smem:$0x3F9D] =	sst s0  }
0x9: {  	[smem:$0x3F9E] =	sst s1  }
0xa: {  	[smem:$0x3F9F] =	sst s2  }
0xb: {  	[smem:$0x3FA0] =	sst s3  }
0xc: {  	[smem:$0x3FA1] =	sst s4  }
0xd: {  	[smem:$0x3FA2] =	sst s5  }
0xe: {  	[smem:$0x3FA3] =	sst s6  }
0xf: {  	[smem:$0x3FA4] =	sst s7  }
0x10: {  	[smem:$0x3FA5] =	sst s8  }
0x11: {  	[smem:$0x3FA6] =	sst s9;
	s0 =	simm.s32 @!p0 $0x0  }
0x12: {  	s1 =	sld [smem:$0x3F8C];
	s0 =	simm.s32 @p0 $0x1  }
0x13: {  	[smem:$0x3FA7] =	sst s0;
	s0 =	simm.s32 @!p1 $0x0  }
0x14: {  	s2 =	sld [smem:$0x3F8B];
	s0 =	simm.s32 @p1 $0x1  }
0x15: {  	[smem:$0x3FA8] =	sst s0;
	s0 =	simm.s32 @!p2 $0x0  }
0x16: {  	s3 =	sld [smem:$0x3FDB];
	s0 =	simm.s32 @p2 $0x1  }
0x17: {  	s4 =	simm.s32 $0x1BF5;
	[smem:$0x3FAA] =	sst s0  }
0x18: {  	s0 =	sld [smem:$0x3F8D];
	_ =	swait.ge [sflag:s4], $0x0  }
0x19: {  	s7 =	sld [smem:$0x3F8E]  }
0x1a: {  	s8 =	sadd.s32 $0xFFFFE003, lr  }
0x1b: {  	s9 =	sadd.s32 $0xFFFFFEF7, lr;
	s5 =	simm.s32 $0xFFFFFFFF;
	p2 =	slt.u32 s8, $0xFFFFF086  }
0x1c: {  	p1 =	slt.u32 s9, $0xF7A;
	s5 =	simm.s32 @!p2 $0x0  }
0x1d: {  	s5 =	simm.s32 @p1 $0x1;
	p0 =	seq.s32 s7, s2  }
0x1e: {  	s7 =	smul.u32 @!p0 $0xF7A, s2;
	p2 =	seq.s32 @!p0 s5, $0x0  }
0x1f: {  	s9 =	smul.u32 $0xF7A, s1;
	s8 =	simm.s32 @!p0 $0x1BF5;
	p2 =	por !p2, p0  }
0x20: {  	[sflag:s8] =	ssyncset.s32 @!p0 $0xFFFFF086;
	s6 =	sadd.s32 @!p0 s3, s7;
	s7 =	simm.s32 @!p0 $0x108  }
0x21: {  	s3 =	sadd.s32 s3, s9;
	s6 =	sadd.s32 @!p0 $0x88, s6;
	s7 =	simm.s32 @p2 $0x1082  }
0x22: {  	[simem:s7], [sflag:s8] =	dma.local @!p0 [hbm:s6], $0xF7A  }
0x23: {  	s9 =	sor.u32 $0xD0000000, s2;
	s6 =	simm.s32 $0x108;
	_ =	swait.ge @!p0 [sflag:s8], $0x0  }
0x24: {  	s3 =	sadd.s32 $0x88, s3;
	s6 =	simm.s32 @!p1 $0x1082;
	[sflag:s4] =	ssyncset.s32 $0xFFFFF086  }
0x25: {  	[simem:s6], [sflag:s4] =	dma.local [hbm:s3], $0xF7A  }
0x26: {  	[smem:$0x3F8E] =	sst s1;
	(tag) =	ssettag s2;
	_ =	strace s9  }
0x27: {  	s1 =	sld [smem:$0x3F9E]  }
0x28: {  	s2 =	sld [smem:$0x3F9F]  }
0x29: {  	s4 =	sld [smem:$0x3FA1]  }
0x2a: {  	p0 =	seq.s32 s5, $0x0;
	s5 =	sld [smem:$0x3FA2]  }
0x2b: {  	s6 =	sld [smem:$0x3FA3]  }
0x2c: {  	s7 =	sld [smem:$0x3FA4]  }
0x2d: {  	s3 =	simm.s32 $0x108;
	s8 =	sld [smem:$0x3FA5]  }
0x2e: {  	s3 =	simm.s32 @!p0 $0x1082;
	s9 =	sld [smem:$0x3FA6]  }
0x2f: {  	lr =	sadd.s32 s0, s3;
	s0 =	sld [smem:$0x3F9D]  }
0x30: {  	s3 =	sld [smem:$0x3FA0]  }
0x31: {  	[smem:$0x3FA9] =	sst s10  }
0x32: {  	s10 =	sld [smem:$0x3FA7];
	_ =	sdelay $0x3  }
0x33: {  	p0 =	seq.s32 s10, $0x1;
	s10 =	sld [smem:$0x3FA9];
	_ =	sdelay $0x3  }
0x34: {  	[smem:$0x3FA9] =	sst s10  }
0x35: {  	s10 =	sld [smem:$0x3FA8];
	_ =	sdelay $0x3  }
0x36: {  	p1 =	seq.s32 s10, $0x1;
	s10 =	sld [smem:$0x3FA9];
	_ =	sdelay $0x3  }
0x37: {  	[smem:$0x3FA9] =	sst s10  }
0x38: {  	s10 =	sld [smem:$0x3FAA]  }
0x39: {  	_ = 	snop;
	(pc) =	sbr.ind lr, $3  }
0x3a: {  	_ = 	snop  }
0x3b: {  	_ = 	snop  }
0x3c: {  	p2 =	seq.s32 s10, $0x1;
	s10 =	sld [smem:$0x3FA9]  }
0x3d: {  	_ =	shalt  }
0x3e: {  	_ =	shalt  }
0x3f: {  	_ =	shalt  }
0x40: {  	_ =	shalt  }
0x41: {  	_ =	shalt  }
0x42: {  	_ =	shalt  }
0x43: {  	_ =	shalt  }
0x44: {  	_ =	shalt  }
0x45: {  	_ =	shalt  }
0x46: {  	_ =	shalt  }
0x47: {  	_ =	shalt  }
0x48: {  	_ =	shalt  }
0x49: {  	_ =	shalt  }
0x4a: {  	_ =	shalt  }
0x4b: {  	_ =	shalt  }
0x4c: {  	_ =	shalt  }
0x4d: {  	_ =	shalt  }
0x4e: {  	_ =	shalt  }
0x4f: {  	_ =	shalt  }
0x50: {  	_ =	shalt  }
0x51: {  	_ =	shalt  }
0x52: {  	_ =	shalt  }
0x53: {  	_ =	shalt  }
0x54: {  	_ =	shalt  }
0x55: {  	_ =	shalt  }
0x56: {  	_ =	shalt  }
0x57: {  	_ =	shalt  }
0x58: {  	_ =	shalt  }
0x59: {  	_ =	shalt  }
0x5a: {  	_ =	shalt  }
0x5b: {  	_ =	shalt  }
0x5c: {  	_ =	shalt  }
0x5d: {  	_ =	shalt  }
0x5e: {  	_ =	shalt  }
0x5f: {  	_ =	shalt  }
0x60: {  	_ =	shalt  }
0x61: {  	_ =	shalt  }
0x62: {  	_ =	shalt  }
0x63: {  	_ =	shalt  }
0x64: {  	_ =	shalt  }
0x65: {  	_ =	shalt  }
0x66: {  	_ =	shalt  }
0x67: {  	_ =	shalt  }
0x68: {  	_ =	shalt  }
0x69: {  	_ =	shalt  }
0x6a: {  	_ =	shalt  }
0x6b: {  	_ =	shalt  }
0x6c: {  	_ =	shalt  }
0x6d: {  	_ =	shalt  }
0x6e: {  	_ =	shalt  }
0x6f: {  	_ =	shalt  }
0x70: {  	_ =	shalt  }
0x71: {  	_ =	shalt  }
0x72: {  	_ =	shalt  }
0x73: {  	_ =	shalt  }
0x74: {  	_ =	shalt  }
0x75: {  	_ =	shalt  }
0x76: {  	_ =	shalt  }
0x77: {  	_ =	shalt  }
0x78: {  	_ =	shalt  }
0x79: {  	_ =	shalt  }
0x7a: {  	_ =	shalt  }
0x7b: {  	_ =	shalt  }
0x7c: {  	_ =	shalt  }
0x7d: {  	_ =	shalt  }
0x7e: {  	_ =	shalt  }
0x7f: {  	_ =	shalt  }
0x80: {  	_ =	shalt  }
0x81: {  	_ =	shalt  }
0x82: {  	_ =	shalt  }
0x83: {  	_ =	shalt  }
0x84: {  	_ =	shalt  }
0x85: {  	_ =	shalt  }
0x86: {  	_ =	shalt  }
0x87: {  	_ =	shalt  }
.Lfunc_end0:
.L_simem_size_0:
called_computation.2_lowered:
.L_overlay_start_0:
0x88: {  	s2 =	sld [smem:$0x3FD9]  }
0x89: {  	s3 =	sld [smem:$0x3FFE];
	_ =	sdelay $0x1  }
0x8a: {  	s1 =	srdreg.scid  }
0x8b: {  	s0 =	sand.u32 $0x1, s1  }
0x8c: {  	s17 =	sshll.u32 s0, $0xA;
	s2 =	sadd.s32 s3, s2  }
0x8d: {  	s2 =	sadd.s32 s2, s17  }
0x8e: {  	[smem:$0x3FB5] =	sst s2  }
0x8f: {  	_ = 	snop  }
0x90: {  	s18 =	sld [smem:$0x3FD0];
	(tm) =	ssettm $0x1  }
0x91: {  	s19 =	sld [smem:$0x3FFB];
	_ =	sdelay $0x3  }
0x92: {  	_ =	strace s19  }
0x93: {  	s2 =	sld [smem:$0x3FFC];
	_ =	sdelay $0x3  }
0x94: {  	_ =	strace s2  }
0x95: {  	s2 =	sld [smem:$0x3FFD];
	_ =	sdelay $0x3  }
0x96: {  	_ =	strace s2  }
0x97: {  	_ =	strace $0x8FFFFFFF  }
0x98: {  	s20 =	sld [smem:$0x3FDB];
	_ =	sdelay $0x1  }
0x99: {  	s4 =	simm.s32 $_scs_section_size  }
0x9a: {  	s5 =	simm.s32 $_size__tile_overlayer_lowered;
	s6 =	simm.s32 $_tile_overlayer_lowered  }
0x9b: {  	s7 =	simm.s32 $0x1BFF;
	s21 =	sshll.u32 s6, $0x1;
	s4 =	sadd.s32 s4, s20  }
0x9c: {  	s22 =	simm.s32 $0x0;
	s5 =	sshll.u32 s5, $0x1;
	s6 =	sadd.s32 s21, s4  }
0x9d: {  	[timem:s22], [sflag:s7] =	dma.local [hbm:s6], s5  }
0x9e: {  	_ =	swait.ge [sflag:s7], s5  }
0x9f: {  	s5 =	ssub.s32 $0x0, s5;
	[sflag:s7] =	ssyncset.done $0x0  }
0xa0: {  	[sflag:s7] =	ssyncadd.s32 s5;
	_ =	sdelay $0x1  }
0xa1: {  	s23 =	simm.s32 $0x1B8B  }
0xa2: {  	_ =	swait.ge [sflag:s23], $0x1  }
0xa3: {  	[sflag:s23] =	ssyncset.done $0x0  }
0xa4: {  	[sflag:s23] =	ssyncadd.s32 $0xFFFFFFFF  }
0xa5: {  	s5 =	sld [smem:$0x0]  }
0xa6: {  	s6 =	sand.u32 $0xFFFFFFFE, s1  }
0xa7: {  	p0 =	sne.s32 s1, s6  }
0xa8: {  	s6 =	sshll.u32 @p0 s6, $0xE  }
0xa9: {  	s6 =	sadd.s32 @p0 $0x11B8D, s6;
	s7 =	sshll.u32 @p0 s5, $0x11  }
0xaa: {  	s6 =	sor.u32 @p0 s7, s6  }
0xab: {  	[sflag:s6] =	ssyncadd.remote.s32 @p0 $0x1;
	_ =	sdelay $0x1  }
0xac: {  	s6 =	simm.s32 @p0 $0x1B8D  }
0xad: {  	_ =	swait.eq @p0 [sflag:s6], $0x1  }
0xae: {  	[sflag:s6] =	ssyncadd.s32 @p0 $0xFFFFFFFF  }
0xaf: {  	s7 =	sshll.u32 @!p0 s1, $0xE  }
0xb0: {  	s7 =	sor.u32 @!p0 $0x4000, s7;
	s6 =	simm.s32 @!p0 $0x1B8D  }
0xb1: {  	s5 =	sshll.u32 @!p0 s5, $0x11;
	s7 =	sadd.s32 @!p0 $0x11B8D, s7;
	_ =	swait.eq @!p0 [sflag:s6], $0x1  }
0xb2: {  	s5 =	sor.u32 @!p0 s5, s7;
	[sflag:s6] =	ssyncadd.s32 @!p0 $0xFFFFFFFF  }
0xb3: {  	s25 =	simm.s32 $0x1B8E;
	s24 =	sld [smem:$0x3FFE];
	[sflag:s5] =	ssyncadd.remote.s32 @!p0 $0x1  }
0xb4: {  	s26 =	simm.s32 $execute0_lowered;
	[smem:$0x3FD2] =	sst s25  }
0xb5: {  	s6 =	sshll.u32 s26, $0x1;
	_ =	strace $0x80000049;
	[dreg:$0x1] =	wrdreg $0xFFFFFFFF  }
0xb6: {  	s28 =	simm.s32 $_size_execute0_lowered;
	s4 =	sadd.s32 s4, s6;
	[dreg:$0x0] =	wrdreg $0x0  }
0xb7: {  	s6 =	sshll.u32 s28, $0x1;
	[dreg:$0x2] =	wrdreg s4  }
0xb8: {  	[dreg:$0x3] =	wrdreg s6  }
0xb9: {  	[dreg:$0x4] =	wrdreg $0xC0  }
0xba: {  	_ =	task [dreg:s22], $0x5FFFF  }
0xbb: {  	[dreg:$0x1] =	wrdreg $0xFFFFFFFF  }
0xbc: {  	[dreg:$0x0] =	wrdreg $0x60  }
0xbd: {  	[dreg:$0x2] =	wrdreg s18  }
0xbe: {  	[dreg:$0x3] =	wrdreg s24  }
0xbf: {  	[dreg:$0x4] =	wrdreg $0x9  }
0xc0: {  	_ =	task.clear_ibuf [dreg:s22], $0x5FFFF;
	_ =	strace $0x90000049  }
0xc1: {  	s29 =	simm.s32 $0x9;
	_ =	strace $0x8000004B  }
0xc2: {  	_ =	swait.ge [sflag:s29], $0x1  }
0xc3: {  	[sflag:s29] =	ssyncadd.s32 $0xFFFFFFFF  }
0xc4: {  	_ =	strace $0x9000004B  }
0xc5: {  	_ =	sfence  }
0xc6: {  	s30 =	sld [smem:$0x0];
	_ =	sdelay $0x2  }
0xc7: {  	s31 =	sshll.u32 s1, $0xD;
	s1 =	sshrl.u32 s1, $0x2  }
0xc8: {  	s4 =	sand.u32 $0x4000, s31;
	s1 =	sadd.s32 s1, s30  }
0xc9: {  	s0 =	sor.u32 s4, s0;
	s1 =	sshll.u32 s1, $0x11  }
0xca: {  	s0 =	sor.u32 s1, s0  }
0xcb: {  	s0 =	sadd.s32 $0x8F2B, s0  }
0xcc: {  	[sflag:s0] =	ssyncadd.remote.s32 $0x1  }
0xcd: {  	_ =	sfence.sel $0xFFFF  }
0xce: {  	[dreg:$0x0] =	wrdreg $0xFFFFFFFF;
	(pc) =	sbr.abs _section_cstart, $3  }
0xcf: {  	[dreg:$0x1] =	wrdreg $0xFFFFFFFF  }
0xd0: {  	_ =	task.clear_ibuf [dreg:s22], $0x2FFFF;
	_ =	strace $0x9FFFFFFF  }
0xd1: {  	(tm) =	ssettm $0x7FFFFFFF  }
tec
execute0_lowered:
.L_overlay_start_1:
0x0: {  	(tag) =	ssettag $0x1  }
0x1: {  	s1 =	rddreg [dreg:$0x0]  }
0x2: {  	s5 =	rddreg [dreg:$0x1]  }
0x3: {  	s0 =	rddreg [dreg:$0x2];
	s2 =	simm.s32 $0x0  }
0x4: {  	s6 =	srdreg.scid;
	s3 =	stileid.u32;
	s19 =	simm.s32 $0x4100  }
0x5: {  	s20 =	simm.s32 $0xC100;
	s21 =	simm.s32 $0x1;
	s22 =	simm.s32 $0x2  }
0x6: {  	s23 =	simm.s32 $0x3;
	[smem:$0x7FF] =	sst s2;
	s4 =	sadd.s32 $0x9600, s5  }
0x7: {  	s12 =	sand.u32 $0x1, s6;
	s13 =	sadd.s32 $0x2A6800, s5;
	s7 =	sshll.u32 s3, $0x1  }
0x8: {  	s14 =	sadd.s32 $0x2A9000, s5;
	s15 =	sadd.s32 $0x3E1800, s5;
	s16 =	sshll.u32 s3, $0xC  }
0x9: {  	s17 =	sshll.u32 s3, $0x5;
	_ =	strace $0x8000004A;
	s6 =	ssub.s32 $0x2, s12  }
0xa: {  	s25 =	sor.u32 s12, s7;
	s30 =	sshll.u32 s12, $0x4;
	s18 =	sshll.u32 s12, $0xB  }
0xb: {  	s8 =	sshrl.u32 s6, $0x1;
	s24 =	sshll.u32 s25, $0xB;
	s26 =	sshll.u32 s25, $0x4  }
0xc: {  	s29 =	sshll.u32 s25, $0x7;
	p0 =	sgt.u32 s25, $0x10;
	s25 =	simm.s32 $0x0  }
0xd: {  	s11 =	ssub.s32 s6, s8;
	s28 =	sor.u32 $0x120000, s24;
	s5 =	sadd.s32 s13, s26  }
0xe: {  	s8 =	sor.u32 $0x13000, s29;
	s24 =	simm.s32 $0x4;
	s6 =	sadd.s32 s14, s28  }
0xf: {  	s7 =	sadd.s32 s15, s28;
	s9 =	sshrl.u32 s8, $0x3;
	s10 =	sshll.u32 s8, $0x4  }
0x10: {  	s11 =	smax.u32 s11, $0x1;
	s8 =	sadd.s32 s13, s9;
	s9 =	sadd.s32 s14, s10  }
0x11: {  	s10 =	sadd.s32 s15, s10;
	s14 =	sadd.s32 s16, s14;
	s13 =	sadd.s32 s17, s13  }
0x12: {  	s15 =	sadd.s32 s16, s15;
	s16 =	simm.s32 $0x80;
	s17 =	simm.s32 $0x100  }
0x13: {  	s31 =	sadd.s32 s30, s13;
	s12 =	sadd.s32 s18, s14;
	s13 =	sadd.s32 s18, s15  }
0x14: {  	s15 =	simm.s32 $0x5;
	s18 =	simm.s32 $0x8100;
	s14 =	sadd.s32 $0x200, s31  }
.LBB2_1:
0x15: {  	[tilespmem:s2], [sflag:$0x5] =	stream.linear.gather [hbm4b:s5+s2], $0x80, $0x38;
	[tilespmem:$0x10100] =	vst v63  }
0x16: {  	_ =	swait.ge [sflag:s15], $0x80  }
0x17: {  	[sflag:s15] =	ssyncset.done $0x0  }
0x18: {  	[sflag:s15] =	ssyncadd.s32 $0xFFFFFF80  }
0x19: {  	[tilespmem:s17], [sflag:$0x1] =	stream.indirect.gather [hbm4b:s1+s16], $0x80, s2, s16, $0xb8;
	[tilespmem:$0x10100] =	vst v63  }
0x1a: {  	_ = 	snop  }
0x1b: {  	[tilespmem:s18], [sflag:$0x2] =	stream.indirect.gather [hbm4b:s4+s16], $0x80, s2, s16, $0xb8;
	[tilespmem:$0x10100] =	vst v63  }
0x1c: {  	_ = 	snop  }
0x1d: {  	[tilespmem:s16], [sflag:$0x5] =	stream.linear.gather [hbm4b:s14+s2], $0x80, $0x38;
	[tilespmem:$0x10100] =	vst v63  }
0x1e: {  	_ =	swait.ge [sflag:s15], $0x80  }
0x1f: {  	[sflag:s15] =	ssyncset.done $0x0  }
0x20: {  	[sflag:s15] =	ssyncadd.s32 $0xFFFFFF80  }
0x21: {  	[tilespmem:s19], [sflag:$0x3] =	stream.indirect.gather [hbm4b:s1+s16], $0x80, s16, s16, $0xb8;
	[tilespmem:$0x10100] =	vst v63  }
0x22: {  	_ = 	snop  }
0x23: {  	[tilespmem:s20], [sflag:$0x4] =	stream.indirect.gather [hbm4b:s4+s16], $0x80, s16, s16, $0xb8;
	[tilespmem:$0x10100] =	vst v63  }
0x24: {  	_ =	swait.ge [sflag:s21], $0x4000  }
0x25: {  	[sflag:s21] =	ssyncset.done $0x0  }
0x26: {  	[sflag:s21] =	ssyncadd.s32 $0xFFFFC000  }
0x27: {  	_ =	swait.ge [sflag:s22], $0x4000  }
0x28: {  	[sflag:s22] =	ssyncset.done $0x0  }
0x29: {  	s26 =	sadd.s32 $0x0, s12;
	[sflag:s22] =	ssyncadd.s32 $0xFFFFC000  }
0x2a: {  	[hbm4b:s26+s2] =	stream.linear.scatter [tilespmem:s17], [sflag:$0x5], $0x4000, $0x38;
	[tilespmem:$0x10100] =	vst v63  }
0x2b: {  	_ =	swait.ge [sflag:s15], $0x4000  }
0x2c: {  	[sflag:s15] =	ssyncset.done $0x0  }
0x2d: {  	s28 =	sadd.s32 $0x0, s13;
	[sflag:s15] =	ssyncadd.s32 $0xFFFFC000  }
0x2e: {  	[hbm4b:s28+s2] =	stream.linear.scatter [tilespmem:s18], [sflag:$0x5], $0x4000, $0x38;
	[tilespmem:$0x10100] =	vst v63  }
0x2f: {  	_ =	swait.ge [sflag:s15], $0x4000  }
0x30: {  	[sflag:s15] =	ssyncset.done $0x0  }
0x31: {  	s29 =	sadd.s32 $0x200, s14;
	[sflag:s15] =	ssyncadd.s32 $0xFFFFC000  }
0x32: {  	[tilespmem:s2], [sflag:$0x5] =	stream.linear.gather [hbm4b:s29+s2], $0x80, $0x38;
	[tilespmem:$0x10100] =	vst v63  }
0x33: {  	_ =	swait.ge [sflag:s15], $0x80  }
0x34: {  	[sflag:s15] =	ssyncset.done $0x0  }
0x35: {  	[sflag:s15] =	ssyncadd.s32 $0xFFFFFF80  }
0x36: {  	[tilespmem:s17], [sflag:$0x1] =	stream.indirect.gather [hbm4b:s1+s16], $0x80, s2, s16, $0xb8;
	[tilespmem:$0x10100] =	vst v63  }
0x37: {  	_ = 	snop  }
0x38: {  	[tilespmem:s18], [sflag:$0x2] =	stream.indirect.gather [hbm4b:s4+s16], $0x80, s2, s16, $0xb8;
	[tilespmem:$0x10100] =	vst v63  }
0x39: {  	_ =	swait.ge [sflag:s23], $0x4000  }
0x3a: {  	[sflag:s23] =	ssyncset.done $0x0  }
0x3b: {  	[sflag:s23] =	ssyncadd.s32 $0xFFFFC000  }
0x3c: {  	_ =	swait.ge [sflag:s24], $0x4000  }
0x3d: {  	[sflag:s24] =	ssyncset.done $0x0  }
0x3e: {  	s26 =	sadd.s32 $0x10000, s26;
	[sflag:s24] =	ssyncadd.s32 $0xFFFFC000  }
0x3f: {  	[hbm4b:s26+s2] =	stream.linear.scatter [tilespmem:s19], [sflag:$0x5], $0x4000, $0x38;
	[tilespmem:$0x10100] =	vst v63  }
0x40: {  	_ =	swait.ge [sflag:s15], $0x4000  }
0x41: {  	[sflag:s15] =	ssyncset.done $0x0  }
0x42: {  	s31 =	sadd.s32 $0x10000, s28;
	[sflag:s15] =	ssyncadd.s32 $0xFFFFC000  }
0x43: {  	[hbm4b:s31+s2] =	stream.linear.scatter [tilespmem:s20], [sflag:$0x5], $0x4000, $0x38;
	[tilespmem:$0x10100] =	vst v63  }
0x44: {  	_ =	swait.ge [sflag:s15], $0x4000  }
0x45: {  	s28 =	smov.u32 s14;
	s26 =	simm.s32 $0x20000;
	[sflag:s15] =	ssyncset.done $0x0  }
.LBB2_2:
0x46: {  	p1 =	sne.s32 s26, $0x100000;
	[sflag:s15] =	ssyncadd.s32 $0xFFFFC000;
	s28 =	sadd.s32 $0x400, s28  }
0x47: {  	[tilespmem:s16], [sflag:$0x5] =	stream.linear.gather [hbm4b:s28+s2], $0x80, $0x38;
	[tilespmem:$0x10100] =	vst v63  }
0x48: {  	s29 =	smov.u32 s26;
	s26 =	sadd.s32 $0x20000, s26;
	_ =	swait.ge [sflag:s15], $0x80  }
0x49: {  	[sflag:s15] =	ssyncset.done $0x0  }
0x4a: {  	[sflag:s15] =	ssyncadd.s32 $0xFFFFFF80  }
0x4b: {  	[tilespmem:s19], [sflag:$0x3] =	stream.indirect.gather [hbm4b:s1+s16], $0x80, s16, s16, $0xb8;
	[tilespmem:$0x10100] =	vst v63  }
0x4c: {  	_ = 	snop  }
0x4d: {  	[tilespmem:s20], [sflag:$0x4] =	stream.indirect.gather [hbm4b:s4+s16], $0x80, s16, s16, $0xb8;
	[tilespmem:$0x10100] =	vst v63  }
0x4e: {  	_ =	swait.ge [sflag:s21], $0x4000  }
0x4f: {  	[sflag:s21] =	ssyncset.done $0x0  }
0x50: {  	[sflag:s21] =	ssyncadd.s32 $0xFFFFC000  }
0x51: {  	_ =	swait.ge [sflag:s22], $0x4000  }
0x52: {  	[sflag:s22] =	ssyncset.done $0x0  }
0x53: {  	s30 =	sadd.s32 s29, s12;
	[sflag:s22] =	ssyncadd.s32 $0xFFFFC000  }
0x54: {  	[hbm4b:s30+s2] =	stream.linear.scatter [tilespmem:s17], [sflag:$0x5], $0x4000, $0x38;
	[tilespmem:$0x10100] =	vst v63  }
0x55: {  	_ =	swait.ge [sflag:s15], $0x4000  }
0x56: {  	[sflag:s15] =	ssyncset.done $0x0  }
0x57: {  	s29 =	sadd.s32 s29, s13;
	[sflag:s15] =	ssyncadd.s32 $0xFFFFC000  }
0x58: {  	[hbm4b:s29+s2] =	stream.linear.scatter [tilespmem:s18], [sflag:$0x5], $0x4000, $0x38;
	[tilespmem:$0x10100] =	vst v63  }
0x59: {  	_ =	swait.ge [sflag:s15], $0x4000  }
0x5a: {  	[sflag:s15] =	ssyncset.done $0x0  }
0x5b: {  	s31 =	sadd.s32 $0x200, s28;
	[sflag:s15] =	ssyncadd.s32 $0xFFFFC000  }
0x5c: {  	[tilespmem:s2], [sflag:$0x5] =	stream.linear.gather [hbm4b:s31+s2], $0x80, $0x38;
	[tilespmem:$0x10100] =	vst v63  }
0x5d: {  	_ =	swait.ge [sflag:s15], $0x80  }
0x5e: {  	[sflag:s15] =	ssyncset.done $0x0  }
0x5f: {  	[sflag:s15] =	ssyncadd.s32 $0xFFFFFF80  }
0x60: {  	[tilespmem:s17], [sflag:$0x1] =	stream.indirect.gather [hbm4b:s1+s16], $0x80, s2, s16, $0xb8;
	[tilespmem:$0x10100] =	vst v63  }
0x61: {  	_ = 	snop  }
0x62: {  	[tilespmem:s18], [sflag:$0x2] =	stream.indirect.gather [hbm4b:s4+s16], $0x80, s2, s16, $0xb8;
	[tilespmem:$0x10100] =	vst v63  }
0x63: {  	_ =	swait.ge [sflag:s23], $0x4000  }
0x64: {  	[sflag:s23] =	ssyncset.done $0x0  }
0x65: {  	[sflag:s23] =	ssyncadd.s32 $0xFFFFC000  }
0x66: {  	_ =	swait.ge [sflag:s24], $0x4000  }
0x67: {  	[sflag:s24] =	ssyncset.done $0x0  }
0x68: {  	s30 =	sadd.s32 $0x10000, s30;
	[sflag:s24] =	ssyncadd.s32 $0xFFFFC000  }
0x69: {  	[hbm4b:s30+s2] =	stream.linear.scatter [tilespmem:s19], [sflag:$0x5], $0x4000, $0x38;
	[tilespmem:$0x10100] =	vst v63  }
0x6a: {  	_ =	swait.ge [sflag:s15], $0x4000  }
.Ltmp0:
0x6b: {  	[sflag:s15] =	ssyncset.done $0x0;
	(pc) =	sbr.rel @p1 .LBB2_2-.Ltmp0, $4  }
0x6c: {  	s29 =	sadd.s32 $0x10000, s29;
	[sflag:s15] =	ssyncadd.s32 $0xFFFFC000  }
0x6d: {  	[hbm4b:s29+s2] =	stream.linear.scatter [tilespmem:s20], [sflag:$0x5], $0x4000, $0x38;
	[tilespmem:$0x10100] =	vst v63  }
0x6e: {  	_ =	swait.ge [sflag:s15], $0x4000  }
0x6f: {  	[sflag:s15] =	ssyncset.done $0x0  }
0x70: {  	[sflag:s15] =	ssyncadd.s32 $0xFFFFC000  }
0x71: {  	_ =	swait.ge [sflag:s21], $0x4000  }
0x72: {  	[sflag:s21] =	ssyncset.done $0x0  }
0x73: {  	[sflag:s21] =	ssyncadd.s32 $0xFFFFC000  }
0x74: {  	_ =	swait.ge [sflag:s22], $0x4000  }
0x75: {  	[sflag:s22] =	ssyncset.done $0x0  }
0x76: {  	[sflag:s22] =	ssyncadd.s32 $0xFFFFC000  }
0x77: {  	[hbm4b:s6+s2] =	stream.linear.scatter [tilespmem:s17], [sflag:$0x5], $0x4000, $0x38;
	[tilespmem:$0x10100] =	vst v63  }
0x78: {  	_ =	swait.ge [sflag:s15], $0x4000  }
0x79: {  	[sflag:s15] =	ssyncset.done $0x0  }
0x7a: {  	[sflag:s15] =	ssyncadd.s32 $0xFFFFC000  }
0x7b: {  	[hbm4b:s7+s2] =	stream.linear.scatter [tilespmem:s18], [sflag:$0x5], $0x4000, $0x38;
	[tilespmem:$0x10100] =	vst v63  }
0x7c: {  	_ =	swait.ge [sflag:s15], $0x4000  }
0x7d: {  	[sflag:s15] =	ssyncset.done $0x0  }
0x7e: {  	s26 =	simm.s32 @!p0 $0x0;
	s28 =	simm.s32 @!p0 $0x5;
	[sflag:s15] =	ssyncadd.s32 $0xFFFFC000  }
0x7f: {  	[tilespmem:s26], [sflag:$0x5] =	stream.linear.gather @!p0 [hbm4b:s8+s26], $0x80, $0x38;
	[tilespmem:$0x10100] =	vst v63  }
0x80: {  	_ =	swait.ge @!p0 [sflag:s28], $0x80  }
0x81: {  	s29 =	simm.s32 @!p0 $0x80;
	[sflag:s28] =	ssyncset.done @!p0 $0x0  }
0x82: {  	s30 =	simm.s32 @!p0 $0x100;
	s31 =	simm.s32 @!p0 $0x1;
	[sflag:s28] =	ssyncadd.s32 @!p0 $0xFFFFFF80  }
0x83: {  	[tilespmem:s30], [sflag:$0x1] =	stream.indirect.gather @!p0 [hbm4b:s1+s29], $0x80, s26, s29, $0xb8;
	[tilespmem:$0x10100] =	vst v63  }
0x84: {  	_ =	swait.ge @!p0 [sflag:s31], $0x4000  }
0x85: {  	[sflag:s31] =	ssyncset.done @!p0 $0x0  }
0x86: {  	[sflag:s31] =	ssyncadd.s32 @!p0 $0xFFFFC000;
	s31 =	simm.s32 @!p0 $0x8100  }
0x87: {  	[tilespmem:s31], [sflag:$0x2] =	stream.indirect.gather @!p0 [hbm4b:s4+s29], $0x80, s26, s29, $0xb8;
	[tilespmem:$0x10100] =	vst v63  }
0x88: {  	s29 =	simm.s32 @!p0 $0x2  }
0x89: {  	_ =	swait.ge @!p0 [sflag:s29], $0x4000  }
0x8a: {  	[sflag:s29] =	ssyncset.done @!p0 $0x0  }
0x8b: {  	[sflag:s29] =	ssyncadd.s32 @!p0 $0xFFFFC000  }
0x8c: {  	[hbm4b:s9+s26] =	stream.linear.scatter @!p0 [tilespmem:s30], [sflag:$0x5], $0x4000, $0x38;
	[tilespmem:$0x10100] =	vst v63  }
0x8d: {  	s25 =	sadd.s32 $0x1, s25;
	_ =	swait.ge @!p0 [sflag:s28], $0x4000  }
0x8e: {  	p1 =	sne.s32 s25, s11;
	[sflag:s28] =	ssyncset.done @!p0 $0x0  }
.Ltmp1:
0x8f: {  	[sflag:s28] =	ssyncadd.s32 @!p0 $0xFFFFC000;
	(pc) =	sbr.rel @p1 .LBB2_1-.Ltmp1, $4  }
0x90: {  	[hbm4b:s10+s26] =	stream.linear.scatter @!p0 [tilespmem:s31], [sflag:$0x5], $0x4000, $0x38;
	[tilespmem:$0x10100] =	vst v63  }
0x91: {  	_ =	swait.ge @!p0 [sflag:s28], $0x4000  }
0x92: {  	[sflag:s28] =	ssyncset.done @!p0 $0x0  }
0x93: {  	[sflag:s28] =	ssyncadd.s32 @!p0 $0xFFFFC000  }
0x94: {  	_ =	sfence.sel $0x180000  }
0x95: {  	[bflag:$0x0] =	sbarrier.arrive $0xFFFF  }
0x96: {  	p0 =	sne.s32 s3, $0x0;
	_ =	strace $0x9000004A  }
0x97: {  	s0 =	sadd.s32 @!p0 $0x100000, s0;
	[bflag:$0x2] =	sbarrier.arrive $0xFFFF  }
0x98: {  	[sflag:s0] =	ssyncadd.tile.s32 @!p0 $0x1;
	_ =	shalt  }
.Lfunc_end2:
_tile_overlayer_lowered:
.L_overlay_start_2:
0x99: {  	(tag) =	ssettag $0x2  }
0x9a: {  	s0 =	rddreg [dreg:$0x0];
	s2 =	stileid.u32  }
0x9b: {  	s1 =	rddreg [dreg:$0x1];
	p0 =	sne.s32 s2, $0x0  }
0x9c: {  	s3 =	rddreg [dreg:$0x2];
	[bflag:$0x3] =	sbarrier.arrive $0xFFFF;
	s2 =	simm.s32 @!p0 $0x1C05  }
0x9d: {  	[timem:s3], [sflag:s2] =	dma.local @!p0 [hbm:s0], s1  }
0x9e: {  	s0 =	simm.s32 @!p0 $0x5  }
0x9f: {  	_ =	swait.ge @!p0 [sflag:s0], s1  }
0xa0: {  	s1 =	ssub.s32 @!p0 $0x0, s1;
	[sflag:s0] =	ssyncset.done @!p0 $0x0  }
0xa1: {  	[sflag:s0] =	ssyncadd.s32 @!p0 s1  }
0xa2: {  	[bflag:$0x3] =	sbarrier.arrive $0xFFFF  }
0xa3: {  	_ =	shalt  }

// kernel: kernel.17.cloned.1.call-start
scs
__scs_entry_jumppad:
0x0: {  	(pc) =	sbr.rel $0x88, $3  }
0x1: {  	(tag) =	ssettag $0x0;
	lr =	simm.s32 $0x1  }
0x2: {  	[smem:$0x3F8E] =	sst lr;
	_ =	strace $0xD0000000  }
0x3: {  	_ = 	snop  }
0x4: {  	_ = 	snop  }
0x5: {  	_ = 	snop  }
0x6: {  	_ = 	snop  }
0x7: {  	_ = 	snop  }
__scs_overlays_trampoline_lowered:
0x8: {  	[smem:$0x3F9D] =	sst s0  }
0x9: {  	[smem:$0x3F9E] =	sst s1  }
0xa: {  	[smem:$0x3F9F] =	sst s2  }
0xb: {  	[smem:$0x3FA0] =	sst s3  }
0xc: {  	[smem:$0x3FA1] =	sst s4  }
0xd: {  	[smem:$0x3FA2] =	sst s5  }
0xe: {  	[smem:$0x3FA3] =	sst s6  }
0xf: {  	[smem:$0x3FA4] =	sst s7  }
0x10: {  	[smem:$0x3FA5] =	sst s8  }
0x11: {  	[smem:$0x3FA6] =	sst s9;
	s0 =	simm.s32 @!p0 $0x0  }
0x12: {  	s1 =	sld [smem:$0x3F8C];
	s0 =	simm.s32 @p0 $0x1  }
0x13: {  	[smem:$0x3FA7] =	sst s0;
	s0 =	simm.s32 @!p1 $0x0  }
0x14: {  	s2 =	sld [smem:$0x3F8B];
	s0 =	simm.s32 @p1 $0x1  }
0x15: {  	[smem:$0x3FA8] =	sst s0;
	s0 =	simm.s32 @!p2 $0x0  }
0x16: {  	s3 =	sld [smem:$0x3FDB];
	s0 =	simm.s32 @p2 $0x1  }
0x17: {  	s4 =	simm.s32 $0x1BF5;
	[smem:$0x3FAA] =	sst s0  }
0x18: {  	s0 =	sld [smem:$0x3F8D];
	_ =	swait.ge [sflag:s4], $0x0  }
0x19: {  	s7 =	sld [smem:$0x3F8E]  }
0x1a: {  	s8 =	sadd.s32 $0xFFFFE003, lr  }
0x1b: {  	s9 =	sadd.s32 $0xFFFFFEF7, lr;
	s5 =	simm.s32 $0xFFFFFFFF;
	p2 =	slt.u32 s8, $0xFFFFF086  }
0x1c: {  	p1 =	slt.u32 s9, $0xF7A;
	s5 =	simm.s32 @!p2 $0x0  }
0x1d: {  	s5 =	simm.s32 @p1 $0x1;
	p0 =	seq.s32 s7, s2  }
0x1e: {  	s7 =	smul.u32 @!p0 $0xF7A, s2;
	p2 =	seq.s32 @!p0 s5, $0x0  }
0x1f: {  	s9 =	smul.u32 $0xF7A, s1;
	s8 =	simm.s32 @!p0 $0x1BF5;
	p2 =	por !p2, p0  }
0x20: {  	[sflag:s8] =	ssyncset.s32 @!p0 $0xFFFFF086;
	s6 =	sadd.s32 @!p0 s3, s7;
	s7 =	simm.s32 @!p0 $0x108  }
0x21: {  	s3 =	sadd.s32 s3, s9;
	s6 =	sadd.s32 @!p0 $0x88, s6;
	s7 =	simm.s32 @p2 $0x1082  }
0x22: {  	[simem:s7], [sflag:s8] =	dma.local @!p0 [hbm:s6], $0xF7A  }
0x23: {  	s9 =	sor.u32 $0xD0000000, s2;
	s6 =	simm.s32 $0x108;
	_ =	swait.ge @!p0 [sflag:s8], $0x0  }
0x24: {  	s3 =	sadd.s32 $0x88, s3;
	s6 =	simm.s32 @!p1 $0x1082;
	[sflag:s4] =	ssyncset.s32 $0xFFFFF086  }
0x25: {  	[simem:s6], [sflag:s4] =	dma.local [hbm:s3], $0xF7A  }
0x26: {  	[smem:$0x3F8E] =	sst s1;
	(tag) =	ssettag s2;
	_ =	strace s9  }
0x27: {  	s1 =	sld [smem:$0x3F9E]  }
0x28: {  	s2 =	sld [smem:$0x3F9F]  }
0x29: {  	s4 =	sld [smem:$0x3FA1]  }
0x2a: {  	p0 =	seq.s32 s5, $0x0;
	s5 =	sld [smem:$0x3FA2]  }
0x2b: {  	s6 =	sld [smem:$0x3FA3]  }
0x2c: {  	s7 =	sld [smem:$0x3FA4]  }
0x2d: {  	s3 =	simm.s32 $0x108;
	s8 =	sld [smem:$0x3FA5]  }
0x2e: {  	s3 =	simm.s32 @!p0 $0x1082;
	s9 =	sld [smem:$0x3FA6]  }
0x2f: {  	lr =	sadd.s32 s0, s3;
	s0 =	sld [smem:$0x3F9D]  }
0x30: {  	s3 =	sld [smem:$0x3FA0]  }
0x31: {  	[smem:$0x3FA9] =	sst s10  }
0x32: {  	s10 =	sld [smem:$0x3FA7];
	_ =	sdelay $0x3  }
0x33: {  	p0 =	seq.s32 s10, $0x1;
	s10 =	sld [smem:$0x3FA9];
	_ =	sdelay $0x3  }
0x34: {  	[smem:$0x3FA9] =	sst s10  }
0x35: {  	s10 =	sld [smem:$0x3FA8];
	_ =	sdelay $0x3  }
0x36: {  	p1 =	seq.s32 s10, $0x1;
	s10 =	sld [smem:$0x3FA9];
	_ =	sdelay $0x3  }
0x37: {  	[smem:$0x3FA9] =	sst s10  }
0x38: {  	s10 =	sld [smem:$0x3FAA]  }
0x39: {  	_ = 	snop;
	(pc) =	sbr.ind lr, $3  }
0x3a: {  	_ = 	snop  }
0x3b: {  	_ = 	snop  }
0x3c: {  	p2 =	seq.s32 s10, $0x1;
	s10 =	sld [smem:$0x3FA9]  }
0x3d: {  	_ =	shalt  }
0x3e: {  	_ =	shalt  }
0x3f: {  	_ =	shalt  }
0x40: {  	_ =	shalt  }
0x41: {  	_ =	shalt  }
0x42: {  	_ =	shalt  }
0x43: {  	_ =	shalt  }
0x44: {  	_ =	shalt  }
0x45: {  	_ =	shalt  }
0x46: {  	_ =	shalt  }
0x47: {  	_ =	shalt  }
0x48: {  	_ =	shalt  }
0x49: {  	_ =	shalt  }
0x4a: {  	_ =	shalt  }
0x4b: {  	_ =	shalt  }
0x4c: {  	_ =	shalt  }
0x4d: {  	_ =	shalt  }
0x4e: {  	_ =	shalt  }
0x4f: {  	_ =	shalt  }
0x50: {  	_ =	shalt  }
0x51: {  	_ =	shalt  }
0x52: {  	_ =	shalt  }
0x53: {  	_ =	shalt  }
0x54: {  	_ =	shalt  }
0x55: {  	_ =	shalt  }
0x56: {  	_ =	shalt  }
0x57: {  	_ =	shalt  }
0x58: {  	_ =	shalt  }
0x59: {  	_ =	shalt  }
0x5a: {  	_ =	shalt  }
0x5b: {  	_ =	shalt  }
0x5c: {  	_ =	shalt  }
0x5d: {  	_ =	shalt  }
0x5e: {  	_ =	shalt  }
0x5f: {  	_ =	shalt  }
0x60: {  	_ =	shalt  }
0x61: {  	_ =	shalt  }
0x62: {  	_ =	shalt  }
0x63: {  	_ =	shalt  }
0x64: {  	_ =	shalt  }
0x65: {  	_ =	shalt  }
0x66: {  	_ =	shalt  }
0x67: {  	_ =	shalt  }
0x68: {  	_ =	shalt  }
0x69: {  	_ =	shalt  }
0x6a: {  	_ =	shalt  }
0x6b: {  	_ =	shalt  }
0x6c: {  	_ =	shalt  }
0x6d: {  	_ =	shalt  }
0x6e: {  	_ =	shalt  }
0x6f: {  	_ =	shalt  }
0x70: {  	_ =	shalt  }
0x71: {  	_ =	shalt  }
0x72: {  	_ =	shalt  }
0x73: {  	_ =	shalt  }
0x74: {  	_ =	shalt  }
0x75: {  	_ =	shalt  }
0x76: {  	_ =	shalt  }
0x77: {  	_ =	shalt  }
0x78: {  	_ =	shalt  }
0x79: {  	_ =	shalt  }
0x7a: {  	_ =	shalt  }
0x7b: {  	_ =	shalt  }
0x7c: {  	_ =	shalt  }
0x7d: {  	_ =	shalt  }
0x7e: {  	_ =	shalt  }
0x7f: {  	_ =	shalt  }
0x80: {  	_ =	shalt  }
0x81: {  	_ =	shalt  }
0x82: {  	_ =	shalt  }
0x83: {  	_ =	shalt  }
0x84: {  	_ =	shalt  }
0x85: {  	_ =	shalt  }
0x86: {  	_ =	shalt  }
0x87: {  	_ =	shalt  }
.Lfunc_end0:
.L_simem_size_0:
called_computation.3_lowered:
.L_overlay_start_0:
0x88: {  	s2 =	sld [smem:$0x3FD9]  }
0x89: {  	s3 =	sld [smem:$0x3FFE];
	_ =	sdelay $0x1  }
0x8a: {  	s1 =	srdreg.scid  }
0x8b: {  	s0 =	sand.u32 $0x1, s1  }
0x8c: {  	s16 =	sshll.u32 s0, $0xA;
	s2 =	sadd.s32 s3, s2  }
0x8d: {  	s2 =	sadd.s32 s2, s16  }
0x8e: {  	[smem:$0x3FB5] =	sst s2  }
0x8f: {  	_ = 	snop  }
0x90: {  	(tm) =	ssettm $0x1  }
0x91: {  	s17 =	sld [smem:$0x3FFB];
	_ =	sdelay $0x3  }
0x92: {  	_ =	strace s17  }
0x93: {  	s2 =	sld [smem:$0x3FFC];
	_ =	sdelay $0x3  }
0x94: {  	_ =	strace s2  }
0x95: {  	s2 =	sld [smem:$0x3FFD];
	_ =	sdelay $0x3  }
0x96: {  	_ =	strace s2  }
0x97: {  	_ =	strace $0x8FFFFFFF  }
0x98: {  	s18 =	sld [smem:$0x3FDB];
	_ =	sdelay $0x1  }
0x99: {  	s19 =	simm.s32 $_scs_section_size  }
0x9a: {  	s4 =	simm.s32 $_size__tile_overlayer_lowered;
	s5 =	simm.s32 $_tile_overlayer_lowered  }
0x9b: {  	s22 =	simm.s32 $0x1BFF;
	s21 =	sshll.u32 s5, $0x1;
	s2 =	sadd.s32 s19, s18  }
0x9c: {  	s6 =	simm.s32 $0x0;
	s20 =	sshll.u32 s4, $0x1;
	s4 =	sadd.s32 s21, s2  }
0x9d: {  	[timem:s6], [sflag:s22] =	dma.local [hbm:s4], s20  }
0x9e: {  	_ =	swait.ge [sflag:s22], s20  }
0x9f: {  	s3 =	ssub.s32 $0x0, s20;
	[sflag:s22] =	ssyncset.done $0x0  }
0xa0: {  	[sflag:s22] =	ssyncadd.s32 s3;
	_ =	sdelay $0x1  }
0xa1: {  	s23 =	simm.s32 $0x1B8B  }
0xa2: {  	_ =	swait.ge [sflag:s23], $0x1  }
0xa3: {  	[sflag:s23] =	ssyncset.done $0x0  }
0xa4: {  	s25 =	simm.s32 $0x1B8E;
	s24 =	sld [smem:$0x3FFE];
	[sflag:s23] =	ssyncadd.s32 $0xFFFFFFFF  }
0xa5: {  	s26 =	simm.s32 $execute0_lowered;
	[smem:$0x3FD2] =	sst s25  }
0xa6: {  	s4 =	sshll.u32 s26, $0x1;
	_ =	strace $0x8000004F;
	[dreg:$0x1] =	wrdreg $0xFFFFFFFF  }
0xa7: {  	s28 =	simm.s32 $_size_execute0_lowered;
	s2 =	sadd.s32 s2, s4;
	[dreg:$0x0] =	wrdreg $0x0  }
0xa8: {  	s4 =	sshll.u32 s28, $0x1;
	[dreg:$0x2] =	wrdreg s2  }
0xa9: {  	[dreg:$0x3] =	wrdreg s4  }
0xaa: {  	[dreg:$0x4] =	wrdreg $0xC0  }
0xab: {  	_ =	task [dreg:s6], $0x5FFFF  }
0xac: {  	[dreg:$0x1] =	wrdreg $0xFFFFFFFF  }
0xad: {  	[dreg:$0x0] =	wrdreg $0x60  }
0xae: {  	[dreg:$0x2] =	wrdreg s24  }
0xaf: {  	[dreg:$0x3] =	wrdreg $0x0  }
0xb0: {  	[dreg:$0x4] =	wrdreg $0x9  }
0xb1: {  	_ =	task.clear_ibuf [dreg:s6], $0x5FFFF;
	_ =	strace $0x9000004F  }
0xb2: {  	s29 =	simm.s32 $0x9;
	_ =	strace $0x80000051  }
0xb3: {  	_ =	swait.ge [sflag:s29], $0x1  }
0xb4: {  	[sflag:s29] =	ssyncadd.s32 $0xFFFFFFFF  }
0xb5: {  	_ =	strace $0x90000051  }
0xb6: {  	_ =	sfence  }
0xb7: {  	s30 =	sld [smem:$0x0];
	_ =	sdelay $0x2  }
0xb8: {  	s31 =	sshll.u32 s1, $0xD;
	s1 =	sshrl.u32 s1, $0x2  }
0xb9: {  	s3 =	sand.u32 $0x4000, s31;
	s1 =	sadd.s32 s1, s30  }
0xba: {  	s0 =	sor.u32 s3, s0;
	s1 =	sshll.u32 s1, $0x11  }
0xbb: {  	s0 =	sor.u32 s1, s0  }
0xbc: {  	s0 =	sadd.s32 $0x8F2B, s0  }
0xbd: {  	[sflag:s0] =	ssyncadd.remote.s32 $0x1  }
0xbe: {  	_ =	sfence.sel $0xFFFF  }
0xbf: {  	[dreg:$0x0] =	wrdreg $0xFFFFFFFF;
	(pc) =	sbr.abs _section_cstart, $3  }
0xc0: {  	[dreg:$0x1] =	wrdreg $0xFFFFFFFF  }
0xc1: {  	_ =	task.clear_ibuf [dreg:s6], $0x2FFFF;
	_ =	strace $0x9FFFFFFF  }
0xc2: {  	(tm) =	ssettm $0x7FFFFFFF  }
0xc3: {  	_ =	shalt  }
tec
execute0_lowered:
.L_overlay_start_1:
0x0: {  	(tag) =	ssettag $0x1  }
0x1: {  	s9 =	rddreg [dreg:$0x0]  }
0x2: {  	s1 =	rddreg [dreg:$0x1];
	s2 =	srdreg.scid  }
0x3: {  	s0 =	rddreg [dreg:$0x2];
	s24 =	stileid.u32  }
0x4: {  	s16 =	simm.s32 $0x3;
	s17 =	simm.s32 $0x14000;
	s18 =	simm.s32 $0x14100  }
0x5: {  	s19 =	simm.s32 $0x14080;
	s20 =	simm.s32 $0x18100;
	s21 =	simm.s32 $0x1  }
0x6: {  	s22 =	simm.s32 $0x80;
	s23 =	simm.s32 $0x2;
	s7 =	sand.u32 $0x1, s2  }
0x7: {  	s2 =	simm.s32 $0x0;
	s6 =	smul.u32 $0x14000, s24;
	s3 =	sadd.s32 $0x80800, s9  }
0x8: {  	s4 =	sadd.s32 $0x7DB000, s9;
	s8 =	sshll.u32 s24, $0x4;
	s28 =	smul.u32 $0x50000, s24  }
0x9: {  	s30 =	sshll.u32 s24, $0x6;
	s31 =	sshll.u32 s24, $0xB;
	p1 =	sne.s32 s24, $0x0  }
0xa: {  	p2 =	seq.s32 s24, $0x0;
	s24 =	simm.s32 $0x0;
	s5 =	smul.u32 $0x140000, s7  }
0xb: {  	[smem:$0x7FF] =	sst s2;
	s8 =	sadd.s32 s8, s9;
	s10 =	ssub.s32 $0x2, s7  }
0xc: {  	p0 =	seq.s32 s7, $0x1;
	_ =	strace $0x80000050;
	s29 =	sshrl.u32 s10, $0x1  }
0xd: {  	s7 =	sadd.s32 $0x4600, s8;
	s8 =	sadd.s32 s3, s31;
	s5 =	sadd.s32 s6, s5  }
.Ltmp0:
0xe: {  	s6 =	sshrl.u32 s28, $0x2;
	s12 =	ssub.s32 s10, s29;
	(pc) =	sbr.rel .LBB2_1-.Ltmp0, $4  }
0xf: {  	s10 =	sadd.s32 s4, s31;
	s13 =	sadd.s32 $0x8000, s8;
	s5 =	sshrl.u32 s5, $0x3  }
0x10: {  	s15 =	sadd.s32 s6, s1;
	s6 =	sor.u32 $0x1C03, s30;
	s12 =	smax.u32 s12, $0x1  }
0x11: {  	s14 =	sadd.s32 $0x8000, s10;
	s11 =	sadd.s32 s5, s9;
	s9 =	sadd.s32 $0x6D00, s9  }
0x12: {  	s15 =	sshrl.u32 s15, $0x3;
	s5 =	sadd.s32 $0x30800, s11;
	s11 =	sadd.s32 $0x1B9000, s11  }
.LBB2_8:
0x13: {  	[tilespmem:s17], [sflag:$0x3] =	stream.linear.gather [hbm4b:s9+s2], $0x80, $0x38;
	[tilespmem:$0x1C100] =	vst v63  }
0x14: {  	_ =	swait.ge [sflag:s16], $0x80  }
0x15: {  	[sflag:s16] =	ssyncset.done $0x0  }
0x16: {  	s25 =	sadd.s32 $0x138000, s25;
	[sflag:s16] =	ssyncadd.s32 $0xFFFFFF80  }
0x17: {  	[tilespmem:s18], [sflag:$0x3] =	stream.linear.gather [hbm4b:s25+s2], $0x4000, $0x38;
	[tilespmem:$0x1C100] =	vst v63  }
0x18: {  	_ =	swait.ge [sflag:s16], $0x4000  }
0x19: {  	[sflag:s16] =	ssyncset.done $0x0  }
0x1a: {  	[sflag:s16] =	ssyncadd.s32 $0xFFFFC000  }
0x1b: {  	[spmem:s1] =	stream.indirect.scatter.add.f32 [tilespmem:s18], [sflag:$0x3], $0x80, s17, s22, $0xb8;
	[tilespmem:$0x1C100] =	vst v63  }
0x1c: {  	_ =	swait.ge [sflag:s16], $0x4000  }
0x1d: {  	[sflag:s16] =	ssyncset.done $0x0  }
0x1e: {  	[sflag:s16] =	ssyncadd.s32 $0xFFFFC000  }
.LBB2_9:
0x1f: {  	s24 =	sadd.s32 $0x1, s24  }
0x20: {  	p3 =	sne.s32 s24, s12  }
.Ltmp1:
0x21: {  	[bflag:$0x0] =	sbarrier.arrive $0xFFFF;
	(pc) =	sbr.rel @!p3 .LBB2_10-.Ltmp1, $4  }
0x22: {  	[hbm:s11], [sflag:s6] =	dma.local [spmem:s15], $0x2800  }
0x23: {  	_ =	swait.ge [sflag:s16], $0x2800  }
0x24: {  	[sflag:s16] =	ssyncset.done $0x0  }
0x25: {  	[sflag:s16] =	ssyncadd.s32 $0xFFFFD800  }
.LBB2_1:
0x26: {  	[spmem:s15], [sflag:s6] =	dma.local [hbm:s5], $0x2800  }
0x27: {  	_ =	swait.ge [sflag:s16], $0x2800  }
0x28: {  	[sflag:s16] =	ssyncset.done $0x0  }
0x29: {  	[sflag:s16] =	ssyncadd.s32 $0xFFFFD800  }
.Ltmp2:
0x2a: {  	[bflag:$0x0] =	sbarrier.arrive $0xFFFF;
	(pc) =	sbr.rel @!p0 .LBB2_2-.Ltmp2, $4  }
0x2b: {  	[tilespmem:s17], [sflag:$0x3] =	stream.linear.gather [hbm4b:s7+s2], $0x80, $0x38;
	[tilespmem:$0x1C100] =	vst v63  }
0x2c: {  	_ =	swait.ge [sflag:s16], $0x80  }
0x2d: {  	[sflag:s16] =	ssyncset.done $0x0  }
0x2e: {  	s25 =	simm.s32 $0x0;
	[sflag:s16] =	ssyncadd.s32 $0xFFFFFF80  }
0x2f: {  	[tilespmem:s18], [sflag:$0x1] =	stream.linear.gather [hbm4b:s10+s25], $0x4000, $0x38;
	[tilespmem:$0x1C100] =	vst v63  }
0x30: {  	s30 =	sadd.s32 $0x0, s7  }
0x31: {  	s26 =	sadd.s32 $0x100, s30  }
0x32: {  	[tilespmem:s19], [sflag:$0x3] =	stream.linear.gather [hbm4b:s26+s2], $0x80, $0x38;
	[tilespmem:$0x1C100] =	vst v63  }
0x33: {  	_ =	swait.ge [sflag:s16], $0x80  }
0x34: {  	[sflag:s16] =	ssyncset.done $0x0  }
0x35: {  	[sflag:s16] =	ssyncadd.s32 $0xFFFFFF80  }
0x36: {  	[tilespmem:s20], [sflag:$0x2] =	stream.linear.gather [hbm4b:s14+s2], $0x4000, $0x38;
	[tilespmem:$0x1C100] =	vst v63  }
0x37: {  	_ =	swait.ge [sflag:s21], $0x4000  }
0x38: {  	[sflag:s21] =	ssyncset.done $0x0  }
0x39: {  	[sflag:s21] =	ssyncadd.s32 $0xFFFFC000  }
0x3a: {  	[spmem:s1] =	stream.indirect.scatter.add.f32 [tilespmem:s18], [sflag:$0x3], $0x80, s17, s22, $0xb8;
	[tilespmem:$0x1C100] =	vst v63  }
0x3b: {  	_ =	swait.ge [sflag:s16], $0x4000  }
0x3c: {  	[sflag:s16] =	ssyncset.done $0x0  }
0x3d: {  	s25 =	sadd.s32 $0x200, s30;
	[sflag:s16] =	ssyncadd.s32 $0xFFFFC000  }
0x3e: {  	[tilespmem:s17], [sflag:$0x3] =	stream.linear.gather [hbm4b:s25+s2], $0x80, $0x38;
	[tilespmem:$0x1C100] =	vst v63  }
0x3f: {  	_ =	swait.ge [sflag:s16], $0x80  }
0x40: {  	[sflag:s16] =	ssyncset.done $0x0  }
0x41: {  	s31 =	sadd.s32 $0x8000, s14;
	[sflag:s16] =	ssyncadd.s32 $0xFFFFFF80  }
0x42: {  	[tilespmem:s18], [sflag:$0x1] =	stream.linear.gather [hbm4b:s31+s2], $0x4000, $0x38;
	[tilespmem:$0x1C100] =	vst v63  }
0x43: {  	_ =	swait.ge [sflag:s23], $0x4000  }
0x44: {  	[sflag:s23] =	ssyncset.done $0x0  }
0x45: {  	[sflag:s23] =	ssyncadd.s32 $0xFFFFC000  }
0x46: {  	[spmem:s1] =	stream.indirect.scatter.add.f32 [tilespmem:s20], [sflag:$0x3], $0x80, s19, s22, $0xb8;
	[tilespmem:$0x1C100] =	vst v63  }
0x47: {  	s28 =	simm.s32 $0x400;
	_ =	swait.ge [sflag:s16], $0x4000  }
0x48: {  	s26 =	sadd.s32 $0x200, s7;
	s25 =	sadd.s32 $0x10000, s14;
	[sflag:s16] =	ssyncset.done $0x0  }
.LBB2_6:
0x49: {  	s29 =	sadd.s32 $0x100, s26  }
0x4a: {  	[sflag:s16] =	ssyncadd.s32 $0xFFFFC000;
	s30 =	smov.u32 s28;
	s31 =	sadd.s32 $0x200, s28  }
0x4b: {  	[tilespmem:s19], [sflag:$0x3] =	stream.linear.gather [hbm4b:s29+s2], $0x80, $0x38;
	[tilespmem:$0x1C100] =	vst v63  }
0x4c: {  	p3 =	sne.s32 s28, $0x2400;
	_ =	swait.ge [sflag:s16], $0x80  }
0x4d: {  	[sflag:s16] =	ssyncset.done $0x0  }
0x4e: {  	[sflag:s16] =	ssyncadd.s32 $0xFFFFFF80  }
0x4f: {  	[tilespmem:s20], [sflag:$0x2] =	stream.linear.gather [hbm4b:s25+s2], $0x4000, $0x38;
	[tilespmem:$0x1C100] =	vst v63  }
0x50: {  	_ =	swait.ge [sflag:s21], $0x4000  }
0x51: {  	[sflag:s21] =	ssyncset.done $0x0  }
0x52: {  	[sflag:s21] =	ssyncadd.s32 $0xFFFFC000  }
0x53: {  	[spmem:s1] =	stream.indirect.scatter.add.f32 [tilespmem:s18], [sflag:$0x3], $0x80, s17, s22, $0xb8;
	[tilespmem:$0x1C100] =	vst v63  }
0x54: {  	_ =	swait.ge [sflag:s16], $0x4000  }
0x55: {  	[sflag:s16] =	ssyncset.done $0x0  }
0x56: {  	s26 =	sadd.s32 $0x200, s26;
	[sflag:s16] =	ssyncadd.s32 $0xFFFFC000  }
0x57: {  	[tilespmem:s17], [sflag:$0x3] =	stream.linear.gather [hbm4b:s26+s2], $0x80, $0x38;
	[tilespmem:$0x1C100] =	vst v63  }
0x58: {  	_ =	swait.ge [sflag:s16], $0x80  }
0x59: {  	[sflag:s16] =	ssyncset.done $0x0  }
0x5a: {  	s26 =	sadd.s32 $0x8000, s25;
	[sflag:s16] =	ssyncadd.s32 $0xFFFFFF80  }
0x5b: {  	[tilespmem:s18], [sflag:$0x1] =	stream.linear.gather [hbm4b:s26+s2], $0x4000, $0x38;
	[tilespmem:$0x1C100] =	vst v63  }
0x5c: {  	_ =	swait.ge [sflag:s23], $0x4000  }
.Ltmp3:
0x5d: {  	[sflag:s23] =	ssyncset.done $0x0;
	(pc) =	sbr.rel @p3 .LBB2_6-.Ltmp3, $4  }
0x5e: {  	[sflag:s23] =	ssyncadd.s32 $0xFFFFC000  }
0x5f: {  	[spmem:s1] =	stream.indirect.scatter.add.f32 [tilespmem:s20], [sflag:$0x3], $0x80, s19, s22, $0xb8;
	[tilespmem:$0x1C100] =	vst v63  }
0x60: {  	s28 =	smov.u32 s31;
	_ =	swait.ge [sflag:s16], $0x4000  }
0x61: {  	s25 =	sadd.s32 $0x10000, s25;
	s26 =	sadd.s32 s30, s7;
	[sflag:s16] =	ssyncset.done $0x0  }
0x62: {  	s28 =	sadd.s32 $0x100, s26;
	[sflag:s16] =	ssyncadd.s32 $0xFFFFC000  }
0x63: {  	[tilespmem:s19], [sflag:$0x3] =	stream.linear.gather [hbm4b:s28+s2], $0x80, $0x38;
	[tilespmem:$0x1C100] =	vst v63  }
0x64: {  	_ =	swait.ge [sflag:s16], $0x80  }
0x65: {  	[sflag:s16] =	ssyncset.done $0x0  }
0x66: {  	[sflag:s16] =	ssyncadd.s32 $0xFFFFFF80  }
0x67: {  	[tilespmem:s20], [sflag:$0x2] =	stream.linear.gather [hbm4b:s25+s2], $0x4000, $0x38;
	[tilespmem:$0x1C100] =	vst v63  }
0x68: {  	_ =	swait.ge [sflag:s21], $0x4000  }
0x69: {  	[sflag:s21] =	ssyncset.done $0x0  }
0x6a: {  	[sflag:s21] =	ssyncadd.s32 $0xFFFFC000  }
0x6b: {  	[spmem:s1] =	stream.indirect.scatter.add.f32 [tilespmem:s18], [sflag:$0x3], $0x80, s17, s22, $0xb8;
	[tilespmem:$0x1C100] =	vst v63  }
0x6c: {  	_ =	swait.ge [sflag:s16], $0x4000  }
0x6d: {  	[sflag:s16] =	ssyncset.done $0x0  }
0x6e: {  	s30 =	sadd.s32 $0x200, s26;
	[sflag:s16] =	ssyncadd.s32 $0xFFFFC000  }
0x6f: {  	[tilespmem:s17], [sflag:$0x3] =	stream.linear.gather [hbm4b:s30+s2], $0x80, $0x38;
	[tilespmem:$0x1C100] =	vst v63  }
0x70: {  	_ =	swait.ge [sflag:s16], $0x80  }
0x71: {  	[sflag:s16] =	ssyncset.done $0x0  }
0x72: {  	s31 =	sadd.s32 $0x8000, s25;
	[sflag:s16] =	ssyncadd.s32 $0xFFFFFF80  }
0x73: {  	[tilespmem:s18], [sflag:$0x1] =	stream.linear.gather [hbm4b:s31+s2], $0x4000, $0x38;
	[tilespmem:$0x1C100] =	vst v63  }
0x74: {  	_ =	swait.ge [sflag:s23], $0x4000  }
0x75: {  	[sflag:s23] =	ssyncset.done $0x0  }
0x76: {  	[sflag:s23] =	ssyncadd.s32 $0xFFFFC000  }
0x77: {  	[spmem:s1] =	stream.indirect.scatter.add.f32 [tilespmem:s20], [sflag:$0x3], $0x80, s19, s22, $0xb8;
	[tilespmem:$0x1C100] =	vst v63  }
0x78: {  	_ =	swait.ge [sflag:s16], $0x4000  }
0x79: {  	[sflag:s16] =	ssyncset.done $0x0  }
0x7a: {  	[sflag:s16] =	ssyncadd.s32 $0xFFFFC000  }
0x7b: {  	_ =	swait.ge [sflag:s21], $0x4000  }
0x7c: {  	[sflag:s21] =	ssyncset.done $0x0  }
0x7d: {  	[sflag:s21] =	ssyncadd.s32 $0xFFFFC000  }
0x7e: {  	[spmem:s1] =	stream.indirect.scatter.add.f32 [tilespmem:s18], [sflag:$0x3], $0x80, s17, s22, $0xb8;
	[tilespmem:$0x1C100] =	vst v63  }
.Ltmp4:
0x7f: {  	_ = 	snop;
	(pc) =	sbr.rel @p1 .LBB2_9-.Ltmp4, $4  }
.Ltmp5:
0x80: {  	_ = 	snop;
	(pc) =	sbr.rel @!p1 .LBB2_8-.Ltmp5, $4  }
0x81: {  	_ =	swait.ge [sflag:s16], $0x4000  }
0x82: {  	[sflag:s16] =	ssyncset.done $0x0  }
0x83: {  	s25 =	smov.u32 s4;
	[sflag:s16] =	ssyncadd.s32 $0xFFFFC000  }
0x84: {  	_ = 	snop  }
.LBB2_2:
0x85: {  	[tilespmem:s18], [sflag:$0x1] =	stream.linear.gather [hbm4b:s8+s25], $0x4000, $0x38;
	[tilespmem:$0x1C100] =	vst v63  }
0x86: {  	s30 =	sadd.s32 $0x0, s7  }
0x87: {  	s26 =	sadd.s32 $0x100, s30  }
0x88: {  	[tilespmem:s19], [sflag:$0x3] =	stream.linear.gather [hbm4b:s26+s2], $0x80, $0x38;
	[tilespmem:$0x1C100] =	vst v63  }
0x89: {  	_ =	swait.ge [sflag:s16], $0x80  }
0x8a: {  	[sflag:s16] =	ssyncset.done $0x0  }
0x8b: {  	[sflag:s16] =	ssyncadd.s32 $0xFFFFFF80  }
0x8c: {  	[tilespmem:s20], [sflag:$0x2] =	stream.linear.gather [hbm4b:s13+s2], $0x4000, $0x38;
	[tilespmem:$0x1C100] =	vst v63  }
0x8d: {  	_ =	swait.ge [sflag:s21], $0x4000  }
0x8e: {  	[sflag:s21] =	ssyncset.done $0x0  }
0x8f: {  	[sflag:s21] =	ssyncadd.s32 $0xFFFFC000  }
0x90: {  	[spmem:s1] =	stream.indirect.scatter.add.f32 [tilespmem:s18], [sflag:$0x3], $0x80, s17, s22, $0xb8;
	[tilespmem:$0x1C100] =	vst v63  }
0x91: {  	_ =	swait.ge [sflag:s16], $0x4000  }
0x92: {  	[sflag:s16] =	ssyncset.done $0x0  }
0x93: {  	s25 =	sadd.s32 $0x200, s30;
	[sflag:s16] =	ssyncadd.s32 $0xFFFFC000  }
0x94: {  	[tilespmem:s17], [sflag:$0x3] =	stream.linear.gather [hbm4b:s25+s2], $0x80, $0x38;
	[tilespmem:$0x1C100] =	vst v63  }
0x95: {  	_ =	swait.ge [sflag:s16], $0x80  }
0x96: {  	[sflag:s16] =	ssyncset.done $0x0  }
0x97: {  	s31 =	sadd.s32 $0x8000, s13;
	[sflag:s16] =	ssyncadd.s32 $0xFFFFFF80  }
0x98: {  	[tilespmem:s18], [sflag:$0x1] =	stream.linear.gather [hbm4b:s31+s2], $0x4000, $0x38;
	[tilespmem:$0x1C100] =	vst v63  }
0x99: {  	_ =	swait.ge [sflag:s23], $0x4000  }
0x9a: {  	[sflag:s23] =	ssyncset.done $0x0  }
0x9b: {  	[sflag:s23] =	ssyncadd.s32 $0xFFFFC000  }
0x9c: {  	[spmem:s1] =	stream.indirect.scatter.add.f32 [tilespmem:s20], [sflag:$0x3], $0x80, s19, s22, $0xb8;
	[tilespmem:$0x1C100] =	vst v63  }
0x9d: {  	s28 =	simm.s32 $0x400;
	_ =	swait.ge [sflag:s16], $0x4000  }
0x9e: {  	s26 =	sadd.s32 $0x200, s7;
	s25 =	sadd.s32 $0x10000, s13;
	[sflag:s16] =	ssyncset.done $0x0  }
.LBB2_3:
0x9f: {  	s29 =	sadd.s32 $0x100, s26  }
0xa0: {  	[sflag:s16] =	ssyncadd.s32 $0xFFFFC000;
	s30 =	smov.u32 s28;
	s31 =	sadd.s32 $0x200, s28  }
0xa1: {  	[tilespmem:s19], [sflag:$0x3] =	stream.linear.gather [hbm4b:s29+s2], $0x80, $0x38;
	[tilespmem:$0x1C100] =	vst v63  }
0xa2: {  	p3 =	sne.s32 s28, $0x2400;
	_ =	swait.ge [sflag:s16], $0x80  }
0xa3: {  	[sflag:s16] =	ssyncset.done $0x0  }
0xa4: {  	[sflag:s16] =	ssyncadd.s32 $0xFFFFFF80  }
0xa5: {  	[tilespmem:s20], [sflag:$0x2] =	stream.linear.gather [hbm4b:s25+s2], $0x4000, $0x38;
	[tilespmem:$0x1C100] =	vst v63  }
0xa6: {  	_ =	swait.ge [sflag:s21], $0x4000  }
0xa7: {  	[sflag:s21] =	ssyncset.done $0x0  }
0xa8: {  	[sflag:s21] =	ssyncadd.s32 $0xFFFFC000  }
0xa9: {  	[spmem:s1] =	stream.indirect.scatter.add.f32 [tilespmem:s18], [sflag:$0x3], $0x80, s17, s22, $0xb8;
	[tilespmem:$0x1C100] =	vst v63  }
0xaa: {  	_ =	swait.ge [sflag:s16], $0x4000  }
0xab: {  	[sflag:s16] =	ssyncset.done $0x0  }
0xac: {  	s26 =	sadd.s32 $0x200, s26;
	[sflag:s16] =	ssyncadd.s32 $0xFFFFC000  }
0xad: {  	[tilespmem:s17], [sflag:$0x3] =	stream.linear.gather [hbm4b:s26+s2], $0x80, $0x38;
	[tilespmem:$0x1C100] =	vst v63  }
0xae: {  	_ =	swait.ge [sflag:s16], $0x80  }
0xaf: {  	[sflag:s16] =	ssyncset.done $0x0  }
0xb0: {  	s26 =	sadd.s32 $0x8000, s25;
	[sflag:s16] =	ssyncadd.s32 $0xFFFFFF80  }
0xb1: {  	[tilespmem:s18], [sflag:$0x1] =	stream.linear.gather [hbm4b:s26+s2], $0x4000, $0x38;
	[tilespmem:$0x1C100] =	vst v63  }
0xb2: {  	_ =	swait.ge [sflag:s23], $0x4000  }
.Ltmp6:
0xb3: {  	[sflag:s23] =	ssyncset.done $0x0;
	(pc) =	sbr.rel @p3 .LBB2_3-.Ltmp6, $4  }
0xb4: {  	[sflag:s23] =	ssyncadd.s32 $0xFFFFC000  }
0xb5: {  	[spmem:s1] =	stream.indirect.scatter.add.f32 [tilespmem:s20], [sflag:$0x3], $0x80, s19, s22, $0xb8;
	[tilespmem:$0x1C100] =	vst v63  }
0xb6: {  	s28 =	smov.u32 s31;
	_ =	swait.ge [sflag:s16], $0x4000  }
0xb7: {  	s25 =	sadd.s32 $0x10000, s25;
	s26 =	sadd.s32 s30, s7;
	[sflag:s16] =	ssyncset.done $0x0  }
0xb8: {  	s28 =	sadd.s32 $0x100, s26;
	[sflag:s16] =	ssyncadd.s32 $0xFFFFC000  }
0xb9: {  	[tilespmem:s19], [sflag:$0x3] =	stream.linear.gather [hbm4b:s28+s2], $0x80, $0x38;
	[tilespmem:$0x1C100] =	vst v63  }
0xba: {  	_ =	swait.ge [sflag:s16], $0x80  }
0xbb: {  	[sflag:s16] =	ssyncset.done $0x0  }
0xbc: {  	[sflag:s16] =	ssyncadd.s32 $0xFFFFFF80  }
0xbd: {  	[tilespmem:s20], [sflag:$0x2] =	stream.linear.gather [hbm4b:s25+s2], $0x4000, $0x38;
	[tilespmem:$0x1C100] =	vst v63  }
0xbe: {  	_ =	swait.ge [sflag:s21], $0x4000  }
0xbf: {  	[sflag:s21] =	ssyncset.done $0x0  }
0xc0: {  	[sflag:s21] =	ssyncadd.s32 $0xFFFFC000  }
0xc1: {  	[spmem:s1] =	stream.indirect.scatter.add.f32 [tilespmem:s18], [sflag:$0x3], $0x80, s17, s22, $0xb8;
	[tilespmem:$0x1C100] =	vst v63  }
0xc2: {  	_ =	swait.ge [sflag:s16], $0x4000  }
0xc3: {  	[sflag:s16] =	ssyncset.done $0x0  }
0xc4: {  	s30 =	sadd.s32 $0x200, s26;
	[sflag:s16] =	ssyncadd.s32 $0xFFFFC000  }
0xc5: {  	[tilespmem:s17], [sflag:$0x3] =	stream.linear.gather [hbm4b:s30+s2], $0x80, $0x38;
	[tilespmem:$0x1C100] =	vst v63  }
0xc6: {  	_ =	swait.ge [sflag:s16], $0x80  }
0xc7: {  	[sflag:s16] =	ssyncset.done $0x0  }
0xc8: {  	s31 =	sadd.s32 $0x8000, s25;
	[sflag:s16] =	ssyncadd.s32 $0xFFFFFF80  }
0xc9: {  	[tilespmem:s18], [sflag:$0x1] =	stream.linear.gather [hbm4b:s31+s2], $0x4000, $0x38;
	[tilespmem:$0x1C100] =	vst v63  }
0xca: {  	_ =	swait.ge [sflag:s23], $0x4000  }
0xcb: {  	[sflag:s23] =	ssyncset.done $0x0  }
0xcc: {  	[sflag:s23] =	ssyncadd.s32 $0xFFFFC000  }
0xcd: {  	[spmem:s1] =	stream.indirect.scatter.add.f32 [tilespmem:s20], [sflag:$0x3], $0x80, s19, s22, $0xb8;
	[tilespmem:$0x1C100] =	vst v63  }
0xce: {  	_ =	swait.ge [sflag:s16], $0x4000  }
0xcf: {  	[sflag:s16] =	ssyncset.done $0x0  }
0xd0: {  	[sflag:s16] =	ssyncadd.s32 $0xFFFFC000  }
0xd1: {  	_ =	swait.ge [sflag:s21], $0x4000  }
0xd2: {  	[sflag:s21] =	ssyncset.done $0x0  }
0xd3: {  	[sflag:s21] =	ssyncadd.s32 $0xFFFFC000  }
0xd4: {  	[spmem:s1] =	stream.indirect.scatter.add.f32 [tilespmem:s18], [sflag:$0x3], $0x80, s17, s22, $0xb8;
	[tilespmem:$0x1C100] =	vst v63  }
.Ltmp7:
0xd5: {  	_ = 	snop;
	(pc) =	sbr.rel @!p2 .LBB2_9-.Ltmp7, $4  }
.Ltmp8:
0xd6: {  	_ = 	snop;
	(pc) =	sbr.rel @p2 .LBB2_8-.Ltmp8, $4  }
0xd7: {  	_ =	swait.ge [sflag:s16], $0x4000  }
0xd8: {  	[sflag:s16] =	ssyncset.done $0x0  }
0xd9: {  	s25 =	smov.u32 s3;
	[sflag:s16] =	ssyncadd.s32 $0xFFFFC000  }
0xda: {  	_ = 	snop  }
.LBB2_10:
0xdb: {  	_ =	sfence.sel $0x180000  }
0xdc: {  	[bflag:$0x0] =	sbarrier.arrive $0xFFFF  }
0xdd: {  	_ =	strace $0x90000050  }
0xde: {  	s0 =	sadd.s32 @!p1 $0x100000, s0;
	[bflag:$0x2] =	sbarrier.arrive $0xFFFF  }
0xdf: {  	[sflag:s0] =	ssyncadd.tile.s32 @!p1 $0x1;
	_ =	shalt  }
.Lfunc_end2:
_tile_overlayer_lowered:
.L_overlay_start_2:
0xe0: {  	(tag) =	ssettag $0x2  }
0xe1: {  	s0 =	rddreg [dreg:$0x0];
	s2 =	stileid.u32  }
0xe2: {  	s1 =	rddreg [dreg:$0x1];
	p0 =	sne.s32 s2, $0x0  }
0xe3: {  	s3 =	rddreg [dreg:$0x2];
	[bflag:$0x3] =	sbarrier.arrive $0xFFFF;
	s2 =	simm.s32 @!p0 $0x1C03  }
0xe4: {  	[timem:s3], [sflag:s2] =	dma.local @!p0 [hbm:s0], s1  }
0xe5: {  	s0 =	simm.s32 @!p0 $0x3  }
0xe6: {  	_ =	swait.ge @!p0 [sflag:s0], s1  }
0xe7: {  	s1 =	ssub.s32 @!p0 $0x0, s1;
	[sflag:s0] =	ssyncset.done @!p0 $0x0  }
0xe8: {  	[sflag:s0] =	ssyncadd.s32 @!p0 s1  }
0xe9: {  	[bflag:$0x3] =	sbarrier.arrive $0xFFFF  }
0xea: {  	_ =	shalt  }

// kernel: kernel.8.cloned.1.call-start
scs
__scs_entry_jumppad:
0x0: {  	(pc) =	sbr.rel $0x88, $3  }
0x1: {  	(tag) =	ssettag $0x0;
	lr =	simm.s32 $0x1  }
0x2: {  	[smem:$0x3F8E] =	sst lr;
	_ =	strace $0xD0000000  }
0x3: {  	_ = 	snop  }
0x4: {  	_ = 	snop  }
0x5: {  	_ = 	snop  }
0x6: {  	_ = 	snop  }
0x7: {  	_ = 	snop  }
__scs_overlays_trampoline_lowered:
0x8: {  	[smem:$0x3F9D] =	sst s0  }
0x9: {  	[smem:$0x3F9E] =	sst s1  }
0xa: {  	[smem:$0x3F9F] =	sst s2  }
0xb: {  	[smem:$0x3FA0] =	sst s3  }
0xc: {  	[smem:$0x3FA1] =	sst s4  }
0xd: {  	[smem:$0x3FA2] =	sst s5  }
0xe: {  	[smem:$0x3FA3] =	sst s6  }
0xf: {  	[smem:$0x3FA4] =	sst s7  }
0x10: {  	[smem:$0x3FA5] =	sst s8  }
0x11: {  	[smem:$0x3FA6] =	sst s9;
	s0 =	simm.s32 @!p0 $0x0  }
0x12: {  	s1 =	sld [smem:$0x3F8C];
	s0 =	simm.s32 @p0 $0x1  }
0x13: {  	[smem:$0x3FA7] =	sst s0;
	s0 =	simm.s32 @!p1 $0x0  }
0x14: {  	s2 =	sld [smem:$0x3F8B];
	s0 =	simm.s32 @p1 $0x1  }
0x15: {  	[smem:$0x3FA8] =	sst s0;
	s0 =	simm.s32 @!p2 $0x0  }
0x16: {  	s3 =	sld [smem:$0x3FDB];
	s0 =	simm.s32 @p2 $0x1  }
0x17: {  	s4 =	simm.s32 $0x1BF5;
	[smem:$0x3FAA] =	sst s0  }
0x18: {  	s0 =	sld [smem:$0x3F8D];
	_ =	swait.ge [sflag:s4], $0x0  }
0x19: {  	s7 =	sld [smem:$0x3F8E]  }
0x1a: {  	s8 =	sadd.s32 $0xFFFFE003, lr  }
0x1b: {  	s9 =	sadd.s32 $0xFFFFFEF7, lr;
	s5 =	simm.s32 $0xFFFFFFFF;
	p2 =	slt.u32 s8, $0xFFFFF086  }
0x1c: {  	p1 =	slt.u32 s9, $0xF7A;
	s5 =	simm.s32 @!p2 $0x0  }
0x1d: {  	s5 =	simm.s32 @p1 $0x1;
	p0 =	seq.s32 s7, s2  }
0x1e: {  	s7 =	smul.u32 @!p0 $0xF7A, s2;
	p2 =	seq.s32 @!p0 s5, $0x0  }
0x1f: {  	s9 =	smul.u32 $0xF7A, s1;
	s8 =	simm.s32 @!p0 $0x1BF5;
	p2 =	por !p2, p0  }
0x20: {  	[sflag:s8] =	ssyncset.s32 @!p0 $0xFFFFF086;
	s6 =	sadd.s32 @!p0 s3, s7;
	s7 =	simm.s32 @!p0 $0x108  }
0x21: {  	s3 =	sadd.s32 s3, s9;
	s6 =	sadd.s32 @!p0 $0x88, s6;
	s7 =	simm.s32 @p2 $0x1082  }
0x22: {  	[simem:s7], [sflag:s8] =	dma.local @!p0 [hbm:s6], $0xF7A  }
0x23: {  	s9 =	sor.u32 $0xD0000000, s2;
	s6 =	simm.s32 $0x108;
	_ =	swait.ge @!p0 [sflag:s8], $0x0  }
0x24: {  	s3 =	sadd.s32 $0x88, s3;
	s6 =	simm.s32 @!p1 $0x1082;
	[sflag:s4] =	ssyncset.s32 $0xFFFFF086  }
0x25: {  	[simem:s6], [sflag:s4] =	dma.local [hbm:s3], $0xF7A  }
0x26: {  	[smem:$0x3F8E] =	sst s1;
	(tag) =	ssettag s2;
	_ =	strace s9  }
0x27: {  	s1 =	sld [smem:$0x3F9E]  }
0x28: {  	s2 =	sld [smem:$0x3F9F]  }
0x29: {  	s4 =	sld [smem:$0x3FA1]  }
0x2a: {  	p0 =	seq.s32 s5, $0x0;
	s5 =	sld [smem:$0x3FA2]  }
0x2b: {  	s6 =	sld [smem:$0x3FA3]  }
0x2c: {  	s7 =	sld [smem:$0x3FA4]  }
0x2d: {  	s3 =	simm.s32 $0x108;
	s8 =	sld [smem:$0x3FA5]  }
0x2e: {  	s3 =	simm.s32 @!p0 $0x1082;
	s9 =	sld [smem:$0x3FA6]  }
0x2f: {  	lr =	sadd.s32 s0, s3;
	s0 =	sld [smem:$0x3F9D]  }
0x30: {  	s3 =	sld [smem:$0x3FA0]  }
0x31: {  	[smem:$0x3FA9] =	sst s10  }
0x32: {  	s10 =	sld [smem:$0x3FA7];
	_ =	sdelay $0x3  }
0x33: {  	p0 =	seq.s32 s10, $0x1;
	s10 =	sld [smem:$0x3FA9];
	_ =	sdelay $0x3  }
0x34: {  	[smem:$0x3FA9] =	sst s10  }
0x35: {  	s10 =	sld [smem:$0x3FA8];
	_ =	sdelay $0x3  }
0x36: {  	p1 =	seq.s32 s10, $0x1;
	s10 =	sld [smem:$0x3FA9];
	_ =	sdelay $0x3  }
0x37: {  	[smem:$0x3FA9] =	sst s10  }
0x38: {  	s10 =	sld [smem:$0x3FAA]  }
0x39: {  	_ = 	snop;
	(pc) =	sbr.ind lr, $3  }
0x3a: {  	_ = 	snop  }
0x3b: {  	_ = 	snop  }
0x3c: {  	p2 =	seq.s32 s10, $0x1;
	s10 =	sld [smem:$0x3FA9]  }
0x3d: {  	_ =	shalt  }
0x3e: {  	_ =	shalt  }
0x3f: {  	_ =	shalt  }
0x40: {  	_ =	shalt  }
0x41: {  	_ =	shalt  }
0x42: {  	_ =	shalt  }
0x43: {  	_ =	shalt  }
0x44: {  	_ =	shalt  }
0x45: {  	_ =	shalt  }
0x46: {  	_ =	shalt  }
0x47: {  	_ =	shalt  }
0x48: {  	_ =	shalt  }
0x49: {  	_ =	shalt  }
0x4a: {  	_ =	shalt  }
0x4b: {  	_ =	shalt  }
0x4c: {  	_ =	shalt  }
0x4d: {  	_ =	shalt  }
0x4e: {  	_ =	shalt  }
0x4f: {  	_ =	shalt  }
0x50: {  	_ =	shalt  }
0x51: {  	_ =	shalt  }
0x52: {  	_ =	shalt  }
0x53: {  	_ =	shalt  }
0x54: {  	_ =	shalt  }
0x55: {  	_ =	shalt  }
0x56: {  	_ =	shalt  }
0x57: {  	_ =	shalt  }
0x58: {  	_ =	shalt  }
0x59: {  	_ =	shalt  }
0x5a: {  	_ =	shalt  }
0x5b: {  	_ =	shalt  }
0x5c: {  	_ =	shalt  }
0x5d: {  	_ =	shalt  }
0x5e: {  	_ =	shalt  }
0x5f: {  	_ =	shalt  }
0x60: {  	_ =	shalt  }
0x61: {  	_ =	shalt  }
0x62: {  	_ =	shalt  }
0x63: {  	_ =	shalt  }
0x64: {  	_ =	shalt  }
0x65: {  	_ =	shalt  }
0x66: {  	_ =	shalt  }
0x67: {  	_ =	shalt  }
0x68: {  	_ =	shalt  }
0x69: {  	_ =	shalt  }
0x6a: {  	_ =	shalt  }
0x6b: {  	_ =	shalt  }
0x6c: {  	_ =	shalt  }
0x6d: {  	_ =	shalt  }
0x6e: {  	_ =	shalt  }
0x6f: {  	_ =	shalt  }
0x70: {  	_ =	shalt  }
0x71: {  	_ =	shalt  }
0x72: {  	_ =	shalt  }
0x73: {  	_ =	shalt  }
0x74: {  	_ =	shalt  }
0x75: {  	_ =	shalt  }
0x76: {  	_ =	shalt  }
0x77: {  	_ =	shalt  }
0x78: {  	_ =	shalt  }
0x79: {  	_ =	shalt  }
0x7a: {  	_ =	shalt  }
0x7b: {  	_ =	shalt  }
0x7c: {  	_ =	shalt  }
0x7d: {  	_ =	shalt  }
0x7e: {  	_ =	shalt  }
0x7f: {  	_ =	shalt  }
0x80: {  	_ =	shalt  }
0x81: {  	_ =	shalt  }
0x82: {  	_ =	shalt  }
0x83: {  	_ =	shalt  }
0x84: {  	_ =	shalt  }
0x85: {  	_ =	shalt  }
0x86: {  	_ =	shalt  }
0x87: {  	_ =	shalt  }
.Lfunc_end0:
.L_simem_size_0:
called_computation_lowered:
.L_overlay_start_0:
0x88: {  	s2 =	sld [smem:$0x3FD9]  }
0x89: {  	s3 =	sld [smem:$0x3FFE];
	_ =	sdelay $0x1  }
0x8a: {  	s1 =	srdreg.scid  }
0x8b: {  	s0 =	sand.u32 $0x1, s1  }
0x8c: {  	s17 =	sshll.u32 s0, $0xA;
	s2 =	sadd.s32 s3, s2  }
0x8d: {  	s2 =	sadd.s32 s2, s17  }
0x8e: {  	[smem:$0x3FB5] =	sst s2  }
0x8f: {  	_ = 	snop  }
0x90: {  	s2 =	sld [smem:$0x3FD0];
	(tm) =	ssettm $0x1  }
0x91: {  	s18 =	sld [smem:$0x3FFB];
	_ =	sdelay $0x3  }
0x92: {  	_ =	strace s18  }
0x93: {  	s3 =	sld [smem:$0x3FFC];
	_ =	sdelay $0x3  }
0x94: {  	_ =	strace s3  }
0x95: {  	s3 =	sld [smem:$0x3FFD];
	_ =	sdelay $0x3  }
0x96: {  	_ =	strace s3  }
0x97: {  	_ =	strace $0x8FFFFFFF  }
0x98: {  	s19 =	sld [smem:$0x3FDB];
	_ =	sdelay $0x1  }
0x99: {  	s4 =	simm.s32 $_scs_section_size  }
0x9a: {  	s5 =	simm.s32 $_size__tile_overlayer_lowered;
	s6 =	simm.s32 $_tile_overlayer_lowered  }
0x9b: {  	s22 =	simm.s32 $0x1BFF;
	s21 =	sshll.u32 s6, $0x1;
	s3 =	sadd.s32 s4, s19  }
0x9c: {  	s7 =	simm.s32 $0x0;
	s20 =	sshll.u32 s5, $0x1;
	s5 =	sadd.s32 s21, s3  }
0x9d: {  	[timem:s7], [sflag:s22] =	dma.local [hbm:s5], s20  }
0x9e: {  	_ =	swait.ge [sflag:s22], s20  }
0x9f: {  	s4 =	ssub.s32 $0x0, s20;
	[sflag:s22] =	ssyncset.done $0x0  }
0xa0: {  	[sflag:s22] =	ssyncadd.s32 s4;
	_ =	sdelay $0x1  }
0xa1: {  	s23 =	simm.s32 $0x1B8B  }
0xa2: {  	_ =	swait.ge [sflag:s23], $0x1  }
0xa3: {  	[sflag:s23] =	ssyncset.done $0x0  }
0xa4: {  	s25 =	simm.s32 $0x1B8E;
	s24 =	sld [smem:$0x3FFE];
	[sflag:s23] =	ssyncadd.s32 $0xFFFFFFFF  }
0xa5: {  	s26 =	simm.s32 $execute0_lowered;
	[smem:$0x3FD2] =	sst s25  }
0xa6: {  	s5 =	sshll.u32 s26, $0x1;
	_ =	strace $0x80000046;
	[dreg:$0x1] =	wrdreg $0xFFFFFFFF  }
0xa7: {  	s28 =	simm.s32 $_size_execute0_lowered;
	s3 =	sadd.s32 s3, s5;
	[dreg:$0x0] =	wrdreg $0x0  }
0xa8: {  	s5 =	sshll.u32 s28, $0x1;
	[dreg:$0x2] =	wrdreg s3  }
0xa9: {  	[dreg:$0x3] =	wrdreg s5  }
0xaa: {  	[dreg:$0x4] =	wrdreg $0xC0  }
0xab: {  	_ =	task [dreg:s7], $0x5FFFF  }
0xac: {  	[dreg:$0x1] =	wrdreg $0xFFFFFFFF  }
0xad: {  	[dreg:$0x0] =	wrdreg $0x60  }
0xae: {  	[dreg:$0x2] =	wrdreg s2  }
0xaf: {  	[dreg:$0x3] =	wrdreg s24  }
0xb0: {  	[dreg:$0x4] =	wrdreg $0xA  }
0xb1: {  	_ =	task.clear_ibuf [dreg:s7], $0x5FFFF;
	_ =	strace $0x90000046  }
0xb2: {  	s29 =	simm.s32 $0xA;
	_ =	strace $0x80000048  }
0xb3: {  	_ =	swait.ge [sflag:s29], $0x1  }
0xb4: {  	[sflag:s29] =	ssyncadd.s32 $0xFFFFFFFF  }
0xb5: {  	_ =	strace $0x90000048  }
0xb6: {  	_ =	sfence  }
0xb7: {  	s30 =	sld [smem:$0x0];
	_ =	sdelay $0x2  }
0xb8: {  	s31 =	sshll.u32 s1, $0xD;
	s1 =	sshrl.u32 s1, $0x2  }
0xb9: {  	s3 =	sand.u32 $0x4000, s31;
	s1 =	sadd.s32 s1, s30  }
0xba: {  	s0 =	sor.u32 s3, s0;
	s1 =	sshll.u32 s1, $0x11  }
0xbb: {  	s0 =	sor.u32 s1, s0  }
0xbc: {  	s0 =	sadd.s32 $0x8F2B, s0  }
0xbd: {  	[sflag:s0] =	ssyncadd.remote.s32 $0x1  }
0xbe: {  	_ =	sfence.sel $0xFFFF  }
0xbf: {  	[dreg:$0x0] =	wrdreg $0xFFFFFFFF;
	(pc) =	sbr.abs _section_cstart, $3  }
0xc0: {  	[dreg:$0x1] =	wrdreg $0xFFFFFFFF  }
0xc1: {  	_ =	task.clear_ibuf [dreg:s7], $0x2FFFF;
	_ =	strace $0x9FFFFFFF  }
0xc2: {  	(tm) =	ssettm $0x7FFFFFFF  }
0xc3: {  	_ =	shalt  }
tec
execute0_lowered:
.L_overlay_start_1:
0x0: {  	(tag) =	ssettag $0x1  }
0x1: {  	s1 =	rddreg [dreg:$0x0]  }
0x2: {  	s5 =	rddreg [dreg:$0x1]  }
0x3: {  	s0 =	rddreg [dreg:$0x2];
	s2 =	simm.s32 $0x0  }
0x4: {  	s6 =	srdreg.scid;
	s3 =	stileid.u32;
	s19 =	simm.s32 $0x4100  }
0x5: {  	s20 =	simm.s32 $0xC100;
	s21 =	simm.s32 $0x1;
	s22 =	simm.s32 $0x2  }
0x6: {  	s23 =	simm.s32 $0x3;
	[smem:$0x7FF] =	sst s2;
	s4 =	sadd.s32 $0x9600, s5  }
0x7: {  	s12 =	sand.u32 $0x1, s6;
	s13 =	sadd.s32 $0x4600, s5;
	s7 =	sshll.u32 s3, $0x1  }
0x8: {  	s14 =	sadd.s32 $0x30800, s5;
	s15 =	sadd.s32 $0x169000, s5;
	s16 =	sshll.u32 s3, $0xC  }
0x9: {  	s17 =	sshll.u32 s3, $0x5;
	_ =	strace $0x80000047;
	s6 =	ssub.s32 $0x2, s12  }
0xa: {  	s25 =	sor.u32 s12, s7;
	s30 =	sshll.u32 s12, $0x4;
	s18 =	sshll.u32 s12, $0xB  }
0xb: {  	s8 =	sshrl.u32 s6, $0x1;
	s24 =	sshll.u32 s25, $0xB;
	s26 =	sshll.u32 s25, $0x4  }
0xc: {  	s29 =	sshll.u32 s25, $0x7;
	p0 =	sgt.u32 s25, $0x10;
	s25 =	simm.s32 $0x0  }
0xd: {  	s11 =	ssub.s32 s6, s8;
	s28 =	sor.u32 $0x120000, s24;
	s5 =	sadd.s32 s13, s26  }
0xe: {  	s8 =	sor.u32 $0x13000, s29;
	s24 =	simm.s32 $0x4;
	s6 =	sadd.s32 s14, s28  }
0xf: {  	s7 =	sadd.s32 s15, s28;
	s9 =	sshrl.u32 s8, $0x3;
	s10 =	sshll.u32 s8, $0x4  }
0x10: {  	s11 =	smax.u32 s11, $0x1;
	s8 =	sadd.s32 s13, s9;
	s9 =	sadd.s32 s14, s10  }
0x11: {  	s10 =	sadd.s32 s15, s10;
	s14 =	sadd.s32 s16, s14;
	s13 =	sadd.s32 s17, s13  }
0x12: {  	s15 =	sadd.s32 s16, s15;
	s16 =	simm.s32 $0x80;
	s17 =	simm.s32 $0x100  }
0x13: {  	s31 =	sadd.s32 s30, s13;
	s12 =	sadd.s32 s18, s14;
	s13 =	sadd.s32 s18, s15  }
0x14: {  	s15 =	simm.s32 $0x5;
	s18 =	simm.s32 $0x8100;
	s14 =	sadd.s32 $0x200, s31  }
.LBB2_1:
0x15: {  	[tilespmem:s2], [sflag:$0x5] =	stream.linear.gather [hbm4b:s5+s2], $0x80, $0x38;
	[tilespmem:$0x10100] =	vst v63  }
0x16: {  	_ =	swait.ge [sflag:s15], $0x80  }
0x17: {  	[sflag:s15] =	ssyncset.done $0x0  }
0x18: {  	[sflag:s15] =	ssyncadd.s32 $0xFFFFFF80  }
0x19: {  	[tilespmem:s17], [sflag:$0x1] =	stream.indirect.gather [hbm4b:s1+s16], $0x80, s2, s16, $0xb8;
	[tilespmem:$0x10100] =	vst v63  }
0x1a: {  	_ = 	snop  }
0x1b: {  	[tilespmem:s18], [sflag:$0x2] =	stream.indirect.gather [hbm4b:s4+s16], $0x80, s2, s16, $0xb8;
	[tilespmem:$0x10100] =	vst v63  }
0x1c: {  	_ = 	snop  }
0x1d: {  	[tilespmem:s16], [sflag:$0x5] =	stream.linear.gather [hbm4b:s14+s2], $0x80, $0x38;
	[tilespmem:$0x10100] =	vst v63  }
0x1e: {  	_ =	swait.ge [sflag:s15], $0x80  }
0x1f: {  	[sflag:s15] =	ssyncset.done $0x0  }
0x20: {  	[sflag:s15] =	ssyncadd.s32 $0xFFFFFF80  }
0x21: {  	[tilespmem:s19], [sflag:$0x3] =	stream.indirect.gather [hbm4b:s1+s16], $0x80, s16, s16, $0xb8;
	[tilespmem:$0x10100] =	vst v63  }
0x22: {  	_ = 	snop  }
0x23: {  	[tilespmem:s20], [sflag:$0x4] =	stream.indirect.gather [hbm4b:s4+s16], $0x80, s16, s16, $0xb8;
	[tilespmem:$0x10100] =	vst v63  }
0x24: {  	_ =	swait.ge [sflag:s21], $0x4000  }
0x25: {  	[sflag:s21] =	ssyncset.done $0x0  }
0x26: {  	[sflag:s21] =	ssyncadd.s32 $0xFFFFC000  }
0x27: {  	_ =	swait.ge [sflag:s22], $0x4000  }
0x28: {  	[sflag:s22] =	ssyncset.done $0x0  }
0x29: {  	s26 =	sadd.s32 $0x0, s12;
	[sflag:s22] =	ssyncadd.s32 $0xFFFFC000  }
0x2a: {  	[hbm4b:s26+s2] =	stream.linear.scatter [tilespmem:s17], [sflag:$0x5], $0x4000, $0x38;
	[tilespmem:$0x10100] =	vst v63  }
0x2b: {  	_ =	swait.ge [sflag:s15], $0x4000  }
0x2c: {  	[sflag:s15] =	ssyncset.done $0x0  }
0x2d: {  	s28 =	sadd.s32 $0x0, s13;
	[sflag:s15] =	ssyncadd.s32 $0xFFFFC000  }
0x2e: {  	[hbm4b:s28+s2] =	stream.linear.scatter [tilespmem:s18], [sflag:$0x5], $0x4000, $0x38;
	[tilespmem:$0x10100] =	vst v63  }
0x2f: {  	_ =	swait.ge [sflag:s15], $0x4000  }
0x30: {  	[sflag:s15] =	ssyncset.done $0x0  }
0x31: {  	s29 =	sadd.s32 $0x200, s14;
	[sflag:s15] =	ssyncadd.s32 $0xFFFFC000  }
0x32: {  	[tilespmem:s2], [sflag:$0x5] =	stream.linear.gather [hbm4b:s29+s2], $0x80, $0x38;
	[tilespmem:$0x10100] =	vst v63  }
0x33: {  	_ =	swait.ge [sflag:s15], $0x80  }
0x34: {  	[sflag:s15] =	ssyncset.done $0x0  }
0x35: {  	[sflag:s15] =	ssyncadd.s32 $0xFFFFFF80  }
0x36: {  	[tilespmem:s17], [sflag:$0x1] =	stream.indirect.gather [hbm4b:s1+s16], $0x80, s2, s16, $0xb8;
	[tilespmem:$0x10100] =	vst v63  }
0x37: {  	_ = 	snop  }
0x38: {  	[tilespmem:s18], [sflag:$0x2] =	stream.indirect.gather [hbm4b:s4+s16], $0x80, s2, s16, $0xb8;
	[tilespmem:$0x10100] =	vst v63  }
0x39: {  	_ =	swait.ge [sflag:s23], $0x4000  }
0x3a: {  	[sflag:s23] =	ssyncset.done $0x0  }
0x3b: {  	[sflag:s23] =	ssyncadd.s32 $0xFFFFC000  }
0x3c: {  	_ =	swait.ge [sflag:s24], $0x4000  }
0x3d: {  	[sflag:s24] =	ssyncset.done $0x0  }
0x3e: {  	s26 =	sadd.s32 $0x10000, s26;
	[sflag:s24] =	ssyncadd.s32 $0xFFFFC000  }
0x3f: {  	[hbm4b:s26+s2] =	stream.linear.scatter [tilespmem:s19], [sflag:$0x5], $0x4000, $0x38;
	[tilespmem:$0x10100] =	vst v63  }
0x40: {  	_ =	swait.ge [sflag:s15], $0x4000  }
0x41: {  	[sflag:s15] =	ssyncset.done $0x0  }
0x42: {  	s31 =	sadd.s32 $0x10000, s28;
	[sflag:s15] =	ssyncadd.s32 $0xFFFFC000  }
0x43: {  	[hbm4b:s31+s2] =	stream.linear.scatter [tilespmem:s20], [sflag:$0x5], $0x4000, $0x38;
	[tilespmem:$0x10100] =	vst v63  }
0x44: {  	_ =	swait.ge [sflag:s15], $0x4000  }
0x45: {  	s28 =	smov.u32 s14;
	s26 =	simm.s32 $0x20000;
	[sflag:s15] =	ssyncset.done $0x0  }
.LBB2_2:
0x46: {  	p1 =	sne.s32 s26, $0x100000;
	[sflag:s15] =	ssyncadd.s32 $0xFFFFC000;
	s28 =	sadd.s32 $0x400, s28  }
0x47: {  	[tilespmem:s16], [sflag:$0x5] =	stream.linear.gather [hbm4b:s28+s2], $0x80, $0x38;
	[tilespmem:$0x10100] =	vst v63  }
0x48: {  	s29 =	smov.u32 s26;
	s26 =	sadd.s32 $0x20000, s26;
	_ =	swait.ge [sflag:s15], $0x80  }
0x49: {  	[sflag:s15] =	ssyncset.done $0x0  }
0x4a: {  	[sflag:s15] =	ssyncadd.s32 $0xFFFFFF80  }
0x4b: {  	[tilespmem:s19], [sflag:$0x3] =	stream.indirect.gather [hbm4b:s1+s16], $0x80, s16, s16, $0xb8;
	[tilespmem:$0x10100] =	vst v63  }
0x4c: {  	_ = 	snop  }
0x4d: {  	[tilespmem:s20], [sflag:$0x4] =	stream.indirect.gather [hbm4b:s4+s16], $0x80, s16, s16, $0xb8;
	[tilespmem:$0x10100] =	vst v63  }
0x4e: {  	_ =	swait.ge [sflag:s21], $0x4000  }
0x4f: {  	[sflag:s21] =	ssyncset.done $0x0  }
0x50: {  	[sflag:s21] =	ssyncadd.s32 $0xFFFFC000  }
0x51: {  	_ =	swait.ge [sflag:s22], $0x4000  }
0x52: {  	[sflag:s22] =	ssyncset.done $0x0  }
0x53: {  	s30 =	sadd.s32 s29, s12;
	[sflag:s22] =	ssyncadd.s32 $0xFFFFC000  }
0x54: {  	[hbm4b:s30+s2] =	stream.linear.scatter [tilespmem:s17], [sflag:$0x5], $0x4000, $0x38;
	[tilespmem:$0x10100] =	vst v63  }
0x55: {  	_ =	swait.ge [sflag:s15], $0x4000  }
0x56: {  	[sflag:s15] =	ssyncset.done $0x0  }
0x57: {  	s29 =	sadd.s32 s29, s13;
	[sflag:s15] =	ssyncadd.s32 $0xFFFFC000  }
0x58: {  	[hbm4b:s29+s2] =	stream.linear.scatter [tilespmem:s18], [sflag:$0x5], $0x4000, $0x38;
	[tilespmem:$0x10100] =	vst v63  }
0x59: {  	_ =	swait.ge [sflag:s15], $0x4000  }
0x5a: {  	[sflag:s15] =	ssyncset.done $0x0  }
0x5b: {  	s31 =	sadd.s32 $0x200, s28;
	[sflag:s15] =	ssyncadd.s32 $0xFFFFC000  }
0x5c: {  	[tilespmem:s2], [sflag:$0x5] =	stream.linear.gather [hbm4b:s31+s2], $0x80, $0x38;
	[tilespmem:$0x10100] =	vst v63  }
0x5d: {  	_ =	swait.ge [sflag:s15], $0x80  }
0x5e: {  	[sflag:s15] =	ssyncset.done $0x0  }
0x5f: {  	[sflag:s15] =	ssyncadd.s32 $0xFFFFFF80  }
0x60: {  	[tilespmem:s17], [sflag:$0x1] =	stream.indirect.gather [hbm4b:s1+s16], $0x80, s2, s16, $0xb8;
	[tilespmem:$0x10100] =	vst v63  }
0x61: {  	_ = 	snop  }
0x62: {  	[tilespmem:s18], [sflag:$0x2] =	stream.indirect.gather [hbm4b:s4+s16], $0x80, s2, s16, $0xb8;
	[tilespmem:$0x10100] =	vst v63  }
0x63: {  	_ =	swait.ge [sflag:s23], $0x4000  }
0x64: {  	[sflag:s23] =	ssyncset.done $0x0  }
0x65: {  	[sflag:s23] =	ssyncadd.s32 $0xFFFFC000  }
0x66: {  	_ =	swait.ge [sflag:s24], $0x4000  }
0x67: {  	[sflag:s24] =	ssyncset.done $0x0  }
0x68: {  	s30 =	sadd.s32 $0x10000, s30;
	[sflag:s24] =	ssyncadd.s32 $0xFFFFC000  }
0x69: {  	[hbm4b:s30+s2] =	stream.linear.scatter [tilespmem:s19], [sflag:$0x5], $0x4000, $0x38;
	[tilespmem:$0x10100] =	vst v63  }
0x6a: {  	_ =	swait.ge [sflag:s15], $0x4000  }
.Ltmp0:
0x6b: {  	[sflag:s15] =	ssyncset.done $0x0;
	(pc) =	sbr.rel @p1 .LBB2_2-.Ltmp0, $4  }
0x6c: {  	s29 =	sadd.s32 $0x10000, s29;
	[sflag:s15] =	ssyncadd.s32 $0xFFFFC000  }
0x6d: {  	[hbm4b:s29+s2] =	stream.linear.scatter [tilespmem:s20], [sflag:$0x5], $0x4000, $0x38;
	[tilespmem:$0x10100] =	vst v63  }
0x6e: {  	_ =	swait.ge [sflag:s15], $0x4000  }
0x6f: {  	[sflag:s15] =	ssyncset.done $0x0  }
0x70: {  	[sflag:s15] =	ssyncadd.s32 $0xFFFFC000  }
0x71: {  	_ =	swait.ge [sflag:s21], $0x4000  }
0x72: {  	[sflag:s21] =	ssyncset.done $0x0  }
0x73: {  	[sflag:s21] =	ssyncadd.s32 $0xFFFFC000  }
0x74: {  	_ =	swait.ge [sflag:s22], $0x4000  }
0x75: {  	[sflag:s22] =	ssyncset.done $0x0  }
0x76: {  	[sflag:s22] =	ssyncadd.s32 $0xFFFFC000  }
0x77: {  	[hbm4b:s6+s2] =	stream.linear.scatter [tilespmem:s17], [sflag:$0x5], $0x4000, $0x38;
	[tilespmem:$0x10100] =	vst v63  }
0x78: {  	_ =	swait.ge [sflag:s15], $0x4000  }
0x79: {  	[sflag:s15] =	ssyncset.done $0x0  }
0x7a: {  	[sflag:s15] =	ssyncadd.s32 $0xFFFFC000  }
0x7b: {  	[hbm4b:s7+s2] =	stream.linear.scatter [tilespmem:s18], [sflag:$0x5], $0x4000, $0x38;
	[tilespmem:$0x10100] =	vst v63  }
0x7c: {  	_ =	swait.ge [sflag:s15], $0x4000  }
0x7d: {  	[sflag:s15] =	ssyncset.done $0x0  }
0x7e: {  	s26 =	simm.s32 @!p0 $0x0;
	s28 =	simm.s32 @!p0 $0x5;
	[sflag:s15] =	ssyncadd.s32 $0xFFFFC000  }
0x7f: {  	[tilespmem:s26], [sflag:$0x5] =	stream.linear.gather @!p0 [hbm4b:s8+s26], $0x80, $0x38;
	[tilespmem:$0x10100] =	vst v63  }
0x80: {  	_ =	swait.ge @!p0 [sflag:s28], $0x80  }
0x81: {  	s29 =	simm.s32 @!p0 $0x80;
	[sflag:s28] =	ssyncset.done @!p0 $0x0  }
0x82: {  	s30 =	simm.s32 @!p0 $0x100;
	s31 =	simm.s32 @!p0 $0x1;
	[sflag:s28] =	ssyncadd.s32 @!p0 $0xFFFFFF80  }
0x83: {  	[tilespmem:s30], [sflag:$0x1] =	stream.indirect.gather @!p0 [hbm4b:s1+s29], $0x80, s26, s29, $0xb8;
	[tilespmem:$0x10100] =	vst v63  }
0x84: {  	_ =	swait.ge @!p0 [sflag:s31], $0x4000  }
0x85: {  	[sflag:s31] =	ssyncset.done @!p0 $0x0  }
0x86: {  	[sflag:s31] =	ssyncadd.s32 @!p0 $0xFFFFC000;
	s31 =	simm.s32 @!p0 $0x8100  }
0x87: {  	[tilespmem:s31], [sflag:$0x2] =	stream.indirect.gather @!p0 [hbm4b:s4+s29], $0x80, s26, s29, $0xb8;
	[tilespmem:$0x10100] =	vst v63  }
0x88: {  	s29 =	simm.s32 @!p0 $0x2  }
0x89: {  	_ =	swait.ge @!p0 [sflag:s29], $0x4000  }
0x8a: {  	[sflag:s29] =	ssyncset.done @!p0 $0x0  }
0x8b: {  	[sflag:s29] =	ssyncadd.s32 @!p0 $0xFFFFC000  }
0x8c: {  	[hbm4b:s9+s26] =	stream.linear.scatter @!p0 [tilespmem:s30], [sflag:$0x5], $0x4000, $0x38;
	[tilespmem:$0x10100] =	vst v63  }
0x8d: {  	s25 =	sadd.s32 $0x1, s25;
	_ =	swait.ge @!p0 [sflag:s28], $0x4000  }
0x8e: {  	p1 =	sne.s32 s25, s11;
	[sflag:s28] =	ssyncset.done @!p0 $0x0  }
.Ltmp1:
0x8f: {  	[sflag:s28] =	ssyncadd.s32 @!p0 $0xFFFFC000;
	(pc) =	sbr.rel @p1 .LBB2_1-.Ltmp1, $4  }
0x90: {  	[hbm4b:s10+s26] =	stream.linear.scatter @!p0 [tilespmem:s31], [sflag:$0x5], $0x4000, $0x38;
	[tilespmem:$0x10100] =	vst v63  }
0x91: {  	_ =	swait.ge @!p0 [sflag:s28], $0x4000  }
0x92: {  	[sflag:s28] =	ssyncset.done @!p0 $0x0  }
0x93: {  	[sflag:s28] =	ssyncadd.s32 @!p0 $0xFFFFC000  }
0x94: {  	_ =	sfence.sel $0x180000  }
0x95: {  	[bflag:$0x0] =	sbarrier.arrive $0xFFFF  }
0x96: {  	p0 =	sne.s32 s3, $0x0;
	_ =	strace $0x90000047  }
0x97: {  	s0 =	sadd.s32 @!p0 $0x100000, s0;
	[bflag:$0x2] =	sbarrier.arrive $0xFFFF  }
0x98: {  	[sflag:s0] =	ssyncadd.tile.s32 @!p0 $0x1;
	_ =	shalt  }
.Lfunc_end2:
_tile_overlayer_lowered:
.L_overlay_start_2:
0x99: {  	(tag) =	ssettag $0x2  }
0x9a: {  	s0 =	rddreg [dreg:$0x0];
	s2 =	stileid.u32  }
0x9b: {  	s1 =	rddreg [dreg:$0x1];
	p0 =	sne.s32 s2, $0x0  }
0x9c: {  	s3 =	rddreg [dreg:$0x2];
	[bflag:$0x3] =	sbarrier.arrive $0xFFFF;
	s2 =	simm.s32 @!p0 $0x1C05  }
0x9d: {  	[timem:s3], [sflag:s2] =	dma.local @!p0 [hbm:s0], s1  }
0x9e: {  	s0 =	simm.s32 @!p0 $0x5  }
0x9f: {  	_ =	swait.ge @!p0 [sflag:s0], s1  }
0xa0: {  	s1 =	ssub.s32 @!p0 $0x0, s1;
	[sflag:s0] =	ssyncset.done @!p0 $0x0  }
0xa1: {  	[sflag:s0] =	ssyncadd.s32 @!p0 s1  }
0xa2: {  	[bflag:$0x3] =	sbarrier.arrive $0xFFFF  }
0xa3: {  	_ =	shalt  }

</sc_bundles>
